<compile_context>
chip_gen: v7x
topology: tpu7x:2x2x1
jax: 0.10.2.dev20260603
libtpu: 0.0.44.dev20260713+nightly
codegen_flags: <defaults>
</compile_context>

<pallas_src>
import functools

import jax
import jax.numpy as jnp
from jax import lax
from jax.experimental import pallas as pl
from jax.experimental.pallas import tpu as pltpu
from jax.experimental.pallas import tpu_sc as plsc

B = 16384
F_CAT = 26
VOCAB = 100000
EMB = 32
NC = 2
NS = 16
NW = NC * NS
PAIRS = F_CAT * EMB
PAIRS_W = PAIRS // NW
BC = 2048
NCHUNK = B // BC
UNROLL = 16
LANES = 16

_mesh = plsc.VectorSubcoreMesh(core_axis_name="c", subcore_axis_name="s")


@functools.partial(
    pl.kernel,
    out_type=jax.ShapeDtypeStruct((PAIRS, B), jnp.float32),
    mesh=_mesh,
    scratch_types=[
        pltpu.VMEM((VOCAB,), jnp.float32),
        pltpu.VMEM((2, BC), jnp.int32),
        pltpu.VMEM((2, BC), jnp.float32),
        pltpu.VMEM_SHARED((2, B), jnp.int32),
        pltpu.SemaphoreType.DMA,
        pltpu.SemaphoreType.DMA,
        pltpu.SemaphoreType.DMA,
        pltpu.SemaphoreType.DMA,
    ],
    compiler_params=pltpu.CompilerParams(needs_layout_passes=False),
)
def _gather_kernel(tab_hbm, idx_hbm, out_hbm, row_v, idx_v, out_v, sidx, rsem, isem, osem, ssem):
    wid = lax.axis_index("s") * NC + lax.axis_index("c")
    sid = lax.axis_index("s")

    @pl.when(sid == 0)
    def _():
        pltpu.async_copy(idx_hbm.at[0], sidx.at[0], ssem)

    def pair_body(p, carry):
        g = wid + NW * p
        rcp = pltpu.async_copy(tab_hbm.at[g], row_v, rsem)
        pslot = jnp.bitwise_and(p, 1)
        @pl.when(sid == 0)
        def _():
            pltpu.make_async_copy(idx_hbm.at[0], sidx.at[0], ssem).wait()
        plsc.subcore_barrier()
        @pl.when(jnp.logical_and(sid == 0, p < PAIRS_W - 1))
        def _():
            pltpu.async_copy(idx_hbm.at[p + 1], sidx.at[1 - pslot], ssem)
        pltpu.async_copy(sidx.at[pslot, pl.ds(0, BC)], idx_v.at[0], isem)
        for c in range(NCHUNK):
            slot = c % 2
            pltpu.make_async_copy(
                sidx.at[0, pl.ds(0, BC)], idx_v.at[slot], isem
            ).wait()
            if c == 0:
                rcp.wait()
            if c >= 2:
                pltpu.make_async_copy(
                    out_hbm.at[0, pl.ds(0, BC)], out_v.at[slot], osem
                ).wait()
            else:
                @pl.when(p >= 1)
                def _():
                    pltpu.make_async_copy(
                        out_hbm.at[0, pl.ds(0, BC)], out_v.at[slot], osem
                    ).wait()
            if c < NCHUNK - 1:
                pltpu.async_copy(
                    sidx.at[pslot, pl.ds((c + 1) * BC, BC)], idx_v.at[1 - slot], isem
                )

            def gather_body(i, carry2):
                base = i * UNROLL * LANES
                for u in range(UNROLL):
                    sl = pl.ds(base + u * LANES, LANES)
                    out_v[slot, sl] = plsc.load_gather(row_v, [idx_v[slot, sl]])
                return carry2

            lax.fori_loop(0, BC // (UNROLL * LANES), gather_body, 0)
            pltpu.async_copy(out_v.at[slot], out_hbm.at[g, pl.ds(c * BC, BC)], osem)
        return carry

    lax.fori_loop(0, PAIRS_W, pair_body, 0)
    for slot in range(2):
        pltpu.make_async_copy(
            out_hbm.at[0, pl.ds(0, BC)], out_v.at[slot], osem
        ).wait()


def kernel(x_num_in, x_cat_in, tables):
    tab = tables.transpose(0, 2, 1).reshape(PAIRS, VOCAB)
    idx = x_cat_in.T
    out = _gather_kernel(tab, idx)
    x_cats = out.reshape(F_CAT, EMB, B).transpose(2, 0, 1)
    return (x_num_in, x_cats)

# --- scband reference (transcript-rebuilt; emitter-appended) ---
"""Pipeline reference for scband-preprocessor-79319456022857 (READ-ONLY COPY).

The authoritative reference and input builder live on the scoring server;
editing this copy changes nothing except your own understanding.
"""

import jax, jax.numpy as jnp
import numpy as np

B = 16384
F_NUM = 13
F_CAT = 26
VOCAB = 100000
EMB_DIM = 32


def setup_inputs(seed: int = 0) -> dict:
    key = jax.random.key(seed)
    k1, k2, k3 = jax.random.split(key, 3)
    x_num_in = jax.random.normal(k1, (B, F_NUM), dtype=jnp.float32)
    x_cat_in = jax.random.randint(k2, (B, F_CAT), 0, VOCAB, dtype=jnp.int32)
    # One embedding table per categorical field, all [VOCAB, EMB_DIM]; stacked as [F_CAT, VOCAB, EMB_DIM]
    tables = 0.02 * jax.random.normal(k3, (F_CAT, VOCAB, EMB_DIM), dtype=jnp.float32)
    return {"x_num_in": x_num_in, "x_cat_in": x_cat_in, "tables": tables}


def reference(x_num_in, x_cat_in, tables):
    # For each categorical field i: embed x_cat_in[:, i] with table i, then
    # concatenate along dim 1 and reshape to [B, F_CAT, EMB_DIM] (equivalent to stacking).
    gather = jax.vmap(lambda tbl, idx: jnp.take(tbl, idx, axis=0), in_axes=(0, 1), out_axes=1)
    x_cats = gather(tables, x_cat_in)  # [B, F_CAT, EMB_DIM]
    x_nums = x_num_in
    return (x_nums, x_cats)

if __name__ == "__main__":
    import jax
    _d = setup_inputs()
    print(jax.jit(kernel)(*tuple(_d.values())))

</pallas_src>

<mosaic_0001>
#map = affine_map<(d0, d1) -> (0, 0)>
module attributes {stable_mosaic.version = 14 : i64} {
  func.func @_gather_kernel(%arg0: i32, %arg1: i32, %arg2: memref<832x100000xf32, #tpu.memory_space<hbm>>, %arg3: memref<26x16384xi32, #tpu.memory_space<hbm>>, %arg4: memref<832x16384xf32, #tpu.memory_space<hbm>>, %arg5: memref<100000xf32, #tpu.memory_space<vmem>>, %arg6: memref<2x2048xi32, #tpu.memory_space<vmem>>, %arg7: memref<2x2048xf32, #tpu.memory_space<vmem>>, %arg8: memref<2x16384xi32, #tpu.memory_space<vmem_shared>>, %arg9: memref<!tpu.dma_semaphore, #tpu.memory_space<semaphore_mem>>, %arg10: memref<!tpu.dma_semaphore, #tpu.memory_space<semaphore_mem>>, %arg11: memref<!tpu.dma_semaphore, #tpu.memory_space<semaphore_mem>>, %arg12: memref<!tpu.dma_semaphore, #tpu.memory_space<semaphore_mem>>) attributes {dimension_semantics = [#tpu.dimension_semantics<core_parallel>, #tpu.dimension_semantics<subcore_parallel>], iteration_bounds = array<i64: 2, 16>, scalar_prefetch = 0 : i64, scratch_operands = 8 : i64, tpu.core_type = #tpu.core_type<sc_vector_subcore>, window_params = [{transform_indices = #map}, {transform_indices = #map}, {transform_indices = #map}]} {
    %mul3A = arith.constant 2 : i32
    %mul3A_0 = arith.muli %arg1, %mul3A : i32
    %add3A = arith.addi %mul3A_0, %arg0 : i32
    %eq3A = arith.constant 0 : i32
    %eq3A_1 = arith.cmpi eq, %arg1, %eq3A : i32
    %convert_element_type3A = arith.extui %eq3A_1 : i1 to i32
    %cond3A = arith.constant 0 : i32
    %cond3A_2 = arith.cmpi ne, %convert_element_type3A, %cond3A : i32
    scf.if %cond3A_2 {
      %dma_start3A = arith.constant 0 : i32
      %dma_start3A_35 = arith.constant 0 : i32
      %dma_start3A_36 = arith.constant 0 : i32
      %dma_start3A_37 = tpu.memref_slice %arg8[%dma_start3A_35, %dma_start3A_36] : memref<2x16384xi32, #tpu.memory_space<vmem_shared>> -> memref<1x16384xi32, #tpu.memory_space<vmem_shared>>
      %dma_start3A_38 = tpu.memref_squeeze %dma_start3A_37 : memref<1x16384xi32, #tpu.memory_space<vmem_shared>> -> memref<16384xi32, #tpu.memory_space<vmem_shared>>
      %dma_start3A_39 = arith.constant 0 : i32
      %dma_start3A_40 = tpu.memref_slice %arg3[%dma_start3A, %dma_start3A_39] : memref<26x16384xi32, #tpu.memory_space<hbm>> -> memref<1x16384xi32, #tpu.memory_space<hbm>>
      %dma_start3A_41 = tpu.memref_squeeze %dma_start3A_40 : memref<1x16384xi32, #tpu.memory_space<hbm>> -> memref<16384xi32, #tpu.memory_space<hbm>>
      tpu.enqueue_dma source(%dma_start3A_41 : memref<16384xi32, #tpu.memory_space<hbm>>) target(%dma_start3A_38 : memref<16384xi32, #tpu.memory_space<vmem_shared>>) target_semaphore(%arg12 : memref<!tpu.dma_semaphore, #tpu.memory_space<semaphore_mem>>)
    } else {
    }
    %scan3A = arith.constant 0 : i32
    %scan3A_3 = arith.constant 0 : i32
    %scan3A_4 = arith.constant 26 : i32
    %scan3A_5 = arith.addi %scan3A_3, %scan3A_4 : i32
    %scan3A_6 = arith.constant 1 : i32
    scf.for %scan3A_35 = %scan3A_3 to %scan3A_5 step %scan3A_6  : i32 {
      %mul3A_36 = arith.constant 32 : i32
      %mul3A_37 = arith.muli %mul3A_36, %scan3A_35 : i32
      %add3A_38 = arith.addi %add3A, %mul3A_37 : i32
      %dma_start3A = arith.constant 0 : i32
      %dma_start3A_39 = tpu.memref_slice %arg2[%add3A_38, %dma_start3A] : memref<832x100000xf32, #tpu.memory_space<hbm>> -> memref<1x100000xf32, #tpu.memory_space<hbm>>
      %dma_start3A_40 = tpu.memref_squeeze %dma_start3A_39 : memref<1x100000xf32, #tpu.memory_space<hbm>> -> memref<100000xf32, #tpu.memory_space<hbm>>
      %dma_start3A_41 = arith.constant 0 : i32
      %dma_start3A_42 = tpu.memref_slice %arg2[%add3A_38, %dma_start3A_41] : memref<832x100000xf32, #tpu.memory_space<hbm>> -> memref<1x100000xf32, #tpu.memory_space<hbm>>
      %dma_start3A_43 = tpu.memref_squeeze %dma_start3A_42 : memref<1x100000xf32, #tpu.memory_space<hbm>> -> memref<100000xf32, #tpu.memory_space<hbm>>
      tpu.enqueue_dma source(%dma_start3A_43 : memref<100000xf32, #tpu.memory_space<hbm>>) target(%arg5 : memref<100000xf32, #tpu.memory_space<vmem>>) target_semaphore(%arg9 : memref<!tpu.dma_semaphore, #tpu.memory_space<semaphore_mem>>)
      %and3A = arith.constant 1 : i32
      %and3A_44 = arith.andi %scan3A_35, %and3A : i32
      %eq3A_45 = arith.constant 0 : i32
      %eq3A_46 = arith.cmpi eq, %arg1, %eq3A_45 : i32
      %convert_element_type3A_47 = arith.extui %eq3A_46 : i1 to i32
      %cond3A_48 = arith.constant 0 : i32
      %cond3A_49 = arith.cmpi ne, %convert_element_type3A_47, %cond3A_48 : i32
      scf.if %cond3A_49 {
        %dma_wait3A_524 = arith.constant 0 : i32
        %dma_wait3A_525 = arith.constant 0 : i32
        %dma_wait3A_526 = arith.constant 0 : i32
        %dma_wait3A_527 = tpu.memref_slice %arg8[%dma_wait3A_525, %dma_wait3A_526] : memref<2x16384xi32, #tpu.memory_space<vmem_shared>> -> memref<1x16384xi32, #tpu.memory_space<vmem_shared>>
        %dma_wait3A_528 = tpu.memref_squeeze %dma_wait3A_527 : memref<1x16384xi32, #tpu.memory_space<vmem_shared>> -> memref<16384xi32, #tpu.memory_space<vmem_shared>>
        %dma_wait3A_529 = arith.constant 0 : i32
        %dma_wait3A_530 = tpu.memref_slice %arg3[%dma_wait3A_524, %dma_wait3A_529] : memref<26x16384xi32, #tpu.memory_space<hbm>> -> memref<1x16384xi32, #tpu.memory_space<hbm>>
        %dma_wait3A_531 = tpu.memref_squeeze %dma_wait3A_530 : memref<1x16384xi32, #tpu.memory_space<hbm>> -> memref<16384xi32, #tpu.memory_space<hbm>>
        tpu.wait_dma2 semaphore(%arg12 : memref<!tpu.dma_semaphore, #tpu.memory_space<semaphore_mem>>) src(%dma_wait3A_531 : memref<16384xi32, #tpu.memory_space<hbm>>) dst(%dma_wait3A_528 : memref<16384xi32, #tpu.memory_space<vmem_shared>>)
      } else {
      }
      %barrier3A = arith.constant 0 : index
      tpu.barrier barrier_id(%barrier3A)
      %eq3A_50 = arith.constant 0 : i32
      %eq3A_51 = arith.cmpi eq, %arg1, %eq3A_50 : i32
      %lt3A = arith.constant 25 : i32
      %lt3A_52 = arith.cmpi slt, %scan3A_35, %lt3A : i32
      %and3A_53 = arith.andi %eq3A_51, %lt3A_52 : i1
      %convert_element_type3A_54 = arith.extui %and3A_53 : i1 to i32
      %cond3A_55 = arith.constant 0 : i32
      %cond3A_56 = arith.cmpi ne, %convert_element_type3A_54, %cond3A_55 : i32
      scf.if %cond3A_56 {
        %add3A_524 = arith.constant 1 : i32
        %add3A_525 = arith.addi %scan3A_35, %add3A_524 : i32
        %sub3A = arith.constant 1 : i32
        %sub3A_526 = arith.subi %sub3A, %and3A_44 : i32
        %dma_start3A_527 = arith.constant 0 : i32
        %dma_start3A_528 = tpu.memref_slice %arg8[%sub3A_526, %dma_start3A_527] : memref<2x16384xi32, #tpu.memory_space<vmem_shared>> -> memref<1x16384xi32, #tpu.memory_space<vmem_shared>>
        %dma_start3A_529 = tpu.memref_squeeze %dma_start3A_528 : memref<1x16384xi32, #tpu.memory_space<vmem_shared>> -> memref<16384xi32, #tpu.memory_space<vmem_shared>>
        %dma_start3A_530 = arith.constant 0 : i32
        %dma_start3A_531 = tpu.memref_slice %arg3[%add3A_525, %dma_start3A_530] : memref<26x16384xi32, #tpu.memory_space<hbm>> -> memref<1x16384xi32, #tpu.memory_space<hbm>>
        %dma_start3A_532 = tpu.memref_squeeze %dma_start3A_531 : memref<1x16384xi32, #tpu.memory_space<hbm>> -> memref<16384xi32, #tpu.memory_space<hbm>>
        tpu.enqueue_dma source(%dma_start3A_532 : memref<16384xi32, #tpu.memory_space<hbm>>) target(%dma_start3A_529 : memref<16384xi32, #tpu.memory_space<vmem_shared>>) target_semaphore(%arg12 : memref<!tpu.dma_semaphore, #tpu.memory_space<semaphore_mem>>)
      } else {
      }
      %dma_start3A_57 = arith.constant 0 : i32
      %dma_start3A_58 = arith.constant 0 : i32
      %dma_start3A_59 = tpu.memref_slice %arg6[%dma_start3A_57, %dma_start3A_58] : memref<2x2048xi32, #tpu.memory_space<vmem>> -> memref<1x2048xi32, #tpu.memory_space<vmem>>
      %dma_start3A_60 = tpu.memref_squeeze %dma_start3A_59 : memref<1x2048xi32, #tpu.memory_space<vmem>> -> memref<2048xi32, #tpu.memory_space<vmem>>
      %dma_start3A_61 = arith.constant 0 : i32
      %dma_start3A_62 = tpu.memref_slice %arg8[%and3A_44, %dma_start3A_61] : memref<2x16384xi32, #tpu.memory_space<vmem_shared>> -> memref<1x2048xi32, #tpu.memory_space<vmem_shared>>
      %dma_start3A_63 = tpu.memref_squeeze %dma_start3A_62 : memref<1x2048xi32, #tpu.memory_space<vmem_shared>> -> memref<2048xi32, #tpu.memory_space<vmem_shared>>
      %dma_start3A_64 = arith.constant 0 : i32
      %dma_start3A_65 = tpu.memref_slice %arg6[%dma_start3A_57, %dma_start3A_64] : memref<2x2048xi32, #tpu.memory_space<vmem>> -> memref<1x2048xi32, #tpu.memory_space<vmem>>
      %dma_start3A_66 = tpu.memref_squeeze %dma_start3A_65 : memref<1x2048xi32, #tpu.memory_space<vmem>> -> memref<2048xi32, #tpu.memory_space<vmem>>
      %dma_start3A_67 = arith.constant 0 : i32
      %dma_start3A_68 = tpu.memref_slice %arg8[%and3A_44, %dma_start3A_67] : memref<2x16384xi32, #tpu.memory_space<vmem_shared>> -> memref<1x2048xi32, #tpu.memory_space<vmem_shared>>
      %dma_start3A_69 = tpu.memref_squeeze %dma_start3A_68 : memref<1x2048xi32, #tpu.memory_space<vmem_shared>> -> memref<2048xi32, #tpu.memory_space<vmem_shared>>
      tpu.enqueue_dma source(%dma_start3A_69 : memref<2048xi32, #tpu.memory_space<vmem_shared>>) target(%dma_start3A_66 : memref<2048xi32, #tpu.memory_space<vmem>>) target_semaphore(%arg10 : memref<!tpu.dma_semaphore, #tpu.memory_space<semaphore_mem>>)
      %dma_wait3A_70 = arith.constant 0 : i32
      %dma_wait3A_71 = arith.constant 0 : i32
      %dma_wait3A_72 = arith.constant 0 : i32
      %dma_wait3A_73 = tpu.memref_slice %arg6[%dma_wait3A_71, %dma_wait3A_72] : memref<2x2048xi32, #tpu.memory_space<vmem>> -> memref<1x2048xi32, #tpu.memory_space<vmem>>
      %dma_wait3A_74 = tpu.memref_squeeze %dma_wait3A_73 : memref<1x2048xi32, #tpu.memory_space<vmem>> -> memref<2048xi32, #tpu.memory_space<vmem>>
      %dma_wait3A_75 = arith.constant 0 : i32
      %dma_wait3A_76 = tpu.memref_slice %arg8[%dma_wait3A_70, %dma_wait3A_75] : memref<2x16384xi32, #tpu.memory_space<vmem_shared>> -> memref<1x2048xi32, #tpu.memory_space<vmem_shared>>
      %dma_wait3A_77 = tpu.memref_squeeze %dma_wait3A_76 : memref<1x2048xi32, #tpu.memory_space<vmem_shared>> -> memref<2048xi32, #tpu.memory_space<vmem_shared>>
      %dma_wait3A_78 = arith.constant 0 : i32
      %dma_wait3A_79 = tpu.memref_slice %arg6[%dma_wait3A_71, %dma_wait3A_78] : memref<2x2048xi32, #tpu.memory_space<vmem>> -> memref<1x2048xi32, #tpu.memory_space<vmem>>
      %dma_wait3A_80 = tpu.memref_squeeze %dma_wait3A_79 : memref<1x2048xi32, #tpu.memory_space<vmem>> -> memref<2048xi32, #tpu.memory_space<vmem>>
      %dma_wait3A_81 = arith.constant 0 : i32
      %dma_wait3A_82 = tpu.memref_slice %arg8[%dma_wait3A_70, %dma_wait3A_81] : memref<2x16384xi32, #tpu.memory_space<vmem_shared>> -> memref<1x2048xi32, #tpu.memory_space<vmem_shared>>
      %dma_wait3A_83 = tpu.memref_squeeze %dma_wait3A_82 : memref<1x2048xi32, #tpu.memory_space<vmem_shared>> -> memref<2048xi32, #tpu.memory_space<vmem_shared>>
      tpu.wait_dma2 semaphore(%arg10 : memref<!tpu.dma_semaphore, #tpu.memory_space<semaphore_mem>>) src(%dma_wait3A_83 : memref<2048xi32, #tpu.memory_space<vmem_shared>>) dst(%dma_wait3A_80 : memref<2048xi32, #tpu.memory_space<vmem>>)
      %dma_wait3A_84 = arith.constant 0 : i32
      %dma_wait3A_85 = tpu.memref_slice %arg2[%add3A_38, %dma_wait3A_84] : memref<832x100000xf32, #tpu.memory_space<hbm>> -> memref<1x100000xf32, #tpu.memory_space<hbm>>
      %dma_wait3A_86 = tpu.memref_squeeze %dma_wait3A_85 : memref<1x100000xf32, #tpu.memory_space<hbm>> -> memref<100000xf32, #tpu.memory_space<hbm>>
      %dma_wait3A_87 = arith.constant 0 : i32
      %dma_wait3A_88 = tpu.memref_slice %arg2[%add3A_38, %dma_wait3A_87] : memref<832x100000xf32, #tpu.memory_space<hbm>> -> memref<1x100000xf32, #tpu.memory_space<hbm>>
      %dma_wait3A_89 = tpu.memref_squeeze %dma_wait3A_88 : memref<1x100000xf32, #tpu.memory_space<hbm>> -> memref<100000xf32, #tpu.memory_space<hbm>>
      tpu.wait_dma2 semaphore(%arg9 : memref<!tpu.dma_semaphore, #tpu.memory_space<semaphore_mem>>) src(%dma_wait3A_89 : memref<100000xf32, #tpu.memory_space<hbm>>) dst(%arg5 : memref<100000xf32, #tpu.memory_space<vmem>>)
      %ge3A = arith.constant 1 : i32
      %ge3A_90 = arith.cmpi sge, %scan3A_35, %ge3A : i32
      %convert_element_type3A_91 = arith.extui %ge3A_90 : i1 to i32
      %cond3A_92 = arith.constant 0 : i32
      %cond3A_93 = arith.cmpi ne, %convert_element_type3A_91, %cond3A_92 : i32
      scf.if %cond3A_93 {
        %dma_wait3A_524 = arith.constant 0 : i32
        %dma_wait3A_525 = arith.constant 0 : i32
        %dma_wait3A_526 = arith.constant 0 : i32
        %dma_wait3A_527 = tpu.memref_slice %arg7[%dma_wait3A_525, %dma_wait3A_526] : memref<2x2048xf32, #tpu.memory_space<vmem>> -> memref<1x2048xf32, #tpu.memory_space<vmem>>
        %dma_wait3A_528 = tpu.memref_squeeze %dma_wait3A_527 : memref<1x2048xf32, #tpu.memory_space<vmem>> -> memref<2048xf32, #tpu.memory_space<vmem>>
        %dma_wait3A_529 = arith.constant 0 : i32
        %dma_wait3A_530 = tpu.memref_slice %arg4[%dma_wait3A_524, %dma_wait3A_529] : memref<832x16384xf32, #tpu.memory_space<hbm>> -> memref<1x2048xf32, #tpu.memory_space<hbm>>
        %dma_wait3A_531 = tpu.memref_squeeze %dma_wait3A_530 : memref<1x2048xf32, #tpu.memory_space<hbm>> -> memref<2048xf32, #tpu.memory_space<hbm>>
        %dma_wait3A_532 = arith.constant 0 : i32
        %dma_wait3A_533 = tpu.memref_slice %arg7[%dma_wait3A_525, %dma_wait3A_532] : memref<2x2048xf32, #tpu.memory_space<vmem>> -> memref<1x2048xf32, #tpu.memory_space<vmem>>
        %dma_wait3A_534 = tpu.memref_squeeze %dma_wait3A_533 : memref<1x2048xf32, #tpu.memory_space<vmem>> -> memref<2048xf32, #tpu.memory_space<vmem>>
        %dma_wait3A_535 = arith.constant 0 : i32
        %dma_wait3A_536 = tpu.memref_slice %arg4[%dma_wait3A_524, %dma_wait3A_535] : memref<832x16384xf32, #tpu.memory_space<hbm>> -> memref<1x2048xf32, #tpu.memory_space<hbm>>
        %dma_wait3A_537 = tpu.memref_squeeze %dma_wait3A_536 : memref<1x2048xf32, #tpu.memory_space<hbm>> -> memref<2048xf32, #tpu.memory_space<hbm>>
        tpu.wait_dma2 semaphore(%arg11 : memref<!tpu.dma_semaphore, #tpu.memory_space<semaphore_mem>>) src(%dma_wait3A_537 : memref<2048xf32, #tpu.memory_space<hbm>>) dst(%dma_wait3A_534 : memref<2048xf32, #tpu.memory_space<vmem>>)
      } else {
      }
      %dma_start3A_94 = arith.constant 1 : i32
      %dma_start3A_95 = arith.constant 0 : i32
      %dma_start3A_96 = tpu.memref_slice %arg6[%dma_start3A_94, %dma_start3A_95] : memref<2x2048xi32, #tpu.memory_space<vmem>> -> memref<1x2048xi32, #tpu.memory_space<vmem>>
      %dma_start3A_97 = tpu.memref_squeeze %dma_start3A_96 : memref<1x2048xi32, #tpu.memory_space<vmem>> -> memref<2048xi32, #tpu.memory_space<vmem>>
      %dma_start3A_98 = arith.constant 2048 : i32
      %dma_start3A_99 = tpu.memref_slice %arg8[%and3A_44, %dma_start3A_98] : memref<2x16384xi32, #tpu.memory_space<vmem_shared>> -> memref<1x2048xi32, #tpu.memory_space<vmem_shared>>
      %dma_start3A_100 = tpu.memref_squeeze %dma_start3A_99 : memref<1x2048xi32, #tpu.memory_space<vmem_shared>> -> memref<2048xi32, #tpu.memory_space<vmem_shared>>
      %dma_start3A_101 = arith.constant 0 : i32
      %dma_start3A_102 = tpu.memref_slice %arg6[%dma_start3A_94, %dma_start3A_101] : memref<2x2048xi32, #tpu.memory_space<vmem>> -> memref<1x2048xi32, #tpu.memory_space<vmem>>
      %dma_start3A_103 = tpu.memref_squeeze %dma_start3A_102 : memref<1x2048xi32, #tpu.memory_space<vmem>> -> memref<2048xi32, #tpu.memory_space<vmem>>
      %dma_start3A_104 = arith.constant 2048 : i32
      %dma_start3A_105 = tpu.memref_slice %arg8[%and3A_44, %dma_start3A_104] : memref<2x16384xi32, #tpu.memory_space<vmem_shared>> -> memref<1x2048xi32, #tpu.memory_space<vmem_shared>>
      %dma_start3A_106 = tpu.memref_squeeze %dma_start3A_105 : memref<1x2048xi32, #tpu.memory_space<vmem_shared>> -> memref<2048xi32, #tpu.memory_space<vmem_shared>>
      tpu.enqueue_dma source(%dma_start3A_106 : memref<2048xi32, #tpu.memory_space<vmem_shared>>) target(%dma_start3A_103 : memref<2048xi32, #tpu.memory_space<vmem>>) target_semaphore(%arg10 : memref<!tpu.dma_semaphore, #tpu.memory_space<semaphore_mem>>)
      %scan3A_107 = arith.constant 0 : i32
      %scan3A_108 = arith.constant 0 : i32
      %scan3A_109 = arith.constant 8 : i32
      %scan3A_110 = arith.addi %scan3A_108, %scan3A_109 : i32
      %scan3A_111 = arith.constant 1 : i32
      scf.for %scan3A_524 = %scan3A_108 to %scan3A_110 step %scan3A_111  : i32 {
        %mul3A_525 = arith.constant 16 : i32
        %mul3A_526 = arith.muli %scan3A_524, %mul3A_525 : i32
        %mul3A_527 = arith.constant 16 : i32
        %mul3A_528 = arith.muli %mul3A_526, %mul3A_527 : i32
        %add3A_529 = arith.constant 0 : i32
        %add3A_530 = arith.addi %mul3A_528, %add3A_529 : i32
        %get3A = arith.constant 0 : i32
        %get3A_531 = arith.index_cast %get3A : i32 to index
        %get3A_532 = arith.index_cast %add3A_530 : i32 to index
        %get3A_533 = tpu.vector_load %arg6[%get3A_531, %get3A_532] {strides = array<i32>} : memref<2x2048xi32, #tpu.memory_space<vmem>>, vector<16xi32>,
        %gather3A = tpu.vector_load_idx %arg5[%get3A_533] : memref<100000xf32, #tpu.memory_space<vmem>>[vector<16xi32>], vector<16xf32>,
        %swap3A = arith.constant 0 : i32
        %swap3A_534 = arith.index_cast %swap3A : i32 to index
        %swap3A_535 = arith.index_cast %add3A_530 : i32 to index
        %swap3A_536 = tpu.vector_load %arg7[%swap3A_534, %swap3A_535] {strides = array<i32>} : memref<2x2048xf32, #tpu.memory_space<vmem>>, vector<16xf32>,
        tpu.vector_store %arg7[%swap3A_534, %swap3A_535], %gather3A {strides = array<i32>} : memref<2x2048xf32, #tpu.memory_space<vmem>>, vector<16xf32>,
        %add3A_537 = arith.constant 16 : i32
        %add3A_538 = arith.addi %mul3A_528, %add3A_537 : i32
        %get3A_539 = arith.constant 0 : i32
        %get3A_540 = arith.index_cast %get3A_539 : i32 to index
        %get3A_541 = arith.index_cast %add3A_538 : i32 to index
        %get3A_542 = tpu.vector_load %arg6[%get3A_540, %get3A_541] {strides = array<i32>} : memref<2x2048xi32, #tpu.memory_space<vmem>>, vector<16xi32>,
        %gather3A_543 = tpu.vector_load_idx %arg5[%get3A_542] : memref<100000xf32, #tpu.memory_space<vmem>>[vector<16xi32>], vector<16xf32>,
        %swap3A_544 = arith.constant 0 : i32
        %swap3A_545 = arith.index_cast %swap3A_544 : i32 to index
        %swap3A_546 = arith.index_cast %add3A_538 : i32 to index
        %swap3A_547 = tpu.vector_load %arg7[%swap3A_545, %swap3A_546] {strides = array<i32>} : memref<2x2048xf32, #tpu.memory_space<vmem>>, vector<16xf32>,
        tpu.vector_store %arg7[%swap3A_545, %swap3A_546], %gather3A_543 {strides = array<i32>} : memref<2x2048xf32, #tpu.memory_space<vmem>>, vector<16xf32>,
        %add3A_548 = arith.constant 32 : i32
        %add3A_549 = arith.addi %mul3A_528, %add3A_548 : i32
        %get3A_550 = arith.constant 0 : i32
        %get3A_551 = arith.index_cast %get3A_550 : i32 to index
        %get3A_552 = arith.index_cast %add3A_549 : i32 to index
        %get3A_553 = tpu.vector_load %arg6[%get3A_551, %get3A_552] {strides = array<i32>} : memref<2x2048xi32, #tpu.memory_space<vmem>>, vector<16xi32>,
        %gather3A_554 = tpu.vector_load_idx %arg5[%get3A_553] : memref<100000xf32, #tpu.memory_space<vmem>>[vector<16xi32>], vector<16xf32>,
        %swap3A_555 = arith.constant 0 : i32
        %swap3A_556 = arith.index_cast %swap3A_555 : i32 to index
        %swap3A_557 = arith.index_cast %add3A_549 : i32 to index
        %swap3A_558 = tpu.vector_load %arg7[%swap3A_556, %swap3A_557] {strides = array<i32>} : memref<2x2048xf32, #tpu.memory_space<vmem>>, vector<16xf32>,
        tpu.vector_store %arg7[%swap3A_556, %swap3A_557], %gather3A_554 {strides = array<i32>} : memref<2x2048xf32, #tpu.memory_space<vmem>>, vector<16xf32>,
        %add3A_559 = arith.constant 48 : i32
        %add3A_560 = arith.addi %mul3A_528, %add3A_559 : i32
        %get3A_561 = arith.constant 0 : i32
        %get3A_562 = arith.index_cast %get3A_561 : i32 to index
        %get3A_563 = arith.index_cast %add3A_560 : i32 to index
        %get3A_564 = tpu.vector_load %arg6[%get3A_562, %get3A_563] {strides = array<i32>} : memref<2x2048xi32, #tpu.memory_space<vmem>>, vector<16xi32>,
        %gather3A_565 = tpu.vector_load_idx %arg5[%get3A_564] : memref<100000xf32, #tpu.memory_space<vmem>>[vector<16xi32>], vector<16xf32>,
        %swap3A_566 = arith.constant 0 : i32
        %swap3A_567 = arith.index_cast %swap3A_566 : i32 to index
        %swap3A_568 = arith.index_cast %add3A_560 : i32 to index
        %swap3A_569 = tpu.vector_load %arg7[%swap3A_567, %swap3A_568] {strides = array<i32>} : memref<2x2048xf32, #tpu.memory_space<vmem>>, vector<16xf32>,
        tpu.vector_store %arg7[%swap3A_567, %swap3A_568], %gather3A_565 {strides = array<i32>} : memref<2x2048xf32, #tpu.memory_space<vmem>>, vector<16xf32>,
        %add3A_570 = arith.constant 64 : i32
        %add3A_571 = arith.addi %mul3A_528, %add3A_570 : i32
        %get3A_572 = arith.constant 0 : i32
        %get3A_573 = arith.index_cast %get3A_572 : i32 to index
        %get3A_574 = arith.index_cast %add3A_571 : i32 to index
        %get3A_575 = tpu.vector_load %arg6[%get3A_573, %get3A_574] {strides = array<i32>} : memref<2x2048xi32, #tpu.memory_space<vmem>>, vector<16xi32>,
        %gather3A_576 = tpu.vector_load_idx %arg5[%get3A_575] : memref<100000xf32, #tpu.memory_space<vmem>>[vector<16xi32>], vector<16xf32>,
        %swap3A_577 = arith.constant 0 : i32
        %swap3A_578 = arith.index_cast %swap3A_577 : i32 to index
        %swap3A_579 = arith.index_cast %add3A_571 : i32 to index
        %swap3A_580 = tpu.vector_load %arg7[%swap3A_578, %swap3A_579] {strides = array<i32>} : memref<2x2048xf32, #tpu.memory_space<vmem>>, vector<16xf32>,
        tpu.vector_store %arg7[%swap3A_578, %swap3A_579], %gather3A_576 {strides = array<i32>} : memref<2x2048xf32, #tpu.memory_space<vmem>>, vector<16xf32>,
        %add3A_581 = arith.constant 80 : i32
        %add3A_582 = arith.addi %mul3A_528, %add3A_581 : i32
        %get3A_583 = arith.constant 0 : i32
        %get3A_584 = arith.index_cast %get3A_583 : i32 to index
        %get3A_585 = arith.index_cast %add3A_582 : i32 to index
        %get3A_586 = tpu.vector_load %arg6[%get3A_584, %get3A_585] {strides = array<i32>} : memref<2x2048xi32, #tpu.memory_space<vmem>>, vector<16xi32>,
        %gather3A_587 = tpu.vector_load_idx %arg5[%get3A_586] : memref<100000xf32, #tpu.memory_space<vmem>>[vector<16xi32>], vector<16xf32>,
        %swap3A_588 = arith.constant 0 : i32
        %swap3A_589 = arith.index_cast %swap3A_588 : i32 to index
        %swap3A_590 = arith.index_cast %add3A_582 : i32 to index
        %swap3A_591 = tpu.vector_load %arg7[%swap3A_589, %swap3A_590] {strides = array<i32>} : memref<2x2048xf32, #tpu.memory_space<vmem>>, vector<16xf32>,
        tpu.vector_store %arg7[%swap3A_589, %swap3A_590], %gather3A_587 {strides = array<i32>} : memref<2x2048xf32, #tpu.memory_space<vmem>>, vector<16xf32>,
        %add3A_592 = arith.constant 96 : i32
        %add3A_593 = arith.addi %mul3A_528, %add3A_592 : i32
        %get3A_594 = arith.constant 0 : i32
        %get3A_595 = arith.index_cast %get3A_594 : i32 to index
        %get3A_596 = arith.index_cast %add3A_593 : i32 to index
        %get3A_597 = tpu.vector_load %arg6[%get3A_595, %get3A_596] {strides = array<i32>} : memref<2x2048xi32, #tpu.memory_space<vmem>>, vector<16xi32>,
        %gather3A_598 = tpu.vector_load_idx %arg5[%get3A_597] : memref<100000xf32, #tpu.memory_space<vmem>>[vector<16xi32>], vector<16xf32>,
        %swap3A_599 = arith.constant 0 : i32
        %swap3A_600 = arith.index_cast %swap3A_599 : i32 to index
        %swap3A_601 = arith.index_cast %add3A_593 : i32 to index
        %swap3A_602 = tpu.vector_load %arg7[%swap3A_600, %swap3A_601] {strides = array<i32>} : memref<2x2048xf32, #tpu.memory_space<vmem>>, vector<16xf32>,
        tpu.vector_store %arg7[%swap3A_600, %swap3A_601], %gather3A_598 {strides = array<i32>} : memref<2x2048xf32, #tpu.memory_space<vmem>>, vector<16xf32>,
        %add3A_603 = arith.constant 112 : i32
        %add3A_604 = arith.addi %mul3A_528, %add3A_603 : i32
        %get3A_605 = arith.constant 0 : i32
        %get3A_606 = arith.index_cast %get3A_605 : i32 to index
        %get3A_607 = arith.index_cast %add3A_604 : i32 to index
        %get3A_608 = tpu.vector_load %arg6[%get3A_606, %get3A_607] {strides = array<i32>} : memref<2x2048xi32, #tpu.memory_space<vmem>>, vector<16xi32>,
        %gather3A_609 = tpu.vector_load_idx %arg5[%get3A_608] : memref<100000xf32, #tpu.memory_space<vmem>>[vector<16xi32>], vector<16xf32>,
        %swap3A_610 = arith.constant 0 : i32
        %swap3A_611 = arith.index_cast %swap3A_610 : i32 to index
        %swap3A_612 = arith.index_cast %add3A_604 : i32 to index
        %swap3A_613 = tpu.vector_load %arg7[%swap3A_611, %swap3A_612] {strides = array<i32>} : memref<2x2048xf32, #tpu.memory_space<vmem>>, vector<16xf32>,
        tpu.vector_store %arg7[%swap3A_611, %swap3A_612], %gather3A_609 {strides = array<i32>} : memref<2x2048xf32, #tpu.memory_space<vmem>>, vector<16xf32>,
        %add3A_614 = arith.constant 128 : i32
        %add3A_615 = arith.addi %mul3A_528, %add3A_614 : i32
        %get3A_616 = arith.constant 0 : i32
        %get3A_617 = arith.index_cast %get3A_616 : i32 to index
        %get3A_618 = arith.index_cast %add3A_615 : i32 to index
        %get3A_619 = tpu.vector_load %arg6[%get3A_617, %get3A_618] {strides = array<i32>} : memref<2x2048xi32, #tpu.memory_space<vmem>>, vector<16xi32>,
        %gather3A_620 = tpu.vector_load_idx %arg5[%get3A_619] : memref<100000xf32, #tpu.memory_space<vmem>>[vector<16xi32>], vector<16xf32>,
        %swap3A_621 = arith.constant 0 : i32
        %swap3A_622 = arith.index_cast %swap3A_621 : i32 to index
        %swap3A_623 = arith.index_cast %add3A_615 : i32 to index
        %swap3A_624 = tpu.vector_load %arg7[%swap3A_622, %swap3A_623] {strides = array<i32>} : memref<2x2048xf32, #tpu.memory_space<vmem>>, vector<16xf32>,
        tpu.vector_store %arg7[%swap3A_622, %swap3A_623], %gather3A_620 {strides = array<i32>} : memref<2x2048xf32, #tpu.memory_space<vmem>>, vector<16xf32>,
        %add3A_625 = arith.constant 144 : i32
        %add3A_626 = arith.addi %mul3A_528, %add3A_625 : i32
        %get3A_627 = arith.constant 0 : i32
        %get3A_628 = arith.index_cast %get3A_627 : i32 to index
        %get3A_629 = arith.index_cast %add3A_626 : i32 to index
        %get3A_630 = tpu.vector_load %arg6[%get3A_628, %get3A_629] {strides = array<i32>} : memref<2x2048xi32, #tpu.memory_space<vmem>>, vector<16xi32>,
        %gather3A_631 = tpu.vector_load_idx %arg5[%get3A_630] : memref<100000xf32, #tpu.memory_space<vmem>>[vector<16xi32>], vector<16xf32>,
        %swap3A_632 = arith.constant 0 : i32
        %swap3A_633 = arith.index_cast %swap3A_632 : i32 to index
        %swap3A_634 = arith.index_cast %add3A_626 : i32 to index
        %swap3A_635 = tpu.vector_load %arg7[%swap3A_633, %swap3A_634] {strides = array<i32>} : memref<2x2048xf32, #tpu.memory_space<vmem>>, vector<16xf32>,
        tpu.vector_store %arg7[%swap3A_633, %swap3A_634], %gather3A_631 {strides = array<i32>} : memref<2x2048xf32, #tpu.memory_space<vmem>>, vector<16xf32>,
        %add3A_636 = arith.constant 160 : i32
        %add3A_637 = arith.addi %mul3A_528, %add3A_636 : i32
        %get3A_638 = arith.constant 0 : i32
        %get3A_639 = arith.index_cast %get3A_638 : i32 to index
        %get3A_640 = arith.index_cast %add3A_637 : i32 to index
        %get3A_641 = tpu.vector_load %arg6[%get3A_639, %get3A_640] {strides = array<i32>} : memref<2x2048xi32, #tpu.memory_space<vmem>>, vector<16xi32>,
        %gather3A_642 = tpu.vector_load_idx %arg5[%get3A_641] : memref<100000xf32, #tpu.memory_space<vmem>>[vector<16xi32>], vector<16xf32>,
        %swap3A_643 = arith.constant 0 : i32
        %swap3A_644 = arith.index_cast %swap3A_643 : i32 to index
        %swap3A_645 = arith.index_cast %add3A_637 : i32 to index
        %swap3A_646 = tpu.vector_load %arg7[%swap3A_644, %swap3A_645] {strides = array<i32>} : memref<2x2048xf32, #tpu.memory_space<vmem>>, vector<16xf32>,
        tpu.vector_store %arg7[%swap3A_644, %swap3A_645], %gather3A_642 {strides = array<i32>} : memref<2x2048xf32, #tpu.memory_space<vmem>>, vector<16xf32>,
        %add3A_647 = arith.constant 176 : i32
        %add3A_648 = arith.addi %mul3A_528, %add3A_647 : i32
        %get3A_649 = arith.constant 0 : i32
        %get3A_650 = arith.index_cast %get3A_649 : i32 to index
        %get3A_651 = arith.index_cast %add3A_648 : i32 to index
        %get3A_652 = tpu.vector_load %arg6[%get3A_650, %get3A_651] {strides = array<i32>} : memref<2x2048xi32, #tpu.memory_space<vmem>>, vector<16xi32>,
        %gather3A_653 = tpu.vector_load_idx %arg5[%get3A_652] : memref<100000xf32, #tpu.memory_space<vmem>>[vector<16xi32>], vector<16xf32>,
        %swap3A_654 = arith.constant 0 : i32
        %swap3A_655 = arith.index_cast %swap3A_654 : i32 to index
        %swap3A_656 = arith.index_cast %add3A_648 : i32 to index
        %swap3A_657 = tpu.vector_load %arg7[%swap3A_655, %swap3A_656] {strides = array<i32>} : memref<2x2048xf32, #tpu.memory_space<vmem>>, vector<16xf32>,
        tpu.vector_store %arg7[%swap3A_655, %swap3A_656], %gather3A_653 {strides = array<i32>} : memref<2x2048xf32, #tpu.memory_space<vmem>>, vector<16xf32>,
        %add3A_658 = arith.constant 192 : i32
        %add3A_659 = arith.addi %mul3A_528, %add3A_658 : i32
        %get3A_660 = arith.constant 0 : i32
        %get3A_661 = arith.index_cast %get3A_660 : i32 to index
        %get3A_662 = arith.index_cast %add3A_659 : i32 to index
        %get3A_663 = tpu.vector_load %arg6[%get3A_661, %get3A_662] {strides = array<i32>} : memref<2x2048xi32, #tpu.memory_space<vmem>>, vector<16xi32>,
        %gather3A_664 = tpu.vector_load_idx %arg5[%get3A_663] : memref<100000xf32, #tpu.memory_space<vmem>>[vector<16xi32>], vector<16xf32>,
        %swap3A_665 = arith.constant 0 : i32
        %swap3A_666 = arith.index_cast %swap3A_665 : i32 to index
        %swap3A_667 = arith.index_cast %add3A_659 : i32 to index
        %swap3A_668 = tpu.vector_load %arg7[%swap3A_666, %swap3A_667] {strides = array<i32>} : memref<2x2048xf32, #tpu.memory_space<vmem>>, vector<16xf32>,
        tpu.vector_store %arg7[%swap3A_666, %swap3A_667], %gather3A_664 {strides = array<i32>} : memref<2x2048xf32, #tpu.memory_space<vmem>>, vector<16xf32>,
        %add3A_669 = arith.constant 208 : i32
        %add3A_670 = arith.addi %mul3A_528, %add3A_669 : i32
        %get3A_671 = arith.constant 0 : i32
        %get3A_672 = arith.index_cast %get3A_671 : i32 to index
        %get3A_673 = arith.index_cast %add3A_670 : i32 to index
        %get3A_674 = tpu.vector_load %arg6[%get3A_672, %get3A_673] {strides = array<i32>} : memref<2x2048xi32, #tpu.memory_space<vmem>>, vector<16xi32>,
        %gather3A_675 = tpu.vector_load_idx %arg5[%get3A_674] : memref<100000xf32, #tpu.memory_space<vmem>>[vector<16xi32>], vector<16xf32>,
        %swap3A_676 = arith.constant 0 : i32
        %swap3A_677 = arith.index_cast %swap3A_676 : i32 to index
        %swap3A_678 = arith.index_cast %add3A_670 : i32 to index
        %swap3A_679 = tpu.vector_load %arg7[%swap3A_677, %swap3A_678] {strides = array<i32>} : memref<2x2048xf32, #tpu.memory_space<vmem>>, vector<16xf32>,
        tpu.vector_store %arg7[%swap3A_677, %swap3A_678], %gather3A_675 {strides = array<i32>} : memref<2x2048xf32, #tpu.memory_space<vmem>>, vector<16xf32>,
        %add3A_680 = arith.constant 224 : i32
        %add3A_681 = arith.addi %mul3A_528, %add3A_680 : i32
        %get3A_682 = arith.constant 0 : i32
        %get3A_683 = arith.index_cast %get3A_682 : i32 to index
        %get3A_684 = arith.index_cast %add3A_681 : i32 to index
        %get3A_685 = tpu.vector_load %arg6[%get3A_683, %get3A_684] {strides = array<i32>} : memref<2x2048xi32, #tpu.memory_space<vmem>>, vector<16xi32>,
        %gather3A_686 = tpu.vector_load_idx %arg5[%get3A_685] : memref<100000xf32, #tpu.memory_space<vmem>>[vector<16xi32>], vector<16xf32>,
        %swap3A_687 = arith.constant 0 : i32
        %swap3A_688 = arith.index_cast %swap3A_687 : i32 to index
        %swap3A_689 = arith.index_cast %add3A_681 : i32 to index
        %swap3A_690 = tpu.vector_load %arg7[%swap3A_688, %swap3A_689] {strides = array<i32>} : memref<2x2048xf32, #tpu.memory_space<vmem>>, vector<16xf32>,
        tpu.vector_store %arg7[%swap3A_688, %swap3A_689], %gather3A_686 {strides = array<i32>} : memref<2x2048xf32, #tpu.memory_space<vmem>>, vector<16xf32>,
        %add3A_691 = arith.constant 240 : i32
        %add3A_692 = arith.addi %mul3A_528, %add3A_691 : i32
        %get3A_693 = arith.constant 0 : i32
        %get3A_694 = arith.index_cast %get3A_693 : i32 to index
        %get3A_695 = arith.index_cast %add3A_692 : i32 to index
        %get3A_696 = tpu.vector_load %arg6[%get3A_694, %get3A_695] {strides = array<i32>} : memref<2x2048xi32, #tpu.memory_space<vmem>>, vector<16xi32>,
        %gather3A_697 = tpu.vector_load_idx %arg5[%get3A_696] : memref<100000xf32, #tpu.memory_space<vmem>>[vector<16xi32>], vector<16xf32>,
        %swap3A_698 = arith.constant 0 : i32
        %swap3A_699 = arith.index_cast %swap3A_698 : i32 to index
        %swap3A_700 = arith.index_cast %add3A_692 : i32 to index
        %swap3A_701 = tpu.vector_load %arg7[%swap3A_699, %swap3A_700] {strides = array<i32>} : memref<2x2048xf32, #tpu.memory_space<vmem>>, vector<16xf32>,
        tpu.vector_store %arg7[%swap3A_699, %swap3A_700], %gather3A_697 {strides = array<i32>} : memref<2x2048xf32, #tpu.memory_space<vmem>>, vector<16xf32>,
      }
      %scan3A_112 = arith.constant 8 : i32
      %dma_start3A_113 = arith.constant 0 : i32
      %dma_start3A_114 = arith.constant 0 : i32
      %dma_start3A_115 = tpu.memref_slice %arg7[%dma_start3A_113, %dma_start3A_114] : memref<2x2048xf32, #tpu.memory_space<vmem>> -> memref<1x2048xf32, #tpu.memory_space<vmem>>
      %dma_start3A_116 = tpu.memref_squeeze %dma_start3A_115 : memref<1x2048xf32, #tpu.memory_space<vmem>> -> memref<2048xf32, #tpu.memory_space<vmem>>
      %dma_start3A_117 = arith.constant 0 : i32
      %dma_start3A_118 = tpu.memref_slice %arg4[%add3A_38, %dma_start3A_117] : memref<832x16384xf32, #tpu.memory_space<hbm>> -> memref<1x2048xf32, #tpu.memory_space<hbm>>
      %dma_start3A_119 = tpu.memref_squeeze %dma_start3A_118 : memref<1x2048xf32, #tpu.memory_space<hbm>> -> memref<2048xf32, #tpu.memory_space<hbm>>
      %dma_start3A_120 = arith.constant 0 : i32
      %dma_start3A_121 = tpu.memref_slice %arg4[%add3A_38, %dma_start3A_120] : memref<832x16384xf32, #tpu.memory_space<hbm>> -> memref<1x2048xf32, #tpu.memory_space<hbm>>
      %dma_start3A_122 = tpu.memref_squeeze %dma_start3A_121 : memref<1x2048xf32, #tpu.memory_space<hbm>> -> memref<2048xf32, #tpu.memory_space<hbm>>
      %dma_start3A_123 = arith.constant 0 : i32
      %dma_start3A_124 = tpu.memref_slice %arg7[%dma_start3A_113, %dma_start3A_123] : memref<2x2048xf32, #tpu.memory_space<vmem>> -> memref<1x2048xf32, #tpu.memory_space<vmem>>
      %dma_start3A_125 = tpu.memref_squeeze %dma_start3A_124 : memref<1x2048xf32, #tpu.memory_space<vmem>> -> memref<2048xf32, #tpu.memory_space<vmem>>
      tpu.enqueue_dma source(%dma_start3A_125 : memref<2048xf32, #tpu.memory_space<vmem>>) target(%dma_start3A_122 : memref<2048xf32, #tpu.memory_space<hbm>>) target_semaphore(%arg11 : memref<!tpu.dma_semaphore, #tpu.memory_space<semaphore_mem>>)
      %dma_wait3A_126 = arith.constant 0 : i32
      %dma_wait3A_127 = arith.constant 1 : i32
      %dma_wait3A_128 = arith.constant 0 : i32
      %dma_wait3A_129 = tpu.memref_slice %arg6[%dma_wait3A_127, %dma_wait3A_128] : memref<2x2048xi32, #tpu.memory_space<vmem>> -> memref<1x2048xi32, #tpu.memory_space<vmem>>
      %dma_wait3A_130 = tpu.memref_squeeze %dma_wait3A_129 : memref<1x2048xi32, #tpu.memory_space<vmem>> -> memref<2048xi32, #tpu.memory_space<vmem>>
      %dma_wait3A_131 = arith.constant 0 : i32
      %dma_wait3A_132 = tpu.memref_slice %arg8[%dma_wait3A_126, %dma_wait3A_131] : memref<2x16384xi32, #tpu.memory_space<vmem_shared>> -> memref<1x2048xi32, #tpu.memory_space<vmem_shared>>
      %dma_wait3A_133 = tpu.memref_squeeze %dma_wait3A_132 : memref<1x2048xi32, #tpu.memory_space<vmem_shared>> -> memref<2048xi32, #tpu.memory_space<vmem_shared>>
      %dma_wait3A_134 = arith.constant 0 : i32
      %dma_wait3A_135 = tpu.memref_slice %arg6[%dma_wait3A_127, %dma_wait3A_134] : memref<2x2048xi32, #tpu.memory_space<vmem>> -> memref<1x2048xi32, #tpu.memory_space<vmem>>
      %dma_wait3A_136 = tpu.memref_squeeze %dma_wait3A_135 : memref<1x2048xi32, #tpu.memory_space<vmem>> -> memref<2048xi32, #tpu.memory_space<vmem>>
      %dma_wait3A_137 = arith.constant 0 : i32
      %dma_wait3A_138 = tpu.memref_slice %arg8[%dma_wait3A_126, %dma_wait3A_137] : memref<2x16384xi32, #tpu.memory_space<vmem_shared>> -> memref<1x2048xi32, #tpu.memory_space<vmem_shared>>
      %dma_wait3A_139 = tpu.memref_squeeze %dma_wait3A_138 : memref<1x2048xi32, #tpu.memory_space<vmem_shared>> -> memref<2048xi32, #tpu.memory_space<vmem_shared>>
      tpu.wait_dma2 semaphore(%arg10 : memref<!tpu.dma_semaphore, #tpu.memory_space<semaphore_mem>>) src(%dma_wait3A_139 : memref<2048xi32, #tpu.memory_space<vmem_shared>>) dst(%dma_wait3A_136 : memref<2048xi32, #tpu.memory_space<vmem>>)
      %ge3A_140 = arith.constant 1 : i32
      %ge3A_141 = arith.cmpi sge, %scan3A_35, %ge3A_140 : i32
      %convert_element_type3A_142 = arith.extui %ge3A_141 : i1 to i32
      %cond3A_143 = arith.constant 0 : i32
      %cond3A_144 = arith.cmpi ne, %convert_element_type3A_142, %cond3A_143 : i32
      scf.if %cond3A_144 {
        %dma_wait3A_524 = arith.constant 0 : i32
        %dma_wait3A_525 = arith.constant 1 : i32
        %dma_wait3A_526 = arith.constant 0 : i32
        %dma_wait3A_527 = tpu.memref_slice %arg7[%dma_wait3A_525, %dma_wait3A_526] : memref<2x2048xf32, #tpu.memory_space<vmem>> -> memref<1x2048xf32, #tpu.memory_space<vmem>>
        %dma_wait3A_528 = tpu.memref_squeeze %dma_wait3A_527 : memref<1x2048xf32, #tpu.memory_space<vmem>> -> memref<2048xf32, #tpu.memory_space<vmem>>
        %dma_wait3A_529 = arith.constant 0 : i32
        %dma_wait3A_530 = tpu.memref_slice %arg4[%dma_wait3A_524, %dma_wait3A_529] : memref<832x16384xf32, #tpu.memory_space<hbm>> -> memref<1x2048xf32, #tpu.memory_space<hbm>>
        %dma_wait3A_531 = tpu.memref_squeeze %dma_wait3A_530 : memref<1x2048xf32, #tpu.memory_space<hbm>> -> memref<2048xf32, #tpu.memory_space<hbm>>
        %dma_wait3A_532 = arith.constant 0 : i32
        %dma_wait3A_533 = tpu.memref_slice %arg7[%dma_wait3A_525, %dma_wait3A_532] : memref<2x2048xf32, #tpu.memory_space<vmem>> -> memref<1x2048xf32, #tpu.memory_space<vmem>>
        %dma_wait3A_534 = tpu.memref_squeeze %dma_wait3A_533 : memref<1x2048xf32, #tpu.memory_space<vmem>> -> memref<2048xf32, #tpu.memory_space<vmem>>
        %dma_wait3A_535 = arith.constant 0 : i32
        %dma_wait3A_536 = tpu.memref_slice %arg4[%dma_wait3A_524, %dma_wait3A_535] : memref<832x16384xf32, #tpu.memory_space<hbm>> -> memref<1x2048xf32, #tpu.memory_space<hbm>>
        %dma_wait3A_537 = tpu.memref_squeeze %dma_wait3A_536 : memref<1x2048xf32, #tpu.memory_space<hbm>> -> memref<2048xf32, #tpu.memory_space<hbm>>
        tpu.wait_dma2 semaphore(%arg11 : memref<!tpu.dma_semaphore, #tpu.memory_space<semaphore_mem>>) src(%dma_wait3A_537 : memref<2048xf32, #tpu.memory_space<hbm>>) dst(%dma_wait3A_534 : memref<2048xf32, #tpu.memory_space<vmem>>)
      } else {
      }
      %dma_start3A_145 = arith.constant 0 : i32
      %dma_start3A_146 = arith.constant 0 : i32
      %dma_start3A_147 = tpu.memref_slice %arg6[%dma_start3A_145, %dma_start3A_146] : memref<2x2048xi32, #tpu.memory_space<vmem>> -> memref<1x2048xi32, #tpu.memory_space<vmem>>
      %dma_start3A_148 = tpu.memref_squeeze %dma_start3A_147 : memref<1x2048xi32, #tpu.memory_space<vmem>> -> memref<2048xi32, #tpu.memory_space<vmem>>
      %dma_start3A_149 = arith.constant 4096 : i32
      %dma_start3A_150 = tpu.memref_slice %arg8[%and3A_44, %dma_start3A_149] : memref<2x16384xi32, #tpu.memory_space<vmem_shared>> -> memref<1x2048xi32, #tpu.memory_space<vmem_shared>>
      %dma_start3A_151 = tpu.memref_squeeze %dma_start3A_150 : memref<1x2048xi32, #tpu.memory_space<vmem_shared>> -> memref<2048xi32, #tpu.memory_space<vmem_shared>>
      %dma_start3A_152 = arith.constant 0 : i32
      %dma_start3A_153 = tpu.memref_slice %arg6[%dma_start3A_145, %dma_start3A_152] : memref<2x2048xi32, #tpu.memory_space<vmem>> -> memref<1x2048xi32, #tpu.memory_space<vmem>>
      %dma_start3A_154 = tpu.memref_squeeze %dma_start3A_153 : memref<1x2048xi32, #tpu.memory_space<vmem>> -> memref<2048xi32, #tpu.memory_space<vmem>>
      %dma_start3A_155 = arith.constant 4096 : i32
      %dma_start3A_156 = tpu.memref_slice %arg8[%and3A_44, %dma_start3A_155] : memref<2x16384xi32, #tpu.memory_space<vmem_shared>> -> memref<1x2048xi32, #tpu.memory_space<vmem_shared>>
      %dma_start3A_157 = tpu.memref_squeeze %dma_start3A_156 : memref<1x2048xi32, #tpu.memory_space<vmem_shared>> -> memref<2048xi32, #tpu.memory_space<vmem_shared>>
      tpu.enqueue_dma source(%dma_start3A_157 : memref<2048xi32, #tpu.memory_space<vmem_shared>>) target(%dma_start3A_154 : memref<2048xi32, #tpu.memory_space<vmem>>) target_semaphore(%arg10 : memref<!tpu.dma_semaphore, #tpu.memory_space<semaphore_mem>>)
      %scan3A_158 = arith.constant 0 : i32
      %scan3A_159 = arith.constant 0 : i32
      %scan3A_160 = arith.constant 8 : i32
      %scan3A_161 = arith.addi %scan3A_159, %scan3A_160 : i32
      %scan3A_162 = arith.constant 1 : i32
      scf.for %scan3A_524 = %scan3A_159 to %scan3A_161 step %scan3A_162  : i32 {
        %mul3A_525 = arith.constant 16 : i32
        %mul3A_526 = arith.muli %scan3A_524, %mul3A_525 : i32
        %mul3A_527 = arith.constant 16 : i32
        %mul3A_528 = arith.muli %mul3A_526, %mul3A_527 : i32
        %add3A_529 = arith.constant 0 : i32
        %add3A_530 = arith.addi %mul3A_528, %add3A_529 : i32
        %get3A = arith.constant 1 : i32
        %get3A_531 = arith.index_cast %get3A : i32 to index
        %get3A_532 = arith.index_cast %add3A_530 : i32 to index
        %get3A_533 = tpu.vector_load %arg6[%get3A_531, %get3A_532] {strides = array<i32>} : memref<2x2048xi32, #tpu.memory_space<vmem>>, vector<16xi32>,
        %gather3A = tpu.vector_load_idx %arg5[%get3A_533] : memref<100000xf32, #tpu.memory_space<vmem>>[vector<16xi32>], vector<16xf32>,
        %swap3A = arith.constant 1 : i32
        %swap3A_534 = arith.index_cast %swap3A : i32 to index
        %swap3A_535 = arith.index_cast %add3A_530 : i32 to index
        %swap3A_536 = tpu.vector_load %arg7[%swap3A_534, %swap3A_535] {strides = array<i32>} : memref<2x2048xf32, #tpu.memory_space<vmem>>, vector<16xf32>,
        tpu.vector_store %arg7[%swap3A_534, %swap3A_535], %gather3A {strides = array<i32>} : memref<2x2048xf32, #tpu.memory_space<vmem>>, vector<16xf32>,
        %add3A_537 = arith.constant 16 : i32
        %add3A_538 = arith.addi %mul3A_528, %add3A_537 : i32
        %get3A_539 = arith.constant 1 : i32
        %get3A_540 = arith.index_cast %get3A_539 : i32 to index
        %get3A_541 = arith.index_cast %add3A_538 : i32 to index
        %get3A_542 = tpu.vector_load %arg6[%get3A_540, %get3A_541] {strides = array<i32>} : memref<2x2048xi32, #tpu.memory_space<vmem>>, vector<16xi32>,
        %gather3A_543 = tpu.vector_load_idx %arg5[%get3A_542] : memref<100000xf32, #tpu.memory_space<vmem>>[vector<16xi32>], vector<16xf32>,
        %swap3A_544 = arith.constant 1 : i32
        %swap3A_545 = arith.index_cast %swap3A_544 : i32 to index
        %swap3A_546 = arith.index_cast %add3A_538 : i32 to index
        %swap3A_547 = tpu.vector_load %arg7[%swap3A_545, %swap3A_546] {strides = array<i32>} : memref<2x2048xf32, #tpu.memory_space<vmem>>, vector<16xf32>,
        tpu.vector_store %arg7[%swap3A_545, %swap3A_546], %gather3A_543 {strides = array<i32>} : memref<2x2048xf32, #tpu.memory_space<vmem>>, vector<16xf32>,
        %add3A_548 = arith.constant 32 : i32
        %add3A_549 = arith.addi %mul3A_528, %add3A_548 : i32
        %get3A_550 = arith.constant 1 : i32
        %get3A_551 = arith.index_cast %get3A_550 : i32 to index
        %get3A_552 = arith.index_cast %add3A_549 : i32 to index
        %get3A_553 = tpu.vector_load %arg6[%get3A_551, %get3A_552] {strides = array<i32>} : memref<2x2048xi32, #tpu.memory_space<vmem>>, vector<16xi32>,
        %gather3A_554 = tpu.vector_load_idx %arg5[%get3A_553] : memref<100000xf32, #tpu.memory_space<vmem>>[vector<16xi32>], vector<16xf32>,
        %swap3A_555 = arith.constant 1 : i32
        %swap3A_556 = arith.index_cast %swap3A_555 : i32 to index
        %swap3A_557 = arith.index_cast %add3A_549 : i32 to index
        %swap3A_558 = tpu.vector_load %arg7[%swap3A_556, %swap3A_557] {strides = array<i32>} : memref<2x2048xf32, #tpu.memory_space<vmem>>, vector<16xf32>,
        tpu.vector_store %arg7[%swap3A_556, %swap3A_557], %gather3A_554 {strides = array<i32>} : memref<2x2048xf32, #tpu.memory_space<vmem>>, vector<16xf32>,
        %add3A_559 = arith.constant 48 : i32
        %add3A_560 = arith.addi %mul3A_528, %add3A_559 : i32
        %get3A_561 = arith.constant 1 : i32
        %get3A_562 = arith.index_cast %get3A_561 : i32 to index
        %get3A_563 = arith.index_cast %add3A_560 : i32 to index
        %get3A_564 = tpu.vector_load %arg6[%get3A_562, %get3A_563] {strides = array<i32>} : memref<2x2048xi32, #tpu.memory_space<vmem>>, vector<16xi32>,
        %gather3A_565 = tpu.vector_load_idx %arg5[%get3A_564] : memref<100000xf32, #tpu.memory_space<vmem>>[vector<16xi32>], vector<16xf32>,
        %swap3A_566 = arith.constant 1 : i32
        %swap3A_567 = arith.index_cast %swap3A_566 : i32 to index
        %swap3A_568 = arith.index_cast %add3A_560 : i32 to index
        %swap3A_569 = tpu.vector_load %arg7[%swap3A_567, %swap3A_568] {strides = array<i32>} : memref<2x2048xf32, #tpu.memory_space<vmem>>, vector<16xf32>,
        tpu.vector_store %arg7[%swap3A_567, %swap3A_568], %gather3A_565 {strides = array<i32>} : memref<2x2048xf32, #tpu.memory_space<vmem>>, vector<16xf32>,
        %add3A_570 = arith.constant 64 : i32
        %add3A_571 = arith.addi %mul3A_528, %add3A_570 : i32
        %get3A_572 = arith.constant 1 : i32
        %get3A_573 = arith.index_cast %get3A_572 : i32 to index
        %get3A_574 = arith.index_cast %add3A_571 : i32 to index
        %get3A_575 = tpu.vector_load %arg6[%get3A_573, %get3A_574] {strides = array<i32>} : memref<2x2048xi32, #tpu.memory_space<vmem>>, vector<16xi32>,
        %gather3A_576 = tpu.vector_load_idx %arg5[%get3A_575] : memref<100000xf32, #tpu.memory_space<vmem>>[vector<16xi32>], vector<16xf32>,
        %swap3A_577 = arith.constant 1 : i32
        %swap3A_578 = arith.index_cast %swap3A_577 : i32 to index
        %swap3A_579 = arith.index_cast %add3A_571 : i32 to index
        %swap3A_580 = tpu.vector_load %arg7[%swap3A_578, %swap3A_579] {strides = array<i32>} : memref<2x2048xf32, #tpu.memory_space<vmem>>, vector<16xf32>,
        tpu.vector_store %arg7[%swap3A_578, %swap3A_579], %gather3A_576 {strides = array<i32>} : memref<2x2048xf32, #tpu.memory_space<vmem>>, vector<16xf32>,
        %add3A_581 = arith.constant 80 : i32
        %add3A_582 = arith.addi %mul3A_528, %add3A_581 : i32
        %get3A_583 = arith.constant 1 : i32
        %get3A_584 = arith.index_cast %get3A_583 : i32 to index
        %get3A_585 = arith.index_cast %add3A_582 : i32 to index
        %get3A_586 = tpu.vector_load %arg6[%get3A_584, %get3A_585] {strides = array<i32>} : memref<2x2048xi32, #tpu.memory_space<vmem>>, vector<16xi32>,
        %gather3A_587 = tpu.vector_load_idx %arg5[%get3A_586] : memref<100000xf32, #tpu.memory_space<vmem>>[vector<16xi32>], vector<16xf32>,
        %swap3A_588 = arith.constant 1 : i32
        %swap3A_589 = arith.index_cast %swap3A_588 : i32 to index
        %swap3A_590 = arith.index_cast %add3A_582 : i32 to index
        %swap3A_591 = tpu.vector_load %arg7[%swap3A_589, %swap3A_590] {strides = array<i32>} : memref<2x2048xf32, #tpu.memory_space<vmem>>, vector<16xf32>,
        tpu.vector_store %arg7[%swap3A_589, %swap3A_590], %gather3A_587 {strides = array<i32>} : memref<2x2048xf32, #tpu.memory_space<vmem>>, vector<16xf32>,
        %add3A_592 = arith.constant 96 : i32
        %add3A_593 = arith.addi %mul3A_528, %add3A_592 : i32
        %get3A_594 = arith.constant 1 : i32
        %get3A_595 = arith.index_cast %get3A_594 : i32 to index
        %get3A_596 = arith.index_cast %add3A_593 : i32 to index
        %get3A_597 = tpu.vector_load %arg6[%get3A_595, %get3A_596] {strides = array<i32>} : memref<2x2048xi32, #tpu.memory_space<vmem>>, vector<16xi32>,
        %gather3A_598 = tpu.vector_load_idx %arg5[%get3A_597] : memref<100000xf32, #tpu.memory_space<vmem>>[vector<16xi32>], vector<16xf32>,
        %swap3A_599 = arith.constant 1 : i32
        %swap3A_600 = arith.index_cast %swap3A_599 : i32 to index
        %swap3A_601 = arith.index_cast %add3A_593 : i32 to index
        %swap3A_602 = tpu.vector_load %arg7[%swap3A_600, %swap3A_601] {strides = array<i32>} : memref<2x2048xf32, #tpu.memory_space<vmem>>, vector<16xf32>,
        tpu.vector_store %arg7[%swap3A_600, %swap3A_601], %gather3A_598 {strides = array<i32>} : memref<2x2048xf32, #tpu.memory_space<vmem>>, vector<16xf32>,
        %add3A_603 = arith.constant 112 : i32
        %add3A_604 = arith.addi %mul3A_528, %add3A_603 : i32
        %get3A_605 = arith.constant 1 : i32
        %get3A_606 = arith.index_cast %get3A_605 : i32 to index
        %get3A_607 = arith.index_cast %add3A_604 : i32 to index
        %get3A_608 = tpu.vector_load %arg6[%get3A_606, %get3A_607] {strides = array<i32>} : memref<2x2048xi32, #tpu.memory_space<vmem>>, vector<16xi32>,
        %gather3A_609 = tpu.vector_load_idx %arg5[%get3A_608] : memref<100000xf32, #tpu.memory_space<vmem>>[vector<16xi32>], vector<16xf32>,
        %swap3A_610 = arith.constant 1 : i32
        %swap3A_611 = arith.index_cast %swap3A_610 : i32 to index
        %swap3A_612 = arith.index_cast %add3A_604 : i32 to index
        %swap3A_613 = tpu.vector_load %arg7[%swap3A_611, %swap3A_612] {strides = array<i32>} : memref<2x2048xf32, #tpu.memory_space<vmem>>, vector<16xf32>,
        tpu.vector_store %arg7[%swap3A_611, %swap3A_612], %gather3A_609 {strides = array<i32>} : memref<2x2048xf32, #tpu.memory_space<vmem>>, vector<16xf32>,
        %add3A_614 = arith.constant 128 : i32
        %add3A_615 = arith.addi %mul3A_528, %add3A_614 : i32
        %get3A_616 = arith.constant 1 : i32
        %get3A_617 = arith.index_cast %get3A_616 : i32 to index
        %get3A_618 = arith.index_cast %add3A_615 : i32 to index
        %get3A_619 = tpu.vector_load %arg6[%get3A_617, %get3A_618] {strides = array<i32>} : memref<2x2048xi32, #tpu.memory_space<vmem>>, vector<16xi32>,
        %gather3A_620 = tpu.vector_load_idx %arg5[%get3A_619] : memref<100000xf32, #tpu.memory_space<vmem>>[vector<16xi32>], vector<16xf32>,
        %swap3A_621 = arith.constant 1 : i32
        %swap3A_622 = arith.index_cast %swap3A_621 : i32 to index
        %swap3A_623 = arith.index_cast %add3A_615 : i32 to index
        %swap3A_624 = tpu.vector_load %arg7[%swap3A_622, %swap3A_623] {strides = array<i32>} : memref<2x2048xf32, #tpu.memory_space<vmem>>, vector<16xf32>,
        tpu.vector_store %arg7[%swap3A_622, %swap3A_623], %gather3A_620 {strides = array<i32>} : memref<2x2048xf32, #tpu.memory_space<vmem>>, vector<16xf32>,
        %add3A_625 = arith.constant 144 : i32
        %add3A_626 = arith.addi %mul3A_528, %add3A_625 : i32
        %get3A_627 = arith.constant 1 : i32
        %get3A_628 = arith.index_cast %get3A_627 : i32 to index
        %get3A_629 = arith.index_cast %add3A_626 : i32 to index
        %get3A_630 = tpu.vector_load %arg6[%get3A_628, %get3A_629] {strides = array<i32>} : memref<2x2048xi32, #tpu.memory_space<vmem>>, vector<16xi32>,
        %gather3A_631 = tpu.vector_load_idx %arg5[%get3A_630] : memref<100000xf32, #tpu.memory_space<vmem>>[vector<16xi32>], vector<16xf32>,
        %swap3A_632 = arith.constant 1 : i32
        %swap3A_633 = arith.index_cast %swap3A_632 : i32 to index
        %swap3A_634 = arith.index_cast %add3A_626 : i32 to index
        %swap3A_635 = tpu.vector_load %arg7[%swap3A_633, %swap3A_634] {strides = array<i32>} : memref<2x2048xf32, #tpu.memory_space<vmem>>, vector<16xf32>,
        tpu.vector_store %arg7[%swap3A_633, %swap3A_634], %gather3A_631 {strides = array<i32>} : memref<2x2048xf32, #tpu.memory_space<vmem>>, vector<16xf32>,
        %add3A_636 = arith.constant 160 : i32
        %add3A_637 = arith.addi %mul3A_528, %add3A_636 : i32
        %get3A_638 = arith.constant 1 : i32
        %get3A_639 = arith.index_cast %get3A_638 : i32 to index
        %get3A_640 = arith.index_cast %add3A_637 : i32 to index
        %get3A_641 = tpu.vector_load %arg6[%get3A_639, %get3A_640] {strides = array<i32>} : memref<2x2048xi32, #tpu.memory_space<vmem>>, vector<16xi32>,
        %gather3A_642 = tpu.vector_load_idx %arg5[%get3A_641] : memref<100000xf32, #tpu.memory_space<vmem>>[vector<16xi32>], vector<16xf32>,
        %swap3A_643 = arith.constant 1 : i32
        %swap3A_644 = arith.index_cast %swap3A_643 : i32 to index
        %swap3A_645 = arith.index_cast %add3A_637 : i32 to index
        %swap3A_646 = tpu.vector_load %arg7[%swap3A_644, %swap3A_645] {strides = array<i32>} : memref<2x2048xf32, #tpu.memory_space<vmem>>, vector<16xf32>,
        tpu.vector_store %arg7[%swap3A_644, %swap3A_645], %gather3A_642 {strides = array<i32>} : memref<2x2048xf32, #tpu.memory_space<vmem>>, vector<16xf32>,
        %add3A_647 = arith.constant 176 : i32
        %add3A_648 = arith.addi %mul3A_528, %add3A_647 : i32
        %get3A_649 = arith.constant 1 : i32
        %get3A_650 = arith.index_cast %get3A_649 : i32 to index
        %get3A_651 = arith.index_cast %add3A_648 : i32 to index
        %get3A_652 = tpu.vector_load %arg6[%get3A_650, %get3A_651] {strides = array<i32>} : memref<2x2048xi32, #tpu.memory_space<vmem>>, vector<16xi32>,
        %gather3A_653 = tpu.vector_load_idx %arg5[%get3A_652] : memref<100000xf32, #tpu.memory_space<vmem>>[vector<16xi32>], vector<16xf32>,
        %swap3A_654 = arith.constant 1 : i32
        %swap3A_655 = arith.index_cast %swap3A_654 : i32 to index
        %swap3A_656 = arith.index_cast %add3A_648 : i32 to index
        %swap3A_657 = tpu.vector_load %arg7[%swap3A_655, %swap3A_656] {strides = array<i32>} : memref<2x2048xf32, #tpu.memory_space<vmem>>, vector<16xf32>,
        tpu.vector_store %arg7[%swap3A_655, %swap3A_656], %gather3A_653 {strides = array<i32>} : memref<2x2048xf32, #tpu.memory_space<vmem>>, vector<16xf32>,
        %add3A_658 = arith.constant 192 : i32
        %add3A_659 = arith.addi %mul3A_528, %add3A_658 : i32
        %get3A_660 = arith.constant 1 : i32
        %get3A_661 = arith.index_cast %get3A_660 : i32 to index
        %get3A_662 = arith.index_cast %add3A_659 : i32 to index
        %get3A_663 = tpu.vector_load %arg6[%get3A_661, %get3A_662] {strides = array<i32>} : memref<2x2048xi32, #tpu.memory_space<vmem>>, vector<16xi32>,
        %gather3A_664 = tpu.vector_load_idx %arg5[%get3A_663] : memref<100000xf32, #tpu.memory_space<vmem>>[vector<16xi32>], vector<16xf32>,
        %swap3A_665 = arith.constant 1 : i32
        %swap3A_666 = arith.index_cast %swap3A_665 : i32 to index
        %swap3A_667 = arith.index_cast %add3A_659 : i32 to index
        %swap3A_668 = tpu.vector_load %arg7[%swap3A_666, %swap3A_667] {strides = array<i32>} : memref<2x2048xf32, #tpu.memory_space<vmem>>, vector<16xf32>,
        tpu.vector_store %arg7[%swap3A_666, %swap3A_667], %gather3A_664 {strides = array<i32>} : memref<2x2048xf32, #tpu.memory_space<vmem>>, vector<16xf32>,
        %add3A_669 = arith.constant 208 : i32
        %add3A_670 = arith.addi %mul3A_528, %add3A_669 : i32
        %get3A_671 = arith.constant 1 : i32
        %get3A_672 = arith.index_cast %get3A_671 : i32 to index
        %get3A_673 = arith.index_cast %add3A_670 : i32 to index
        %get3A_674 = tpu.vector_load %arg6[%get3A_672, %get3A_673] {strides = array<i32>} : memref<2x2048xi32, #tpu.memory_space<vmem>>, vector<16xi32>,
        %gather3A_675 = tpu.vector_load_idx %arg5[%get3A_674] : memref<100000xf32, #tpu.memory_space<vmem>>[vector<16xi32>], vector<16xf32>,
        %swap3A_676 = arith.constant 1 : i32
        %swap3A_677 = arith.index_cast %swap3A_676 : i32 to index
        %swap3A_678 = arith.index_cast %add3A_670 : i32 to index
        %swap3A_679 = tpu.vector_load %arg7[%swap3A_677, %swap3A_678] {strides = array<i32>} : memref<2x2048xf32, #tpu.memory_space<vmem>>, vector<16xf32>,
        tpu.vector_store %arg7[%swap3A_677, %swap3A_678], %gather3A_675 {strides = array<i32>} : memref<2x2048xf32, #tpu.memory_space<vmem>>, vector<16xf32>,
        %add3A_680 = arith.constant 224 : i32
        %add3A_681 = arith.addi %mul3A_528, %add3A_680 : i32
        %get3A_682 = arith.constant 1 : i32
        %get3A_683 = arith.index_cast %get3A_682 : i32 to index
        %get3A_684 = arith.index_cast %add3A_681 : i32 to index
        %get3A_685 = tpu.vector_load %arg6[%get3A_683, %get3A_684] {strides = array<i32>} : memref<2x2048xi32, #tpu.memory_space<vmem>>, vector<16xi32>,
        %gather3A_686 = tpu.vector_load_idx %arg5[%get3A_685] : memref<100000xf32, #tpu.memory_space<vmem>>[vector<16xi32>], vector<16xf32>,
        %swap3A_687 = arith.constant 1 : i32
        %swap3A_688 = arith.index_cast %swap3A_687 : i32 to index
        %swap3A_689 = arith.index_cast %add3A_681 : i32 to index
        %swap3A_690 = tpu.vector_load %arg7[%swap3A_688, %swap3A_689] {strides = array<i32>} : memref<2x2048xf32, #tpu.memory_space<vmem>>, vector<16xf32>,
        tpu.vector_store %arg7[%swap3A_688, %swap3A_689], %gather3A_686 {strides = array<i32>} : memref<2x2048xf32, #tpu.memory_space<vmem>>, vector<16xf32>,
        %add3A_691 = arith.constant 240 : i32
        %add3A_692 = arith.addi %mul3A_528, %add3A_691 : i32
        %get3A_693 = arith.constant 1 : i32
        %get3A_694 = arith.index_cast %get3A_693 : i32 to index
        %get3A_695 = arith.index_cast %add3A_692 : i32 to index
        %get3A_696 = tpu.vector_load %arg6[%get3A_694, %get3A_695] {strides = array<i32>} : memref<2x2048xi32, #tpu.memory_space<vmem>>, vector<16xi32>,
        %gather3A_697 = tpu.vector_load_idx %arg5[%get3A_696] : memref<100000xf32, #tpu.memory_space<vmem>>[vector<16xi32>], vector<16xf32>,
        %swap3A_698 = arith.constant 1 : i32
        %swap3A_699 = arith.index_cast %swap3A_698 : i32 to index
        %swap3A_700 = arith.index_cast %add3A_692 : i32 to index
        %swap3A_701 = tpu.vector_load %arg7[%swap3A_699, %swap3A_700] {strides = array<i32>} : memref<2x2048xf32, #tpu.memory_space<vmem>>, vector<16xf32>,
        tpu.vector_store %arg7[%swap3A_699, %swap3A_700], %gather3A_697 {strides = array<i32>} : memref<2x2048xf32, #tpu.memory_space<vmem>>, vector<16xf32>,
      }
      %scan3A_163 = arith.constant 8 : i32
      %dma_start3A_164 = arith.constant 1 : i32
      %dma_start3A_165 = arith.constant 0 : i32
      %dma_start3A_166 = tpu.memref_slice %arg7[%dma_start3A_164, %dma_start3A_165] : memref<2x2048xf32, #tpu.memory_space<vmem>> -> memref<1x2048xf32, #tpu.memory_space<vmem>>
      %dma_start3A_167 = tpu.memref_squeeze %dma_start3A_166 : memref<1x2048xf32, #tpu.memory_space<vmem>> -> memref<2048xf32, #tpu.memory_space<vmem>>
      %dma_start3A_168 = arith.constant 2048 : i32
      %dma_start3A_169 = tpu.memref_slice %arg4[%add3A_38, %dma_start3A_168] : memref<832x16384xf32, #tpu.memory_space<hbm>> -> memref<1x2048xf32, #tpu.memory_space<hbm>>
      %dma_start3A_170 = tpu.memref_squeeze %dma_start3A_169 : memref<1x2048xf32, #tpu.memory_space<hbm>> -> memref<2048xf32, #tpu.memory_space<hbm>>
      %dma_start3A_171 = arith.constant 2048 : i32
      %dma_start3A_172 = tpu.memref_slice %arg4[%add3A_38, %dma_start3A_171] : memref<832x16384xf32, #tpu.memory_space<hbm>> -> memref<1x2048xf32, #tpu.memory_space<hbm>>
      %dma_start3A_173 = tpu.memref_squeeze %dma_start3A_172 : memref<1x2048xf32, #tpu.memory_space<hbm>> -> memref<2048xf32, #tpu.memory_space<hbm>>
      %dma_start3A_174 = arith.constant 0 : i32
      %dma_start3A_175 = tpu.memref_slice %arg7[%dma_start3A_164, %dma_start3A_174] : memref<2x2048xf32, #tpu.memory_space<vmem>> -> memref<1x2048xf32, #tpu.memory_space<vmem>>
      %dma_start3A_176 = tpu.memref_squeeze %dma_start3A_175 : memref<1x2048xf32, #tpu.memory_space<vmem>> -> memref<2048xf32, #tpu.memory_space<vmem>>
      tpu.enqueue_dma source(%dma_start3A_176 : memref<2048xf32, #tpu.memory_space<vmem>>) target(%dma_start3A_173 : memref<2048xf32, #tpu.memory_space<hbm>>) target_semaphore(%arg11 : memref<!tpu.dma_semaphore, #tpu.memory_space<semaphore_mem>>)
      %dma_wait3A_177 = arith.constant 0 : i32
      %dma_wait3A_178 = arith.constant 0 : i32
      %dma_wait3A_179 = arith.constant 0 : i32
      %dma_wait3A_180 = tpu.memref_slice %arg6[%dma_wait3A_178, %dma_wait3A_179] : memref<2x2048xi32, #tpu.memory_space<vmem>> -> memref<1x2048xi32, #tpu.memory_space<vmem>>
      %dma_wait3A_181 = tpu.memref_squeeze %dma_wait3A_180 : memref<1x2048xi32, #tpu.memory_space<vmem>> -> memref<2048xi32, #tpu.memory_space<vmem>>
      %dma_wait3A_182 = arith.constant 0 : i32
      %dma_wait3A_183 = tpu.memref_slice %arg8[%dma_wait3A_177, %dma_wait3A_182] : memref<2x16384xi32, #tpu.memory_space<vmem_shared>> -> memref<1x2048xi32, #tpu.memory_space<vmem_shared>>
      %dma_wait3A_184 = tpu.memref_squeeze %dma_wait3A_183 : memref<1x2048xi32, #tpu.memory_space<vmem_shared>> -> memref<2048xi32, #tpu.memory_space<vmem_shared>>
      %dma_wait3A_185 = arith.constant 0 : i32
      %dma_wait3A_186 = tpu.memref_slice %arg6[%dma_wait3A_178, %dma_wait3A_185] : memref<2x2048xi32, #tpu.memory_space<vmem>> -> memref<1x2048xi32, #tpu.memory_space<vmem>>
      %dma_wait3A_187 = tpu.memref_squeeze %dma_wait3A_186 : memref<1x2048xi32, #tpu.memory_space<vmem>> -> memref<2048xi32, #tpu.memory_space<vmem>>
      %dma_wait3A_188 = arith.constant 0 : i32
      %dma_wait3A_189 = tpu.memref_slice %arg8[%dma_wait3A_177, %dma_wait3A_188] : memref<2x16384xi32, #tpu.memory_space<vmem_shared>> -> memref<1x2048xi32, #tpu.memory_space<vmem_shared>>
      %dma_wait3A_190 = tpu.memref_squeeze %dma_wait3A_189 : memref<1x2048xi32, #tpu.memory_space<vmem_shared>> -> memref<2048xi32, #tpu.memory_space<vmem_shared>>
      tpu.wait_dma2 semaphore(%arg10 : memref<!tpu.dma_semaphore, #tpu.memory_space<semaphore_mem>>) src(%dma_wait3A_190 : memref<2048xi32, #tpu.memory_space<vmem_shared>>) dst(%dma_wait3A_187 : memref<2048xi32, #tpu.memory_space<vmem>>)
      %dma_wait3A_191 = arith.constant 0 : i32
      %dma_wait3A_192 = arith.constant 0 : i32
      %dma_wait3A_193 = arith.constant 0 : i32
      %dma_wait3A_194 = tpu.memref_slice %arg7[%dma_wait3A_192, %dma_wait3A_193] : memref<2x2048xf32, #tpu.memory_space<vmem>> -> memref<1x2048xf32, #tpu.memory_space<vmem>>
      %dma_wait3A_195 = tpu.memref_squeeze %dma_wait3A_194 : memref<1x2048xf32, #tpu.memory_space<vmem>> -> memref<2048xf32, #tpu.memory_space<vmem>>
      %dma_wait3A_196 = arith.constant 0 : i32
      %dma_wait3A_197 = tpu.memref_slice %arg4[%dma_wait3A_191, %dma_wait3A_196] : memref<832x16384xf32, #tpu.memory_space<hbm>> -> memref<1x2048xf32, #tpu.memory_space<hbm>>
      %dma_wait3A_198 = tpu.memref_squeeze %dma_wait3A_197 : memref<1x2048xf32, #tpu.memory_space<hbm>> -> memref<2048xf32, #tpu.memory_space<hbm>>
      %dma_wait3A_199 = arith.constant 0 : i32
      %dma_wait3A_200 = tpu.memref_slice %arg7[%dma_wait3A_192, %dma_wait3A_199] : memref<2x2048xf32, #tpu.memory_space<vmem>> -> memref<1x2048xf32, #tpu.memory_space<vmem>>
      %dma_wait3A_201 = tpu.memref_squeeze %dma_wait3A_200 : memref<1x2048xf32, #tpu.memory_space<vmem>> -> memref<2048xf32, #tpu.memory_space<vmem>>
      %dma_wait3A_202 = arith.constant 0 : i32
      %dma_wait3A_203 = tpu.memref_slice %arg4[%dma_wait3A_191, %dma_wait3A_202] : memref<832x16384xf32, #tpu.memory_space<hbm>> -> memref<1x2048xf32, #tpu.memory_space<hbm>>
      %dma_wait3A_204 = tpu.memref_squeeze %dma_wait3A_203 : memref<1x2048xf32, #tpu.memory_space<hbm>> -> memref<2048xf32, #tpu.memory_space<hbm>>
      tpu.wait_dma2 semaphore(%arg11 : memref<!tpu.dma_semaphore, #tpu.memory_space<semaphore_mem>>) src(%dma_wait3A_204 : memref<2048xf32, #tpu.memory_space<hbm>>) dst(%dma_wait3A_201 : memref<2048xf32, #tpu.memory_space<vmem>>)
      %dma_start3A_205 = arith.constant 1 : i32
      %dma_start3A_206 = arith.constant 0 : i32
      %dma_start3A_207 = tpu.memref_slice %arg6[%dma_start3A_205, %dma_start3A_206] : memref<2x2048xi32, #tpu.memory_space<vmem>> -> memref<1x2048xi32, #tpu.memory_space<vmem>>
      %dma_start3A_208 = tpu.memref_squeeze %dma_start3A_207 : memref<1x2048xi32, #tpu.memory_space<vmem>> -> memref<2048xi32, #tpu.memory_space<vmem>>
      %dma_start3A_209 = arith.constant 6144 : i32
      %dma_start3A_210 = tpu.memref_slice %arg8[%and3A_44, %dma_start3A_209] : memref<2x16384xi32, #tpu.memory_space<vmem_shared>> -> memref<1x2048xi32, #tpu.memory_space<vmem_shared>>
      %dma_start3A_211 = tpu.memref_squeeze %dma_start3A_210 : memref<1x2048xi32, #tpu.memory_space<vmem_shared>> -> memref<2048xi32, #tpu.memory_space<vmem_shared>>
      %dma_start3A_212 = arith.constant 0 : i32
      %dma_start3A_213 = tpu.memref_slice %arg6[%dma_start3A_205, %dma_start3A_212] : memref<2x2048xi32, #tpu.memory_space<vmem>> -> memref<1x2048xi32, #tpu.memory_space<vmem>>
      %dma_start3A_214 = tpu.memref_squeeze %dma_start3A_213 : memref<1x2048xi32, #tpu.memory_space<vmem>> -> memref<2048xi32, #tpu.memory_space<vmem>>
      %dma_start3A_215 = arith.constant 6144 : i32
      %dma_start3A_216 = tpu.memref_slice %arg8[%and3A_44, %dma_start3A_215] : memref<2x16384xi32, #tpu.memory_space<vmem_shared>> -> memref<1x2048xi32, #tpu.memory_space<vmem_shared>>
      %dma_start3A_217 = tpu.memref_squeeze %dma_start3A_216 : memref<1x2048xi32, #tpu.memory_space<vmem_shared>> -> memref<2048xi32, #tpu.memory_space<vmem_shared>>
      tpu.enqueue_dma source(%dma_start3A_217 : memref<2048xi32, #tpu.memory_space<vmem_shared>>) target(%dma_start3A_214 : memref<2048xi32, #tpu.memory_space<vmem>>) target_semaphore(%arg10 : memref<!tpu.dma_semaphore, #tpu.memory_space<semaphore_mem>>)
      %scan3A_218 = arith.constant 0 : i32
      %scan3A_219 = arith.constant 0 : i32
      %scan3A_220 = arith.constant 8 : i32
      %scan3A_221 = arith.addi %scan3A_219, %scan3A_220 : i32
      %scan3A_222 = arith.constant 1 : i32
      scf.for %scan3A_524 = %scan3A_219 to %scan3A_221 step %scan3A_222  : i32 {
        %mul3A_525 = arith.constant 16 : i32
        %mul3A_526 = arith.muli %scan3A_524, %mul3A_525 : i32
        %mul3A_527 = arith.constant 16 : i32
        %mul3A_528 = arith.muli %mul3A_526, %mul3A_527 : i32
        %add3A_529 = arith.constant 0 : i32
        %add3A_530 = arith.addi %mul3A_528, %add3A_529 : i32
        %get3A = arith.constant 0 : i32
        %get3A_531 = arith.index_cast %get3A : i32 to index
        %get3A_532 = arith.index_cast %add3A_530 : i32 to index
        %get3A_533 = tpu.vector_load %arg6[%get3A_531, %get3A_532] {strides = array<i32>} : memref<2x2048xi32, #tpu.memory_space<vmem>>, vector<16xi32>,
        %gather3A = tpu.vector_load_idx %arg5[%get3A_533] : memref<100000xf32, #tpu.memory_space<vmem>>[vector<16xi32>], vector<16xf32>,
        %swap3A = arith.constant 0 : i32
        %swap3A_534 = arith.index_cast %swap3A : i32 to index
        %swap3A_535 = arith.index_cast %add3A_530 : i32 to index
        %swap3A_536 = tpu.vector_load %arg7[%swap3A_534, %swap3A_535] {strides = array<i32>} : memref<2x2048xf32, #tpu.memory_space<vmem>>, vector<16xf32>,
        tpu.vector_store %arg7[%swap3A_534, %swap3A_535], %gather3A {strides = array<i32>} : memref<2x2048xf32, #tpu.memory_space<vmem>>, vector<16xf32>,
        %add3A_537 = arith.constant 16 : i32
        %add3A_538 = arith.addi %mul3A_528, %add3A_537 : i32
        %get3A_539 = arith.constant 0 : i32
        %get3A_540 = arith.index_cast %get3A_539 : i32 to index
        %get3A_541 = arith.index_cast %add3A_538 : i32 to index
        %get3A_542 = tpu.vector_load %arg6[%get3A_540, %get3A_541] {strides = array<i32>} : memref<2x2048xi32, #tpu.memory_space<vmem>>, vector<16xi32>,
        %gather3A_543 = tpu.vector_load_idx %arg5[%get3A_542] : memref<100000xf32, #tpu.memory_space<vmem>>[vector<16xi32>], vector<16xf32>,
        %swap3A_544 = arith.constant 0 : i32
        %swap3A_545 = arith.index_cast %swap3A_544 : i32 to index
        %swap3A_546 = arith.index_cast %add3A_538 : i32 to index
        %swap3A_547 = tpu.vector_load %arg7[%swap3A_545, %swap3A_546] {strides = array<i32>} : memref<2x2048xf32, #tpu.memory_space<vmem>>, vector<16xf32>,
        tpu.vector_store %arg7[%swap3A_545, %swap3A_546], %gather3A_543 {strides = array<i32>} : memref<2x2048xf32, #tpu.memory_space<vmem>>, vector<16xf32>,
        %add3A_548 = arith.constant 32 : i32
        %add3A_549 = arith.addi %mul3A_528, %add3A_548 : i32
        %get3A_550 = arith.constant 0 : i32
        %get3A_551 = arith.index_cast %get3A_550 : i32 to index
        %get3A_552 = arith.index_cast %add3A_549 : i32 to index
        %get3A_553 = tpu.vector_load %arg6[%get3A_551, %get3A_552] {strides = array<i32>} : memref<2x2048xi32, #tpu.memory_space<vmem>>, vector<16xi32>,
        %gather3A_554 = tpu.vector_load_idx %arg5[%get3A_553] : memref<100000xf32, #tpu.memory_space<vmem>>[vector<16xi32>], vector<16xf32>,
        %swap3A_555 = arith.constant 0 : i32
        %swap3A_556 = arith.index_cast %swap3A_555 : i32 to index
        %swap3A_557 = arith.index_cast %add3A_549 : i32 to index
        %swap3A_558 = tpu.vector_load %arg7[%swap3A_556, %swap3A_557] {strides = array<i32>} : memref<2x2048xf32, #tpu.memory_space<vmem>>, vector<16xf32>,
        tpu.vector_store %arg7[%swap3A_556, %swap3A_557], %gather3A_554 {strides = array<i32>} : memref<2x2048xf32, #tpu.memory_space<vmem>>, vector<16xf32>,
        %add3A_559 = arith.constant 48 : i32
        %add3A_560 = arith.addi %mul3A_528, %add3A_559 : i32
        %get3A_561 = arith.constant 0 : i32
        %get3A_562 = arith.index_cast %get3A_561 : i32 to index
        %get3A_563 = arith.index_cast %add3A_560 : i32 to index
        %get3A_564 = tpu.vector_load %arg6[%get3A_562, %get3A_563] {strides = array<i32>} : memref<2x2048xi32, #tpu.memory_space<vmem>>, vector<16xi32>,
        %gather3A_565 = tpu.vector_load_idx %arg5[%get3A_564] : memref<100000xf32, #tpu.memory_space<vmem>>[vector<16xi32>], vector<16xf32>,
        %swap3A_566 = arith.constant 0 : i32
        %swap3A_567 = arith.index_cast %swap3A_566 : i32 to index
        %swap3A_568 = arith.index_cast %add3A_560 : i32 to index
        %swap3A_569 = tpu.vector_load %arg7[%swap3A_567, %swap3A_568] {strides = array<i32>} : memref<2x2048xf32, #tpu.memory_space<vmem>>, vector<16xf32>,
        tpu.vector_store %arg7[%swap3A_567, %swap3A_568], %gather3A_565 {strides = array<i32>} : memref<2x2048xf32, #tpu.memory_space<vmem>>, vector<16xf32>,
        %add3A_570 = arith.constant 64 : i32
        %add3A_571 = arith.addi %mul3A_528, %add3A_570 : i32
        %get3A_572 = arith.constant 0 : i32
        %get3A_573 = arith.index_cast %get3A_572 : i32 to index
        %get3A_574 = arith.index_cast %add3A_571 : i32 to index
        %get3A_575 = tpu.vector_load %arg6[%get3A_573, %get3A_574] {strides = array<i32>} : memref<2x2048xi32, #tpu.memory_space<vmem>>, vector<16xi32>,
        %gather3A_576 = tpu.vector_load_idx %arg5[%get3A_575] : memref<100000xf32, #tpu.memory_space<vmem>>[vector<16xi32>], vector<16xf32>,
        %swap3A_577 = arith.constant 0 : i32
        %swap3A_578 = arith.index_cast %swap3A_577 : i32 to index
        %swap3A_579 = arith.index_cast %add3A_571 : i32 to index
        %swap3A_580 = tpu.vector_load %arg7[%swap3A_578, %swap3A_579] {strides = array<i32>} : memref<2x2048xf32, #tpu.memory_space<vmem>>, vector<16xf32>,
        tpu.vector_store %arg7[%swap3A_578, %swap3A_579], %gather3A_576 {strides = array<i32>} : memref<2x2048xf32, #tpu.memory_space<vmem>>, vector<16xf32>,
        %add3A_581 = arith.constant 80 : i32
        %add3A_582 = arith.addi %mul3A_528, %add3A_581 : i32
        %get3A_583 = arith.constant 0 : i32
        %get3A_584 = arith.index_cast %get3A_583 : i32 to index
        %get3A_585 = arith.index_cast %add3A_582 : i32 to index
        %get3A_586 = tpu.vector_load %arg6[%get3A_584, %get3A_585] {strides = array<i32>} : memref<2x2048xi32, #tpu.memory_space<vmem>>, vector<16xi32>,
        %gather3A_587 = tpu.vector_load_idx %arg5[%get3A_586] : memref<100000xf32, #tpu.memory_space<vmem>>[vector<16xi32>], vector<16xf32>,
        %swap3A_588 = arith.constant 0 : i32
        %swap3A_589 = arith.index_cast %swap3A_588 : i32 to index
        %swap3A_590 = arith.index_cast %add3A_582 : i32 to index
        %swap3A_591 = tpu.vector_load %arg7[%swap3A_589, %swap3A_590] {strides = array<i32>} : memref<2x2048xf32, #tpu.memory_space<vmem>>, vector<16xf32>,
        tpu.vector_store %arg7[%swap3A_589, %swap3A_590], %gather3A_587 {strides = array<i32>} : memref<2x2048xf32, #tpu.memory_space<vmem>>, vector<16xf32>,
        %add3A_592 = arith.constant 96 : i32
        %add3A_593 = arith.addi %mul3A_528, %add3A_592 : i32
        %get3A_594 = arith.constant 0 : i32
        %get3A_595 = arith.index_cast %get3A_594 : i32 to index
        %get3A_596 = arith.index_cast %add3A_593 : i32 to index
        %get3A_597 = tpu.vector_load %arg6[%get3A_595, %get3A_596] {strides = array<i32>} : memref<2x2048xi32, #tpu.memory_space<vmem>>, vector<16xi32>,
        %gather3A_598 = tpu.vector_load_idx %arg5[%get3A_597] : memref<100000xf32, #tpu.memory_space<vmem>>[vector<16xi32>], vector<16xf32>,
        %swap3A_599 = arith.constant 0 : i32
        %swap3A_600 = arith.index_cast %swap3A_599 : i32 to index
        %swap3A_601 = arith.index_cast %add3A_593 : i32 to index
        %swap3A_602 = tpu.vector_load %arg7[%swap3A_600, %swap3A_601] {strides = array<i32>} : memref<2x2048xf32, #tpu.memory_space<vmem>>, vector<16xf32>,
        tpu.vector_store %arg7[%swap3A_600, %swap3A_601], %gather3A_598 {strides = array<i32>} : memref<2x2048xf32, #tpu.memory_space<vmem>>, vector<16xf32>,
        %add3A_603 = arith.constant 112 : i32
        %add3A_604 = arith.addi %mul3A_528, %add3A_603 : i32
        %get3A_605 = arith.constant 0 : i32
        %get3A_606 = arith.index_cast %get3A_605 : i32 to index
        %get3A_607 = arith.index_cast %add3A_604 : i32 to index
        %get3A_608 = tpu.vector_load %arg6[%get3A_606, %get3A_607] {strides = array<i32>} : memref<2x2048xi32, #tpu.memory_space<vmem>>, vector<16xi32>,
        %gather3A_609 = tpu.vector_load_idx %arg5[%get3A_608] : memref<100000xf32, #tpu.memory_space<vmem>>[vector<16xi32>], vector<16xf32>,
        %swap3A_610 = arith.constant 0 : i32
        %swap3A_611 = arith.index_cast %swap3A_610 : i32 to index
        %swap3A_612 = arith.index_cast %add3A_604 : i32 to index
        %swap3A_613 = tpu.vector_load %arg7[%swap3A_611, %swap3A_612] {strides = array<i32>} : memref<2x2048xf32, #tpu.memory_space<vmem>>, vector<16xf32>,
        tpu.vector_store %arg7[%swap3A_611, %swap3A_612], %gather3A_609 {strides = array<i32>} : memref<2x2048xf32, #tpu.memory_space<vmem>>, vector<16xf32>,
        %add3A_614 = arith.constant 128 : i32
        %add3A_615 = arith.addi %mul3A_528, %add3A_614 : i32
        %get3A_616 = arith.constant 0 : i32
        %get3A_617 = arith.index_cast %get3A_616 : i32 to index
        %get3A_618 = arith.index_cast %add3A_615 : i32 to index
        %get3A_619 = tpu.vector_load %arg6[%get3A_617, %get3A_618] {strides = array<i32>} : memref<2x2048xi32, #tpu.memory_space<vmem>>, vector<16xi32>,
        %gather3A_620 = tpu.vector_load_idx %arg5[%get3A_619] : memref<100000xf32, #tpu.memory_space<vmem>>[vector<16xi32>], vector<16xf32>,
        %swap3A_621 = arith.constant 0 : i32
        %swap3A_622 = arith.index_cast %swap3A_621 : i32 to index
        %swap3A_623 = arith.index_cast %add3A_615 : i32 to index
        %swap3A_624 = tpu.vector_load %arg7[%swap3A_622, %swap3A_623] {strides = array<i32>} : memref<2x2048xf32, #tpu.memory_space<vmem>>, vector<16xf32>,
        tpu.vector_store %arg7[%swap3A_622, %swap3A_623], %gather3A_620 {strides = array<i32>} : memref<2x2048xf32, #tpu.memory_space<vmem>>, vector<16xf32>,
        %add3A_625 = arith.constant 144 : i32
        %add3A_626 = arith.addi %mul3A_528, %add3A_625 : i32
        %get3A_627 = arith.constant 0 : i32
        %get3A_628 = arith.index_cast %get3A_627 : i32 to index
        %get3A_629 = arith.index_cast %add3A_626 : i32 to index
        %get3A_630 = tpu.vector_load %arg6[%get3A_628, %get3A_629] {strides = array<i32>} : memref<2x2048xi32, #tpu.memory_space<vmem>>, vector<16xi32>,
        %gather3A_631 = tpu.vector_load_idx %arg5[%get3A_630] : memref<100000xf32, #tpu.memory_space<vmem>>[vector<16xi32>], vector<16xf32>,
        %swap3A_632 = arith.constant 0 : i32
        %swap3A_633 = arith.index_cast %swap3A_632 : i32 to index
        %swap3A_634 = arith.index_cast %add3A_626 : i32 to index
        %swap3A_635 = tpu.vector_load %arg7[%swap3A_633, %swap3A_634] {strides = array<i32>} : memref<2x2048xf32, #tpu.memory_space<vmem>>, vector<16xf32>,
        tpu.vector_store %arg7[%swap3A_633, %swap3A_634], %gather3A_631 {strides = array<i32>} : memref<2x2048xf32, #tpu.memory_space<vmem>>, vector<16xf32>,
        %add3A_636 = arith.constant 160 : i32
        %add3A_637 = arith.addi %mul3A_528, %add3A_636 : i32
        %get3A_638 = arith.constant 0 : i32
        %get3A_639 = arith.index_cast %get3A_638 : i32 to index
        %get3A_640 = arith.index_cast %add3A_637 : i32 to index
        %get3A_641 = tpu.vector_load %arg6[%get3A_639, %get3A_640] {strides = array<i32>} : memref<2x2048xi32, #tpu.memory_space<vmem>>, vector<16xi32>,
        %gather3A_642 = tpu.vector_load_idx %arg5[%get3A_641] : memref<100000xf32, #tpu.memory_space<vmem>>[vector<16xi32>], vector<16xf32>,
        %swap3A_643 = arith.constant 0 : i32
        %swap3A_644 = arith.index_cast %swap3A_643 : i32 to index
        %swap3A_645 = arith.index_cast %add3A_637 : i32 to index
        %swap3A_646 = tpu.vector_load %arg7[%swap3A_644, %swap3A_645] {strides = array<i32>} : memref<2x2048xf32, #tpu.memory_space<vmem>>, vector<16xf32>,
        tpu.vector_store %arg7[%swap3A_644, %swap3A_645], %gather3A_642 {strides = array<i32>} : memref<2x2048xf32, #tpu.memory_space<vmem>>, vector<16xf32>,
        %add3A_647 = arith.constant 176 : i32
        %add3A_648 = arith.addi %mul3A_528, %add3A_647 : i32
        %get3A_649 = arith.constant 0 : i32
        %get3A_650 = arith.index_cast %get3A_649 : i32 to index
        %get3A_651 = arith.index_cast %add3A_648 : i32 to index
        %get3A_652 = tpu.vector_load %arg6[%get3A_650, %get3A_651] {strides = array<i32>} : memref<2x2048xi32, #tpu.memory_space<vmem>>, vector<16xi32>,
        %gather3A_653 = tpu.vector_load_idx %arg5[%get3A_652] : memref<100000xf32, #tpu.memory_space<vmem>>[vector<16xi32>], vector<16xf32>,
        %swap3A_654 = arith.constant 0 : i32
        %swap3A_655 = arith.index_cast %swap3A_654 : i32 to index
        %swap3A_656 = arith.index_cast %add3A_648 : i32 to index
        %swap3A_657 = tpu.vector_load %arg7[%swap3A_655, %swap3A_656] {strides = array<i32>} : memref<2x2048xf32, #tpu.memory_space<vmem>>, vector<16xf32>,
        tpu.vector_store %arg7[%swap3A_655, %swap3A_656], %gather3A_653 {strides = array<i32>} : memref<2x2048xf32, #tpu.memory_space<vmem>>, vector<16xf32>,
        %add3A_658 = arith.constant 192 : i32
        %add3A_659 = arith.addi %mul3A_528, %add3A_658 : i32
        %get3A_660 = arith.constant 0 : i32
        %get3A_661 = arith.index_cast %get3A_660 : i32 to index
        %get3A_662 = arith.index_cast %add3A_659 : i32 to index
        %get3A_663 = tpu.vector_load %arg6[%get3A_661, %get3A_662] {strides = array<i32>} : memref<2x2048xi32, #tpu.memory_space<vmem>>, vector<16xi32>,
        %gather3A_664 = tpu.vector_load_idx %arg5[%get3A_663] : memref<100000xf32, #tpu.memory_space<vmem>>[vector<16xi32>], vector<16xf32>,
        %swap3A_665 = arith.constant 0 : i32
        %swap3A_666 = arith.index_cast %swap3A_665 : i32 to index
        %swap3A_667 = arith.index_cast %add3A_659 : i32 to index
        %swap3A_668 = tpu.vector_load %arg7[%swap3A_666, %swap3A_667] {strides = array<i32>} : memref<2x2048xf32, #tpu.memory_space<vmem>>, vector<16xf32>,
        tpu.vector_store %arg7[%swap3A_666, %swap3A_667], %gather3A_664 {strides = array<i32>} : memref<2x2048xf32, #tpu.memory_space<vmem>>, vector<16xf32>,
        %add3A_669 = arith.constant 208 : i32
        %add3A_670 = arith.addi %mul3A_528, %add3A_669 : i32
        %get3A_671 = arith.constant 0 : i32
        %get3A_672 = arith.index_cast %get3A_671 : i32 to index
        %get3A_673 = arith.index_cast %add3A_670 : i32 to index
        %get3A_674 = tpu.vector_load %arg6[%get3A_672, %get3A_673] {strides = array<i32>} : memref<2x2048xi32, #tpu.memory_space<vmem>>, vector<16xi32>,
        %gather3A_675 = tpu.vector_load_idx %arg5[%get3A_674] : memref<100000xf32, #tpu.memory_space<vmem>>[vector<16xi32>], vector<16xf32>,
        %swap3A_676 = arith.constant 0 : i32
        %swap3A_677 = arith.index_cast %swap3A_676 : i32 to index
        %swap3A_678 = arith.index_cast %add3A_670 : i32 to index
        %swap3A_679 = tpu.vector_load %arg7[%swap3A_677, %swap3A_678] {strides = array<i32>} : memref<2x2048xf32, #tpu.memory_space<vmem>>, vector<16xf32>,
        tpu.vector_store %arg7[%swap3A_677, %swap3A_678], %gather3A_675 {strides = array<i32>} : memref<2x2048xf32, #tpu.memory_space<vmem>>, vector<16xf32>,
        %add3A_680 = arith.constant 224 : i32
        %add3A_681 = arith.addi %mul3A_528, %add3A_680 : i32
        %get3A_682 = arith.constant 0 : i32
        %get3A_683 = arith.index_cast %get3A_682 : i32 to index
        %get3A_684 = arith.index_cast %add3A_681 : i32 to index
        %get3A_685 = tpu.vector_load %arg6[%get3A_683, %get3A_684] {strides = array<i32>} : memref<2x2048xi32, #tpu.memory_space<vmem>>, vector<16xi32>,
        %gather3A_686 = tpu.vector_load_idx %arg5[%get3A_685] : memref<100000xf32, #tpu.memory_space<vmem>>[vector<16xi32>], vector<16xf32>,
        %swap3A_687 = arith.constant 0 : i32
        %swap3A_688 = arith.index_cast %swap3A_687 : i32 to index
        %swap3A_689 = arith.index_cast %add3A_681 : i32 to index
        %swap3A_690 = tpu.vector_load %arg7[%swap3A_688, %swap3A_689] {strides = array<i32>} : memref<2x2048xf32, #tpu.memory_space<vmem>>, vector<16xf32>,
        tpu.vector_store %arg7[%swap3A_688, %swap3A_689], %gather3A_686 {strides = array<i32>} : memref<2x2048xf32, #tpu.memory_space<vmem>>, vector<16xf32>,
        %add3A_691 = arith.constant 240 : i32
        %add3A_692 = arith.addi %mul3A_528, %add3A_691 : i32
        %get3A_693 = arith.constant 0 : i32
        %get3A_694 = arith.index_cast %get3A_693 : i32 to index
        %get3A_695 = arith.index_cast %add3A_692 : i32 to index
        %get3A_696 = tpu.vector_load %arg6[%get3A_694, %get3A_695] {strides = array<i32>} : memref<2x2048xi32, #tpu.memory_space<vmem>>, vector<16xi32>,
        %gather3A_697 = tpu.vector_load_idx %arg5[%get3A_696] : memref<100000xf32, #tpu.memory_space<vmem>>[vector<16xi32>], vector<16xf32>,
        %swap3A_698 = arith.constant 0 : i32
        %swap3A_699 = arith.index_cast %swap3A_698 : i32 to index
        %swap3A_700 = arith.index_cast %add3A_692 : i32 to index
        %swap3A_701 = tpu.vector_load %arg7[%swap3A_699, %swap3A_700] {strides = array<i32>} : memref<2x2048xf32, #tpu.memory_space<vmem>>, vector<16xf32>,
        tpu.vector_store %arg7[%swap3A_699, %swap3A_700], %gather3A_697 {strides = array<i32>} : memref<2x2048xf32, #tpu.memory_space<vmem>>, vector<16xf32>,
      }
      %scan3A_223 = arith.constant 8 : i32
      %dma_start3A_224 = arith.constant 0 : i32
      %dma_start3A_225 = arith.constant 0 : i32
      %dma_start3A_226 = tpu.memref_slice %arg7[%dma_start3A_224, %dma_start3A_225] : memref<2x2048xf32, #tpu.memory_space<vmem>> -> memref<1x2048xf32, #tpu.memory_space<vmem>>
      %dma_start3A_227 = tpu.memref_squeeze %dma_start3A_226 : memref<1x2048xf32, #tpu.memory_space<vmem>> -> memref<2048xf32, #tpu.memory_space<vmem>>
      %dma_start3A_228 = arith.constant 4096 : i32
      %dma_start3A_229 = tpu.memref_slice %arg4[%add3A_38, %dma_start3A_228] : memref<832x16384xf32, #tpu.memory_space<hbm>> -> memref<1x2048xf32, #tpu.memory_space<hbm>>
      %dma_start3A_230 = tpu.memref_squeeze %dma_start3A_229 : memref<1x2048xf32, #tpu.memory_space<hbm>> -> memref<2048xf32, #tpu.memory_space<hbm>>
      %dma_start3A_231 = arith.constant 4096 : i32
      %dma_start3A_232 = tpu.memref_slice %arg4[%add3A_38, %dma_start3A_231] : memref<832x16384xf32, #tpu.memory_space<hbm>> -> memref<1x2048xf32, #tpu.memory_space<hbm>>
      %dma_start3A_233 = tpu.memref_squeeze %dma_start3A_232 : memref<1x2048xf32, #tpu.memory_space<hbm>> -> memref<2048xf32, #tpu.memory_space<hbm>>
      %dma_start3A_234 = arith.constant 0 : i32
      %dma_start3A_235 = tpu.memref_slice %arg7[%dma_start3A_224, %dma_start3A_234] : memref<2x2048xf32, #tpu.memory_space<vmem>> -> memref<1x2048xf32, #tpu.memory_space<vmem>>
      %dma_start3A_236 = tpu.memref_squeeze %dma_start3A_235 : memref<1x2048xf32, #tpu.memory_space<vmem>> -> memref<2048xf32, #tpu.memory_space<vmem>>
      tpu.enqueue_dma source(%dma_start3A_236 : memref<2048xf32, #tpu.memory_space<vmem>>) target(%dma_start3A_233 : memref<2048xf32, #tpu.memory_space<hbm>>) target_semaphore(%arg11 : memref<!tpu.dma_semaphore, #tpu.memory_space<semaphore_mem>>)
      %dma_wait3A_237 = arith.constant 0 : i32
      %dma_wait3A_238 = arith.constant 1 : i32
      %dma_wait3A_239 = arith.constant 0 : i32
      %dma_wait3A_240 = tpu.memref_slice %arg6[%dma_wait3A_238, %dma_wait3A_239] : memref<2x2048xi32, #tpu.memory_space<vmem>> -> memref<1x2048xi32, #tpu.memory_space<vmem>>
      %dma_wait3A_241 = tpu.memref_squeeze %dma_wait3A_240 : memref<1x2048xi32, #tpu.memory_space<vmem>> -> memref<2048xi32, #tpu.memory_space<vmem>>
      %dma_wait3A_242 = arith.constant 0 : i32
      %dma_wait3A_243 = tpu.memref_slice %arg8[%dma_wait3A_237, %dma_wait3A_242] : memref<2x16384xi32, #tpu.memory_space<vmem_shared>> -> memref<1x2048xi32, #tpu.memory_space<vmem_shared>>
      %dma_wait3A_244 = tpu.memref_squeeze %dma_wait3A_243 : memref<1x2048xi32, #tpu.memory_space<vmem_shared>> -> memref<2048xi32, #tpu.memory_space<vmem_shared>>
      %dma_wait3A_245 = arith.constant 0 : i32
      %dma_wait3A_246 = tpu.memref_slice %arg6[%dma_wait3A_238, %dma_wait3A_245] : memref<2x2048xi32, #tpu.memory_space<vmem>> -> memref<1x2048xi32, #tpu.memory_space<vmem>>
      %dma_wait3A_247 = tpu.memref_squeeze %dma_wait3A_246 : memref<1x2048xi32, #tpu.memory_space<vmem>> -> memref<2048xi32, #tpu.memory_space<vmem>>
      %dma_wait3A_248 = arith.constant 0 : i32
      %dma_wait3A_249 = tpu.memref_slice %arg8[%dma_wait3A_237, %dma_wait3A_248] : memref<2x16384xi32, #tpu.memory_space<vmem_shared>> -> memref<1x2048xi32, #tpu.memory_space<vmem_shared>>
      %dma_wait3A_250 = tpu.memref_squeeze %dma_wait3A_249 : memref<1x2048xi32, #tpu.memory_space<vmem_shared>> -> memref<2048xi32, #tpu.memory_space<vmem_shared>>
      tpu.wait_dma2 semaphore(%arg10 : memref<!tpu.dma_semaphore, #tpu.memory_space<semaphore_mem>>) src(%dma_wait3A_250 : memref<2048xi32, #tpu.memory_space<vmem_shared>>) dst(%dma_wait3A_247 : memref<2048xi32, #tpu.memory_space<vmem>>)
      %dma_wait3A_251 = arith.constant 0 : i32
      %dma_wait3A_252 = arith.constant 1 : i32
      %dma_wait3A_253 = arith.constant 0 : i32
      %dma_wait3A_254 = tpu.memref_slice %arg7[%dma_wait3A_252, %dma_wait3A_253] : memref<2x2048xf32, #tpu.memory_space<vmem>> -> memref<1x2048xf32, #tpu.memory_space<vmem>>
      %dma_wait3A_255 = tpu.memref_squeeze %dma_wait3A_254 : memref<1x2048xf32, #tpu.memory_space<vmem>> -> memref<2048xf32, #tpu.memory_space<vmem>>
      %dma_wait3A_256 = arith.constant 0 : i32
      %dma_wait3A_257 = tpu.memref_slice %arg4[%dma_wait3A_251, %dma_wait3A_256] : memref<832x16384xf32, #tpu.memory_space<hbm>> -> memref<1x2048xf32, #tpu.memory_space<hbm>>
      %dma_wait3A_258 = tpu.memref_squeeze %dma_wait3A_257 : memref<1x2048xf32, #tpu.memory_space<hbm>> -> memref<2048xf32, #tpu.memory_space<hbm>>
      %dma_wait3A_259 = arith.constant 0 : i32
      %dma_wait3A_260 = tpu.memref_slice %arg7[%dma_wait3A_252, %dma_wait3A_259] : memref<2x2048xf32, #tpu.memory_space<vmem>> -> memref<1x2048xf32, #tpu.memory_space<vmem>>
      %dma_wait3A_261 = tpu.memref_squeeze %dma_wait3A_260 : memref<1x2048xf32, #tpu.memory_space<vmem>> -> memref<2048xf32, #tpu.memory_space<vmem>>
      %dma_wait3A_262 = arith.constant 0 : i32
      %dma_wait3A_263 = tpu.memref_slice %arg4[%dma_wait3A_251, %dma_wait3A_262] : memref<832x16384xf32, #tpu.memory_space<hbm>> -> memref<1x2048xf32, #tpu.memory_space<hbm>>
      %dma_wait3A_264 = tpu.memref_squeeze %dma_wait3A_263 : memref<1x2048xf32, #tpu.memory_space<hbm>> -> memref<2048xf32, #tpu.memory_space<hbm>>
      tpu.wait_dma2 semaphore(%arg11 : memref<!tpu.dma_semaphore, #tpu.memory_space<semaphore_mem>>) src(%dma_wait3A_264 : memref<2048xf32, #tpu.memory_space<hbm>>) dst(%dma_wait3A_261 : memref<2048xf32, #tpu.memory_space<vmem>>)
      %dma_start3A_265 = arith.constant 0 : i32
      %dma_start3A_266 = arith.constant 0 : i32
      %dma_start3A_267 = tpu.memref_slice %arg6[%dma_start3A_265, %dma_start3A_266] : memref<2x2048xi32, #tpu.memory_space<vmem>> -> memref<1x2048xi32, #tpu.memory_space<vmem>>
      %dma_start3A_268 = tpu.memref_squeeze %dma_start3A_267 : memref<1x2048xi32, #tpu.memory_space<vmem>> -> memref<2048xi32, #tpu.memory_space<vmem>>
      %dma_start3A_269 = arith.constant 8192 : i32
      %dma_start3A_270 = tpu.memref_slice %arg8[%and3A_44, %dma_start3A_269] : memref<2x16384xi32, #tpu.memory_space<vmem_shared>> -> memref<1x2048xi32, #tpu.memory_space<vmem_shared>>
      %dma_start3A_271 = tpu.memref_squeeze %dma_start3A_270 : memref<1x2048xi32, #tpu.memory_space<vmem_shared>> -> memref<2048xi32, #tpu.memory_space<vmem_shared>>
      %dma_start3A_272 = arith.constant 0 : i32
      %dma_start3A_273 = tpu.memref_slice %arg6[%dma_start3A_265, %dma_start3A_272] : memref<2x2048xi32, #tpu.memory_space<vmem>> -> memref<1x2048xi32, #tpu.memory_space<vmem>>
      %dma_start3A_274 = tpu.memref_squeeze %dma_start3A_273 : memref<1x2048xi32, #tpu.memory_space<vmem>> -> memref<2048xi32, #tpu.memory_space<vmem>>
      %dma_start3A_275 = arith.constant 8192 : i32
      %dma_start3A_276 = tpu.memref_slice %arg8[%and3A_44, %dma_start3A_275] : memref<2x16384xi32, #tpu.memory_space<vmem_shared>> -> memref<1x2048xi32, #tpu.memory_space<vmem_shared>>
      %dma_start3A_277 = tpu.memref_squeeze %dma_start3A_276 : memref<1x2048xi32, #tpu.memory_space<vmem_shared>> -> memref<2048xi32, #tpu.memory_space<vmem_shared>>
      tpu.enqueue_dma source(%dma_start3A_277 : memref<2048xi32, #tpu.memory_space<vmem_shared>>) target(%dma_start3A_274 : memref<2048xi32, #tpu.memory_space<vmem>>) target_semaphore(%arg10 : memref<!tpu.dma_semaphore, #tpu.memory_space<semaphore_mem>>)
      %scan3A_278 = arith.constant 0 : i32
      %scan3A_279 = arith.constant 0 : i32
      %scan3A_280 = arith.constant 8 : i32
      %scan3A_281 = arith.addi %scan3A_279, %scan3A_280 : i32
      %scan3A_282 = arith.constant 1 : i32
      scf.for %scan3A_524 = %scan3A_279 to %scan3A_281 step %scan3A_282  : i32 {
        %mul3A_525 = arith.constant 16 : i32
        %mul3A_526 = arith.muli %scan3A_524, %mul3A_525 : i32
        %mul3A_527 = arith.constant 16 : i32
        %mul3A_528 = arith.muli %mul3A_526, %mul3A_527 : i32
        %add3A_529 = arith.constant 0 : i32
        %add3A_530 = arith.addi %mul3A_528, %add3A_529 : i32
        %get3A = arith.constant 1 : i32
        %get3A_531 = arith.index_cast %get3A : i32 to index
        %get3A_532 = arith.index_cast %add3A_530 : i32 to index
        %get3A_533 = tpu.vector_load %arg6[%get3A_531, %get3A_532] {strides = array<i32>} : memref<2x2048xi32, #tpu.memory_space<vmem>>, vector<16xi32>,
        %gather3A = tpu.vector_load_idx %arg5[%get3A_533] : memref<100000xf32, #tpu.memory_space<vmem>>[vector<16xi32>], vector<16xf32>,
        %swap3A = arith.constant 1 : i32
        %swap3A_534 = arith.index_cast %swap3A : i32 to index
        %swap3A_535 = arith.index_cast %add3A_530 : i32 to index
        %swap3A_536 = tpu.vector_load %arg7[%swap3A_534, %swap3A_535] {strides = array<i32>} : memref<2x2048xf32, #tpu.memory_space<vmem>>, vector<16xf32>,
        tpu.vector_store %arg7[%swap3A_534, %swap3A_535], %gather3A {strides = array<i32>} : memref<2x2048xf32, #tpu.memory_space<vmem>>, vector<16xf32>,
        %add3A_537 = arith.constant 16 : i32
        %add3A_538 = arith.addi %mul3A_528, %add3A_537 : i32
        %get3A_539 = arith.constant 1 : i32
        %get3A_540 = arith.index_cast %get3A_539 : i32 to index
        %get3A_541 = arith.index_cast %add3A_538 : i32 to index
        %get3A_542 = tpu.vector_load %arg6[%get3A_540, %get3A_541] {strides = array<i32>} : memref<2x2048xi32, #tpu.memory_space<vmem>>, vector<16xi32>,
        %gather3A_543 = tpu.vector_load_idx %arg5[%get3A_542] : memref<100000xf32, #tpu.memory_space<vmem>>[vector<16xi32>], vector<16xf32>,
        %swap3A_544 = arith.constant 1 : i32
        %swap3A_545 = arith.index_cast %swap3A_544 : i32 to index
        %swap3A_546 = arith.index_cast %add3A_538 : i32 to index
        %swap3A_547 = tpu.vector_load %arg7[%swap3A_545, %swap3A_546] {strides = array<i32>} : memref<2x2048xf32, #tpu.memory_space<vmem>>, vector<16xf32>,
        tpu.vector_store %arg7[%swap3A_545, %swap3A_546], %gather3A_543 {strides = array<i32>} : memref<2x2048xf32, #tpu.memory_space<vmem>>, vector<16xf32>,
        %add3A_548 = arith.constant 32 : i32
        %add3A_549 = arith.addi %mul3A_528, %add3A_548 : i32
        %get3A_550 = arith.constant 1 : i32
        %get3A_551 = arith.index_cast %get3A_550 : i32 to index
        %get3A_552 = arith.index_cast %add3A_549 : i32 to index
        %get3A_553 = tpu.vector_load %arg6[%get3A_551, %get3A_552] {strides = array<i32>} : memref<2x2048xi32, #tpu.memory_space<vmem>>, vector<16xi32>,
        %gather3A_554 = tpu.vector_load_idx %arg5[%get3A_553] : memref<100000xf32, #tpu.memory_space<vmem>>[vector<16xi32>], vector<16xf32>,
        %swap3A_555 = arith.constant 1 : i32
        %swap3A_556 = arith.index_cast %swap3A_555 : i32 to index
        %swap3A_557 = arith.index_cast %add3A_549 : i32 to index
        %swap3A_558 = tpu.vector_load %arg7[%swap3A_556, %swap3A_557] {strides = array<i32>} : memref<2x2048xf32, #tpu.memory_space<vmem>>, vector<16xf32>,
        tpu.vector_store %arg7[%swap3A_556, %swap3A_557], %gather3A_554 {strides = array<i32>} : memref<2x2048xf32, #tpu.memory_space<vmem>>, vector<16xf32>,
        %add3A_559 = arith.constant 48 : i32
        %add3A_560 = arith.addi %mul3A_528, %add3A_559 : i32
        %get3A_561 = arith.constant 1 : i32
        %get3A_562 = arith.index_cast %get3A_561 : i32 to index
        %get3A_563 = arith.index_cast %add3A_560 : i32 to index
        %get3A_564 = tpu.vector_load %arg6[%get3A_562, %get3A_563] {strides = array<i32>} : memref<2x2048xi32, #tpu.memory_space<vmem>>, vector<16xi32>,
        %gather3A_565 = tpu.vector_load_idx %arg5[%get3A_564] : memref<100000xf32, #tpu.memory_space<vmem>>[vector<16xi32>], vector<16xf32>,
        %swap3A_566 = arith.constant 1 : i32
        %swap3A_567 = arith.index_cast %swap3A_566 : i32 to index
        %swap3A_568 = arith.index_cast %add3A_560 : i32 to index
        %swap3A_569 = tpu.vector_load %arg7[%swap3A_567, %swap3A_568] {strides = array<i32>} : memref<2x2048xf32, #tpu.memory_space<vmem>>, vector<16xf32>,
        tpu.vector_store %arg7[%swap3A_567, %swap3A_568], %gather3A_565 {strides = array<i32>} : memref<2x2048xf32, #tpu.memory_space<vmem>>, vector<16xf32>,
        %add3A_570 = arith.constant 64 : i32
        %add3A_571 = arith.addi %mul3A_528, %add3A_570 : i32
        %get3A_572 = arith.constant 1 : i32
        %get3A_573 = arith.index_cast %get3A_572 : i32 to index
        %get3A_574 = arith.index_cast %add3A_571 : i32 to index
        %get3A_575 = tpu.vector_load %arg6[%get3A_573, %get3A_574] {strides = array<i32>} : memref<2x2048xi32, #tpu.memory_space<vmem>>, vector<16xi32>,
        %gather3A_576 = tpu.vector_load_idx %arg5[%get3A_575] : memref<100000xf32, #tpu.memory_space<vmem>>[vector<16xi32>], vector<16xf32>,
        %swap3A_577 = arith.constant 1 : i32
        %swap3A_578 = arith.index_cast %swap3A_577 : i32 to index
        %swap3A_579 = arith.index_cast %add3A_571 : i32 to index
        %swap3A_580 = tpu.vector_load %arg7[%swap3A_578, %swap3A_579] {strides = array<i32>} : memref<2x2048xf32, #tpu.memory_space<vmem>>, vector<16xf32>,
        tpu.vector_store %arg7[%swap3A_578, %swap3A_579], %gather3A_576 {strides = array<i32>} : memref<2x2048xf32, #tpu.memory_space<vmem>>, vector<16xf32>,
        %add3A_581 = arith.constant 80 : i32
        %add3A_582 = arith.addi %mul3A_528, %add3A_581 : i32
        %get3A_583 = arith.constant 1 : i32
        %get3A_584 = arith.index_cast %get3A_583 : i32 to index
        %get3A_585 = arith.index_cast %add3A_582 : i32 to index
        %get3A_586 = tpu.vector_load %arg6[%get3A_584, %get3A_585] {strides = array<i32>} : memref<2x2048xi32, #tpu.memory_space<vmem>>, vector<16xi32>,
        %gather3A_587 = tpu.vector_load_idx %arg5[%get3A_586] : memref<100000xf32, #tpu.memory_space<vmem>>[vector<16xi32>], vector<16xf32>,
        %swap3A_588 = arith.constant 1 : i32
        %swap3A_589 = arith.index_cast %swap3A_588 : i32 to index
        %swap3A_590 = arith.index_cast %add3A_582 : i32 to index
        %swap3A_591 = tpu.vector_load %arg7[%swap3A_589, %swap3A_590] {strides = array<i32>} : memref<2x2048xf32, #tpu.memory_space<vmem>>, vector<16xf32>,
        tpu.vector_store %arg7[%swap3A_589, %swap3A_590], %gather3A_587 {strides = array<i32>} : memref<2x2048xf32, #tpu.memory_space<vmem>>, vector<16xf32>,
        %add3A_592 = arith.constant 96 : i32
        %add3A_593 = arith.addi %mul3A_528, %add3A_592 : i32
        %get3A_594 = arith.constant 1 : i32
        %get3A_595 = arith.index_cast %get3A_594 : i32 to index
        %get3A_596 = arith.index_cast %add3A_593 : i32 to index
        %get3A_597 = tpu.vector_load %arg6[%get3A_595, %get3A_596] {strides = array<i32>} : memref<2x2048xi32, #tpu.memory_space<vmem>>, vector<16xi32>,
        %gather3A_598 = tpu.vector_load_idx %arg5[%get3A_597] : memref<100000xf32, #tpu.memory_space<vmem>>[vector<16xi32>], vector<16xf32>,
        %swap3A_599 = arith.constant 1 : i32
        %swap3A_600 = arith.index_cast %swap3A_599 : i32 to index
        %swap3A_601 = arith.index_cast %add3A_593 : i32 to index
        %swap3A_602 = tpu.vector_load %arg7[%swap3A_600, %swap3A_601] {strides = array<i32>} : memref<2x2048xf32, #tpu.memory_space<vmem>>, vector<16xf32>,
        tpu.vector_store %arg7[%swap3A_600, %swap3A_601], %gather3A_598 {strides = array<i32>} : memref<2x2048xf32, #tpu.memory_space<vmem>>, vector<16xf32>,
        %add3A_603 = arith.constant 112 : i32
        %add3A_604 = arith.addi %mul3A_528, %add3A_603 : i32
        %get3A_605 = arith.constant 1 : i32
        %get3A_606 = arith.index_cast %get3A_605 : i32 to index
        %get3A_607 = arith.index_cast %add3A_604 : i32 to index
        %get3A_608 = tpu.vector_load %arg6[%get3A_606, %get3A_607] {strides = array<i32>} : memref<2x2048xi32, #tpu.memory_space<vmem>>, vector<16xi32>,
        %gather3A_609 = tpu.vector_load_idx %arg5[%get3A_608] : memref<100000xf32, #tpu.memory_space<vmem>>[vector<16xi32>], vector<16xf32>,
        %swap3A_610 = arith.constant 1 : i32
        %swap3A_611 = arith.index_cast %swap3A_610 : i32 to index
        %swap3A_612 = arith.index_cast %add3A_604 : i32 to index
        %swap3A_613 = tpu.vector_load %arg7[%swap3A_611, %swap3A_612] {strides = array<i32>} : memref<2x2048xf32, #tpu.memory_space<vmem>>, vector<16xf32>,
        tpu.vector_store %arg7[%swap3A_611, %swap3A_612], %gather3A_609 {strides = array<i32>} : memref<2x2048xf32, #tpu.memory_space<vmem>>, vector<16xf32>,
        %add3A_614 = arith.constant 128 : i32
        %add3A_615 = arith.addi %mul3A_528, %add3A_614 : i32
        %get3A_616 = arith.constant 1 : i32
        %get3A_617 = arith.index_cast %get3A_616 : i32 to index
        %get3A_618 = arith.index_cast %add3A_615 : i32 to index
        %get3A_619 = tpu.vector_load %arg6[%get3A_617, %get3A_618] {strides = array<i32>} : memref<2x2048xi32, #tpu.memory_space<vmem>>, vector<16xi32>,
        %gather3A_620 = tpu.vector_load_idx %arg5[%get3A_619] : memref<100000xf32, #tpu.memory_space<vmem>>[vector<16xi32>], vector<16xf32>,
        %swap3A_621 = arith.constant 1 : i32
        %swap3A_622 = arith.index_cast %swap3A_621 : i32 to index
        %swap3A_623 = arith.index_cast %add3A_615 : i32 to index
        %swap3A_624 = tpu.vector_load %arg7[%swap3A_622, %swap3A_623] {strides = array<i32>} : memref<2x2048xf32, #tpu.memory_space<vmem>>, vector<16xf32>,
        tpu.vector_store %arg7[%swap3A_622, %swap3A_623], %gather3A_620 {strides = array<i32>} : memref<2x2048xf32, #tpu.memory_space<vmem>>, vector<16xf32>,
        %add3A_625 = arith.constant 144 : i32
        %add3A_626 = arith.addi %mul3A_528, %add3A_625 : i32
        %get3A_627 = arith.constant 1 : i32
        %get3A_628 = arith.index_cast %get3A_627 : i32 to index
        %get3A_629 = arith.index_cast %add3A_626 : i32 to index
        %get3A_630 = tpu.vector_load %arg6[%get3A_628, %get3A_629] {strides = array<i32>} : memref<2x2048xi32, #tpu.memory_space<vmem>>, vector<16xi32>,
        %gather3A_631 = tpu.vector_load_idx %arg5[%get3A_630] : memref<100000xf32, #tpu.memory_space<vmem>>[vector<16xi32>], vector<16xf32>,
        %swap3A_632 = arith.constant 1 : i32
        %swap3A_633 = arith.index_cast %swap3A_632 : i32 to index
        %swap3A_634 = arith.index_cast %add3A_626 : i32 to index
        %swap3A_635 = tpu.vector_load %arg7[%swap3A_633, %swap3A_634] {strides = array<i32>} : memref<2x2048xf32, #tpu.memory_space<vmem>>, vector<16xf32>,
        tpu.vector_store %arg7[%swap3A_633, %swap3A_634], %gather3A_631 {strides = array<i32>} : memref<2x2048xf32, #tpu.memory_space<vmem>>, vector<16xf32>,
        %add3A_636 = arith.constant 160 : i32
        %add3A_637 = arith.addi %mul3A_528, %add3A_636 : i32
        %get3A_638 = arith.constant 1 : i32
        %get3A_639 = arith.index_cast %get3A_638 : i32 to index
        %get3A_640 = arith.index_cast %add3A_637 : i32 to index
        %get3A_641 = tpu.vector_load %arg6[%get3A_639, %get3A_640] {strides = array<i32>} : memref<2x2048xi32, #tpu.memory_space<vmem>>, vector<16xi32>,
        %gather3A_642 = tpu.vector_load_idx %arg5[%get3A_641] : memref<100000xf32, #tpu.memory_space<vmem>>[vector<16xi32>], vector<16xf32>,
        %swap3A_643 = arith.constant 1 : i32
        %swap3A_644 = arith.index_cast %swap3A_643 : i32 to index
        %swap3A_645 = arith.index_cast %add3A_637 : i32 to index
        %swap3A_646 = tpu.vector_load %arg7[%swap3A_644, %swap3A_645] {strides = array<i32>} : memref<2x2048xf32, #tpu.memory_space<vmem>>, vector<16xf32>,
        tpu.vector_store %arg7[%swap3A_644, %swap3A_645], %gather3A_642 {strides = array<i32>} : memref<2x2048xf32, #tpu.memory_space<vmem>>, vector<16xf32>,
        %add3A_647 = arith.constant 176 : i32
        %add3A_648 = arith.addi %mul3A_528, %add3A_647 : i32
        %get3A_649 = arith.constant 1 : i32
        %get3A_650 = arith.index_cast %get3A_649 : i32 to index
        %get3A_651 = arith.index_cast %add3A_648 : i32 to index
        %get3A_652 = tpu.vector_load %arg6[%get3A_650, %get3A_651] {strides = array<i32>} : memref<2x2048xi32, #tpu.memory_space<vmem>>, vector<16xi32>,
        %gather3A_653 = tpu.vector_load_idx %arg5[%get3A_652] : memref<100000xf32, #tpu.memory_space<vmem>>[vector<16xi32>], vector<16xf32>,
        %swap3A_654 = arith.constant 1 : i32
        %swap3A_655 = arith.index_cast %swap3A_654 : i32 to index
        %swap3A_656 = arith.index_cast %add3A_648 : i32 to index
        %swap3A_657 = tpu.vector_load %arg7[%swap3A_655, %swap3A_656] {strides = array<i32>} : memref<2x2048xf32, #tpu.memory_space<vmem>>, vector<16xf32>,
        tpu.vector_store %arg7[%swap3A_655, %swap3A_656], %gather3A_653 {strides = array<i32>} : memref<2x2048xf32, #tpu.memory_space<vmem>>, vector<16xf32>,
        %add3A_658 = arith.constant 192 : i32
        %add3A_659 = arith.addi %mul3A_528, %add3A_658 : i32
        %get3A_660 = arith.constant 1 : i32
        %get3A_661 = arith.index_cast %get3A_660 : i32 to index
        %get3A_662 = arith.index_cast %add3A_659 : i32 to index
        %get3A_663 = tpu.vector_load %arg6[%get3A_661, %get3A_662] {strides = array<i32>} : memref<2x2048xi32, #tpu.memory_space<vmem>>, vector<16xi32>,
        %gather3A_664 = tpu.vector_load_idx %arg5[%get3A_663] : memref<100000xf32, #tpu.memory_space<vmem>>[vector<16xi32>], vector<16xf32>,
        %swap3A_665 = arith.constant 1 : i32
        %swap3A_666 = arith.index_cast %swap3A_665 : i32 to index
        %swap3A_667 = arith.index_cast %add3A_659 : i32 to index
        %swap3A_668 = tpu.vector_load %arg7[%swap3A_666, %swap3A_667] {strides = array<i32>} : memref<2x2048xf32, #tpu.memory_space<vmem>>, vector<16xf32>,
        tpu.vector_store %arg7[%swap3A_666, %swap3A_667], %gather3A_664 {strides = array<i32>} : memref<2x2048xf32, #tpu.memory_space<vmem>>, vector<16xf32>,
        %add3A_669 = arith.constant 208 : i32
        %add3A_670 = arith.addi %mul3A_528, %add3A_669 : i32
        %get3A_671 = arith.constant 1 : i32
        %get3A_672 = arith.index_cast %get3A_671 : i32 to index
        %get3A_673 = arith.index_cast %add3A_670 : i32 to index
        %get3A_674 = tpu.vector_load %arg6[%get3A_672, %get3A_673] {strides = array<i32>} : memref<2x2048xi32, #tpu.memory_space<vmem>>, vector<16xi32>,
        %gather3A_675 = tpu.vector_load_idx %arg5[%get3A_674] : memref<100000xf32, #tpu.memory_space<vmem>>[vector<16xi32>], vector<16xf32>,
        %swap3A_676 = arith.constant 1 : i32
        %swap3A_677 = arith.index_cast %swap3A_676 : i32 to index
        %swap3A_678 = arith.index_cast %add3A_670 : i32 to index
        %swap3A_679 = tpu.vector_load %arg7[%swap3A_677, %swap3A_678] {strides = array<i32>} : memref<2x2048xf32, #tpu.memory_space<vmem>>, vector<16xf32>,
        tpu.vector_store %arg7[%swap3A_677, %swap3A_678], %gather3A_675 {strides = array<i32>} : memref<2x2048xf32, #tpu.memory_space<vmem>>, vector<16xf32>,
        %add3A_680 = arith.constant 224 : i32
        %add3A_681 = arith.addi %mul3A_528, %add3A_680 : i32
        %get3A_682 = arith.constant 1 : i32
        %get3A_683 = arith.index_cast %get3A_682 : i32 to index
        %get3A_684 = arith.index_cast %add3A_681 : i32 to index
        %get3A_685 = tpu.vector_load %arg6[%get3A_683, %get3A_684] {strides = array<i32>} : memref<2x2048xi32, #tpu.memory_space<vmem>>, vector<16xi32>,
        %gather3A_686 = tpu.vector_load_idx %arg5[%get3A_685] : memref<100000xf32, #tpu.memory_space<vmem>>[vector<16xi32>], vector<16xf32>,
        %swap3A_687 = arith.constant 1 : i32
        %swap3A_688 = arith.index_cast %swap3A_687 : i32 to index
        %swap3A_689 = arith.index_cast %add3A_681 : i32 to index
        %swap3A_690 = tpu.vector_load %arg7[%swap3A_688, %swap3A_689] {strides = array<i32>} : memref<2x2048xf32, #tpu.memory_space<vmem>>, vector<16xf32>,
        tpu.vector_store %arg7[%swap3A_688, %swap3A_689], %gather3A_686 {strides = array<i32>} : memref<2x2048xf32, #tpu.memory_space<vmem>>, vector<16xf32>,
        %add3A_691 = arith.constant 240 : i32
        %add3A_692 = arith.addi %mul3A_528, %add3A_691 : i32
        %get3A_693 = arith.constant 1 : i32
        %get3A_694 = arith.index_cast %get3A_693 : i32 to index
        %get3A_695 = arith.index_cast %add3A_692 : i32 to index
        %get3A_696 = tpu.vector_load %arg6[%get3A_694, %get3A_695] {strides = array<i32>} : memref<2x2048xi32, #tpu.memory_space<vmem>>, vector<16xi32>,
        %gather3A_697 = tpu.vector_load_idx %arg5[%get3A_696] : memref<100000xf32, #tpu.memory_space<vmem>>[vector<16xi32>], vector<16xf32>,
        %swap3A_698 = arith.constant 1 : i32
        %swap3A_699 = arith.index_cast %swap3A_698 : i32 to index
        %swap3A_700 = arith.index_cast %add3A_692 : i32 to index
        %swap3A_701 = tpu.vector_load %arg7[%swap3A_699, %swap3A_700] {strides = array<i32>} : memref<2x2048xf32, #tpu.memory_space<vmem>>, vector<16xf32>,
        tpu.vector_store %arg7[%swap3A_699, %swap3A_700], %gather3A_697 {strides = array<i32>} : memref<2x2048xf32, #tpu.memory_space<vmem>>, vector<16xf32>,
      }
      %scan3A_283 = arith.constant 8 : i32
      %dma_start3A_284 = arith.constant 1 : i32
      %dma_start3A_285 = arith.constant 0 : i32
      %dma_start3A_286 = tpu.memref_slice %arg7[%dma_start3A_284, %dma_start3A_285] : memref<2x2048xf32, #tpu.memory_space<vmem>> -> memref<1x2048xf32, #tpu.memory_space<vmem>>
      %dma_start3A_287 = tpu.memref_squeeze %dma_start3A_286 : memref<1x2048xf32, #tpu.memory_space<vmem>> -> memref<2048xf32, #tpu.memory_space<vmem>>
      %dma_start3A_288 = arith.constant 6144 : i32
      %dma_start3A_289 = tpu.memref_slice %arg4[%add3A_38, %dma_start3A_288] : memref<832x16384xf32, #tpu.memory_space<hbm>> -> memref<1x2048xf32, #tpu.memory_space<hbm>>
      %dma_start3A_290 = tpu.memref_squeeze %dma_start3A_289 : memref<1x2048xf32, #tpu.memory_space<hbm>> -> memref<2048xf32, #tpu.memory_space<hbm>>
      %dma_start3A_291 = arith.constant 6144 : i32
      %dma_start3A_292 = tpu.memref_slice %arg4[%add3A_38, %dma_start3A_291] : memref<832x16384xf32, #tpu.memory_space<hbm>> -> memref<1x2048xf32, #tpu.memory_space<hbm>>
      %dma_start3A_293 = tpu.memref_squeeze %dma_start3A_292 : memref<1x2048xf32, #tpu.memory_space<hbm>> -> memref<2048xf32, #tpu.memory_space<hbm>>
      %dma_start3A_294 = arith.constant 0 : i32
      %dma_start3A_295 = tpu.memref_slice %arg7[%dma_start3A_284, %dma_start3A_294] : memref<2x2048xf32, #tpu.memory_space<vmem>> -> memref<1x2048xf32, #tpu.memory_space<vmem>>
      %dma_start3A_296 = tpu.memref_squeeze %dma_start3A_295 : memref<1x2048xf32, #tpu.memory_space<vmem>> -> memref<2048xf32, #tpu.memory_space<vmem>>
      tpu.enqueue_dma source(%dma_start3A_296 : memref<2048xf32, #tpu.memory_space<vmem>>) target(%dma_start3A_293 : memref<2048xf32, #tpu.memory_space<hbm>>) target_semaphore(%arg11 : memref<!tpu.dma_semaphore, #tpu.memory_space<semaphore_mem>>)
      %dma_wait3A_297 = arith.constant 0 : i32
      %dma_wait3A_298 = arith.constant 0 : i32
      %dma_wait3A_299 = arith.constant 0 : i32
      %dma_wait3A_300 = tpu.memref_slice %arg6[%dma_wait3A_298, %dma_wait3A_299] : memref<2x2048xi32, #tpu.memory_space<vmem>> -> memref<1x2048xi32, #tpu.memory_space<vmem>>
      %dma_wait3A_301 = tpu.memref_squeeze %dma_wait3A_300 : memref<1x2048xi32, #tpu.memory_space<vmem>> -> memref<2048xi32, #tpu.memory_space<vmem>>
      %dma_wait3A_302 = arith.constant 0 : i32
      %dma_wait3A_303 = tpu.memref_slice %arg8[%dma_wait3A_297, %dma_wait3A_302] : memref<2x16384xi32, #tpu.memory_space<vmem_shared>> -> memref<1x2048xi32, #tpu.memory_space<vmem_shared>>
      %dma_wait3A_304 = tpu.memref_squeeze %dma_wait3A_303 : memref<1x2048xi32, #tpu.memory_space<vmem_shared>> -> memref<2048xi32, #tpu.memory_space<vmem_shared>>
      %dma_wait3A_305 = arith.constant 0 : i32
      %dma_wait3A_306 = tpu.memref_slice %arg6[%dma_wait3A_298, %dma_wait3A_305] : memref<2x2048xi32, #tpu.memory_space<vmem>> -> memref<1x2048xi32, #tpu.memory_space<vmem>>
      %dma_wait3A_307 = tpu.memref_squeeze %dma_wait3A_306 : memref<1x2048xi32, #tpu.memory_space<vmem>> -> memref<2048xi32, #tpu.memory_space<vmem>>
      %dma_wait3A_308 = arith.constant 0 : i32
      %dma_wait3A_309 = tpu.memref_slice %arg8[%dma_wait3A_297, %dma_wait3A_308] : memref<2x16384xi32, #tpu.memory_space<vmem_shared>> -> memref<1x2048xi32, #tpu.memory_space<vmem_shared>>
      %dma_wait3A_310 = tpu.memref_squeeze %dma_wait3A_309 : memref<1x2048xi32, #tpu.memory_space<vmem_shared>> -> memref<2048xi32, #tpu.memory_space<vmem_shared>>
      tpu.wait_dma2 semaphore(%arg10 : memref<!tpu.dma_semaphore, #tpu.memory_space<semaphore_mem>>) src(%dma_wait3A_310 : memref<2048xi32, #tpu.memory_space<vmem_shared>>) dst(%dma_wait3A_307 : memref<2048xi32, #tpu.memory_space<vmem>>)
      %dma_wait3A_311 = arith.constant 0 : i32
      %dma_wait3A_312 = arith.constant 0 : i32
      %dma_wait3A_313 = arith.constant 0 : i32
      %dma_wait3A_314 = tpu.memref_slice %arg7[%dma_wait3A_312, %dma_wait3A_313] : memref<2x2048xf32, #tpu.memory_space<vmem>> -> memref<1x2048xf32, #tpu.memory_space<vmem>>
      %dma_wait3A_315 = tpu.memref_squeeze %dma_wait3A_314 : memref<1x2048xf32, #tpu.memory_space<vmem>> -> memref<2048xf32, #tpu.memory_space<vmem>>
      %dma_wait3A_316 = arith.constant 0 : i32
      %dma_wait3A_317 = tpu.memref_slice %arg4[%dma_wait3A_311, %dma_wait3A_316] : memref<832x16384xf32, #tpu.memory_space<hbm>> -> memref<1x2048xf32, #tpu.memory_space<hbm>>
      %dma_wait3A_318 = tpu.memref_squeeze %dma_wait3A_317 : memref<1x2048xf32, #tpu.memory_space<hbm>> -> memref<2048xf32, #tpu.memory_space<hbm>>
      %dma_wait3A_319 = arith.constant 0 : i32
      %dma_wait3A_320 = tpu.memref_slice %arg7[%dma_wait3A_312, %dma_wait3A_319] : memref<2x2048xf32, #tpu.memory_space<vmem>> -> memref<1x2048xf32, #tpu.memory_space<vmem>>
      %dma_wait3A_321 = tpu.memref_squeeze %dma_wait3A_320 : memref<1x2048xf32, #tpu.memory_space<vmem>> -> memref<2048xf32, #tpu.memory_space<vmem>>
      %dma_wait3A_322 = arith.constant 0 : i32
      %dma_wait3A_323 = tpu.memref_slice %arg4[%dma_wait3A_311, %dma_wait3A_322] : memref<832x16384xf32, #tpu.memory_space<hbm>> -> memref<1x2048xf32, #tpu.memory_space<hbm>>
      %dma_wait3A_324 = tpu.memref_squeeze %dma_wait3A_323 : memref<1x2048xf32, #tpu.memory_space<hbm>> -> memref<2048xf32, #tpu.memory_space<hbm>>
      tpu.wait_dma2 semaphore(%arg11 : memref<!tpu.dma_semaphore, #tpu.memory_space<semaphore_mem>>) src(%dma_wait3A_324 : memref<2048xf32, #tpu.memory_space<hbm>>) dst(%dma_wait3A_321 : memref<2048xf32, #tpu.memory_space<vmem>>)
      %dma_start3A_325 = arith.constant 1 : i32
      %dma_start3A_326 = arith.constant 0 : i32
      %dma_start3A_327 = tpu.memref_slice %arg6[%dma_start3A_325, %dma_start3A_326] : memref<2x2048xi32, #tpu.memory_space<vmem>> -> memref<1x2048xi32, #tpu.memory_space<vmem>>
      %dma_start3A_328 = tpu.memref_squeeze %dma_start3A_327 : memref<1x2048xi32, #tpu.memory_space<vmem>> -> memref<2048xi32, #tpu.memory_space<vmem>>
      %dma_start3A_329 = arith.constant 10240 : i32
      %dma_start3A_330 = tpu.memref_slice %arg8[%and3A_44, %dma_start3A_329] : memref<2x16384xi32, #tpu.memory_space<vmem_shared>> -> memref<1x2048xi32, #tpu.memory_space<vmem_shared>>
      %dma_start3A_331 = tpu.memref_squeeze %dma_start3A_330 : memref<1x2048xi32, #tpu.memory_space<vmem_shared>> -> memref<2048xi32, #tpu.memory_space<vmem_shared>>
      %dma_start3A_332 = arith.constant 0 : i32
      %dma_start3A_333 = tpu.memref_slice %arg6[%dma_start3A_325, %dma_start3A_332] : memref<2x2048xi32, #tpu.memory_space<vmem>> -> memref<1x2048xi32, #tpu.memory_space<vmem>>
      %dma_start3A_334 = tpu.memref_squeeze %dma_start3A_333 : memref<1x2048xi32, #tpu.memory_space<vmem>> -> memref<2048xi32, #tpu.memory_space<vmem>>
      %dma_start3A_335 = arith.constant 10240 : i32
      %dma_start3A_336 = tpu.memref_slice %arg8[%and3A_44, %dma_start3A_335] : memref<2x16384xi32, #tpu.memory_space<vmem_shared>> -> memref<1x2048xi32, #tpu.memory_space<vmem_shared>>
      %dma_start3A_337 = tpu.memref_squeeze %dma_start3A_336 : memref<1x2048xi32, #tpu.memory_space<vmem_shared>> -> memref<2048xi32, #tpu.memory_space<vmem_shared>>
      tpu.enqueue_dma source(%dma_start3A_337 : memref<2048xi32, #tpu.memory_space<vmem_shared>>) target(%dma_start3A_334 : memref<2048xi32, #tpu.memory_space<vmem>>) target_semaphore(%arg10 : memref<!tpu.dma_semaphore, #tpu.memory_space<semaphore_mem>>)
      %scan3A_338 = arith.constant 0 : i32
      %scan3A_339 = arith.constant 0 : i32
      %scan3A_340 = arith.constant 8 : i32
      %scan3A_341 = arith.addi %scan3A_339, %scan3A_340 : i32
      %scan3A_342 = arith.constant 1 : i32
      scf.for %scan3A_524 = %scan3A_339 to %scan3A_341 step %scan3A_342  : i32 {
        %mul3A_525 = arith.constant 16 : i32
        %mul3A_526 = arith.muli %scan3A_524, %mul3A_525 : i32
        %mul3A_527 = arith.constant 16 : i32
        %mul3A_528 = arith.muli %mul3A_526, %mul3A_527 : i32
        %add3A_529 = arith.constant 0 : i32
        %add3A_530 = arith.addi %mul3A_528, %add3A_529 : i32
        %get3A = arith.constant 0 : i32
        %get3A_531 = arith.index_cast %get3A : i32 to index
        %get3A_532 = arith.index_cast %add3A_530 : i32 to index
        %get3A_533 = tpu.vector_load %arg6[%get3A_531, %get3A_532] {strides = array<i32>} : memref<2x2048xi32, #tpu.memory_space<vmem>>, vector<16xi32>,
        %gather3A = tpu.vector_load_idx %arg5[%get3A_533] : memref<100000xf32, #tpu.memory_space<vmem>>[vector<16xi32>], vector<16xf32>,
        %swap3A = arith.constant 0 : i32
        %swap3A_534 = arith.index_cast %swap3A : i32 to index
        %swap3A_535 = arith.index_cast %add3A_530 : i32 to index
        %swap3A_536 = tpu.vector_load %arg7[%swap3A_534, %swap3A_535] {strides = array<i32>} : memref<2x2048xf32, #tpu.memory_space<vmem>>, vector<16xf32>,
        tpu.vector_store %arg7[%swap3A_534, %swap3A_535], %gather3A {strides = array<i32>} : memref<2x2048xf32, #tpu.memory_space<vmem>>, vector<16xf32>,
        %add3A_537 = arith.constant 16 : i32
        %add3A_538 = arith.addi %mul3A_528, %add3A_537 : i32
        %get3A_539 = arith.constant 0 : i32
        %get3A_540 = arith.index_cast %get3A_539 : i32 to index
        %get3A_541 = arith.index_cast %add3A_538 : i32 to index
        %get3A_542 = tpu.vector_load %arg6[%get3A_540, %get3A_541] {strides = array<i32>} : memref<2x2048xi32, #tpu.memory_space<vmem>>, vector<16xi32>,
        %gather3A_543 = tpu.vector_load_idx %arg5[%get3A_542] : memref<100000xf32, #tpu.memory_space<vmem>>[vector<16xi32>], vector<16xf32>,
        %swap3A_544 = arith.constant 0 : i32
        %swap3A_545 = arith.index_cast %swap3A_544 : i32 to index
        %swap3A_546 = arith.index_cast %add3A_538 : i32 to index
        %swap3A_547 = tpu.vector_load %arg7[%swap3A_545, %swap3A_546] {strides = array<i32>} : memref<2x2048xf32, #tpu.memory_space<vmem>>, vector<16xf32>,
        tpu.vector_store %arg7[%swap3A_545, %swap3A_546], %gather3A_543 {strides = array<i32>} : memref<2x2048xf32, #tpu.memory_space<vmem>>, vector<16xf32>,
        %add3A_548 = arith.constant 32 : i32
        %add3A_549 = arith.addi %mul3A_528, %add3A_548 : i32
        %get3A_550 = arith.constant 0 : i32
        %get3A_551 = arith.index_cast %get3A_550 : i32 to index
        %get3A_552 = arith.index_cast %add3A_549 : i32 to index
        %get3A_553 = tpu.vector_load %arg6[%get3A_551, %get3A_552] {strides = array<i32>} : memref<2x2048xi32, #tpu.memory_space<vmem>>, vector<16xi32>,
        %gather3A_554 = tpu.vector_load_idx %arg5[%get3A_553] : memref<100000xf32, #tpu.memory_space<vmem>>[vector<16xi32>], vector<16xf32>,
        %swap3A_555 = arith.constant 0 : i32
        %swap3A_556 = arith.index_cast %swap3A_555 : i32 to index
        %swap3A_557 = arith.index_cast %add3A_549 : i32 to index
        %swap3A_558 = tpu.vector_load %arg7[%swap3A_556, %swap3A_557] {strides = array<i32>} : memref<2x2048xf32, #tpu.memory_space<vmem>>, vector<16xf32>,
        tpu.vector_store %arg7[%swap3A_556, %swap3A_557], %gather3A_554 {strides = array<i32>} : memref<2x2048xf32, #tpu.memory_space<vmem>>, vector<16xf32>,
        %add3A_559 = arith.constant 48 : i32
        %add3A_560 = arith.addi %mul3A_528, %add3A_559 : i32
        %get3A_561 = arith.constant 0 : i32
        %get3A_562 = arith.index_cast %get3A_561 : i32 to index
        %get3A_563 = arith.index_cast %add3A_560 : i32 to index
        %get3A_564 = tpu.vector_load %arg6[%get3A_562, %get3A_563] {strides = array<i32>} : memref<2x2048xi32, #tpu.memory_space<vmem>>, vector<16xi32>,
        %gather3A_565 = tpu.vector_load_idx %arg5[%get3A_564] : memref<100000xf32, #tpu.memory_space<vmem>>[vector<16xi32>], vector<16xf32>,
        %swap3A_566 = arith.constant 0 : i32
        %swap3A_567 = arith.index_cast %swap3A_566 : i32 to index
        %swap3A_568 = arith.index_cast %add3A_560 : i32 to index
        %swap3A_569 = tpu.vector_load %arg7[%swap3A_567, %swap3A_568] {strides = array<i32>} : memref<2x2048xf32, #tpu.memory_space<vmem>>, vector<16xf32>,
        tpu.vector_store %arg7[%swap3A_567, %swap3A_568], %gather3A_565 {strides = array<i32>} : memref<2x2048xf32, #tpu.memory_space<vmem>>, vector<16xf32>,
        %add3A_570 = arith.constant 64 : i32
        %add3A_571 = arith.addi %mul3A_528, %add3A_570 : i32
        %get3A_572 = arith.constant 0 : i32
        %get3A_573 = arith.index_cast %get3A_572 : i32 to index
        %get3A_574 = arith.index_cast %add3A_571 : i32 to index
        %get3A_575 = tpu.vector_load %arg6[%get3A_573, %get3A_574] {strides = array<i32>} : memref<2x2048xi32, #tpu.memory_space<vmem>>, vector<16xi32>,
        %gather3A_576 = tpu.vector_load_idx %arg5[%get3A_575] : memref<100000xf32, #tpu.memory_space<vmem>>[vector<16xi32>], vector<16xf32>,
        %swap3A_577 = arith.constant 0 : i32
        %swap3A_578 = arith.index_cast %swap3A_577 : i32 to index
        %swap3A_579 = arith.index_cast %add3A_571 : i32 to index
        %swap3A_580 = tpu.vector_load %arg7[%swap3A_578, %swap3A_579] {strides = array<i32>} : memref<2x2048xf32, #tpu.memory_space<vmem>>, vector<16xf32>,
        tpu.vector_store %arg7[%swap3A_578, %swap3A_579], %gather3A_576 {strides = array<i32>} : memref<2x2048xf32, #tpu.memory_space<vmem>>, vector<16xf32>,
        %add3A_581 = arith.constant 80 : i32
        %add3A_582 = arith.addi %mul3A_528, %add3A_581 : i32
        %get3A_583 = arith.constant 0 : i32
        %get3A_584 = arith.index_cast %get3A_583 : i32 to index
        %get3A_585 = arith.index_cast %add3A_582 : i32 to index
        %get3A_586 = tpu.vector_load %arg6[%get3A_584, %get3A_585] {strides = array<i32>} : memref<2x2048xi32, #tpu.memory_space<vmem>>, vector<16xi32>,
        %gather3A_587 = tpu.vector_load_idx %arg5[%get3A_586] : memref<100000xf32, #tpu.memory_space<vmem>>[vector<16xi32>], vector<16xf32>,
        %swap3A_588 = arith.constant 0 : i32
        %swap3A_589 = arith.index_cast %swap3A_588 : i32 to index
        %swap3A_590 = arith.index_cast %add3A_582 : i32 to index
        %swap3A_591 = tpu.vector_load %arg7[%swap3A_589, %swap3A_590] {strides = array<i32>} : memref<2x2048xf32, #tpu.memory_space<vmem>>, vector<16xf32>,
        tpu.vector_store %arg7[%swap3A_589, %swap3A_590], %gather3A_587 {strides = array<i32>} : memref<2x2048xf32, #tpu.memory_space<vmem>>, vector<16xf32>,
        %add3A_592 = arith.constant 96 : i32
        %add3A_593 = arith.addi %mul3A_528, %add3A_592 : i32
        %get3A_594 = arith.constant 0 : i32
        %get3A_595 = arith.index_cast %get3A_594 : i32 to index
        %get3A_596 = arith.index_cast %add3A_593 : i32 to index
        %get3A_597 = tpu.vector_load %arg6[%get3A_595, %get3A_596] {strides = array<i32>} : memref<2x2048xi32, #tpu.memory_space<vmem>>, vector<16xi32>,
        %gather3A_598 = tpu.vector_load_idx %arg5[%get3A_597] : memref<100000xf32, #tpu.memory_space<vmem>>[vector<16xi32>], vector<16xf32>,
        %swap3A_599 = arith.constant 0 : i32
        %swap3A_600 = arith.index_cast %swap3A_599 : i32 to index
        %swap3A_601 = arith.index_cast %add3A_593 : i32 to index
        %swap3A_602 = tpu.vector_load %arg7[%swap3A_600, %swap3A_601] {strides = array<i32>} : memref<2x2048xf32, #tpu.memory_space<vmem>>, vector<16xf32>,
        tpu.vector_store %arg7[%swap3A_600, %swap3A_601], %gather3A_598 {strides = array<i32>} : memref<2x2048xf32, #tpu.memory_space<vmem>>, vector<16xf32>,
        %add3A_603 = arith.constant 112 : i32
        %add3A_604 = arith.addi %mul3A_528, %add3A_603 : i32
        %get3A_605 = arith.constant 0 : i32
        %get3A_606 = arith.index_cast %get3A_605 : i32 to index
        %get3A_607 = arith.index_cast %add3A_604 : i32 to index
        %get3A_608 = tpu.vector_load %arg6[%get3A_606, %get3A_607] {strides = array<i32>} : memref<2x2048xi32, #tpu.memory_space<vmem>>, vector<16xi32>,
        %gather3A_609 = tpu.vector_load_idx %arg5[%get3A_608] : memref<100000xf32, #tpu.memory_space<vmem>>[vector<16xi32>], vector<16xf32>,
        %swap3A_610 = arith.constant 0 : i32
        %swap3A_611 = arith.index_cast %swap3A_610 : i32 to index
        %swap3A_612 = arith.index_cast %add3A_604 : i32 to index
        %swap3A_613 = tpu.vector_load %arg7[%swap3A_611, %swap3A_612] {strides = array<i32>} : memref<2x2048xf32, #tpu.memory_space<vmem>>, vector<16xf32>,
        tpu.vector_store %arg7[%swap3A_611, %swap3A_612], %gather3A_609 {strides = array<i32>} : memref<2x2048xf32, #tpu.memory_space<vmem>>, vector<16xf32>,
        %add3A_614 = arith.constant 128 : i32
        %add3A_615 = arith.addi %mul3A_528, %add3A_614 : i32
        %get3A_616 = arith.constant 0 : i32
        %get3A_617 = arith.index_cast %get3A_616 : i32 to index
        %get3A_618 = arith.index_cast %add3A_615 : i32 to index
        %get3A_619 = tpu.vector_load %arg6[%get3A_617, %get3A_618] {strides = array<i32>} : memref<2x2048xi32, #tpu.memory_space<vmem>>, vector<16xi32>,
        %gather3A_620 = tpu.vector_load_idx %arg5[%get3A_619] : memref<100000xf32, #tpu.memory_space<vmem>>[vector<16xi32>], vector<16xf32>,
        %swap3A_621 = arith.constant 0 : i32
        %swap3A_622 = arith.index_cast %swap3A_621 : i32 to index
        %swap3A_623 = arith.index_cast %add3A_615 : i32 to index
        %swap3A_624 = tpu.vector_load %arg7[%swap3A_622, %swap3A_623] {strides = array<i32>} : memref<2x2048xf32, #tpu.memory_space<vmem>>, vector<16xf32>,
        tpu.vector_store %arg7[%swap3A_622, %swap3A_623], %gather3A_620 {strides = array<i32>} : memref<2x2048xf32, #tpu.memory_space<vmem>>, vector<16xf32>,
        %add3A_625 = arith.constant 144 : i32
        %add3A_626 = arith.addi %mul3A_528, %add3A_625 : i32
        %get3A_627 = arith.constant 0 : i32
        %get3A_628 = arith.index_cast %get3A_627 : i32 to index
        %get3A_629 = arith.index_cast %add3A_626 : i32 to index
        %get3A_630 = tpu.vector_load %arg6[%get3A_628, %get3A_629] {strides = array<i32>} : memref<2x2048xi32, #tpu.memory_space<vmem>>, vector<16xi32>,
        %gather3A_631 = tpu.vector_load_idx %arg5[%get3A_630] : memref<100000xf32, #tpu.memory_space<vmem>>[vector<16xi32>], vector<16xf32>,
        %swap3A_632 = arith.constant 0 : i32
        %swap3A_633 = arith.index_cast %swap3A_632 : i32 to index
        %swap3A_634 = arith.index_cast %add3A_626 : i32 to index
        %swap3A_635 = tpu.vector_load %arg7[%swap3A_633, %swap3A_634] {strides = array<i32>} : memref<2x2048xf32, #tpu.memory_space<vmem>>, vector<16xf32>,
        tpu.vector_store %arg7[%swap3A_633, %swap3A_634], %gather3A_631 {strides = array<i32>} : memref<2x2048xf32, #tpu.memory_space<vmem>>, vector<16xf32>,
        %add3A_636 = arith.constant 160 : i32
        %add3A_637 = arith.addi %mul3A_528, %add3A_636 : i32
        %get3A_638 = arith.constant 0 : i32
        %get3A_639 = arith.index_cast %get3A_638 : i32 to index
        %get3A_640 = arith.index_cast %add3A_637 : i32 to index
        %get3A_641 = tpu.vector_load %arg6[%get3A_639, %get3A_640] {strides = array<i32>} : memref<2x2048xi32, #tpu.memory_space<vmem>>, vector<16xi32>,
        %gather3A_642 = tpu.vector_load_idx %arg5[%get3A_641] : memref<100000xf32, #tpu.memory_space<vmem>>[vector<16xi32>], vector<16xf32>,
        %swap3A_643 = arith.constant 0 : i32
        %swap3A_644 = arith.index_cast %swap3A_643 : i32 to index
        %swap3A_645 = arith.index_cast %add3A_637 : i32 to index
        %swap3A_646 = tpu.vector_load %arg7[%swap3A_644, %swap3A_645] {strides = array<i32>} : memref<2x2048xf32, #tpu.memory_space<vmem>>, vector<16xf32>,
        tpu.vector_store %arg7[%swap3A_644, %swap3A_645], %gather3A_642 {strides = array<i32>} : memref<2x2048xf32, #tpu.memory_space<vmem>>, vector<16xf32>,
        %add3A_647 = arith.constant 176 : i32
        %add3A_648 = arith.addi %mul3A_528, %add3A_647 : i32
        %get3A_649 = arith.constant 0 : i32
        %get3A_650 = arith.index_cast %get3A_649 : i32 to index
        %get3A_651 = arith.index_cast %add3A_648 : i32 to index
        %get3A_652 = tpu.vector_load %arg6[%get3A_650, %get3A_651] {strides = array<i32>} : memref<2x2048xi32, #tpu.memory_space<vmem>>, vector<16xi32>,
        %gather3A_653 = tpu.vector_load_idx %arg5[%get3A_652] : memref<100000xf32, #tpu.memory_space<vmem>>[vector<16xi32>], vector<16xf32>,
        %swap3A_654 = arith.constant 0 : i32
        %swap3A_655 = arith.index_cast %swap3A_654 : i32 to index
        %swap3A_656 = arith.index_cast %add3A_648 : i32 to index
        %swap3A_657 = tpu.vector_load %arg7[%swap3A_655, %swap3A_656] {strides = array<i32>} : memref<2x2048xf32, #tpu.memory_space<vmem>>, vector<16xf32>,
        tpu.vector_store %arg7[%swap3A_655, %swap3A_656], %gather3A_653 {strides = array<i32>} : memref<2x2048xf32, #tpu.memory_space<vmem>>, vector<16xf32>,
        %add3A_658 = arith.constant 192 : i32
        %add3A_659 = arith.addi %mul3A_528, %add3A_658 : i32
        %get3A_660 = arith.constant 0 : i32
        %get3A_661 = arith.index_cast %get3A_660 : i32 to index
        %get3A_662 = arith.index_cast %add3A_659 : i32 to index
        %get3A_663 = tpu.vector_load %arg6[%get3A_661, %get3A_662] {strides = array<i32>} : memref<2x2048xi32, #tpu.memory_space<vmem>>, vector<16xi32>,
        %gather3A_664 = tpu.vector_load_idx %arg5[%get3A_663] : memref<100000xf32, #tpu.memory_space<vmem>>[vector<16xi32>], vector<16xf32>,
        %swap3A_665 = arith.constant 0 : i32
        %swap3A_666 = arith.index_cast %swap3A_665 : i32 to index
        %swap3A_667 = arith.index_cast %add3A_659 : i32 to index
        %swap3A_668 = tpu.vector_load %arg7[%swap3A_666, %swap3A_667] {strides = array<i32>} : memref<2x2048xf32, #tpu.memory_space<vmem>>, vector<16xf32>,
        tpu.vector_store %arg7[%swap3A_666, %swap3A_667], %gather3A_664 {strides = array<i32>} : memref<2x2048xf32, #tpu.memory_space<vmem>>, vector<16xf32>,
        %add3A_669 = arith.constant 208 : i32
        %add3A_670 = arith.addi %mul3A_528, %add3A_669 : i32
        %get3A_671 = arith.constant 0 : i32
        %get3A_672 = arith.index_cast %get3A_671 : i32 to index
        %get3A_673 = arith.index_cast %add3A_670 : i32 to index
        %get3A_674 = tpu.vector_load %arg6[%get3A_672, %get3A_673] {strides = array<i32>} : memref<2x2048xi32, #tpu.memory_space<vmem>>, vector<16xi32>,
        %gather3A_675 = tpu.vector_load_idx %arg5[%get3A_674] : memref<100000xf32, #tpu.memory_space<vmem>>[vector<16xi32>], vector<16xf32>,
        %swap3A_676 = arith.constant 0 : i32
        %swap3A_677 = arith.index_cast %swap3A_676 : i32 to index
        %swap3A_678 = arith.index_cast %add3A_670 : i32 to index
        %swap3A_679 = tpu.vector_load %arg7[%swap3A_677, %swap3A_678] {strides = array<i32>} : memref<2x2048xf32, #tpu.memory_space<vmem>>, vector<16xf32>,
        tpu.vector_store %arg7[%swap3A_677, %swap3A_678], %gather3A_675 {strides = array<i32>} : memref<2x2048xf32, #tpu.memory_space<vmem>>, vector<16xf32>,
        %add3A_680 = arith.constant 224 : i32
        %add3A_681 = arith.addi %mul3A_528, %add3A_680 : i32
        %get3A_682 = arith.constant 0 : i32
        %get3A_683 = arith.index_cast %get3A_682 : i32 to index
        %get3A_684 = arith.index_cast %add3A_681 : i32 to index
        %get3A_685 = tpu.vector_load %arg6[%get3A_683, %get3A_684] {strides = array<i32>} : memref<2x2048xi32, #tpu.memory_space<vmem>>, vector<16xi32>,
        %gather3A_686 = tpu.vector_load_idx %arg5[%get3A_685] : memref<100000xf32, #tpu.memory_space<vmem>>[vector<16xi32>], vector<16xf32>,
        %swap3A_687 = arith.constant 0 : i32
        %swap3A_688 = arith.index_cast %swap3A_687 : i32 to index
        %swap3A_689 = arith.index_cast %add3A_681 : i32 to index
        %swap3A_690 = tpu.vector_load %arg7[%swap3A_688, %swap3A_689] {strides = array<i32>} : memref<2x2048xf32, #tpu.memory_space<vmem>>, vector<16xf32>,
        tpu.vector_store %arg7[%swap3A_688, %swap3A_689], %gather3A_686 {strides = array<i32>} : memref<2x2048xf32, #tpu.memory_space<vmem>>, vector<16xf32>,
        %add3A_691 = arith.constant 240 : i32
        %add3A_692 = arith.addi %mul3A_528, %add3A_691 : i32
        %get3A_693 = arith.constant 0 : i32
        %get3A_694 = arith.index_cast %get3A_693 : i32 to index
        %get3A_695 = arith.index_cast %add3A_692 : i32 to index
        %get3A_696 = tpu.vector_load %arg6[%get3A_694, %get3A_695] {strides = array<i32>} : memref<2x2048xi32, #tpu.memory_space<vmem>>, vector<16xi32>,
        %gather3A_697 = tpu.vector_load_idx %arg5[%get3A_696] : memref<100000xf32, #tpu.memory_space<vmem>>[vector<16xi32>], vector<16xf32>,
        %swap3A_698 = arith.constant 0 : i32
        %swap3A_699 = arith.index_cast %swap3A_698 : i32 to index
        %swap3A_700 = arith.index_cast %add3A_692 : i32 to index
        %swap3A_701 = tpu.vector_load %arg7[%swap3A_699, %swap3A_700] {strides = array<i32>} : memref<2x2048xf32, #tpu.memory_space<vmem>>, vector<16xf32>,
        tpu.vector_store %arg7[%swap3A_699, %swap3A_700], %gather3A_697 {strides = array<i32>} : memref<2x2048xf32, #tpu.memory_space<vmem>>, vector<16xf32>,
      }
      %scan3A_343 = arith.constant 8 : i32
      %dma_start3A_344 = arith.constant 0 : i32
      %dma_start3A_345 = arith.constant 0 : i32
      %dma_start3A_346 = tpu.memref_slice %arg7[%dma_start3A_344, %dma_start3A_345] : memref<2x2048xf32, #tpu.memory_space<vmem>> -> memref<1x2048xf32, #tpu.memory_space<vmem>>
      %dma_start3A_347 = tpu.memref_squeeze %dma_start3A_346 : memref<1x2048xf32, #tpu.memory_space<vmem>> -> memref<2048xf32, #tpu.memory_space<vmem>>
      %dma_start3A_348 = arith.constant 8192 : i32
      %dma_start3A_349 = tpu.memref_slice %arg4[%add3A_38, %dma_start3A_348] : memref<832x16384xf32, #tpu.memory_space<hbm>> -> memref<1x2048xf32, #tpu.memory_space<hbm>>
      %dma_start3A_350 = tpu.memref_squeeze %dma_start3A_349 : memref<1x2048xf32, #tpu.memory_space<hbm>> -> memref<2048xf32, #tpu.memory_space<hbm>>
      %dma_start3A_351 = arith.constant 8192 : i32
      %dma_start3A_352 = tpu.memref_slice %arg4[%add3A_38, %dma_start3A_351] : memref<832x16384xf32, #tpu.memory_space<hbm>> -> memref<1x2048xf32, #tpu.memory_space<hbm>>
      %dma_start3A_353 = tpu.memref_squeeze %dma_start3A_352 : memref<1x2048xf32, #tpu.memory_space<hbm>> -> memref<2048xf32, #tpu.memory_space<hbm>>
      %dma_start3A_354 = arith.constant 0 : i32
      %dma_start3A_355 = tpu.memref_slice %arg7[%dma_start3A_344, %dma_start3A_354] : memref<2x2048xf32, #tpu.memory_space<vmem>> -> memref<1x2048xf32, #tpu.memory_space<vmem>>
      %dma_start3A_356 = tpu.memref_squeeze %dma_start3A_355 : memref<1x2048xf32, #tpu.memory_space<vmem>> -> memref<2048xf32, #tpu.memory_space<vmem>>
      tpu.enqueue_dma source(%dma_start3A_356 : memref<2048xf32, #tpu.memory_space<vmem>>) target(%dma_start3A_353 : memref<2048xf32, #tpu.memory_space<hbm>>) target_semaphore(%arg11 : memref<!tpu.dma_semaphore, #tpu.memory_space<semaphore_mem>>)
      %dma_wait3A_357 = arith.constant 0 : i32
      %dma_wait3A_358 = arith.constant 1 : i32
      %dma_wait3A_359 = arith.constant 0 : i32
      %dma_wait3A_360 = tpu.memref_slice %arg6[%dma_wait3A_358, %dma_wait3A_359] : memref<2x2048xi32, #tpu.memory_space<vmem>> -> memref<1x2048xi32, #tpu.memory_space<vmem>>
      %dma_wait3A_361 = tpu.memref_squeeze %dma_wait3A_360 : memref<1x2048xi32, #tpu.memory_space<vmem>> -> memref<2048xi32, #tpu.memory_space<vmem>>
      %dma_wait3A_362 = arith.constant 0 : i32
      %dma_wait3A_363 = tpu.memref_slice %arg8[%dma_wait3A_357, %dma_wait3A_362] : memref<2x16384xi32, #tpu.memory_space<vmem_shared>> -> memref<1x2048xi32, #tpu.memory_space<vmem_shared>>
      %dma_wait3A_364 = tpu.memref_squeeze %dma_wait3A_363 : memref<1x2048xi32, #tpu.memory_space<vmem_shared>> -> memref<2048xi32, #tpu.memory_space<vmem_shared>>
      %dma_wait3A_365 = arith.constant 0 : i32
      %dma_wait3A_366 = tpu.memref_slice %arg6[%dma_wait3A_358, %dma_wait3A_365] : memref<2x2048xi32, #tpu.memory_space<vmem>> -> memref<1x2048xi32, #tpu.memory_space<vmem>>
      %dma_wait3A_367 = tpu.memref_squeeze %dma_wait3A_366 : memref<1x2048xi32, #tpu.memory_space<vmem>> -> memref<2048xi32, #tpu.memory_space<vmem>>
      %dma_wait3A_368 = arith.constant 0 : i32
      %dma_wait3A_369 = tpu.memref_slice %arg8[%dma_wait3A_357, %dma_wait3A_368] : memref<2x16384xi32, #tpu.memory_space<vmem_shared>> -> memref<1x2048xi32, #tpu.memory_space<vmem_shared>>
      %dma_wait3A_370 = tpu.memref_squeeze %dma_wait3A_369 : memref<1x2048xi32, #tpu.memory_space<vmem_shared>> -> memref<2048xi32, #tpu.memory_space<vmem_shared>>
      tpu.wait_dma2 semaphore(%arg10 : memref<!tpu.dma_semaphore, #tpu.memory_space<semaphore_mem>>) src(%dma_wait3A_370 : memref<2048xi32, #tpu.memory_space<vmem_shared>>) dst(%dma_wait3A_367 : memref<2048xi32, #tpu.memory_space<vmem>>)
      %dma_wait3A_371 = arith.constant 0 : i32
      %dma_wait3A_372 = arith.constant 1 : i32
      %dma_wait3A_373 = arith.constant 0 : i32
      %dma_wait3A_374 = tpu.memref_slice %arg7[%dma_wait3A_372, %dma_wait3A_373] : memref<2x2048xf32, #tpu.memory_space<vmem>> -> memref<1x2048xf32, #tpu.memory_space<vmem>>
      %dma_wait3A_375 = tpu.memref_squeeze %dma_wait3A_374 : memref<1x2048xf32, #tpu.memory_space<vmem>> -> memref<2048xf32, #tpu.memory_space<vmem>>
      %dma_wait3A_376 = arith.constant 0 : i32
      %dma_wait3A_377 = tpu.memref_slice %arg4[%dma_wait3A_371, %dma_wait3A_376] : memref<832x16384xf32, #tpu.memory_space<hbm>> -> memref<1x2048xf32, #tpu.memory_space<hbm>>
      %dma_wait3A_378 = tpu.memref_squeeze %dma_wait3A_377 : memref<1x2048xf32, #tpu.memory_space<hbm>> -> memref<2048xf32, #tpu.memory_space<hbm>>
      %dma_wait3A_379 = arith.constant 0 : i32
      %dma_wait3A_380 = tpu.memref_slice %arg7[%dma_wait3A_372, %dma_wait3A_379] : memref<2x2048xf32, #tpu.memory_space<vmem>> -> memref<1x2048xf32, #tpu.memory_space<vmem>>
      %dma_wait3A_381 = tpu.memref_squeeze %dma_wait3A_380 : memref<1x2048xf32, #tpu.memory_space<vmem>> -> memref<2048xf32, #tpu.memory_space<vmem>>
      %dma_wait3A_382 = arith.constant 0 : i32
      %dma_wait3A_383 = tpu.memref_slice %arg4[%dma_wait3A_371, %dma_wait3A_382] : memref<832x16384xf32, #tpu.memory_space<hbm>> -> memref<1x2048xf32, #tpu.memory_space<hbm>>
      %dma_wait3A_384 = tpu.memref_squeeze %dma_wait3A_383 : memref<1x2048xf32, #tpu.memory_space<hbm>> -> memref<2048xf32, #tpu.memory_space<hbm>>
      tpu.wait_dma2 semaphore(%arg11 : memref<!tpu.dma_semaphore, #tpu.memory_space<semaphore_mem>>) src(%dma_wait3A_384 : memref<2048xf32, #tpu.memory_space<hbm>>) dst(%dma_wait3A_381 : memref<2048xf32, #tpu.memory_space<vmem>>)
      %dma_start3A_385 = arith.constant 0 : i32
      %dma_start3A_386 = arith.constant 0 : i32
      %dma_start3A_387 = tpu.memref_slice %arg6[%dma_start3A_385, %dma_start3A_386] : memref<2x2048xi32, #tpu.memory_space<vmem>> -> memref<1x2048xi32, #tpu.memory_space<vmem>>
      %dma_start3A_388 = tpu.memref_squeeze %dma_start3A_387 : memref<1x2048xi32, #tpu.memory_space<vmem>> -> memref<2048xi32, #tpu.memory_space<vmem>>
      %dma_start3A_389 = arith.constant 12288 : i32
      %dma_start3A_390 = tpu.memref_slice %arg8[%and3A_44, %dma_start3A_389] : memref<2x16384xi32, #tpu.memory_space<vmem_shared>> -> memref<1x2048xi32, #tpu.memory_space<vmem_shared>>
      %dma_start3A_391 = tpu.memref_squeeze %dma_start3A_390 : memref<1x2048xi32, #tpu.memory_space<vmem_shared>> -> memref<2048xi32, #tpu.memory_space<vmem_shared>>
      %dma_start3A_392 = arith.constant 0 : i32
      %dma_start3A_393 = tpu.memref_slice %arg6[%dma_start3A_385, %dma_start3A_392] : memref<2x2048xi32, #tpu.memory_space<vmem>> -> memref<1x2048xi32, #tpu.memory_space<vmem>>
      %dma_start3A_394 = tpu.memref_squeeze %dma_start3A_393 : memref<1x2048xi32, #tpu.memory_space<vmem>> -> memref<2048xi32, #tpu.memory_space<vmem>>
      %dma_start3A_395 = arith.constant 12288 : i32
      %dma_start3A_396 = tpu.memref_slice %arg8[%and3A_44, %dma_start3A_395] : memref<2x16384xi32, #tpu.memory_space<vmem_shared>> -> memref<1x2048xi32, #tpu.memory_space<vmem_shared>>
      %dma_start3A_397 = tpu.memref_squeeze %dma_start3A_396 : memref<1x2048xi32, #tpu.memory_space<vmem_shared>> -> memref<2048xi32, #tpu.memory_space<vmem_shared>>
      tpu.enqueue_dma source(%dma_start3A_397 : memref<2048xi32, #tpu.memory_space<vmem_shared>>) target(%dma_start3A_394 : memref<2048xi32, #tpu.memory_space<vmem>>) target_semaphore(%arg10 : memref<!tpu.dma_semaphore, #tpu.memory_space<semaphore_mem>>)
      %scan3A_398 = arith.constant 0 : i32
      %scan3A_399 = arith.constant 0 : i32
      %scan3A_400 = arith.constant 8 : i32
      %scan3A_401 = arith.addi %scan3A_399, %scan3A_400 : i32
      %scan3A_402 = arith.constant 1 : i32
      scf.for %scan3A_524 = %scan3A_399 to %scan3A_401 step %scan3A_402  : i32 {
        %mul3A_525 = arith.constant 16 : i32
        %mul3A_526 = arith.muli %scan3A_524, %mul3A_525 : i32
        %mul3A_527 = arith.constant 16 : i32
        %mul3A_528 = arith.muli %mul3A_526, %mul3A_527 : i32
        %add3A_529 = arith.constant 0 : i32
        %add3A_530 = arith.addi %mul3A_528, %add3A_529 : i32
        %get3A = arith.constant 1 : i32
        %get3A_531 = arith.index_cast %get3A : i32 to index
        %get3A_532 = arith.index_cast %add3A_530 : i32 to index
        %get3A_533 = tpu.vector_load %arg6[%get3A_531, %get3A_532] {strides = array<i32>} : memref<2x2048xi32, #tpu.memory_space<vmem>>, vector<16xi32>,
        %gather3A = tpu.vector_load_idx %arg5[%get3A_533] : memref<100000xf32, #tpu.memory_space<vmem>>[vector<16xi32>], vector<16xf32>,
        %swap3A = arith.constant 1 : i32
        %swap3A_534 = arith.index_cast %swap3A : i32 to index
        %swap3A_535 = arith.index_cast %add3A_530 : i32 to index
        %swap3A_536 = tpu.vector_load %arg7[%swap3A_534, %swap3A_535] {strides = array<i32>} : memref<2x2048xf32, #tpu.memory_space<vmem>>, vector<16xf32>,
        tpu.vector_store %arg7[%swap3A_534, %swap3A_535], %gather3A {strides = array<i32>} : memref<2x2048xf32, #tpu.memory_space<vmem>>, vector<16xf32>,
        %add3A_537 = arith.constant 16 : i32
        %add3A_538 = arith.addi %mul3A_528, %add3A_537 : i32
        %get3A_539 = arith.constant 1 : i32
        %get3A_540 = arith.index_cast %get3A_539 : i32 to index
        %get3A_541 = arith.index_cast %add3A_538 : i32 to index
        %get3A_542 = tpu.vector_load %arg6[%get3A_540, %get3A_541] {strides = array<i32>} : memref<2x2048xi32, #tpu.memory_space<vmem>>, vector<16xi32>,
        %gather3A_543 = tpu.vector_load_idx %arg5[%get3A_542] : memref<100000xf32, #tpu.memory_space<vmem>>[vector<16xi32>], vector<16xf32>,
        %swap3A_544 = arith.constant 1 : i32
        %swap3A_545 = arith.index_cast %swap3A_544 : i32 to index
        %swap3A_546 = arith.index_cast %add3A_538 : i32 to index
        %swap3A_547 = tpu.vector_load %arg7[%swap3A_545, %swap3A_546] {strides = array<i32>} : memref<2x2048xf32, #tpu.memory_space<vmem>>, vector<16xf32>,
        tpu.vector_store %arg7[%swap3A_545, %swap3A_546], %gather3A_543 {strides = array<i32>} : memref<2x2048xf32, #tpu.memory_space<vmem>>, vector<16xf32>,
        %add3A_548 = arith.constant 32 : i32
        %add3A_549 = arith.addi %mul3A_528, %add3A_548 : i32
        %get3A_550 = arith.constant 1 : i32
        %get3A_551 = arith.index_cast %get3A_550 : i32 to index
        %get3A_552 = arith.index_cast %add3A_549 : i32 to index
        %get3A_553 = tpu.vector_load %arg6[%get3A_551, %get3A_552] {strides = array<i32>} : memref<2x2048xi32, #tpu.memory_space<vmem>>, vector<16xi32>,
        %gather3A_554 = tpu.vector_load_idx %arg5[%get3A_553] : memref<100000xf32, #tpu.memory_space<vmem>>[vector<16xi32>], vector<16xf32>,
        %swap3A_555 = arith.constant 1 : i32
        %swap3A_556 = arith.index_cast %swap3A_555 : i32 to index
        %swap3A_557 = arith.index_cast %add3A_549 : i32 to index
        %swap3A_558 = tpu.vector_load %arg7[%swap3A_556, %swap3A_557] {strides = array<i32>} : memref<2x2048xf32, #tpu.memory_space<vmem>>, vector<16xf32>,
        tpu.vector_store %arg7[%swap3A_556, %swap3A_557], %gather3A_554 {strides = array<i32>} : memref<2x2048xf32, #tpu.memory_space<vmem>>, vector<16xf32>,
        %add3A_559 = arith.constant 48 : i32
        %add3A_560 = arith.addi %mul3A_528, %add3A_559 : i32
        %get3A_561 = arith.constant 1 : i32
        %get3A_562 = arith.index_cast %get3A_561 : i32 to index
        %get3A_563 = arith.index_cast %add3A_560 : i32 to index
        %get3A_564 = tpu.vector_load %arg6[%get3A_562, %get3A_563] {strides = array<i32>} : memref<2x2048xi32, #tpu.memory_space<vmem>>, vector<16xi32>,
        %gather3A_565 = tpu.vector_load_idx %arg5[%get3A_564] : memref<100000xf32, #tpu.memory_space<vmem>>[vector<16xi32>], vector<16xf32>,
        %swap3A_566 = arith.constant 1 : i32
        %swap3A_567 = arith.index_cast %swap3A_566 : i32 to index
        %swap3A_568 = arith.index_cast %add3A_560 : i32 to index
        %swap3A_569 = tpu.vector_load %arg7[%swap3A_567, %swap3A_568] {strides = array<i32>} : memref<2x2048xf32, #tpu.memory_space<vmem>>, vector<16xf32>,
        tpu.vector_store %arg7[%swap3A_567, %swap3A_568], %gather3A_565 {strides = array<i32>} : memref<2x2048xf32, #tpu.memory_space<vmem>>, vector<16xf32>,
        %add3A_570 = arith.constant 64 : i32
        %add3A_571 = arith.addi %mul3A_528, %add3A_570 : i32
        %get3A_572 = arith.constant 1 : i32
        %get3A_573 = arith.index_cast %get3A_572 : i32 to index
        %get3A_574 = arith.index_cast %add3A_571 : i32 to index
        %get3A_575 = tpu.vector_load %arg6[%get3A_573, %get3A_574] {strides = array<i32>} : memref<2x2048xi32, #tpu.memory_space<vmem>>, vector<16xi32>,
        %gather3A_576 = tpu.vector_load_idx %arg5[%get3A_575] : memref<100000xf32, #tpu.memory_space<vmem>>[vector<16xi32>], vector<16xf32>,
        %swap3A_577 = arith.constant 1 : i32
        %swap3A_578 = arith.index_cast %swap3A_577 : i32 to index
        %swap3A_579 = arith.index_cast %add3A_571 : i32 to index
        %swap3A_580 = tpu.vector_load %arg7[%swap3A_578, %swap3A_579] {strides = array<i32>} : memref<2x2048xf32, #tpu.memory_space<vmem>>, vector<16xf32>,
        tpu.vector_store %arg7[%swap3A_578, %swap3A_579], %gather3A_576 {strides = array<i32>} : memref<2x2048xf32, #tpu.memory_space<vmem>>, vector<16xf32>,
        %add3A_581 = arith.constant 80 : i32
        %add3A_582 = arith.addi %mul3A_528, %add3A_581 : i32
        %get3A_583 = arith.constant 1 : i32
        %get3A_584 = arith.index_cast %get3A_583 : i32 to index
        %get3A_585 = arith.index_cast %add3A_582 : i32 to index
        %get3A_586 = tpu.vector_load %arg6[%get3A_584, %get3A_585] {strides = array<i32>} : memref<2x2048xi32, #tpu.memory_space<vmem>>, vector<16xi32>,
        %gather3A_587 = tpu.vector_load_idx %arg5[%get3A_586] : memref<100000xf32, #tpu.memory_space<vmem>>[vector<16xi32>], vector<16xf32>,
        %swap3A_588 = arith.constant 1 : i32
        %swap3A_589 = arith.index_cast %swap3A_588 : i32 to index
        %swap3A_590 = arith.index_cast %add3A_582 : i32 to index
        %swap3A_591 = tpu.vector_load %arg7[%swap3A_589, %swap3A_590] {strides = array<i32>} : memref<2x2048xf32, #tpu.memory_space<vmem>>, vector<16xf32>,
        tpu.vector_store %arg7[%swap3A_589, %swap3A_590], %gather3A_587 {strides = array<i32>} : memref<2x2048xf32, #tpu.memory_space<vmem>>, vector<16xf32>,
        %add3A_592 = arith.constant 96 : i32
        %add3A_593 = arith.addi %mul3A_528, %add3A_592 : i32
        %get3A_594 = arith.constant 1 : i32
        %get3A_595 = arith.index_cast %get3A_594 : i32 to index
        %get3A_596 = arith.index_cast %add3A_593 : i32 to index
        %get3A_597 = tpu.vector_load %arg6[%get3A_595, %get3A_596] {strides = array<i32>} : memref<2x2048xi32, #tpu.memory_space<vmem>>, vector<16xi32>,
        %gather3A_598 = tpu.vector_load_idx %arg5[%get3A_597] : memref<100000xf32, #tpu.memory_space<vmem>>[vector<16xi32>], vector<16xf32>,
        %swap3A_599 = arith.constant 1 : i32
        %swap3A_600 = arith.index_cast %swap3A_599 : i32 to index
        %swap3A_601 = arith.index_cast %add3A_593 : i32 to index
        %swap3A_602 = tpu.vector_load %arg7[%swap3A_600, %swap3A_601] {strides = array<i32>} : memref<2x2048xf32, #tpu.memory_space<vmem>>, vector<16xf32>,
        tpu.vector_store %arg7[%swap3A_600, %swap3A_601], %gather3A_598 {strides = array<i32>} : memref<2x2048xf32, #tpu.memory_space<vmem>>, vector<16xf32>,
        %add3A_603 = arith.constant 112 : i32
        %add3A_604 = arith.addi %mul3A_528, %add3A_603 : i32
        %get3A_605 = arith.constant 1 : i32
        %get3A_606 = arith.index_cast %get3A_605 : i32 to index
        %get3A_607 = arith.index_cast %add3A_604 : i32 to index
        %get3A_608 = tpu.vector_load %arg6[%get3A_606, %get3A_607] {strides = array<i32>} : memref<2x2048xi32, #tpu.memory_space<vmem>>, vector<16xi32>,
        %gather3A_609 = tpu.vector_load_idx %arg5[%get3A_608] : memref<100000xf32, #tpu.memory_space<vmem>>[vector<16xi32>], vector<16xf32>,
        %swap3A_610 = arith.constant 1 : i32
        %swap3A_611 = arith.index_cast %swap3A_610 : i32 to index
        %swap3A_612 = arith.index_cast %add3A_604 : i32 to index
        %swap3A_613 = tpu.vector_load %arg7[%swap3A_611, %swap3A_612] {strides = array<i32>} : memref<2x2048xf32, #tpu.memory_space<vmem>>, vector<16xf32>,
        tpu.vector_store %arg7[%swap3A_611, %swap3A_612], %gather3A_609 {strides = array<i32>} : memref<2x2048xf32, #tpu.memory_space<vmem>>, vector<16xf32>,
        %add3A_614 = arith.constant 128 : i32
        %add3A_615 = arith.addi %mul3A_528, %add3A_614 : i32
        %get3A_616 = arith.constant 1 : i32
        %get3A_617 = arith.index_cast %get3A_616 : i32 to index
        %get3A_618 = arith.index_cast %add3A_615 : i32 to index
        %get3A_619 = tpu.vector_load %arg6[%get3A_617, %get3A_618] {strides = array<i32>} : memref<2x2048xi32, #tpu.memory_space<vmem>>, vector<16xi32>,
        %gather3A_620 = tpu.vector_load_idx %arg5[%get3A_619] : memref<100000xf32, #tpu.memory_space<vmem>>[vector<16xi32>], vector<16xf32>,
        %swap3A_621 = arith.constant 1 : i32
        %swap3A_622 = arith.index_cast %swap3A_621 : i32 to index
        %swap3A_623 = arith.index_cast %add3A_615 : i32 to index
        %swap3A_624 = tpu.vector_load %arg7[%swap3A_622, %swap3A_623] {strides = array<i32>} : memref<2x2048xf32, #tpu.memory_space<vmem>>, vector<16xf32>,
        tpu.vector_store %arg7[%swap3A_622, %swap3A_623], %gather3A_620 {strides = array<i32>} : memref<2x2048xf32, #tpu.memory_space<vmem>>, vector<16xf32>,
        %add3A_625 = arith.constant 144 : i32
        %add3A_626 = arith.addi %mul3A_528, %add3A_625 : i32
        %get3A_627 = arith.constant 1 : i32
        %get3A_628 = arith.index_cast %get3A_627 : i32 to index
        %get3A_629 = arith.index_cast %add3A_626 : i32 to index
        %get3A_630 = tpu.vector_load %arg6[%get3A_628, %get3A_629] {strides = array<i32>} : memref<2x2048xi32, #tpu.memory_space<vmem>>, vector<16xi32>,
        %gather3A_631 = tpu.vector_load_idx %arg5[%get3A_630] : memref<100000xf32, #tpu.memory_space<vmem>>[vector<16xi32>], vector<16xf32>,
        %swap3A_632 = arith.constant 1 : i32
        %swap3A_633 = arith.index_cast %swap3A_632 : i32 to index
        %swap3A_634 = arith.index_cast %add3A_626 : i32 to index
        %swap3A_635 = tpu.vector_load %arg7[%swap3A_633, %swap3A_634] {strides = array<i32>} : memref<2x2048xf32, #tpu.memory_space<vmem>>, vector<16xf32>,
        tpu.vector_store %arg7[%swap3A_633, %swap3A_634], %gather3A_631 {strides = array<i32>} : memref<2x2048xf32, #tpu.memory_space<vmem>>, vector<16xf32>,
        %add3A_636 = arith.constant 160 : i32
        %add3A_637 = arith.addi %mul3A_528, %add3A_636 : i32
        %get3A_638 = arith.constant 1 : i32
        %get3A_639 = arith.index_cast %get3A_638 : i32 to index
        %get3A_640 = arith.index_cast %add3A_637 : i32 to index
        %get3A_641 = tpu.vector_load %arg6[%get3A_639, %get3A_640] {strides = array<i32>} : memref<2x2048xi32, #tpu.memory_space<vmem>>, vector<16xi32>,
        %gather3A_642 = tpu.vector_load_idx %arg5[%get3A_641] : memref<100000xf32, #tpu.memory_space<vmem>>[vector<16xi32>], vector<16xf32>,
        %swap3A_643 = arith.constant 1 : i32
        %swap3A_644 = arith.index_cast %swap3A_643 : i32 to index
        %swap3A_645 = arith.index_cast %add3A_637 : i32 to index
        %swap3A_646 = tpu.vector_load %arg7[%swap3A_644, %swap3A_645] {strides = array<i32>} : memref<2x2048xf32, #tpu.memory_space<vmem>>, vector<16xf32>,
        tpu.vector_store %arg7[%swap3A_644, %swap3A_645], %gather3A_642 {strides = array<i32>} : memref<2x2048xf32, #tpu.memory_space<vmem>>, vector<16xf32>,
        %add3A_647 = arith.constant 176 : i32
        %add3A_648 = arith.addi %mul3A_528, %add3A_647 : i32
        %get3A_649 = arith.constant 1 : i32
        %get3A_650 = arith.index_cast %get3A_649 : i32 to index
        %get3A_651 = arith.index_cast %add3A_648 : i32 to index
        %get3A_652 = tpu.vector_load %arg6[%get3A_650, %get3A_651] {strides = array<i32>} : memref<2x2048xi32, #tpu.memory_space<vmem>>, vector<16xi32>,
        %gather3A_653 = tpu.vector_load_idx %arg5[%get3A_652] : memref<100000xf32, #tpu.memory_space<vmem>>[vector<16xi32>], vector<16xf32>,
        %swap3A_654 = arith.constant 1 : i32
        %swap3A_655 = arith.index_cast %swap3A_654 : i32 to index
        %swap3A_656 = arith.index_cast %add3A_648 : i32 to index
        %swap3A_657 = tpu.vector_load %arg7[%swap3A_655, %swap3A_656] {strides = array<i32>} : memref<2x2048xf32, #tpu.memory_space<vmem>>, vector<16xf32>,
        tpu.vector_store %arg7[%swap3A_655, %swap3A_656], %gather3A_653 {strides = array<i32>} : memref<2x2048xf32, #tpu.memory_space<vmem>>, vector<16xf32>,
        %add3A_658 = arith.constant 192 : i32
        %add3A_659 = arith.addi %mul3A_528, %add3A_658 : i32
        %get3A_660 = arith.constant 1 : i32
        %get3A_661 = arith.index_cast %get3A_660 : i32 to index
        %get3A_662 = arith.index_cast %add3A_659 : i32 to index
        %get3A_663 = tpu.vector_load %arg6[%get3A_661, %get3A_662] {strides = array<i32>} : memref<2x2048xi32, #tpu.memory_space<vmem>>, vector<16xi32>,
        %gather3A_664 = tpu.vector_load_idx %arg5[%get3A_663] : memref<100000xf32, #tpu.memory_space<vmem>>[vector<16xi32>], vector<16xf32>,
        %swap3A_665 = arith.constant 1 : i32
        %swap3A_666 = arith.index_cast %swap3A_665 : i32 to index
        %swap3A_667 = arith.index_cast %add3A_659 : i32 to index
        %swap3A_668 = tpu.vector_load %arg7[%swap3A_666, %swap3A_667] {strides = array<i32>} : memref<2x2048xf32, #tpu.memory_space<vmem>>, vector<16xf32>,
        tpu.vector_store %arg7[%swap3A_666, %swap3A_667], %gather3A_664 {strides = array<i32>} : memref<2x2048xf32, #tpu.memory_space<vmem>>, vector<16xf32>,
        %add3A_669 = arith.constant 208 : i32
        %add3A_670 = arith.addi %mul3A_528, %add3A_669 : i32
        %get3A_671 = arith.constant 1 : i32
        %get3A_672 = arith.index_cast %get3A_671 : i32 to index
        %get3A_673 = arith.index_cast %add3A_670 : i32 to index
        %get3A_674 = tpu.vector_load %arg6[%get3A_672, %get3A_673] {strides = array<i32>} : memref<2x2048xi32, #tpu.memory_space<vmem>>, vector<16xi32>,
        %gather3A_675 = tpu.vector_load_idx %arg5[%get3A_674] : memref<100000xf32, #tpu.memory_space<vmem>>[vector<16xi32>], vector<16xf32>,
        %swap3A_676 = arith.constant 1 : i32
        %swap3A_677 = arith.index_cast %swap3A_676 : i32 to index
        %swap3A_678 = arith.index_cast %add3A_670 : i32 to index
        %swap3A_679 = tpu.vector_load %arg7[%swap3A_677, %swap3A_678] {strides = array<i32>} : memref<2x2048xf32, #tpu.memory_space<vmem>>, vector<16xf32>,
        tpu.vector_store %arg7[%swap3A_677, %swap3A_678], %gather3A_675 {strides = array<i32>} : memref<2x2048xf32, #tpu.memory_space<vmem>>, vector<16xf32>,
        %add3A_680 = arith.constant 224 : i32
        %add3A_681 = arith.addi %mul3A_528, %add3A_680 : i32
        %get3A_682 = arith.constant 1 : i32
        %get3A_683 = arith.index_cast %get3A_682 : i32 to index
        %get3A_684 = arith.index_cast %add3A_681 : i32 to index
        %get3A_685 = tpu.vector_load %arg6[%get3A_683, %get3A_684] {strides = array<i32>} : memref<2x2048xi32, #tpu.memory_space<vmem>>, vector<16xi32>,
        %gather3A_686 = tpu.vector_load_idx %arg5[%get3A_685] : memref<100000xf32, #tpu.memory_space<vmem>>[vector<16xi32>], vector<16xf32>,
        %swap3A_687 = arith.constant 1 : i32
        %swap3A_688 = arith.index_cast %swap3A_687 : i32 to index
        %swap3A_689 = arith.index_cast %add3A_681 : i32 to index
        %swap3A_690 = tpu.vector_load %arg7[%swap3A_688, %swap3A_689] {strides = array<i32>} : memref<2x2048xf32, #tpu.memory_space<vmem>>, vector<16xf32>,
        tpu.vector_store %arg7[%swap3A_688, %swap3A_689], %gather3A_686 {strides = array<i32>} : memref<2x2048xf32, #tpu.memory_space<vmem>>, vector<16xf32>,
        %add3A_691 = arith.constant 240 : i32
        %add3A_692 = arith.addi %mul3A_528, %add3A_691 : i32
        %get3A_693 = arith.constant 1 : i32
        %get3A_694 = arith.index_cast %get3A_693 : i32 to index
        %get3A_695 = arith.index_cast %add3A_692 : i32 to index
        %get3A_696 = tpu.vector_load %arg6[%get3A_694, %get3A_695] {strides = array<i32>} : memref<2x2048xi32, #tpu.memory_space<vmem>>, vector<16xi32>,
        %gather3A_697 = tpu.vector_load_idx %arg5[%get3A_696] : memref<100000xf32, #tpu.memory_space<vmem>>[vector<16xi32>], vector<16xf32>,
        %swap3A_698 = arith.constant 1 : i32
        %swap3A_699 = arith.index_cast %swap3A_698 : i32 to index
        %swap3A_700 = arith.index_cast %add3A_692 : i32 to index
        %swap3A_701 = tpu.vector_load %arg7[%swap3A_699, %swap3A_700] {strides = array<i32>} : memref<2x2048xf32, #tpu.memory_space<vmem>>, vector<16xf32>,
        tpu.vector_store %arg7[%swap3A_699, %swap3A_700], %gather3A_697 {strides = array<i32>} : memref<2x2048xf32, #tpu.memory_space<vmem>>, vector<16xf32>,
      }
      %scan3A_403 = arith.constant 8 : i32
      %dma_start3A_404 = arith.constant 1 : i32
      %dma_start3A_405 = arith.constant 0 : i32
      %dma_start3A_406 = tpu.memref_slice %arg7[%dma_start3A_404, %dma_start3A_405] : memref<2x2048xf32, #tpu.memory_space<vmem>> -> memref<1x2048xf32, #tpu.memory_space<vmem>>
      %dma_start3A_407 = tpu.memref_squeeze %dma_start3A_406 : memref<1x2048xf32, #tpu.memory_space<vmem>> -> memref<2048xf32, #tpu.memory_space<vmem>>
      %dma_start3A_408 = arith.constant 10240 : i32
      %dma_start3A_409 = tpu.memref_slice %arg4[%add3A_38, %dma_start3A_408] : memref<832x16384xf32, #tpu.memory_space<hbm>> -> memref<1x2048xf32, #tpu.memory_space<hbm>>
      %dma_start3A_410 = tpu.memref_squeeze %dma_start3A_409 : memref<1x2048xf32, #tpu.memory_space<hbm>> -> memref<2048xf32, #tpu.memory_space<hbm>>
      %dma_start3A_411 = arith.constant 10240 : i32
      %dma_start3A_412 = tpu.memref_slice %arg4[%add3A_38, %dma_start3A_411] : memref<832x16384xf32, #tpu.memory_space<hbm>> -> memref<1x2048xf32, #tpu.memory_space<hbm>>
      %dma_start3A_413 = tpu.memref_squeeze %dma_start3A_412 : memref<1x2048xf32, #tpu.memory_space<hbm>> -> memref<2048xf32, #tpu.memory_space<hbm>>
      %dma_start3A_414 = arith.constant 0 : i32
      %dma_start3A_415 = tpu.memref_slice %arg7[%dma_start3A_404, %dma_start3A_414] : memref<2x2048xf32, #tpu.memory_space<vmem>> -> memref<1x2048xf32, #tpu.memory_space<vmem>>
      %dma_start3A_416 = tpu.memref_squeeze %dma_start3A_415 : memref<1x2048xf32, #tpu.memory_space<vmem>> -> memref<2048xf32, #tpu.memory_space<vmem>>
      tpu.enqueue_dma source(%dma_start3A_416 : memref<2048xf32, #tpu.memory_space<vmem>>) target(%dma_start3A_413 : memref<2048xf32, #tpu.memory_space<hbm>>) target_semaphore(%arg11 : memref<!tpu.dma_semaphore, #tpu.memory_space<semaphore_mem>>)
      %dma_wait3A_417 = arith.constant 0 : i32
      %dma_wait3A_418 = arith.constant 0 : i32
      %dma_wait3A_419 = arith.constant 0 : i32
      %dma_wait3A_420 = tpu.memref_slice %arg6[%dma_wait3A_418, %dma_wait3A_419] : memref<2x2048xi32, #tpu.memory_space<vmem>> -> memref<1x2048xi32, #tpu.memory_space<vmem>>
      %dma_wait3A_421 = tpu.memref_squeeze %dma_wait3A_420 : memref<1x2048xi32, #tpu.memory_space<vmem>> -> memref<2048xi32, #tpu.memory_space<vmem>>
      %dma_wait3A_422 = arith.constant 0 : i32
      %dma_wait3A_423 = tpu.memref_slice %arg8[%dma_wait3A_417, %dma_wait3A_422] : memref<2x16384xi32, #tpu.memory_space<vmem_shared>> -> memref<1x2048xi32, #tpu.memory_space<vmem_shared>>
      %dma_wait3A_424 = tpu.memref_squeeze %dma_wait3A_423 : memref<1x2048xi32, #tpu.memory_space<vmem_shared>> -> memref<2048xi32, #tpu.memory_space<vmem_shared>>
      %dma_wait3A_425 = arith.constant 0 : i32
      %dma_wait3A_426 = tpu.memref_slice %arg6[%dma_wait3A_418, %dma_wait3A_425] : memref<2x2048xi32, #tpu.memory_space<vmem>> -> memref<1x2048xi32, #tpu.memory_space<vmem>>
      %dma_wait3A_427 = tpu.memref_squeeze %dma_wait3A_426 : memref<1x2048xi32, #tpu.memory_space<vmem>> -> memref<2048xi32, #tpu.memory_space<vmem>>
      %dma_wait3A_428 = arith.constant 0 : i32
      %dma_wait3A_429 = tpu.memref_slice %arg8[%dma_wait3A_417, %dma_wait3A_428] : memref<2x16384xi32, #tpu.memory_space<vmem_shared>> -> memref<1x2048xi32, #tpu.memory_space<vmem_shared>>
      %dma_wait3A_430 = tpu.memref_squeeze %dma_wait3A_429 : memref<1x2048xi32, #tpu.memory_space<vmem_shared>> -> memref<2048xi32, #tpu.memory_space<vmem_shared>>
      tpu.wait_dma2 semaphore(%arg10 : memref<!tpu.dma_semaphore, #tpu.memory_space<semaphore_mem>>) src(%dma_wait3A_430 : memref<2048xi32, #tpu.memory_space<vmem_shared>>) dst(%dma_wait3A_427 : memref<2048xi32, #tpu.memory_space<vmem>>)
      %dma_wait3A_431 = arith.constant 0 : i32
      %dma_wait3A_432 = arith.constant 0 : i32
      %dma_wait3A_433 = arith.constant 0 : i32
      %dma_wait3A_434 = tpu.memref_slice %arg7[%dma_wait3A_432, %dma_wait3A_433] : memref<2x2048xf32, #tpu.memory_space<vmem>> -> memref<1x2048xf32, #tpu.memory_space<vmem>>
      %dma_wait3A_435 = tpu.memref_squeeze %dma_wait3A_434 : memref<1x2048xf32, #tpu.memory_space<vmem>> -> memref<2048xf32, #tpu.memory_space<vmem>>
      %dma_wait3A_436 = arith.constant 0 : i32
      %dma_wait3A_437 = tpu.memref_slice %arg4[%dma_wait3A_431, %dma_wait3A_436] : memref<832x16384xf32, #tpu.memory_space<hbm>> -> memref<1x2048xf32, #tpu.memory_space<hbm>>
      %dma_wait3A_438 = tpu.memref_squeeze %dma_wait3A_437 : memref<1x2048xf32, #tpu.memory_space<hbm>> -> memref<2048xf32, #tpu.memory_space<hbm>>
      %dma_wait3A_439 = arith.constant 0 : i32
      %dma_wait3A_440 = tpu.memref_slice %arg7[%dma_wait3A_432, %dma_wait3A_439] : memref<2x2048xf32, #tpu.memory_space<vmem>> -> memref<1x2048xf32, #tpu.memory_space<vmem>>
      %dma_wait3A_441 = tpu.memref_squeeze %dma_wait3A_440 : memref<1x2048xf32, #tpu.memory_space<vmem>> -> memref<2048xf32, #tpu.memory_space<vmem>>
      %dma_wait3A_442 = arith.constant 0 : i32
      %dma_wait3A_443 = tpu.memref_slice %arg4[%dma_wait3A_431, %dma_wait3A_442] : memref<832x16384xf32, #tpu.memory_space<hbm>> -> memref<1x2048xf32, #tpu.memory_space<hbm>>
      %dma_wait3A_444 = tpu.memref_squeeze %dma_wait3A_443 : memref<1x2048xf32, #tpu.memory_space<hbm>> -> memref<2048xf32, #tpu.memory_space<hbm>>
      tpu.wait_dma2 semaphore(%arg11 : memref<!tpu.dma_semaphore, #tpu.memory_space<semaphore_mem>>) src(%dma_wait3A_444 : memref<2048xf32, #tpu.memory_space<hbm>>) dst(%dma_wait3A_441 : memref<2048xf32, #tpu.memory_space<vmem>>)
      %dma_start3A_445 = arith.constant 1 : i32
      %dma_start3A_446 = arith.constant 0 : i32
      %dma_start3A_447 = tpu.memref_slice %arg6[%dma_start3A_445, %dma_start3A_446] : memref<2x2048xi32, #tpu.memory_space<vmem>> -> memref<1x2048xi32, #tpu.memory_space<vmem>>
      %dma_start3A_448 = tpu.memref_squeeze %dma_start3A_447 : memref<1x2048xi32, #tpu.memory_space<vmem>> -> memref<2048xi32, #tpu.memory_space<vmem>>
      %dma_start3A_449 = arith.constant 14336 : i32
      %dma_start3A_450 = tpu.memref_slice %arg8[%and3A_44, %dma_start3A_449] : memref<2x16384xi32, #tpu.memory_space<vmem_shared>> -> memref<1x2048xi32, #tpu.memory_space<vmem_shared>>
      %dma_start3A_451 = tpu.memref_squeeze %dma_start3A_450 : memref<1x2048xi32, #tpu.memory_space<vmem_shared>> -> memref<2048xi32, #tpu.memory_space<vmem_shared>>
      %dma_start3A_452 = arith.constant 0 : i32
      %dma_start3A_453 = tpu.memref_slice %arg6[%dma_start3A_445, %dma_start3A_452] : memref<2x2048xi32, #tpu.memory_space<vmem>> -> memref<1x2048xi32, #tpu.memory_space<vmem>>
      %dma_start3A_454 = tpu.memref_squeeze %dma_start3A_453 : memref<1x2048xi32, #tpu.memory_space<vmem>> -> memref<2048xi32, #tpu.memory_space<vmem>>
      %dma_start3A_455 = arith.constant 14336 : i32
      %dma_start3A_456 = tpu.memref_slice %arg8[%and3A_44, %dma_start3A_455] : memref<2x16384xi32, #tpu.memory_space<vmem_shared>> -> memref<1x2048xi32, #tpu.memory_space<vmem_shared>>
      %dma_start3A_457 = tpu.memref_squeeze %dma_start3A_456 : memref<1x2048xi32, #tpu.memory_space<vmem_shared>> -> memref<2048xi32, #tpu.memory_space<vmem_shared>>
      tpu.enqueue_dma source(%dma_start3A_457 : memref<2048xi32, #tpu.memory_space<vmem_shared>>) target(%dma_start3A_454 : memref<2048xi32, #tpu.memory_space<vmem>>) target_semaphore(%arg10 : memref<!tpu.dma_semaphore, #tpu.memory_space<semaphore_mem>>)
      %scan3A_458 = arith.constant 0 : i32
      %scan3A_459 = arith.constant 0 : i32
      %scan3A_460 = arith.constant 8 : i32
      %scan3A_461 = arith.addi %scan3A_459, %scan3A_460 : i32
      %scan3A_462 = arith.constant 1 : i32
      scf.for %scan3A_524 = %scan3A_459 to %scan3A_461 step %scan3A_462  : i32 {
        %mul3A_525 = arith.constant 16 : i32
        %mul3A_526 = arith.muli %scan3A_524, %mul3A_525 : i32
        %mul3A_527 = arith.constant 16 : i32
        %mul3A_528 = arith.muli %mul3A_526, %mul3A_527 : i32
        %add3A_529 = arith.constant 0 : i32
        %add3A_530 = arith.addi %mul3A_528, %add3A_529 : i32
        %get3A = arith.constant 0 : i32
        %get3A_531 = arith.index_cast %get3A : i32 to index
        %get3A_532 = arith.index_cast %add3A_530 : i32 to index
        %get3A_533 = tpu.vector_load %arg6[%get3A_531, %get3A_532] {strides = array<i32>} : memref<2x2048xi32, #tpu.memory_space<vmem>>, vector<16xi32>,
        %gather3A = tpu.vector_load_idx %arg5[%get3A_533] : memref<100000xf32, #tpu.memory_space<vmem>>[vector<16xi32>], vector<16xf32>,
        %swap3A = arith.constant 0 : i32
        %swap3A_534 = arith.index_cast %swap3A : i32 to index
        %swap3A_535 = arith.index_cast %add3A_530 : i32 to index
        %swap3A_536 = tpu.vector_load %arg7[%swap3A_534, %swap3A_535] {strides = array<i32>} : memref<2x2048xf32, #tpu.memory_space<vmem>>, vector<16xf32>,
        tpu.vector_store %arg7[%swap3A_534, %swap3A_535], %gather3A {strides = array<i32>} : memref<2x2048xf32, #tpu.memory_space<vmem>>, vector<16xf32>,
        %add3A_537 = arith.constant 16 : i32
        %add3A_538 = arith.addi %mul3A_528, %add3A_537 : i32
        %get3A_539 = arith.constant 0 : i32
        %get3A_540 = arith.index_cast %get3A_539 : i32 to index
        %get3A_541 = arith.index_cast %add3A_538 : i32 to index
        %get3A_542 = tpu.vector_load %arg6[%get3A_540, %get3A_541] {strides = array<i32>} : memref<2x2048xi32, #tpu.memory_space<vmem>>, vector<16xi32>,
        %gather3A_543 = tpu.vector_load_idx %arg5[%get3A_542] : memref<100000xf32, #tpu.memory_space<vmem>>[vector<16xi32>], vector<16xf32>,
        %swap3A_544 = arith.constant 0 : i32
        %swap3A_545 = arith.index_cast %swap3A_544 : i32 to index
        %swap3A_546 = arith.index_cast %add3A_538 : i32 to index
        %swap3A_547 = tpu.vector_load %arg7[%swap3A_545, %swap3A_546] {strides = array<i32>} : memref<2x2048xf32, #tpu.memory_space<vmem>>, vector<16xf32>,
        tpu.vector_store %arg7[%swap3A_545, %swap3A_546], %gather3A_543 {strides = array<i32>} : memref<2x2048xf32, #tpu.memory_space<vmem>>, vector<16xf32>,
        %add3A_548 = arith.constant 32 : i32
        %add3A_549 = arith.addi %mul3A_528, %add3A_548 : i32
        %get3A_550 = arith.constant 0 : i32
        %get3A_551 = arith.index_cast %get3A_550 : i32 to index
        %get3A_552 = arith.index_cast %add3A_549 : i32 to index
        %get3A_553 = tpu.vector_load %arg6[%get3A_551, %get3A_552] {strides = array<i32>} : memref<2x2048xi32, #tpu.memory_space<vmem>>, vector<16xi32>,
        %gather3A_554 = tpu.vector_load_idx %arg5[%get3A_553] : memref<100000xf32, #tpu.memory_space<vmem>>[vector<16xi32>], vector<16xf32>,
        %swap3A_555 = arith.constant 0 : i32
        %swap3A_556 = arith.index_cast %swap3A_555 : i32 to index
        %swap3A_557 = arith.index_cast %add3A_549 : i32 to index
        %swap3A_558 = tpu.vector_load %arg7[%swap3A_556, %swap3A_557] {strides = array<i32>} : memref<2x2048xf32, #tpu.memory_space<vmem>>, vector<16xf32>,
        tpu.vector_store %arg7[%swap3A_556, %swap3A_557], %gather3A_554 {strides = array<i32>} : memref<2x2048xf32, #tpu.memory_space<vmem>>, vector<16xf32>,
        %add3A_559 = arith.constant 48 : i32
        %add3A_560 = arith.addi %mul3A_528, %add3A_559 : i32
        %get3A_561 = arith.constant 0 : i32
        %get3A_562 = arith.index_cast %get3A_561 : i32 to index
        %get3A_563 = arith.index_cast %add3A_560 : i32 to index
        %get3A_564 = tpu.vector_load %arg6[%get3A_562, %get3A_563] {strides = array<i32>} : memref<2x2048xi32, #tpu.memory_space<vmem>>, vector<16xi32>,
        %gather3A_565 = tpu.vector_load_idx %arg5[%get3A_564] : memref<100000xf32, #tpu.memory_space<vmem>>[vector<16xi32>], vector<16xf32>,
        %swap3A_566 = arith.constant 0 : i32
        %swap3A_567 = arith.index_cast %swap3A_566 : i32 to index
        %swap3A_568 = arith.index_cast %add3A_560 : i32 to index
        %swap3A_569 = tpu.vector_load %arg7[%swap3A_567, %swap3A_568] {strides = array<i32>} : memref<2x2048xf32, #tpu.memory_space<vmem>>, vector<16xf32>,
        tpu.vector_store %arg7[%swap3A_567, %swap3A_568], %gather3A_565 {strides = array<i32>} : memref<2x2048xf32, #tpu.memory_space<vmem>>, vector<16xf32>,
        %add3A_570 = arith.constant 64 : i32
        %add3A_571 = arith.addi %mul3A_528, %add3A_570 : i32
        %get3A_572 = arith.constant 0 : i32
        %get3A_573 = arith.index_cast %get3A_572 : i32 to index
        %get3A_574 = arith.index_cast %add3A_571 : i32 to index
        %get3A_575 = tpu.vector_load %arg6[%get3A_573, %get3A_574] {strides = array<i32>} : memref<2x2048xi32, #tpu.memory_space<vmem>>, vector<16xi32>,
        %gather3A_576 = tpu.vector_load_idx %arg5[%get3A_575] : memref<100000xf32, #tpu.memory_space<vmem>>[vector<16xi32>], vector<16xf32>,
        %swap3A_577 = arith.constant 0 : i32
        %swap3A_578 = arith.index_cast %swap3A_577 : i32 to index
        %swap3A_579 = arith.index_cast %add3A_571 : i32 to index
        %swap3A_580 = tpu.vector_load %arg7[%swap3A_578, %swap3A_579] {strides = array<i32>} : memref<2x2048xf32, #tpu.memory_space<vmem>>, vector<16xf32>,
        tpu.vector_store %arg7[%swap3A_578, %swap3A_579], %gather3A_576 {strides = array<i32>} : memref<2x2048xf32, #tpu.memory_space<vmem>>, vector<16xf32>,
        %add3A_581 = arith.constant 80 : i32
        %add3A_582 = arith.addi %mul3A_528, %add3A_581 : i32
        %get3A_583 = arith.constant 0 : i32
        %get3A_584 = arith.index_cast %get3A_583 : i32 to index
        %get3A_585 = arith.index_cast %add3A_582 : i32 to index
        %get3A_586 = tpu.vector_load %arg6[%get3A_584, %get3A_585] {strides = array<i32>} : memref<2x2048xi32, #tpu.memory_space<vmem>>, vector<16xi32>,
        %gather3A_587 = tpu.vector_load_idx %arg5[%get3A_586] : memref<100000xf32, #tpu.memory_space<vmem>>[vector<16xi32>], vector<16xf32>,
        %swap3A_588 = arith.constant 0 : i32
        %swap3A_589 = arith.index_cast %swap3A_588 : i32 to index
        %swap3A_590 = arith.index_cast %add3A_582 : i32 to index
        %swap3A_591 = tpu.vector_load %arg7[%swap3A_589, %swap3A_590] {strides = array<i32>} : memref<2x2048xf32, #tpu.memory_space<vmem>>, vector<16xf32>,
        tpu.vector_store %arg7[%swap3A_589, %swap3A_590], %gather3A_587 {strides = array<i32>} : memref<2x2048xf32, #tpu.memory_space<vmem>>, vector<16xf32>,
        %add3A_592 = arith.constant 96 : i32
        %add3A_593 = arith.addi %mul3A_528, %add3A_592 : i32
        %get3A_594 = arith.constant 0 : i32
        %get3A_595 = arith.index_cast %get3A_594 : i32 to index
        %get3A_596 = arith.index_cast %add3A_593 : i32 to index
        %get3A_597 = tpu.vector_load %arg6[%get3A_595, %get3A_596] {strides = array<i32>} : memref<2x2048xi32, #tpu.memory_space<vmem>>, vector<16xi32>,
        %gather3A_598 = tpu.vector_load_idx %arg5[%get3A_597] : memref<100000xf32, #tpu.memory_space<vmem>>[vector<16xi32>], vector<16xf32>,
        %swap3A_599 = arith.constant 0 : i32
        %swap3A_600 = arith.index_cast %swap3A_599 : i32 to index
        %swap3A_601 = arith.index_cast %add3A_593 : i32 to index
        %swap3A_602 = tpu.vector_load %arg7[%swap3A_600, %swap3A_601] {strides = array<i32>} : memref<2x2048xf32, #tpu.memory_space<vmem>>, vector<16xf32>,
        tpu.vector_store %arg7[%swap3A_600, %swap3A_601], %gather3A_598 {strides = array<i32>} : memref<2x2048xf32, #tpu.memory_space<vmem>>, vector<16xf32>,
        %add3A_603 = arith.constant 112 : i32
        %add3A_604 = arith.addi %mul3A_528, %add3A_603 : i32
        %get3A_605 = arith.constant 0 : i32
        %get3A_606 = arith.index_cast %get3A_605 : i32 to index
        %get3A_607 = arith.index_cast %add3A_604 : i32 to index
        %get3A_608 = tpu.vector_load %arg6[%get3A_606, %get3A_607] {strides = array<i32>} : memref<2x2048xi32, #tpu.memory_space<vmem>>, vector<16xi32>,
        %gather3A_609 = tpu.vector_load_idx %arg5[%get3A_608] : memref<100000xf32, #tpu.memory_space<vmem>>[vector<16xi32>], vector<16xf32>,
        %swap3A_610 = arith.constant 0 : i32
        %swap3A_611 = arith.index_cast %swap3A_610 : i32 to index
        %swap3A_612 = arith.index_cast %add3A_604 : i32 to index
        %swap3A_613 = tpu.vector_load %arg7[%swap3A_611, %swap3A_612] {strides = array<i32>} : memref<2x2048xf32, #tpu.memory_space<vmem>>, vector<16xf32>,
        tpu.vector_store %arg7[%swap3A_611, %swap3A_612], %gather3A_609 {strides = array<i32>} : memref<2x2048xf32, #tpu.memory_space<vmem>>, vector<16xf32>,
        %add3A_614 = arith.constant 128 : i32
        %add3A_615 = arith.addi %mul3A_528, %add3A_614 : i32
        %get3A_616 = arith.constant 0 : i32
        %get3A_617 = arith.index_cast %get3A_616 : i32 to index
        %get3A_618 = arith.index_cast %add3A_615 : i32 to index
        %get3A_619 = tpu.vector_load %arg6[%get3A_617, %get3A_618] {strides = array<i32>} : memref<2x2048xi32, #tpu.memory_space<vmem>>, vector<16xi32>,
        %gather3A_620 = tpu.vector_load_idx %arg5[%get3A_619] : memref<100000xf32, #tpu.memory_space<vmem>>[vector<16xi32>], vector<16xf32>,
        %swap3A_621 = arith.constant 0 : i32
        %swap3A_622 = arith.index_cast %swap3A_621 : i32 to index
        %swap3A_623 = arith.index_cast %add3A_615 : i32 to index
        %swap3A_624 = tpu.vector_load %arg7[%swap3A_622, %swap3A_623] {strides = array<i32>} : memref<2x2048xf32, #tpu.memory_space<vmem>>, vector<16xf32>,
        tpu.vector_store %arg7[%swap3A_622, %swap3A_623], %gather3A_620 {strides = array<i32>} : memref<2x2048xf32, #tpu.memory_space<vmem>>, vector<16xf32>,
        %add3A_625 = arith.constant 144 : i32
        %add3A_626 = arith.addi %mul3A_528, %add3A_625 : i32
        %get3A_627 = arith.constant 0 : i32
        %get3A_628 = arith.index_cast %get3A_627 : i32 to index
        %get3A_629 = arith.index_cast %add3A_626 : i32 to index
        %get3A_630 = tpu.vector_load %arg6[%get3A_628, %get3A_629] {strides = array<i32>} : memref<2x2048xi32, #tpu.memory_space<vmem>>, vector<16xi32>,
        %gather3A_631 = tpu.vector_load_idx %arg5[%get3A_630] : memref<100000xf32, #tpu.memory_space<vmem>>[vector<16xi32>], vector<16xf32>,
        %swap3A_632 = arith.constant 0 : i32
        %swap3A_633 = arith.index_cast %swap3A_632 : i32 to index
        %swap3A_634 = arith.index_cast %add3A_626 : i32 to index
        %swap3A_635 = tpu.vector_load %arg7[%swap3A_633, %swap3A_634] {strides = array<i32>} : memref<2x2048xf32, #tpu.memory_space<vmem>>, vector<16xf32>,
        tpu.vector_store %arg7[%swap3A_633, %swap3A_634], %gather3A_631 {strides = array<i32>} : memref<2x2048xf32, #tpu.memory_space<vmem>>, vector<16xf32>,
        %add3A_636 = arith.constant 160 : i32
        %add3A_637 = arith.addi %mul3A_528, %add3A_636 : i32
        %get3A_638 = arith.constant 0 : i32
        %get3A_639 = arith.index_cast %get3A_638 : i32 to index
        %get3A_640 = arith.index_cast %add3A_637 : i32 to index
        %get3A_641 = tpu.vector_load %arg6[%get3A_639, %get3A_640] {strides = array<i32>} : memref<2x2048xi32, #tpu.memory_space<vmem>>, vector<16xi32>,
        %gather3A_642 = tpu.vector_load_idx %arg5[%get3A_641] : memref<100000xf32, #tpu.memory_space<vmem>>[vector<16xi32>], vector<16xf32>,
        %swap3A_643 = arith.constant 0 : i32
        %swap3A_644 = arith.index_cast %swap3A_643 : i32 to index
        %swap3A_645 = arith.index_cast %add3A_637 : i32 to index
        %swap3A_646 = tpu.vector_load %arg7[%swap3A_644, %swap3A_645] {strides = array<i32>} : memref<2x2048xf32, #tpu.memory_space<vmem>>, vector<16xf32>,
        tpu.vector_store %arg7[%swap3A_644, %swap3A_645], %gather3A_642 {strides = array<i32>} : memref<2x2048xf32, #tpu.memory_space<vmem>>, vector<16xf32>,
        %add3A_647 = arith.constant 176 : i32
        %add3A_648 = arith.addi %mul3A_528, %add3A_647 : i32
        %get3A_649 = arith.constant 0 : i32
        %get3A_650 = arith.index_cast %get3A_649 : i32 to index
        %get3A_651 = arith.index_cast %add3A_648 : i32 to index
        %get3A_652 = tpu.vector_load %arg6[%get3A_650, %get3A_651] {strides = array<i32>} : memref<2x2048xi32, #tpu.memory_space<vmem>>, vector<16xi32>,
        %gather3A_653 = tpu.vector_load_idx %arg5[%get3A_652] : memref<100000xf32, #tpu.memory_space<vmem>>[vector<16xi32>], vector<16xf32>,
        %swap3A_654 = arith.constant 0 : i32
        %swap3A_655 = arith.index_cast %swap3A_654 : i32 to index
        %swap3A_656 = arith.index_cast %add3A_648 : i32 to index
        %swap3A_657 = tpu.vector_load %arg7[%swap3A_655, %swap3A_656] {strides = array<i32>} : memref<2x2048xf32, #tpu.memory_space<vmem>>, vector<16xf32>,
        tpu.vector_store %arg7[%swap3A_655, %swap3A_656], %gather3A_653 {strides = array<i32>} : memref<2x2048xf32, #tpu.memory_space<vmem>>, vector<16xf32>,
        %add3A_658 = arith.constant 192 : i32
        %add3A_659 = arith.addi %mul3A_528, %add3A_658 : i32
        %get3A_660 = arith.constant 0 : i32
        %get3A_661 = arith.index_cast %get3A_660 : i32 to index
        %get3A_662 = arith.index_cast %add3A_659 : i32 to index
        %get3A_663 = tpu.vector_load %arg6[%get3A_661, %get3A_662] {strides = array<i32>} : memref<2x2048xi32, #tpu.memory_space<vmem>>, vector<16xi32>,
        %gather3A_664 = tpu.vector_load_idx %arg5[%get3A_663] : memref<100000xf32, #tpu.memory_space<vmem>>[vector<16xi32>], vector<16xf32>,
        %swap3A_665 = arith.constant 0 : i32
        %swap3A_666 = arith.index_cast %swap3A_665 : i32 to index
        %swap3A_667 = arith.index_cast %add3A_659 : i32 to index
        %swap3A_668 = tpu.vector_load %arg7[%swap3A_666, %swap3A_667] {strides = array<i32>} : memref<2x2048xf32, #tpu.memory_space<vmem>>, vector<16xf32>,
        tpu.vector_store %arg7[%swap3A_666, %swap3A_667], %gather3A_664 {strides = array<i32>} : memref<2x2048xf32, #tpu.memory_space<vmem>>, vector<16xf32>,
        %add3A_669 = arith.constant 208 : i32
        %add3A_670 = arith.addi %mul3A_528, %add3A_669 : i32
        %get3A_671 = arith.constant 0 : i32
        %get3A_672 = arith.index_cast %get3A_671 : i32 to index
        %get3A_673 = arith.index_cast %add3A_670 : i32 to index
        %get3A_674 = tpu.vector_load %arg6[%get3A_672, %get3A_673] {strides = array<i32>} : memref<2x2048xi32, #tpu.memory_space<vmem>>, vector<16xi32>,
        %gather3A_675 = tpu.vector_load_idx %arg5[%get3A_674] : memref<100000xf32, #tpu.memory_space<vmem>>[vector<16xi32>], vector<16xf32>,
        %swap3A_676 = arith.constant 0 : i32
        %swap3A_677 = arith.index_cast %swap3A_676 : i32 to index
        %swap3A_678 = arith.index_cast %add3A_670 : i32 to index
        %swap3A_679 = tpu.vector_load %arg7[%swap3A_677, %swap3A_678] {strides = array<i32>} : memref<2x2048xf32, #tpu.memory_space<vmem>>, vector<16xf32>,
        tpu.vector_store %arg7[%swap3A_677, %swap3A_678], %gather3A_675 {strides = array<i32>} : memref<2x2048xf32, #tpu.memory_space<vmem>>, vector<16xf32>,
        %add3A_680 = arith.constant 224 : i32
        %add3A_681 = arith.addi %mul3A_528, %add3A_680 : i32
        %get3A_682 = arith.constant 0 : i32
        %get3A_683 = arith.index_cast %get3A_682 : i32 to index
        %get3A_684 = arith.index_cast %add3A_681 : i32 to index
        %get3A_685 = tpu.vector_load %arg6[%get3A_683, %get3A_684] {strides = array<i32>} : memref<2x2048xi32, #tpu.memory_space<vmem>>, vector<16xi32>,
        %gather3A_686 = tpu.vector_load_idx %arg5[%get3A_685] : memref<100000xf32, #tpu.memory_space<vmem>>[vector<16xi32>], vector<16xf32>,
        %swap3A_687 = arith.constant 0 : i32
        %swap3A_688 = arith.index_cast %swap3A_687 : i32 to index
        %swap3A_689 = arith.index_cast %add3A_681 : i32 to index
        %swap3A_690 = tpu.vector_load %arg7[%swap3A_688, %swap3A_689] {strides = array<i32>} : memref<2x2048xf32, #tpu.memory_space<vmem>>, vector<16xf32>,
        tpu.vector_store %arg7[%swap3A_688, %swap3A_689], %gather3A_686 {strides = array<i32>} : memref<2x2048xf32, #tpu.memory_space<vmem>>, vector<16xf32>,
        %add3A_691 = arith.constant 240 : i32
        %add3A_692 = arith.addi %mul3A_528, %add3A_691 : i32
        %get3A_693 = arith.constant 0 : i32
        %get3A_694 = arith.index_cast %get3A_693 : i32 to index
        %get3A_695 = arith.index_cast %add3A_692 : i32 to index
        %get3A_696 = tpu.vector_load %arg6[%get3A_694, %get3A_695] {strides = array<i32>} : memref<2x2048xi32, #tpu.memory_space<vmem>>, vector<16xi32>,
        %gather3A_697 = tpu.vector_load_idx %arg5[%get3A_696] : memref<100000xf32, #tpu.memory_space<vmem>>[vector<16xi32>], vector<16xf32>,
        %swap3A_698 = arith.constant 0 : i32
        %swap3A_699 = arith.index_cast %swap3A_698 : i32 to index
        %swap3A_700 = arith.index_cast %add3A_692 : i32 to index
        %swap3A_701 = tpu.vector_load %arg7[%swap3A_699, %swap3A_700] {strides = array<i32>} : memref<2x2048xf32, #tpu.memory_space<vmem>>, vector<16xf32>,
        tpu.vector_store %arg7[%swap3A_699, %swap3A_700], %gather3A_697 {strides = array<i32>} : memref<2x2048xf32, #tpu.memory_space<vmem>>, vector<16xf32>,
      }
      %scan3A_463 = arith.constant 8 : i32
      %dma_start3A_464 = arith.constant 0 : i32
      %dma_start3A_465 = arith.constant 0 : i32
      %dma_start3A_466 = tpu.memref_slice %arg7[%dma_start3A_464, %dma_start3A_465] : memref<2x2048xf32, #tpu.memory_space<vmem>> -> memref<1x2048xf32, #tpu.memory_space<vmem>>
      %dma_start3A_467 = tpu.memref_squeeze %dma_start3A_466 : memref<1x2048xf32, #tpu.memory_space<vmem>> -> memref<2048xf32, #tpu.memory_space<vmem>>
      %dma_start3A_468 = arith.constant 12288 : i32
      %dma_start3A_469 = tpu.memref_slice %arg4[%add3A_38, %dma_start3A_468] : memref<832x16384xf32, #tpu.memory_space<hbm>> -> memref<1x2048xf32, #tpu.memory_space<hbm>>
      %dma_start3A_470 = tpu.memref_squeeze %dma_start3A_469 : memref<1x2048xf32, #tpu.memory_space<hbm>> -> memref<2048xf32, #tpu.memory_space<hbm>>
      %dma_start3A_471 = arith.constant 12288 : i32
      %dma_start3A_472 = tpu.memref_slice %arg4[%add3A_38, %dma_start3A_471] : memref<832x16384xf32, #tpu.memory_space<hbm>> -> memref<1x2048xf32, #tpu.memory_space<hbm>>
      %dma_start3A_473 = tpu.memref_squeeze %dma_start3A_472 : memref<1x2048xf32, #tpu.memory_space<hbm>> -> memref<2048xf32, #tpu.memory_space<hbm>>
      %dma_start3A_474 = arith.constant 0 : i32
      %dma_start3A_475 = tpu.memref_slice %arg7[%dma_start3A_464, %dma_start3A_474] : memref<2x2048xf32, #tpu.memory_space<vmem>> -> memref<1x2048xf32, #tpu.memory_space<vmem>>
      %dma_start3A_476 = tpu.memref_squeeze %dma_start3A_475 : memref<1x2048xf32, #tpu.memory_space<vmem>> -> memref<2048xf32, #tpu.memory_space<vmem>>
      tpu.enqueue_dma source(%dma_start3A_476 : memref<2048xf32, #tpu.memory_space<vmem>>) target(%dma_start3A_473 : memref<2048xf32, #tpu.memory_space<hbm>>) target_semaphore(%arg11 : memref<!tpu.dma_semaphore, #tpu.memory_space<semaphore_mem>>)
      %dma_wait3A_477 = arith.constant 0 : i32
      %dma_wait3A_478 = arith.constant 1 : i32
      %dma_wait3A_479 = arith.constant 0 : i32
      %dma_wait3A_480 = tpu.memref_slice %arg6[%dma_wait3A_478, %dma_wait3A_479] : memref<2x2048xi32, #tpu.memory_space<vmem>> -> memref<1x2048xi32, #tpu.memory_space<vmem>>
      %dma_wait3A_481 = tpu.memref_squeeze %dma_wait3A_480 : memref<1x2048xi32, #tpu.memory_space<vmem>> -> memref<2048xi32, #tpu.memory_space<vmem>>
      %dma_wait3A_482 = arith.constant 0 : i32
      %dma_wait3A_483 = tpu.memref_slice %arg8[%dma_wait3A_477, %dma_wait3A_482] : memref<2x16384xi32, #tpu.memory_space<vmem_shared>> -> memref<1x2048xi32, #tpu.memory_space<vmem_shared>>
      %dma_wait3A_484 = tpu.memref_squeeze %dma_wait3A_483 : memref<1x2048xi32, #tpu.memory_space<vmem_shared>> -> memref<2048xi32, #tpu.memory_space<vmem_shared>>
      %dma_wait3A_485 = arith.constant 0 : i32
      %dma_wait3A_486 = tpu.memref_slice %arg6[%dma_wait3A_478, %dma_wait3A_485] : memref<2x2048xi32, #tpu.memory_space<vmem>> -> memref<1x2048xi32, #tpu.memory_space<vmem>>
      %dma_wait3A_487 = tpu.memref_squeeze %dma_wait3A_486 : memref<1x2048xi32, #tpu.memory_space<vmem>> -> memref<2048xi32, #tpu.memory_space<vmem>>
      %dma_wait3A_488 = arith.constant 0 : i32
      %dma_wait3A_489 = tpu.memref_slice %arg8[%dma_wait3A_477, %dma_wait3A_488] : memref<2x16384xi32, #tpu.memory_space<vmem_shared>> -> memref<1x2048xi32, #tpu.memory_space<vmem_shared>>
      %dma_wait3A_490 = tpu.memref_squeeze %dma_wait3A_489 : memref<1x2048xi32, #tpu.memory_space<vmem_shared>> -> memref<2048xi32, #tpu.memory_space<vmem_shared>>
      tpu.wait_dma2 semaphore(%arg10 : memref<!tpu.dma_semaphore, #tpu.memory_space<semaphore_mem>>) src(%dma_wait3A_490 : memref<2048xi32, #tpu.memory_space<vmem_shared>>) dst(%dma_wait3A_487 : memref<2048xi32, #tpu.memory_space<vmem>>)
      %dma_wait3A_491 = arith.constant 0 : i32
      %dma_wait3A_492 = arith.constant 1 : i32
      %dma_wait3A_493 = arith.constant 0 : i32
      %dma_wait3A_494 = tpu.memref_slice %arg7[%dma_wait3A_492, %dma_wait3A_493] : memref<2x2048xf32, #tpu.memory_space<vmem>> -> memref<1x2048xf32, #tpu.memory_space<vmem>>
      %dma_wait3A_495 = tpu.memref_squeeze %dma_wait3A_494 : memref<1x2048xf32, #tpu.memory_space<vmem>> -> memref<2048xf32, #tpu.memory_space<vmem>>
      %dma_wait3A_496 = arith.constant 0 : i32
      %dma_wait3A_497 = tpu.memref_slice %arg4[%dma_wait3A_491, %dma_wait3A_496] : memref<832x16384xf32, #tpu.memory_space<hbm>> -> memref<1x2048xf32, #tpu.memory_space<hbm>>
      %dma_wait3A_498 = tpu.memref_squeeze %dma_wait3A_497 : memref<1x2048xf32, #tpu.memory_space<hbm>> -> memref<2048xf32, #tpu.memory_space<hbm>>
      %dma_wait3A_499 = arith.constant 0 : i32
      %dma_wait3A_500 = tpu.memref_slice %arg7[%dma_wait3A_492, %dma_wait3A_499] : memref<2x2048xf32, #tpu.memory_space<vmem>> -> memref<1x2048xf32, #tpu.memory_space<vmem>>
      %dma_wait3A_501 = tpu.memref_squeeze %dma_wait3A_500 : memref<1x2048xf32, #tpu.memory_space<vmem>> -> memref<2048xf32, #tpu.memory_space<vmem>>
      %dma_wait3A_502 = arith.constant 0 : i32
      %dma_wait3A_503 = tpu.memref_slice %arg4[%dma_wait3A_491, %dma_wait3A_502] : memref<832x16384xf32, #tpu.memory_space<hbm>> -> memref<1x2048xf32, #tpu.memory_space<hbm>>
      %dma_wait3A_504 = tpu.memref_squeeze %dma_wait3A_503 : memref<1x2048xf32, #tpu.memory_space<hbm>> -> memref<2048xf32, #tpu.memory_space<hbm>>
      tpu.wait_dma2 semaphore(%arg11 : memref<!tpu.dma_semaphore, #tpu.memory_space<semaphore_mem>>) src(%dma_wait3A_504 : memref<2048xf32, #tpu.memory_space<hbm>>) dst(%dma_wait3A_501 : memref<2048xf32, #tpu.memory_space<vmem>>)
      %scan3A_505 = arith.constant 0 : i32
      %scan3A_506 = arith.constant 0 : i32
      %scan3A_507 = arith.constant 8 : i32
      %scan3A_508 = arith.addi %scan3A_506, %scan3A_507 : i32
      %scan3A_509 = arith.constant 1 : i32
      scf.for %scan3A_524 = %scan3A_506 to %scan3A_508 step %scan3A_509  : i32 {
        %mul3A_525 = arith.constant 16 : i32
        %mul3A_526 = arith.muli %scan3A_524, %mul3A_525 : i32
        %mul3A_527 = arith.constant 16 : i32
        %mul3A_528 = arith.muli %mul3A_526, %mul3A_527 : i32
        %add3A_529 = arith.constant 0 : i32
        %add3A_530 = arith.addi %mul3A_528, %add3A_529 : i32
        %get3A = arith.constant 1 : i32
        %get3A_531 = arith.index_cast %get3A : i32 to index
        %get3A_532 = arith.index_cast %add3A_530 : i32 to index
        %get3A_533 = tpu.vector_load %arg6[%get3A_531, %get3A_532] {strides = array<i32>} : memref<2x2048xi32, #tpu.memory_space<vmem>>, vector<16xi32>,
        %gather3A = tpu.vector_load_idx %arg5[%get3A_533] : memref<100000xf32, #tpu.memory_space<vmem>>[vector<16xi32>], vector<16xf32>,
        %swap3A = arith.constant 1 : i32
        %swap3A_534 = arith.index_cast %swap3A : i32 to index
        %swap3A_535 = arith.index_cast %add3A_530 : i32 to index
        %swap3A_536 = tpu.vector_load %arg7[%swap3A_534, %swap3A_535] {strides = array<i32>} : memref<2x2048xf32, #tpu.memory_space<vmem>>, vector<16xf32>,
        tpu.vector_store %arg7[%swap3A_534, %swap3A_535], %gather3A {strides = array<i32>} : memref<2x2048xf32, #tpu.memory_space<vmem>>, vector<16xf32>,
        %add3A_537 = arith.constant 16 : i32
        %add3A_538 = arith.addi %mul3A_528, %add3A_537 : i32
        %get3A_539 = arith.constant 1 : i32
        %get3A_540 = arith.index_cast %get3A_539 : i32 to index
        %get3A_541 = arith.index_cast %add3A_538 : i32 to index
        %get3A_542 = tpu.vector_load %arg6[%get3A_540, %get3A_541] {strides = array<i32>} : memref<2x2048xi32, #tpu.memory_space<vmem>>, vector<16xi32>,
        %gather3A_543 = tpu.vector_load_idx %arg5[%get3A_542] : memref<100000xf32, #tpu.memory_space<vmem>>[vector<16xi32>], vector<16xf32>,
        %swap3A_544 = arith.constant 1 : i32
        %swap3A_545 = arith.index_cast %swap3A_544 : i32 to index
        %swap3A_546 = arith.index_cast %add3A_538 : i32 to index
        %swap3A_547 = tpu.vector_load %arg7[%swap3A_545, %swap3A_546] {strides = array<i32>} : memref<2x2048xf32, #tpu.memory_space<vmem>>, vector<16xf32>,
        tpu.vector_store %arg7[%swap3A_545, %swap3A_546], %gather3A_543 {strides = array<i32>} : memref<2x2048xf32, #tpu.memory_space<vmem>>, vector<16xf32>,
        %add3A_548 = arith.constant 32 : i32
        %add3A_549 = arith.addi %mul3A_528, %add3A_548 : i32
        %get3A_550 = arith.constant 1 : i32
        %get3A_551 = arith.index_cast %get3A_550 : i32 to index
        %get3A_552 = arith.index_cast %add3A_549 : i32 to index
        %get3A_553 = tpu.vector_load %arg6[%get3A_551, %get3A_552] {strides = array<i32>} : memref<2x2048xi32, #tpu.memory_space<vmem>>, vector<16xi32>,
        %gather3A_554 = tpu.vector_load_idx %arg5[%get3A_553] : memref<100000xf32, #tpu.memory_space<vmem>>[vector<16xi32>], vector<16xf32>,
        %swap3A_555 = arith.constant 1 : i32
        %swap3A_556 = arith.index_cast %swap3A_555 : i32 to index
        %swap3A_557 = arith.index_cast %add3A_549 : i32 to index
        %swap3A_558 = tpu.vector_load %arg7[%swap3A_556, %swap3A_557] {strides = array<i32>} : memref<2x2048xf32, #tpu.memory_space<vmem>>, vector<16xf32>,
        tpu.vector_store %arg7[%swap3A_556, %swap3A_557], %gather3A_554 {strides = array<i32>} : memref<2x2048xf32, #tpu.memory_space<vmem>>, vector<16xf32>,
        %add3A_559 = arith.constant 48 : i32
        %add3A_560 = arith.addi %mul3A_528, %add3A_559 : i32
        %get3A_561 = arith.constant 1 : i32
        %get3A_562 = arith.index_cast %get3A_561 : i32 to index
        %get3A_563 = arith.index_cast %add3A_560 : i32 to index
        %get3A_564 = tpu.vector_load %arg6[%get3A_562, %get3A_563] {strides = array<i32>} : memref<2x2048xi32, #tpu.memory_space<vmem>>, vector<16xi32>,
        %gather3A_565 = tpu.vector_load_idx %arg5[%get3A_564] : memref<100000xf32, #tpu.memory_space<vmem>>[vector<16xi32>], vector<16xf32>,
        %swap3A_566 = arith.constant 1 : i32
        %swap3A_567 = arith.index_cast %swap3A_566 : i32 to index
        %swap3A_568 = arith.index_cast %add3A_560 : i32 to index
        %swap3A_569 = tpu.vector_load %arg7[%swap3A_567, %swap3A_568] {strides = array<i32>} : memref<2x2048xf32, #tpu.memory_space<vmem>>, vector<16xf32>,
        tpu.vector_store %arg7[%swap3A_567, %swap3A_568], %gather3A_565 {strides = array<i32>} : memref<2x2048xf32, #tpu.memory_space<vmem>>, vector<16xf32>,
        %add3A_570 = arith.constant 64 : i32
        %add3A_571 = arith.addi %mul3A_528, %add3A_570 : i32
        %get3A_572 = arith.constant 1 : i32
        %get3A_573 = arith.index_cast %get3A_572 : i32 to index
        %get3A_574 = arith.index_cast %add3A_571 : i32 to index
        %get3A_575 = tpu.vector_load %arg6[%get3A_573, %get3A_574] {strides = array<i32>} : memref<2x2048xi32, #tpu.memory_space<vmem>>, vector<16xi32>,
        %gather3A_576 = tpu.vector_load_idx %arg5[%get3A_575] : memref<100000xf32, #tpu.memory_space<vmem>>[vector<16xi32>], vector<16xf32>,
        %swap3A_577 = arith.constant 1 : i32
        %swap3A_578 = arith.index_cast %swap3A_577 : i32 to index
        %swap3A_579 = arith.index_cast %add3A_571 : i32 to index
        %swap3A_580 = tpu.vector_load %arg7[%swap3A_578, %swap3A_579] {strides = array<i32>} : memref<2x2048xf32, #tpu.memory_space<vmem>>, vector<16xf32>,
        tpu.vector_store %arg7[%swap3A_578, %swap3A_579], %gather3A_576 {strides = array<i32>} : memref<2x2048xf32, #tpu.memory_space<vmem>>, vector<16xf32>,
        %add3A_581 = arith.constant 80 : i32
        %add3A_582 = arith.addi %mul3A_528, %add3A_581 : i32
        %get3A_583 = arith.constant 1 : i32
        %get3A_584 = arith.index_cast %get3A_583 : i32 to index
        %get3A_585 = arith.index_cast %add3A_582 : i32 to index
        %get3A_586 = tpu.vector_load %arg6[%get3A_584, %get3A_585] {strides = array<i32>} : memref<2x2048xi32, #tpu.memory_space<vmem>>, vector<16xi32>,
        %gather3A_587 = tpu.vector_load_idx %arg5[%get3A_586] : memref<100000xf32, #tpu.memory_space<vmem>>[vector<16xi32>], vector<16xf32>,
        %swap3A_588 = arith.constant 1 : i32
        %swap3A_589 = arith.index_cast %swap3A_588 : i32 to index
        %swap3A_590 = arith.index_cast %add3A_582 : i32 to index
        %swap3A_591 = tpu.vector_load %arg7[%swap3A_589, %swap3A_590] {strides = array<i32>} : memref<2x2048xf32, #tpu.memory_space<vmem>>, vector<16xf32>,
        tpu.vector_store %arg7[%swap3A_589, %swap3A_590], %gather3A_587 {strides = array<i32>} : memref<2x2048xf32, #tpu.memory_space<vmem>>, vector<16xf32>,
        %add3A_592 = arith.constant 96 : i32
        %add3A_593 = arith.addi %mul3A_528, %add3A_592 : i32
        %get3A_594 = arith.constant 1 : i32
        %get3A_595 = arith.index_cast %get3A_594 : i32 to index
        %get3A_596 = arith.index_cast %add3A_593 : i32 to index
        %get3A_597 = tpu.vector_load %arg6[%get3A_595, %get3A_596] {strides = array<i32>} : memref<2x2048xi32, #tpu.memory_space<vmem>>, vector<16xi32>,
        %gather3A_598 = tpu.vector_load_idx %arg5[%get3A_597] : memref<100000xf32, #tpu.memory_space<vmem>>[vector<16xi32>], vector<16xf32>,
        %swap3A_599 = arith.constant 1 : i32
        %swap3A_600 = arith.index_cast %swap3A_599 : i32 to index
        %swap3A_601 = arith.index_cast %add3A_593 : i32 to index
        %swap3A_602 = tpu.vector_load %arg7[%swap3A_600, %swap3A_601] {strides = array<i32>} : memref<2x2048xf32, #tpu.memory_space<vmem>>, vector<16xf32>,
        tpu.vector_store %arg7[%swap3A_600, %swap3A_601], %gather3A_598 {strides = array<i32>} : memref<2x2048xf32, #tpu.memory_space<vmem>>, vector<16xf32>,
        %add3A_603 = arith.constant 112 : i32
        %add3A_604 = arith.addi %mul3A_528, %add3A_603 : i32
        %get3A_605 = arith.constant 1 : i32
        %get3A_606 = arith.index_cast %get3A_605 : i32 to index
        %get3A_607 = arith.index_cast %add3A_604 : i32 to index
        %get3A_608 = tpu.vector_load %arg6[%get3A_606, %get3A_607] {strides = array<i32>} : memref<2x2048xi32, #tpu.memory_space<vmem>>, vector<16xi32>,
        %gather3A_609 = tpu.vector_load_idx %arg5[%get3A_608] : memref<100000xf32, #tpu.memory_space<vmem>>[vector<16xi32>], vector<16xf32>,
        %swap3A_610 = arith.constant 1 : i32
        %swap3A_611 = arith.index_cast %swap3A_610 : i32 to index
        %swap3A_612 = arith.index_cast %add3A_604 : i32 to index
        %swap3A_613 = tpu.vector_load %arg7[%swap3A_611, %swap3A_612] {strides = array<i32>} : memref<2x2048xf32, #tpu.memory_space<vmem>>, vector<16xf32>,
        tpu.vector_store %arg7[%swap3A_611, %swap3A_612], %gather3A_609 {strides = array<i32>} : memref<2x2048xf32, #tpu.memory_space<vmem>>, vector<16xf32>,
        %add3A_614 = arith.constant 128 : i32
        %add3A_615 = arith.addi %mul3A_528, %add3A_614 : i32
        %get3A_616 = arith.constant 1 : i32
        %get3A_617 = arith.index_cast %get3A_616 : i32 to index
        %get3A_618 = arith.index_cast %add3A_615 : i32 to index
        %get3A_619 = tpu.vector_load %arg6[%get3A_617, %get3A_618] {strides = array<i32>} : memref<2x2048xi32, #tpu.memory_space<vmem>>, vector<16xi32>,
        %gather3A_620 = tpu.vector_load_idx %arg5[%get3A_619] : memref<100000xf32, #tpu.memory_space<vmem>>[vector<16xi32>], vector<16xf32>,
        %swap3A_621 = arith.constant 1 : i32
        %swap3A_622 = arith.index_cast %swap3A_621 : i32 to index
        %swap3A_623 = arith.index_cast %add3A_615 : i32 to index
        %swap3A_624 = tpu.vector_load %arg7[%swap3A_622, %swap3A_623] {strides = array<i32>} : memref<2x2048xf32, #tpu.memory_space<vmem>>, vector<16xf32>,
        tpu.vector_store %arg7[%swap3A_622, %swap3A_623], %gather3A_620 {strides = array<i32>} : memref<2x2048xf32, #tpu.memory_space<vmem>>, vector<16xf32>,
        %add3A_625 = arith.constant 144 : i32
        %add3A_626 = arith.addi %mul3A_528, %add3A_625 : i32
        %get3A_627 = arith.constant 1 : i32
        %get3A_628 = arith.index_cast %get3A_627 : i32 to index
        %get3A_629 = arith.index_cast %add3A_626 : i32 to index
        %get3A_630 = tpu.vector_load %arg6[%get3A_628, %get3A_629] {strides = array<i32>} : memref<2x2048xi32, #tpu.memory_space<vmem>>, vector<16xi32>,
        %gather3A_631 = tpu.vector_load_idx %arg5[%get3A_630] : memref<100000xf32, #tpu.memory_space<vmem>>[vector<16xi32>], vector<16xf32>,
        %swap3A_632 = arith.constant 1 : i32
        %swap3A_633 = arith.index_cast %swap3A_632 : i32 to index
        %swap3A_634 = arith.index_cast %add3A_626 : i32 to index
        %swap3A_635 = tpu.vector_load %arg7[%swap3A_633, %swap3A_634] {strides = array<i32>} : memref<2x2048xf32, #tpu.memory_space<vmem>>, vector<16xf32>,
        tpu.vector_store %arg7[%swap3A_633, %swap3A_634], %gather3A_631 {strides = array<i32>} : memref<2x2048xf32, #tpu.memory_space<vmem>>, vector<16xf32>,
        %add3A_636 = arith.constant 160 : i32
        %add3A_637 = arith.addi %mul3A_528, %add3A_636 : i32
        %get3A_638 = arith.constant 1 : i32
        %get3A_639 = arith.index_cast %get3A_638 : i32 to index
        %get3A_640 = arith.index_cast %add3A_637 : i32 to index
        %get3A_641 = tpu.vector_load %arg6[%get3A_639, %get3A_640] {strides = array<i32>} : memref<2x2048xi32, #tpu.memory_space<vmem>>, vector<16xi32>,
        %gather3A_642 = tpu.vector_load_idx %arg5[%get3A_641] : memref<100000xf32, #tpu.memory_space<vmem>>[vector<16xi32>], vector<16xf32>,
        %swap3A_643 = arith.constant 1 : i32
        %swap3A_644 = arith.index_cast %swap3A_643 : i32 to index
        %swap3A_645 = arith.index_cast %add3A_637 : i32 to index
        %swap3A_646 = tpu.vector_load %arg7[%swap3A_644, %swap3A_645] {strides = array<i32>} : memref<2x2048xf32, #tpu.memory_space<vmem>>, vector<16xf32>,
        tpu.vector_store %arg7[%swap3A_644, %swap3A_645], %gather3A_642 {strides = array<i32>} : memref<2x2048xf32, #tpu.memory_space<vmem>>, vector<16xf32>,
        %add3A_647 = arith.constant 176 : i32
        %add3A_648 = arith.addi %mul3A_528, %add3A_647 : i32
        %get3A_649 = arith.constant 1 : i32
        %get3A_650 = arith.index_cast %get3A_649 : i32 to index
        %get3A_651 = arith.index_cast %add3A_648 : i32 to index
        %get3A_652 = tpu.vector_load %arg6[%get3A_650, %get3A_651] {strides = array<i32>} : memref<2x2048xi32, #tpu.memory_space<vmem>>, vector<16xi32>,
        %gather3A_653 = tpu.vector_load_idx %arg5[%get3A_652] : memref<100000xf32, #tpu.memory_space<vmem>>[vector<16xi32>], vector<16xf32>,
        %swap3A_654 = arith.constant 1 : i32
        %swap3A_655 = arith.index_cast %swap3A_654 : i32 to index
        %swap3A_656 = arith.index_cast %add3A_648 : i32 to index
        %swap3A_657 = tpu.vector_load %arg7[%swap3A_655, %swap3A_656] {strides = array<i32>} : memref<2x2048xf32, #tpu.memory_space<vmem>>, vector<16xf32>,
        tpu.vector_store %arg7[%swap3A_655, %swap3A_656], %gather3A_653 {strides = array<i32>} : memref<2x2048xf32, #tpu.memory_space<vmem>>, vector<16xf32>,
        %add3A_658 = arith.constant 192 : i32
        %add3A_659 = arith.addi %mul3A_528, %add3A_658 : i32
        %get3A_660 = arith.constant 1 : i32
        %get3A_661 = arith.index_cast %get3A_660 : i32 to index
        %get3A_662 = arith.index_cast %add3A_659 : i32 to index
        %get3A_663 = tpu.vector_load %arg6[%get3A_661, %get3A_662] {strides = array<i32>} : memref<2x2048xi32, #tpu.memory_space<vmem>>, vector<16xi32>,
        %gather3A_664 = tpu.vector_load_idx %arg5[%get3A_663] : memref<100000xf32, #tpu.memory_space<vmem>>[vector<16xi32>], vector<16xf32>,
        %swap3A_665 = arith.constant 1 : i32
        %swap3A_666 = arith.index_cast %swap3A_665 : i32 to index
        %swap3A_667 = arith.index_cast %add3A_659 : i32 to index
        %swap3A_668 = tpu.vector_load %arg7[%swap3A_666, %swap3A_667] {strides = array<i32>} : memref<2x2048xf32, #tpu.memory_space<vmem>>, vector<16xf32>,
        tpu.vector_store %arg7[%swap3A_666, %swap3A_667], %gather3A_664 {strides = array<i32>} : memref<2x2048xf32, #tpu.memory_space<vmem>>, vector<16xf32>,
        %add3A_669 = arith.constant 208 : i32
        %add3A_670 = arith.addi %mul3A_528, %add3A_669 : i32
        %get3A_671 = arith.constant 1 : i32
        %get3A_672 = arith.index_cast %get3A_671 : i32 to index
        %get3A_673 = arith.index_cast %add3A_670 : i32 to index
        %get3A_674 = tpu.vector_load %arg6[%get3A_672, %get3A_673] {strides = array<i32>} : memref<2x2048xi32, #tpu.memory_space<vmem>>, vector<16xi32>,
        %gather3A_675 = tpu.vector_load_idx %arg5[%get3A_674] : memref<100000xf32, #tpu.memory_space<vmem>>[vector<16xi32>], vector<16xf32>,
        %swap3A_676 = arith.constant 1 : i32
        %swap3A_677 = arith.index_cast %swap3A_676 : i32 to index
        %swap3A_678 = arith.index_cast %add3A_670 : i32 to index
        %swap3A_679 = tpu.vector_load %arg7[%swap3A_677, %swap3A_678] {strides = array<i32>} : memref<2x2048xf32, #tpu.memory_space<vmem>>, vector<16xf32>,
        tpu.vector_store %arg7[%swap3A_677, %swap3A_678], %gather3A_675 {strides = array<i32>} : memref<2x2048xf32, #tpu.memory_space<vmem>>, vector<16xf32>,
        %add3A_680 = arith.constant 224 : i32
        %add3A_681 = arith.addi %mul3A_528, %add3A_680 : i32
        %get3A_682 = arith.constant 1 : i32
        %get3A_683 = arith.index_cast %get3A_682 : i32 to index
        %get3A_684 = arith.index_cast %add3A_681 : i32 to index
        %get3A_685 = tpu.vector_load %arg6[%get3A_683, %get3A_684] {strides = array<i32>} : memref<2x2048xi32, #tpu.memory_space<vmem>>, vector<16xi32>,
        %gather3A_686 = tpu.vector_load_idx %arg5[%get3A_685] : memref<100000xf32, #tpu.memory_space<vmem>>[vector<16xi32>], vector<16xf32>,
        %swap3A_687 = arith.constant 1 : i32
        %swap3A_688 = arith.index_cast %swap3A_687 : i32 to index
        %swap3A_689 = arith.index_cast %add3A_681 : i32 to index
        %swap3A_690 = tpu.vector_load %arg7[%swap3A_688, %swap3A_689] {strides = array<i32>} : memref<2x2048xf32, #tpu.memory_space<vmem>>, vector<16xf32>,
        tpu.vector_store %arg7[%swap3A_688, %swap3A_689], %gather3A_686 {strides = array<i32>} : memref<2x2048xf32, #tpu.memory_space<vmem>>, vector<16xf32>,
        %add3A_691 = arith.constant 240 : i32
        %add3A_692 = arith.addi %mul3A_528, %add3A_691 : i32
        %get3A_693 = arith.constant 1 : i32
        %get3A_694 = arith.index_cast %get3A_693 : i32 to index
        %get3A_695 = arith.index_cast %add3A_692 : i32 to index
        %get3A_696 = tpu.vector_load %arg6[%get3A_694, %get3A_695] {strides = array<i32>} : memref<2x2048xi32, #tpu.memory_space<vmem>>, vector<16xi32>,
        %gather3A_697 = tpu.vector_load_idx %arg5[%get3A_696] : memref<100000xf32, #tpu.memory_space<vmem>>[vector<16xi32>], vector<16xf32>,
        %swap3A_698 = arith.constant 1 : i32
        %swap3A_699 = arith.index_cast %swap3A_698 : i32 to index
        %swap3A_700 = arith.index_cast %add3A_692 : i32 to index
        %swap3A_701 = tpu.vector_load %arg7[%swap3A_699, %swap3A_700] {strides = array<i32>} : memref<2x2048xf32, #tpu.memory_space<vmem>>, vector<16xf32>,
        tpu.vector_store %arg7[%swap3A_699, %swap3A_700], %gather3A_697 {strides = array<i32>} : memref<2x2048xf32, #tpu.memory_space<vmem>>, vector<16xf32>,
      }
      %scan3A_510 = arith.constant 8 : i32
      %dma_start3A_511 = arith.constant 1 : i32
      %dma_start3A_512 = arith.constant 0 : i32
      %dma_start3A_513 = tpu.memref_slice %arg7[%dma_start3A_511, %dma_start3A_512] : memref<2x2048xf32, #tpu.memory_space<vmem>> -> memref<1x2048xf32, #tpu.memory_space<vmem>>
      %dma_start3A_514 = tpu.memref_squeeze %dma_start3A_513 : memref<1x2048xf32, #tpu.memory_space<vmem>> -> memref<2048xf32, #tpu.memory_space<vmem>>
      %dma_start3A_515 = arith.constant 14336 : i32
      %dma_start3A_516 = tpu.memref_slice %arg4[%add3A_38, %dma_start3A_515] : memref<832x16384xf32, #tpu.memory_space<hbm>> -> memref<1x2048xf32, #tpu.memory_space<hbm>>
      %dma_start3A_517 = tpu.memref_squeeze %dma_start3A_516 : memref<1x2048xf32, #tpu.memory_space<hbm>> -> memref<2048xf32, #tpu.memory_space<hbm>>
      %dma_start3A_518 = arith.constant 14336 : i32
      %dma_start3A_519 = tpu.memref_slice %arg4[%add3A_38, %dma_start3A_518] : memref<832x16384xf32, #tpu.memory_space<hbm>> -> memref<1x2048xf32, #tpu.memory_space<hbm>>
      %dma_start3A_520 = tpu.memref_squeeze %dma_start3A_519 : memref<1x2048xf32, #tpu.memory_space<hbm>> -> memref<2048xf32, #tpu.memory_space<hbm>>
      %dma_start3A_521 = arith.constant 0 : i32
      %dma_start3A_522 = tpu.memref_slice %arg7[%dma_start3A_511, %dma_start3A_521] : memref<2x2048xf32, #tpu.memory_space<vmem>> -> memref<1x2048xf32, #tpu.memory_space<vmem>>
      %dma_start3A_523 = tpu.memref_squeeze %dma_start3A_522 : memref<1x2048xf32, #tpu.memory_space<vmem>> -> memref<2048xf32, #tpu.memory_space<vmem>>
      tpu.enqueue_dma source(%dma_start3A_523 : memref<2048xf32, #tpu.memory_space<vmem>>) target(%dma_start3A_520 : memref<2048xf32, #tpu.memory_space<hbm>>) target_semaphore(%arg11 : memref<!tpu.dma_semaphore, #tpu.memory_space<semaphore_mem>>)
    }
    %scan3A_7 = arith.constant 26 : i32
    %dma_wait3A = arith.constant 0 : i32
    %dma_wait3A_8 = arith.constant 0 : i32
    %dma_wait3A_9 = arith.constant 0 : i32
    %dma_wait3A_10 = tpu.memref_slice %arg7[%dma_wait3A_8, %dma_wait3A_9] : memref<2x2048xf32, #tpu.memory_space<vmem>> -> memref<1x2048xf32, #tpu.memory_space<vmem>>
    %dma_wait3A_11 = tpu.memref_squeeze %dma_wait3A_10 : memref<1x2048xf32, #tpu.memory_space<vmem>> -> memref<2048xf32, #tpu.memory_space<vmem>>
    %dma_wait3A_12 = arith.constant 0 : i32
    %dma_wait3A_13 = tpu.memref_slice %arg4[%dma_wait3A, %dma_wait3A_12] : memref<832x16384xf32, #tpu.memory_space<hbm>> -> memref<1x2048xf32, #tpu.memory_space<hbm>>
    %dma_wait3A_14 = tpu.memref_squeeze %dma_wait3A_13 : memref<1x2048xf32, #tpu.memory_space<hbm>> -> memref<2048xf32, #tpu.memory_space<hbm>>
    %dma_wait3A_15 = arith.constant 0 : i32
    %dma_wait3A_16 = tpu.memref_slice %arg7[%dma_wait3A_8, %dma_wait3A_15] : memref<2x2048xf32, #tpu.memory_space<vmem>> -> memref<1x2048xf32, #tpu.memory_space<vmem>>
    %dma_wait3A_17 = tpu.memref_squeeze %dma_wait3A_16 : memref<1x2048xf32, #tpu.memory_space<vmem>> -> memref<2048xf32, #tpu.memory_space<vmem>>
    %dma_wait3A_18 = arith.constant 0 : i32
    %dma_wait3A_19 = tpu.memref_slice %arg4[%dma_wait3A, %dma_wait3A_18] : memref<832x16384xf32, #tpu.memory_space<hbm>> -> memref<1x2048xf32, #tpu.memory_space<hbm>>
    %dma_wait3A_20 = tpu.memref_squeeze %dma_wait3A_19 : memref<1x2048xf32, #tpu.memory_space<hbm>> -> memref<2048xf32, #tpu.memory_space<hbm>>
    tpu.wait_dma2 semaphore(%arg11 : memref<!tpu.dma_semaphore, #tpu.memory_space<semaphore_mem>>) src(%dma_wait3A_20 : memref<2048xf32, #tpu.memory_space<hbm>>) dst(%dma_wait3A_17 : memref<2048xf32, #tpu.memory_space<vmem>>)
    %dma_wait3A_21 = arith.constant 0 : i32
    %dma_wait3A_22 = arith.constant 1 : i32
    %dma_wait3A_23 = arith.constant 0 : i32
    %dma_wait3A_24 = tpu.memref_slice %arg7[%dma_wait3A_22, %dma_wait3A_23] : memref<2x2048xf32, #tpu.memory_space<vmem>> -> memref<1x2048xf32, #tpu.memory_space<vmem>>
    %dma_wait3A_25 = tpu.memref_squeeze %dma_wait3A_24 : memref<1x2048xf32, #tpu.memory_space<vmem>> -> memref<2048xf32, #tpu.memory_space<vmem>>
    %dma_wait3A_26 = arith.constant 0 : i32
    %dma_wait3A_27 = tpu.memref_slice %arg4[%dma_wait3A_21, %dma_wait3A_26] : memref<832x16384xf32, #tpu.memory_space<hbm>> -> memref<1x2048xf32, #tpu.memory_space<hbm>>
    %dma_wait3A_28 = tpu.memref_squeeze %dma_wait3A_27 : memref<1x2048xf32, #tpu.memory_space<hbm>> -> memref<2048xf32, #tpu.memory_space<hbm>>
    %dma_wait3A_29 = arith.constant 0 : i32
    %dma_wait3A_30 = tpu.memref_slice %arg7[%dma_wait3A_22, %dma_wait3A_29] : memref<2x2048xf32, #tpu.memory_space<vmem>> -> memref<1x2048xf32, #tpu.memory_space<vmem>>
    %dma_wait3A_31 = tpu.memref_squeeze %dma_wait3A_30 : memref<1x2048xf32, #tpu.memory_space<vmem>> -> memref<2048xf32, #tpu.memory_space<vmem>>
    %dma_wait3A_32 = arith.constant 0 : i32
    %dma_wait3A_33 = tpu.memref_slice %arg4[%dma_wait3A_21, %dma_wait3A_32] : memref<832x16384xf32, #tpu.memory_space<hbm>> -> memref<1x2048xf32, #tpu.memory_space<hbm>>
    %dma_wait3A_34 = tpu.memref_squeeze %dma_wait3A_33 : memref<1x2048xf32, #tpu.memory_space<hbm>> -> memref<2048xf32, #tpu.memory_space<hbm>>
    tpu.wait_dma2 semaphore(%arg11 : memref<!tpu.dma_semaphore, #tpu.memory_space<semaphore_mem>>) src(%dma_wait3A_34 : memref<2048xf32, #tpu.memory_space<hbm>>) dst(%dma_wait3A_31 : memref<2048xf32, #tpu.memory_space<vmem>>)
    return
  }
}

</mosaic_0001>

<sc_bundles>
// kernel: kernel.3.cloned.1.call-start
scs
__scs_entry_jumppad:
0x0: {  	(pc) =	sbr.rel $0x88, $3  }
0x1: {  	(tag) =	ssettag $0x0;
	lr =	simm.s32 $0x1  }
0x2: {  	[smem:$0x3F9E] =	sst lr;
	_ =	strace $0xD0000000  }
0x3: {  	_ = 	snop  }
0x4: {  	_ = 	snop  }
0x5: {  	_ = 	snop  }
0x6: {  	_ = 	snop  }
0x7: {  	_ = 	snop  }
__scs_overlays_trampoline_lowered:
0x8: {  	[smem:$0x3FAD] =	sst s0  }
0x9: {  	[smem:$0x3FAE] =	sst s1  }
0xa: {  	[smem:$0x3FAF] =	sst s2  }
0xb: {  	[smem:$0x3FB0] =	sst s3  }
0xc: {  	[smem:$0x3FB1] =	sst s4  }
0xd: {  	[smem:$0x3FB2] =	sst s5  }
0xe: {  	[smem:$0x3FB3] =	sst s6  }
0xf: {  	[smem:$0x3FB4] =	sst s7  }
0x10: {  	[smem:$0x3FB5] =	sst s8  }
0x11: {  	[smem:$0x3FB6] =	sst s9;
	s0 =	simm.s32 @!p0 $0x0  }
0x12: {  	s1 =	sld [smem:$0x3F9C];
	s0 =	simm.s32 @p0 $0x1  }
0x13: {  	[smem:$0x3FB7] =	sst s0;
	s0 =	simm.s32 @!p1 $0x0  }
0x14: {  	s2 =	sld [smem:$0x3F9B];
	s0 =	simm.s32 @p1 $0x1  }
0x15: {  	[smem:$0x3FB8] =	sst s0;
	s0 =	simm.s32 @!p2 $0x0  }
0x16: {  	s3 =	sld [smem:$0x3FDB];
	s0 =	simm.s32 @p2 $0x1  }
0x17: {  	s4 =	simm.s32 $0x1BF5;
	[smem:$0x3FBA] =	sst s0  }
0x18: {  	s0 =	sld [smem:$0x3F9D];
	_ =	swait.ge [sflag:s4], $0x0  }
0x19: {  	s7 =	sld [smem:$0x3F9E]  }
0x1a: {  	s8 =	sadd.s32 $0xFFFFE003, lr  }
0x1b: {  	s9 =	sadd.s32 $0xFFFFFEF7, lr;
	s5 =	simm.s32 $0xFFFFFFFF;
	p2 =	slt.u32 s8, $0xFFFFF086  }
0x1c: {  	p1 =	slt.u32 s9, $0xF7A;
	s5 =	simm.s32 @!p2 $0x0  }
0x1d: {  	s5 =	simm.s32 @p1 $0x1;
	p0 =	seq.s32 s7, s2  }
0x1e: {  	s7 =	smul.u32 @!p0 $0xF7A, s2;
	p2 =	seq.s32 @!p0 s5, $0x0  }
0x1f: {  	s9 =	smul.u32 $0xF7A, s1;
	s8 =	simm.s32 @!p0 $0x1BF5;
	p2 =	por !p2, p0  }
0x20: {  	[sflag:s8] =	ssyncset.s32 @!p0 $0xFFFFF086;
	s6 =	sadd.s32 @!p0 s3, s7;
	s7 =	simm.s32 @!p0 $0x108  }
0x21: {  	s3 =	sadd.s32 s3, s9;
	s6 =	sadd.s32 @!p0 $0x88, s6;
	s7 =	simm.s32 @p2 $0x1082  }
0x22: {  	[simem:s7], [sflag:s8] =	dma.local @!p0 [hbm:s6], $0xF7A  }
0x23: {  	s9 =	sor.u32 $0xD0000000, s2;
	s6 =	simm.s32 $0x108;
	_ =	swait.ge @!p0 [sflag:s8], $0x0  }
0x24: {  	s3 =	sadd.s32 $0x88, s3;
	s6 =	simm.s32 @!p1 $0x1082;
	[sflag:s4] =	ssyncset.s32 $0xFFFFF086  }
0x25: {  	[simem:s6], [sflag:s4] =	dma.local [hbm:s3], $0xF7A  }
0x26: {  	[smem:$0x3F9E] =	sst s1;
	(tag) =	ssettag s2;
	_ =	strace s9  }
0x27: {  	s1 =	sld [smem:$0x3FAE]  }
0x28: {  	s2 =	sld [smem:$0x3FAF]  }
0x29: {  	s4 =	sld [smem:$0x3FB1]  }
0x2a: {  	p0 =	seq.s32 s5, $0x0;
	s5 =	sld [smem:$0x3FB2]  }
0x2b: {  	s6 =	sld [smem:$0x3FB3]  }
0x2c: {  	s7 =	sld [smem:$0x3FB4]  }
0x2d: {  	s3 =	simm.s32 $0x108;
	s8 =	sld [smem:$0x3FB5]  }
0x2e: {  	s3 =	simm.s32 @!p0 $0x1082;
	s9 =	sld [smem:$0x3FB6]  }
0x2f: {  	lr =	sadd.s32 s0, s3;
	s0 =	sld [smem:$0x3FAD]  }
0x30: {  	s3 =	sld [smem:$0x3FB0]  }
0x31: {  	[smem:$0x3FB9] =	sst s10  }
0x32: {  	s10 =	sld [smem:$0x3FB7];
	_ =	sdelay $0x3  }
0x33: {  	p0 =	seq.s32 s10, $0x1;
	s10 =	sld [smem:$0x3FB9];
	_ =	sdelay $0x3  }
0x34: {  	[smem:$0x3FB9] =	sst s10  }
0x35: {  	s10 =	sld [smem:$0x3FB8];
	_ =	sdelay $0x3  }
0x36: {  	p1 =	seq.s32 s10, $0x1;
	s10 =	sld [smem:$0x3FB9];
	_ =	sdelay $0x3  }
0x37: {  	[smem:$0x3FB9] =	sst s10  }
0x38: {  	s10 =	sld [smem:$0x3FBA]  }
0x39: {  	_ = 	snop;
	(pc) =	sbr.ind lr, $3  }
0x3a: {  	_ = 	snop  }
0x3b: {  	_ = 	snop  }
0x3c: {  	p2 =	seq.s32 s10, $0x1;
	s10 =	sld [smem:$0x3FB9]  }
0x3d: {  	_ =	shalt  }
0x3e: {  	_ =	shalt  }
0x3f: {  	_ =	shalt  }
0x40: {  	_ =	shalt  }
0x41: {  	_ =	shalt  }
0x42: {  	_ =	shalt  }
0x43: {  	_ =	shalt  }
0x44: {  	_ =	shalt  }
0x45: {  	_ =	shalt  }
0x46: {  	_ =	shalt  }
0x47: {  	_ =	shalt  }
0x48: {  	_ =	shalt  }
0x49: {  	_ =	shalt  }
0x4a: {  	_ =	shalt  }
0x4b: {  	_ =	shalt  }
0x4c: {  	_ =	shalt  }
0x4d: {  	_ =	shalt  }
0x4e: {  	_ =	shalt  }
0x4f: {  	_ =	shalt  }
0x50: {  	_ =	shalt  }
0x51: {  	_ =	shalt  }
0x52: {  	_ =	shalt  }
0x53: {  	_ =	shalt  }
0x54: {  	_ =	shalt  }
0x55: {  	_ =	shalt  }
0x56: {  	_ =	shalt  }
0x57: {  	_ =	shalt  }
0x58: {  	_ =	shalt  }
0x59: {  	_ =	shalt  }
0x5a: {  	_ =	shalt  }
0x5b: {  	_ =	shalt  }
0x5c: {  	_ =	shalt  }
0x5d: {  	_ =	shalt  }
0x5e: {  	_ =	shalt  }
0x5f: {  	_ =	shalt  }
0x60: {  	_ =	shalt  }
0x61: {  	_ =	shalt  }
0x62: {  	_ =	shalt  }
0x63: {  	_ =	shalt  }
0x64: {  	_ =	shalt  }
0x65: {  	_ =	shalt  }
0x66: {  	_ =	shalt  }
0x67: {  	_ =	shalt  }
0x68: {  	_ =	shalt  }
0x69: {  	_ =	shalt  }
0x6a: {  	_ =	shalt  }
0x6b: {  	_ =	shalt  }
0x6c: {  	_ =	shalt  }
0x6d: {  	_ =	shalt  }
0x6e: {  	_ =	shalt  }
0x6f: {  	_ =	shalt  }
0x70: {  	_ =	shalt  }
0x71: {  	_ =	shalt  }
0x72: {  	_ =	shalt  }
0x73: {  	_ =	shalt  }
0x74: {  	_ =	shalt  }
0x75: {  	_ =	shalt  }
0x76: {  	_ =	shalt  }
0x77: {  	_ =	shalt  }
0x78: {  	_ =	shalt  }
0x79: {  	_ =	shalt  }
0x7a: {  	_ =	shalt  }
0x7b: {  	_ =	shalt  }
0x7c: {  	_ =	shalt  }
0x7d: {  	_ =	shalt  }
0x7e: {  	_ =	shalt  }
0x7f: {  	_ =	shalt  }
0x80: {  	_ =	shalt  }
0x81: {  	_ =	shalt  }
0x82: {  	_ =	shalt  }
0x83: {  	_ =	shalt  }
0x84: {  	_ =	shalt  }
0x85: {  	_ =	shalt  }
0x86: {  	_ =	shalt  }
0x87: {  	_ =	shalt  }
.Lfunc_end0:
.L_simem_size_0:
called_computation_lowered:
.L_overlay_start_0:
0x88: {  	s2 =	sld [smem:$0x3FD9]  }
0x89: {  	s3 =	sld [smem:$0x3FFE];
	_ =	sdelay $0x1  }
0x8a: {  	s1 =	srdreg.scid  }
0x8b: {  	s0 =	sand.u32 $0x1, s1  }
0x8c: {  	s15 =	sshll.u32 s0, $0xA;
	s2 =	sadd.s32 s3, s2  }
0x8d: {  	s2 =	sadd.s32 s2, s15  }
0x8e: {  	[smem:$0x3FC5] =	sst s2  }
0x8f: {  	_ = 	snop  }
0x90: {  	s2 =	sld [smem:$0x3FD0];
	_ =	sdelay $0x1  }
0x91: {  	s16 =	sld [smem:$0x3FC8]  }
0x92: {  	s5 =	simm.s32 $0xA;
	s6 =	simm.s32 $0x10;
	s4 =	sld [smem:$0x3FC7]  }
0x93: {  	[smem:s6], [sflag:s5] =	dma.local [hbm:s2], $0x1  }
0x94: {  	_ =	swait.eq [sflag:s5], $0x1  }
0x95: {  	[sflag:s5] =	ssyncset.done $0x0  }
0x96: {  	[sflag:s5] =	ssyncadd.s32 $0xFFFFFFFF  }
0x97: {  	s17 =	sld [smem:$0x11];
	(tm) =	ssettm $0x1  }
0x98: {  	s18 =	sld [smem:$0x3FFB];
	_ =	sdelay $0x3  }
0x99: {  	_ =	strace s18  }
0x9a: {  	s5 =	sld [smem:$0x3FFC];
	_ =	sdelay $0x3  }
0x9b: {  	_ =	strace s5  }
0x9c: {  	s5 =	sld [smem:$0x3FFD];
	_ =	sdelay $0x3  }
0x9d: {  	_ =	strace s5  }
0x9e: {  	_ =	strace $0x8FFFFFFF  }
0x9f: {  	s19 =	sld [smem:$0x3FDB];
	_ =	sdelay $0x1  }
0xa0: {  	s20 =	simm.s32 $_scs_section_size  }
0xa1: {  	s7 =	simm.s32 $_size__tile_overlayer_lowered;
	s8 =	simm.s32 $_tile_overlayer_lowered  }
0xa2: {  	s23 =	simm.s32 $0x1BFF;
	s22 =	sshll.u32 s8, $0x1;
	s5 =	sadd.s32 s20, s19  }
0xa3: {  	s9 =	simm.s32 $0x0;
	s21 =	sshll.u32 s7, $0x1;
	s7 =	sadd.s32 s22, s5  }
0xa4: {  	[timem:s9], [sflag:s23] =	dma.local [hbm:s7], s21  }
0xa5: {  	_ =	swait.ge [sflag:s23], s21  }
0xa6: {  	s6 =	ssub.s32 $0x0, s21;
	[sflag:s23] =	ssyncset.done $0x0  }
0xa7: {  	[sflag:s23] =	ssyncadd.s32 s6;
	_ =	sdelay $0x1  }
0xa8: {  	s24 =	simm.s32 $0x1B8B  }
0xa9: {  	_ =	swait.ge [sflag:s24], $0x1  }
0xaa: {  	[sflag:s24] =	ssyncset.done $0x0  }
0xab: {  	s25 =	simm.s32 $0x1B8E;
	[sflag:s24] =	ssyncadd.s32 $0xFFFFFFFF  }
0xac: {  	s26 =	simm.s32 $execute0_lowered;
	[smem:$0x3FD2] =	sst s25  }
0xad: {  	s6 =	sshll.u32 s26, $0x1;
	_ =	strace $0x80000046;
	[dreg:$0x1] =	wrdreg $0xFFFFFFFF  }
0xae: {  	s28 =	simm.s32 $_size_execute0_lowered;
	s5 =	sadd.s32 s5, s6;
	[dreg:$0x0] =	wrdreg $0x0  }
0xaf: {  	s6 =	sshll.u32 s28, $0x1;
	[dreg:$0x2] =	wrdreg s5  }
0xb0: {  	[dreg:$0x3] =	wrdreg s6  }
0xb1: {  	[dreg:$0x4] =	wrdreg $0xC0  }
0xb2: {  	_ =	task [dreg:s9], $0x5FFFF  }
0xb3: {  	[dreg:$0x1] =	wrdreg $0xFFFFFFFF  }
0xb4: {  	[dreg:$0x0] =	wrdreg $0x60  }
0xb5: {  	[dreg:$0x2] =	wrdreg s4  }
0xb6: {  	[dreg:$0x3] =	wrdreg s16  }
0xb7: {  	[dreg:$0x4] =	wrdreg s17  }
0xb8: {  	[dreg:$0x5] =	wrdreg $0x1A7000  }
0xb9: {  	[dreg:$0x6] =	wrdreg $0x9  }
0xba: {  	_ =	task.clear_ibuf [dreg:s9], $0x7FFFF;
	_ =	strace $0x90000046  }
0xbb: {  	s29 =	simm.s32 $0x9;
	_ =	strace $0x80000048  }
0xbc: {  	_ =	swait.ge [sflag:s29], $0x1  }
0xbd: {  	[sflag:s29] =	ssyncadd.s32 $0xFFFFFFFF  }
0xbe: {  	_ =	strace $0x90000048  }
0xbf: {  	_ =	sfence  }
0xc0: {  	s30 =	sld [smem:$0x0];
	_ =	sdelay $0x2  }
0xc1: {  	s31 =	sshll.u32 s1, $0xD;
	s1 =	sshrl.u32 s1, $0x2  }
0xc2: {  	s3 =	sand.u32 $0x4000, s31;
	s1 =	sadd.s32 s1, s30  }
0xc3: {  	s0 =	sor.u32 s3, s0;
	s1 =	sshll.u32 s1, $0x11  }
0xc4: {  	s0 =	sor.u32 s1, s0  }
0xc5: {  	s0 =	sadd.s32 $0x8F2B, s0  }
0xc6: {  	[sflag:s0] =	ssyncadd.remote.s32 $0x1  }
0xc7: {  	_ =	sfence.sel $0xFFFF  }
0xc8: {  	[dreg:$0x0] =	wrdreg $0xFFFFFFFF;
	(pc) =	sbr.abs _section_cstart, $3  }
0xc9: {  	[dreg:$0x1] =	wrdreg $0xFFFFFFFF  }
0xca: {  	_ =	task.clear_ibuf [dreg:s9], $0x2FFFF;
	_ =	strace $0x9FFFFFFF  }
0xcb: {  	(tm) =	ssettm $0x7FFFFFFF  }
tec
execute0_lowered:
.L_overlay_start_1:
0x0: {  	(tag) =	ssettag $0x1  }
0x1: {  	s4 =	rddreg [dreg:$0x2]  }
0x2: {  	s5 =	rddreg [dreg:$0x3]  }
0x3: {  	s0 =	srdreg.scid;
	s1 =	stileid.u32;
	s6 =	simm.s32 $0x0  }
0x4: {  	s8 =	simm.s32 $0x19880;
	s9 =	simm.s32 $0x19980;
	s10 =	simm.s32 $0x19A80  }
0x5: {  	s11 =	simm.s32 $0x19B80;
	s12 =	simm.s32 $0x19C80;
	s13 =	simm.s32 $0x19D80  }
0x6: {  	s14 =	simm.s32 $0x19E80;
	s17 =	simm.s32 $0x19F80;
	s7 =	simm.s32 $0x1A080  }
0x7: {  	s19 =	simm.s32 $0x1A180;
	s20 =	simm.s32 $0x1A280;
	s21 =	simm.s32 $0x1A380  }
0x8: {  	s0 =	sand.u32 $0x1, s0;
	s3 =	sshll.u32 s1, $0x1;
	[smem:$0x7FF] =	sst s6  }
0x9: {  	s23 =	sadd.s32 $0x800, s4;
	s24 =	sadd.s32 $0x1000, s4;
	s25 =	sadd.s32 $0x1800, s4  }
0xa: {  	s26 =	sadd.s32 $0x2000, s4;
	s28 =	sadd.s32 $0x2800, s4;
	[dreg:$0x5] =	wrdreg s3  }
0xb: {  	s29 =	sadd.s32 $0x3000, s4;
	_ =	strace $0x80000047;
	[dreg:$0x6] =	wrdreg s23  }
0xc: {  	s30 =	sadd.s32 $0x3800, s4;
	p0 =	sne.s32 s1, $0x0;
	[dreg:$0x7] =	wrdreg s24  }
0xd: {  	p1 =	seq.s32 s1, $0x0;
	s4 =	simm.s32 $0x1A600;
	[dreg:$0x8] =	wrdreg s25  }
0xe: {  	s1 =	simm.s32 $0x0;
	s2 =	ssub.s32 $0x2, s0;
	[dreg:$0x9] =	wrdreg s26  }
0xf: {  	s0 =	sor.u32 s0, s3;
	s3 =	simm.s32 $0x2;
	[dreg:$0xa] =	wrdreg s28  }
0x10: {  	s22 =	sshrl.u32 s2, $0x1;
	s0 =	sshll.u32 s0, $0x7;
	[dreg:$0xb] =	wrdreg s29  }
0x11: {  	[dreg:$0xc] =	wrdreg s30;
	s23 =	simm.s32 $0x1A580;
	s24 =	simm.s32 $0x1A680  }
0x12: {  	s2 =	ssub.s32 s2, s22;
	s16 =	sand.u32 $0x380, s0;
	s0 =	sshrl.u32 @!p0 s5, $0x3  }
0x13: {  	s25 =	simm.s32 $0x3;
	s31 =	smax.u32 s2, $0x1;
	[dreg:$0xe] =	wrdreg s0  }
0x14: {  	s5 =	simm.s32 $0x19780;
	s22 =	simm.s32 $0x1A480;
	[dreg:$0xd] =	wrdreg s31  }
.LBB2_1:
0x15: {  	[dreg:$0xf] =	wrdreg s1  }
0x16: {  	s1 =	simm.s32 @!p0 $0x1;
	s26 =	simm.s32 @!p0 $0x20;
	s0 =	rddreg [dreg:$0x1]  }
0x17: {  	s28 =	simm.s32 @!p0 $0x80;
	s29 =	simm.s32 @!p0 $0x1C04;
	s2 =	rddreg [dreg:$0xe]  }
0x18: {  	[spmem:s2@s26], [sflag:s29] =	dma.strided @!p0 [hbm:s0@s28], $0x800, s1, $0x10   }
0x19: {  	s26 =	simm.s32 $0x0  }
.LBB2_2:
0x1a: {  	s1 =	sshll.u32 s26, $0x5;
	s0 =	rddreg [dreg:$0x5]  }
0x1b: {  	s1 =	sor.u32 s0, s1  }
0x1c: {  	s28 =	sshrl.u32 s1, $0x3  }
0x1d: {  	s1 =	smul.u32 $0xC3800, s28;
	_ =	sdelay $0x1  }
0x1e: {  	s1 =	sor.u32 s16, s1  }
0x1f: {  	s2 =	smov.u32 s16;
	s16 =	rddreg [dreg:$0x0];
	s1 =	sshrl.u32 s1, $0x3  }
0x20: {  	s18 =	simm.s32 $0x80;
	s15 =	simm.s32 $0x400;
	s1 =	sadd.s32 s16, s1  }
0x21: {  	[tilespmem:s6], [sflag:$0x1] =	stream.strided.gather [hbm4b:s1+s18], $0x18700, s15, s18, $0x38;
	[tilespmem:$0x1AF00] =	vst v63  }
0x22: {  	p2 =	seq.s32 @p1 s26, $0x19;
	s1 =	simm.s32 @p1 $0x4  }
0x23: {  	s29 =	sand.u32 $0x1, s26;
	p2 =	por p2, !p1;
	_ =	swait.ge @p1 [sflag:s1], $0x800  }
0x24: {  	s31 =	sshll.u32 @!p2 s29, $0x7;
	[sflag:s1] =	ssyncset.done @p1 $0x0  }
0x25: {  	s31 =	sxor.u32 @!p2 $0x80, s31;
	s16 =	simm.s32 @!p2 $0x80;
	[sflag:s1] =	ssyncadd.s32 @p1 $0xFFFFF800  }
0x26: {  	s15 =	simm.s32 @!p2 $0x20;
	s1 =	sadd.s32 @!p2 $0x1, s26;
	[bflag:$0x0] =	sbarrier.arrive @p1 $0xFFFF  }
0x27: {  	s30 =	sshll.u32 @!p2 s1, $0x4;
	s1 =	sshll.u32 @!p2 s1, $0xB;
	s18 =	rddreg [dreg:$0x3]  }
0x28: {  	s30 =	sand.u32 @!p2 $0x70, s30;
	s1 =	sand.u32 @!p2 $0x1C000, s1;
	s0 =	rddreg [dreg:$0x1]  }
0x29: {  	s31 =	sadd.s32 @!p2 s31, s18;
	s30 =	sadd.s32 @!p2 s0, s30;
	s0 =	simm.s32 @!p2 $0x1C04  }
0x2a: {  	s1 =	sadd.s32 @!p2 s1, s30;
	s30 =	sshrl.u32 @!p2 s31, $0x3;
	s31 =	simm.s32 @!p2 $0x1  }
0x2b: {  	[spmem:s30@s15], [sflag:s0] =	dma.strided @!p2 [hbm:s1@s16], $0x800, s31, $0x10   }
0x2c: {  	s15 =	sshll.u32 s29, $0x7  }
0x2d: {  	[bflag:$0x0] =	sbarrier.arrive @!p1 $0xFFFF;
	s29 =	sadd.s32 s15, s18;
	s18 =	simm.s32 $0x18700  }
0x2e: {  	[tilespmem:s18], [sflag:$0x2] =	stream.linear.gather [spmem:s29], $0x80, $0x38;
	[tilespmem:$0x1AF00] =	vst v63  }
0x2f: {  	s16 =	simm.s32 $0x18800;
	s0 =	sadd.s32 $0x100, s29  }
0x30: {  	[tilespmem:s16], [sflag:$0x2] =	stream.linear.gather [spmem:s0], $0x80, $0x38;
	[tilespmem:$0x1AF00] =	vst v63  }
0x31: {  	s15 =	sadd.s32 $0x200, s29;
	s16 =	simm.s32 $0x18900  }
0x32: {  	[tilespmem:s16], [sflag:$0x2] =	stream.linear.gather [spmem:s15], $0x80, $0x38;
	[tilespmem:$0x1AF00] =	vst v63  }
0x33: {  	s15 =	sadd.s32 $0x300, s29;
	s16 =	simm.s32 $0x18A00  }
0x34: {  	[tilespmem:s16], [sflag:$0x2] =	stream.linear.gather [spmem:s15], $0x80, $0x38;
	[tilespmem:$0x1AF00] =	vst v63  }
0x35: {  	s15 =	sadd.s32 $0x400, s29;
	s16 =	simm.s32 $0x18B00  }
0x36: {  	[tilespmem:s16], [sflag:$0x2] =	stream.linear.gather [spmem:s15], $0x80, $0x38;
	[tilespmem:$0x1AF00] =	vst v63  }
0x37: {  	s15 =	sadd.s32 $0x500, s29;
	s16 =	simm.s32 $0x18C00  }
0x38: {  	[tilespmem:s16], [sflag:$0x2] =	stream.linear.gather [spmem:s15], $0x80, $0x38;
	[tilespmem:$0x1AF00] =	vst v63  }
0x39: {  	s15 =	sadd.s32 $0x600, s29;
	s16 =	simm.s32 $0x18D00  }
0x3a: {  	[tilespmem:s16], [sflag:$0x2] =	stream.linear.gather [spmem:s15], $0x80, $0x38;
	[tilespmem:$0x1AF00] =	vst v63  }
0x3b: {  	s15 =	sadd.s32 $0x700, s29;
	s16 =	simm.s32 $0x18E00  }
0x3c: {  	[tilespmem:s16], [sflag:$0x2] =	stream.linear.gather [spmem:s15], $0x80, $0x38;
	[tilespmem:$0x1AF00] =	vst v63  }
0x3d: {  	s15 =	sadd.s32 $0x800, s29;
	s16 =	simm.s32 $0x18F00  }
0x3e: {  	[tilespmem:s16], [sflag:$0x2] =	stream.linear.gather [spmem:s15], $0x80, $0x38;
	[tilespmem:$0x1AF00] =	vst v63  }
0x3f: {  	s15 =	sadd.s32 $0x900, s29;
	s16 =	simm.s32 $0x19000  }
0x40: {  	[tilespmem:s16], [sflag:$0x2] =	stream.linear.gather [spmem:s15], $0x80, $0x38;
	[tilespmem:$0x1AF00] =	vst v63  }
0x41: {  	s15 =	sadd.s32 $0xA00, s29;
	s16 =	simm.s32 $0x19100  }
0x42: {  	[tilespmem:s16], [sflag:$0x2] =	stream.linear.gather [spmem:s15], $0x80, $0x38;
	[tilespmem:$0x1AF00] =	vst v63  }
0x43: {  	s15 =	sadd.s32 $0xB00, s29;
	s16 =	simm.s32 $0x19200  }
0x44: {  	[tilespmem:s16], [sflag:$0x2] =	stream.linear.gather [spmem:s15], $0x80, $0x38;
	[tilespmem:$0x1AF00] =	vst v63  }
0x45: {  	s15 =	sadd.s32 $0xC00, s29;
	s16 =	simm.s32 $0x19300  }
0x46: {  	[tilespmem:s16], [sflag:$0x2] =	stream.linear.gather [spmem:s15], $0x80, $0x38;
	[tilespmem:$0x1AF00] =	vst v63  }
0x47: {  	s15 =	sadd.s32 $0xD00, s29;
	s16 =	simm.s32 $0x19400  }
0x48: {  	[tilespmem:s16], [sflag:$0x2] =	stream.linear.gather [spmem:s15], $0x80, $0x38;
	[tilespmem:$0x1AF00] =	vst v63  }
0x49: {  	s15 =	sadd.s32 $0xE00, s29;
	s16 =	simm.s32 $0x19500  }
0x4a: {  	[tilespmem:s16], [sflag:$0x2] =	stream.linear.gather [spmem:s15], $0x80, $0x38;
	[tilespmem:$0x1AF00] =	vst v63  }
0x4b: {  	s15 =	sadd.s32 $0xF00, s29;
	s16 =	simm.s32 $0x19600  }
0x4c: {  	[tilespmem:s16], [sflag:$0x2] =	stream.linear.gather [spmem:s15], $0x80, $0x38;
	[tilespmem:$0x1AF00] =	vst v63  }
0x4d: {  	_ =	swait.ge [sflag:s3], $0x800  }
0x4e: {  	[sflag:s3] =	ssyncset.done $0x0  }
0x4f: {  	s1 =	simm.s32 $0x1;
	[sflag:s3] =	ssyncadd.s32 $0xFFFFF800  }
0x50: {  	_ =	swait.ge [sflag:s1], $0x18700  }
0x51: {  	p2 =	seq.s32 s26, $0x0;
	[sflag:s1] =	ssyncset.done $0x0  }
0x52: {  	s0 =	simm.s32 @!p2 $0x3;
	[sflag:s1] =	ssyncadd.s32 $0xFFFE7900  }
0x53: {  	_ =	swait.ge @!p2 [sflag:s0], $0x800  }
0x54: {  	[sflag:s0] =	ssyncset.done @!p2 $0x0  }
0x55: {  	s15 =	sadd.s32 $0x1000, s29;
	s16 =	simm.s32 $0x18780;
	[sflag:s0] =	ssyncadd.s32 @!p2 $0xFFFFF800  }
0x56: {  	[tilespmem:s16], [sflag:$0x2] =	stream.linear.gather [spmem:s15], $0x80, $0x38;
	[tilespmem:$0x1AF00] =	vst v63  }
0x57: {  	s15 =	sadd.s32 $0x1100, s29;
	s16 =	simm.s32 $0x18880  }
0x58: {  	[tilespmem:s16], [sflag:$0x2] =	stream.linear.gather [spmem:s15], $0x80, $0x38;
	[tilespmem:$0x1AF00] =	vst v63  }
0x59: {  	s15 =	sadd.s32 $0x1200, s29;
	s16 =	simm.s32 $0x18980  }
0x5a: {  	[tilespmem:s16], [sflag:$0x2] =	stream.linear.gather [spmem:s15], $0x80, $0x38;
	[tilespmem:$0x1AF00] =	vst v63  }
0x5b: {  	s15 =	sadd.s32 $0x1300, s29;
	s16 =	simm.s32 $0x18A80  }
0x5c: {  	[tilespmem:s16], [sflag:$0x2] =	stream.linear.gather [spmem:s15], $0x80, $0x38;
	[tilespmem:$0x1AF00] =	vst v63  }
0x5d: {  	s15 =	sadd.s32 $0x1400, s29;
	s16 =	simm.s32 $0x18B80  }
0x5e: {  	[tilespmem:s16], [sflag:$0x2] =	stream.linear.gather [spmem:s15], $0x80, $0x38;
	[tilespmem:$0x1AF00] =	vst v63  }
0x5f: {  	s15 =	sadd.s32 $0x1500, s29;
	s16 =	simm.s32 $0x18C80  }
0x60: {  	[tilespmem:s16], [sflag:$0x2] =	stream.linear.gather [spmem:s15], $0x80, $0x38;
	[tilespmem:$0x1AF00] =	vst v63  }
0x61: {  	s15 =	sadd.s32 $0x1600, s29;
	s16 =	simm.s32 $0x18D80  }
0x62: {  	[tilespmem:s16], [sflag:$0x2] =	stream.linear.gather [spmem:s15], $0x80, $0x38;
	[tilespmem:$0x1AF00] =	vst v63  }
0x63: {  	s15 =	sadd.s32 $0x1700, s29;
	s16 =	simm.s32 $0x18E80  }
0x64: {  	[tilespmem:s16], [sflag:$0x2] =	stream.linear.gather [spmem:s15], $0x80, $0x38;
	[tilespmem:$0x1AF00] =	vst v63  }
0x65: {  	s15 =	sadd.s32 $0x1800, s29;
	s16 =	simm.s32 $0x18F80  }
0x66: {  	[tilespmem:s16], [sflag:$0x2] =	stream.linear.gather [spmem:s15], $0x80, $0x38;
	[tilespmem:$0x1AF00] =	vst v63  }
0x67: {  	s15 =	sadd.s32 $0x1900, s29;
	s16 =	simm.s32 $0x19080  }
0x68: {  	[tilespmem:s16], [sflag:$0x2] =	stream.linear.gather [spmem:s15], $0x80, $0x38;
	[tilespmem:$0x1AF00] =	vst v63  }
0x69: {  	s15 =	sadd.s32 $0x1A00, s29;
	s16 =	simm.s32 $0x19180  }
0x6a: {  	[tilespmem:s16], [sflag:$0x2] =	stream.linear.gather [spmem:s15], $0x80, $0x38;
	[tilespmem:$0x1AF00] =	vst v63  }
0x6b: {  	s15 =	sadd.s32 $0x1B00, s29;
	s16 =	simm.s32 $0x19280  }
0x6c: {  	[tilespmem:s16], [sflag:$0x2] =	stream.linear.gather [spmem:s15], $0x80, $0x38;
	[tilespmem:$0x1AF00] =	vst v63  }
0x6d: {  	s15 =	sadd.s32 $0x1C00, s29;
	s16 =	simm.s32 $0x19380  }
0x6e: {  	[tilespmem:s16], [sflag:$0x2] =	stream.linear.gather [spmem:s15], $0x80, $0x38;
	[tilespmem:$0x1AF00] =	vst v63  }
0x6f: {  	s15 =	sadd.s32 $0x1D00, s29;
	s16 =	simm.s32 $0x19480  }
0x70: {  	[tilespmem:s16], [sflag:$0x2] =	stream.linear.gather [spmem:s15], $0x80, $0x38;
	[tilespmem:$0x1AF00] =	vst v63  }
0x71: {  	s15 =	sadd.s32 $0x1E00, s29;
	s16 =	simm.s32 $0x19580  }
0x72: {  	[tilespmem:s16], [sflag:$0x2] =	stream.linear.gather [spmem:s15], $0x80, $0x38;
	[tilespmem:$0x1AF00] =	vst v63  }
0x73: {  	s30 =	simm.s32 $0x0;
	s15 =	sadd.s32 $0x1F00, s29;
	s16 =	simm.s32 $0x19680  }
0x74: {  	[tilespmem:s16], [sflag:$0x2] =	stream.linear.gather [spmem:s15], $0x80, $0x38;
	[tilespmem:$0x1AF00] =	vst v63  }
0x75: {  	v0 =	vld [tilespmem:s30+$0x18700];
	_ =	sdelay $0x5  }
0x76: {  	v1 =	vld [tilespmem:s30+$0x18710];
	_ =	sdelay $0x1  }
0x77: {  	v0 =	vld.idx.msk [tilespmem:v0+s6+$0x0], $0xffff;
	_ =	sdelay $0x4  }
0x78: {  	[tilespmem:s30+$0x19700] =	vst v0;
	v0 =	vld [tilespmem:s30+$0x18720]  }
0x79: {  	v1 =	vld.idx.msk [tilespmem:v1+s6+$0x0], $0xffff;
	_ =	sdelay $0x4  }
0x7a: {  	[tilespmem:s30+$0x19710] =	vst v1;
	v1 =	vld [tilespmem:s30+$0x18730];
	_ =	sdelay $0x1  }
0x7b: {  	v0 =	vld.idx.msk [tilespmem:v0+s6+$0x0], $0xffff;
	_ =	sdelay $0x4  }
0x7c: {  	[tilespmem:s30+$0x19720] =	vst v0;
	v0 =	vld [tilespmem:s30+$0x18740]  }
0x7d: {  	v1 =	vld.idx.msk [tilespmem:v1+s6+$0x0], $0xffff;
	_ =	sdelay $0x4  }
0x7e: {  	[tilespmem:s30+$0x19730] =	vst v1;
	v1 =	vld [tilespmem:s30+$0x18750];
	_ =	sdelay $0x1  }
0x7f: {  	v0 =	vld.idx.msk [tilespmem:v0+s6+$0x0], $0xffff;
	_ =	sdelay $0x4  }
0x80: {  	[tilespmem:s30+$0x19740] =	vst v0;
	v0 =	vld [tilespmem:s30+$0x18760]  }
0x81: {  	v1 =	vld.idx.msk [tilespmem:v1+s6+$0x0], $0xffff;
	_ =	sdelay $0x4  }
0x82: {  	[tilespmem:s30+$0x19750] =	vst v1;
	v1 =	vld [tilespmem:s30+$0x18770];
	_ =	sdelay $0x1  }
0x83: {  	v0 =	vld.idx.msk [tilespmem:v0+s6+$0x0], $0xffff;
	_ =	sdelay $0x4  }
0x84: {  	[tilespmem:s30+$0x19760] =	vst v0;
	v0 =	vld [tilespmem:s30+$0x18800]  }
0x85: {  	v1 =	vld.idx.msk [tilespmem:v1+s6+$0x0], $0xffff;
	_ =	sdelay $0x4  }
0x86: {  	[tilespmem:s30+$0x19770] =	vst v1;
	v1 =	vld [tilespmem:s30+$0x18810];
	_ =	sdelay $0x1  }
0x87: {  	v0 =	vld.idx.msk [tilespmem:v0+s6+$0x0], $0xffff;
	_ =	sdelay $0x4  }
0x88: {  	[tilespmem:s30+$0x19800] =	vst v0;
	v0 =	vld [tilespmem:s30+$0x18820]  }
0x89: {  	v1 =	vld.idx.msk [tilespmem:v1+s6+$0x0], $0xffff;
	_ =	sdelay $0x4  }
0x8a: {  	[tilespmem:s30+$0x19810] =	vst v1;
	v1 =	vld [tilespmem:s30+$0x18830];
	_ =	sdelay $0x1  }
0x8b: {  	v0 =	vld.idx.msk [tilespmem:v0+s6+$0x0], $0xffff;
	_ =	sdelay $0x4  }
0x8c: {  	[tilespmem:s30+$0x19820] =	vst v0;
	v0 =	vld [tilespmem:s30+$0x18840]  }
0x8d: {  	v1 =	vld.idx.msk [tilespmem:v1+s6+$0x0], $0xffff;
	_ =	sdelay $0x4  }
0x8e: {  	[tilespmem:s30+$0x19830] =	vst v1;
	v1 =	vld [tilespmem:s30+$0x18850];
	_ =	sdelay $0x1  }
0x8f: {  	v0 =	vld.idx.msk [tilespmem:v0+s6+$0x0], $0xffff;
	_ =	sdelay $0x4  }
0x90: {  	v2 =	vld [tilespmem:s30+$0x18860];
	[tilespmem:s30+$0x19840] =	vst v0  }
0x91: {  	v0 =	vld.idx.msk [tilespmem:v1+s6+$0x0], $0xffff;
	_ =	sdelay $0x4  }
0x92: {  	[tilespmem:s30+$0x19850] =	vst v0;
	v0 =	vld [tilespmem:s30+$0x18870];
	_ =	sdelay $0x1  }
0x93: {  	v1 =	vld.idx.msk [tilespmem:v2+s6+$0x0], $0xffff;
	_ =	sdelay $0x3  }
0x94: {  	s31 =	simm.s32 $0x1000;
	s1 =	simm.s32 $0x200  }
.LBB2_3:
0x95: {  	p3 =	sne.s32 s31, $0x3800;
	v2 =	vld [tilespmem:s1+$0x18700];
	[tilespmem:s30+$0x19860] =	vst v1  }
0x96: {  	v0 =	vld.idx.msk [tilespmem:v0+s6+$0x0], $0xffff;
	_ =	sdelay $0x5  }
0x97: {  	v1 =	vld [tilespmem:s1+$0x18710];
	[tilespmem:s30+$0x19870] =	vst v0;
	s30 =	smov.u32 s1  }
0x98: {  	v0 =	vld.idx.msk [tilespmem:v2+s6+$0x0], $0xffff;
	_ =	sdelay $0x5  }
0x99: {  	[tilespmem:s30+$0x19700] =	vst v0;
	v0 =	vld [tilespmem:s30+$0x18720]  }
0x9a: {  	v1 =	vld.idx.msk [tilespmem:v1+s6+$0x0], $0xffff;
	_ =	sdelay $0x5  }
0x9b: {  	[tilespmem:s30+$0x19710] =	vst v1;
	v1 =	vld [tilespmem:s30+$0x18730]  }
0x9c: {  	v0 =	vld.idx.msk [tilespmem:v0+s6+$0x0], $0xffff;
	_ =	sdelay $0x5  }
0x9d: {  	[tilespmem:s30+$0x19720] =	vst v0;
	v0 =	vld [tilespmem:s30+$0x18740]  }
0x9e: {  	v1 =	vld.idx.msk [tilespmem:v1+s6+$0x0], $0xffff;
	_ =	sdelay $0x5  }
0x9f: {  	[tilespmem:s30+$0x19730] =	vst v1;
	v1 =	vld [tilespmem:s30+$0x18750]  }
0xa0: {  	v0 =	vld.idx.msk [tilespmem:v0+s6+$0x0], $0xffff;
	_ =	sdelay $0x5  }
0xa1: {  	[tilespmem:s30+$0x19740] =	vst v0;
	v0 =	vld [tilespmem:s30+$0x18760]  }
0xa2: {  	v1 =	vld.idx.msk [tilespmem:v1+s6+$0x0], $0xffff;
	_ =	sdelay $0x5  }
0xa3: {  	[tilespmem:s30+$0x19750] =	vst v1;
	v1 =	vld [tilespmem:s30+$0x18770]  }
0xa4: {  	v0 =	vld.idx.msk [tilespmem:v0+s6+$0x0], $0xffff;
	_ =	sdelay $0x5  }
0xa5: {  	[tilespmem:s30+$0x19760] =	vst v0;
	v0 =	vld [tilespmem:s30+$0x18800]  }
0xa6: {  	v1 =	vld.idx.msk [tilespmem:v1+s6+$0x0], $0xffff;
	_ =	sdelay $0x5  }
0xa7: {  	[tilespmem:s30+$0x19770] =	vst v1;
	v1 =	vld [tilespmem:s30+$0x18810]  }
0xa8: {  	v0 =	vld.idx.msk [tilespmem:v0+s6+$0x0], $0xffff;
	_ =	sdelay $0x5  }
0xa9: {  	[tilespmem:s30+$0x19800] =	vst v0;
	v0 =	vld [tilespmem:s30+$0x18820]  }
0xaa: {  	v1 =	vld.idx.msk [tilespmem:v1+s6+$0x0], $0xffff;
	_ =	sdelay $0x5  }
0xab: {  	[tilespmem:s30+$0x19810] =	vst v1;
	v1 =	vld [tilespmem:s30+$0x18830]  }
0xac: {  	v0 =	vld.idx.msk [tilespmem:v0+s6+$0x0], $0xffff;
	_ =	sdelay $0x5  }
0xad: {  	[tilespmem:s30+$0x19820] =	vst v0;
	v0 =	vld [tilespmem:s30+$0x18840]  }
0xae: {  	v1 =	vld.idx.msk [tilespmem:v1+s6+$0x0], $0xffff;
	_ =	sdelay $0x5  }
0xaf: {  	[tilespmem:s30+$0x19830] =	vst v1;
	v1 =	vld [tilespmem:s30+$0x18850]  }
0xb0: {  	v0 =	vld.idx.msk [tilespmem:v0+s6+$0x0], $0xffff;
	_ =	sdelay $0x5  }
0xb1: {  	[tilespmem:s30+$0x19840] =	vst v0;
	v2 =	vld [tilespmem:s30+$0x18860]  }
0xb2: {  	v0 =	vld.idx.msk [tilespmem:v1+s6+$0x0], $0xffff;
	_ =	sdelay $0x5  }
0xb3: {  	[tilespmem:s30+$0x19850] =	vst v0;
	v0 =	vld [tilespmem:s30+$0x18870]  }
0xb4: {  	v1 =	vld.idx.msk [tilespmem:v2+s6+$0x0], $0xffff  }
.Ltmp0:
0xb5: {  	(pc) =	sbr.rel @p3 .LBB2_3-.Ltmp0, $2  }
0xb6: {  	_ =	sdelay $0x2  }
0xb7: {  	s1 =	sshra.s32 s31, $0x2;
	s31 =	sadd.s32 $0x800, s31  }
0xb8: {  	_ =	sdelay $0x1  }
0xb9: {  	v2 =	vld [tilespmem:s1+$0x18700]  }
0xba: {  	[tilespmem:s30+$0x19860] =	vst v1  }
0xbb: {  	v0 =	vld.idx.msk [tilespmem:v0+s6+$0x0], $0xffff;
	_ =	sdelay $0x3  }
0xbc: {  	v1 =	vld [tilespmem:s1+$0x18710]  }
0xbd: {  	[tilespmem:s30+$0x19870] =	vst v0  }
0xbe: {  	v0 =	vld.idx.msk [tilespmem:v2+s6+$0x0], $0xffff;
	_ =	sdelay $0x4  }
0xbf: {  	[tilespmem:s1+$0x19700] =	vst v0;
	v0 =	vld [tilespmem:s1+$0x18720]  }
0xc0: {  	v1 =	vld.idx.msk [tilespmem:v1+s6+$0x0], $0xffff;
	_ =	sdelay $0x4  }
0xc1: {  	[tilespmem:s1+$0x19710] =	vst v1;
	v1 =	vld [tilespmem:s1+$0x18730];
	_ =	sdelay $0x1  }
0xc2: {  	v0 =	vld.idx.msk [tilespmem:v0+s6+$0x0], $0xffff;
	_ =	sdelay $0x4  }
0xc3: {  	[tilespmem:s1+$0x19720] =	vst v0;
	v0 =	vld [tilespmem:s1+$0x18740]  }
0xc4: {  	v1 =	vld.idx.msk [tilespmem:v1+s6+$0x0], $0xffff;
	_ =	sdelay $0x4  }
0xc5: {  	[tilespmem:s1+$0x19730] =	vst v1;
	v1 =	vld [tilespmem:s1+$0x18750];
	_ =	sdelay $0x1  }
0xc6: {  	v0 =	vld.idx.msk [tilespmem:v0+s6+$0x0], $0xffff;
	_ =	sdelay $0x4  }
0xc7: {  	[tilespmem:s1+$0x19740] =	vst v0;
	v0 =	vld [tilespmem:s1+$0x18760]  }
0xc8: {  	v1 =	vld.idx.msk [tilespmem:v1+s6+$0x0], $0xffff;
	_ =	sdelay $0x4  }
0xc9: {  	[tilespmem:s1+$0x19750] =	vst v1;
	v1 =	vld [tilespmem:s1+$0x18770];
	_ =	sdelay $0x1  }
0xca: {  	v0 =	vld.idx.msk [tilespmem:v0+s6+$0x0], $0xffff;
	_ =	sdelay $0x4  }
0xcb: {  	[tilespmem:s1+$0x19760] =	vst v0;
	v0 =	vld [tilespmem:s1+$0x18800]  }
0xcc: {  	v1 =	vld.idx.msk [tilespmem:v1+s6+$0x0], $0xffff;
	_ =	sdelay $0x4  }
0xcd: {  	[tilespmem:s1+$0x19770] =	vst v1;
	v1 =	vld [tilespmem:s1+$0x18810];
	_ =	sdelay $0x1  }
0xce: {  	v0 =	vld.idx.msk [tilespmem:v0+s6+$0x0], $0xffff;
	_ =	sdelay $0x4  }
0xcf: {  	[tilespmem:s1+$0x19800] =	vst v0;
	v0 =	vld [tilespmem:s1+$0x18820]  }
0xd0: {  	v1 =	vld.idx.msk [tilespmem:v1+s6+$0x0], $0xffff;
	_ =	sdelay $0x4  }
0xd1: {  	[tilespmem:s1+$0x19810] =	vst v1;
	v1 =	vld [tilespmem:s1+$0x18830];
	_ =	sdelay $0x1  }
0xd2: {  	v0 =	vld.idx.msk [tilespmem:v0+s6+$0x0], $0xffff;
	_ =	sdelay $0x4  }
0xd3: {  	[tilespmem:s1+$0x19820] =	vst v0;
	v0 =	vld [tilespmem:s1+$0x18840]  }
0xd4: {  	v1 =	vld.idx.msk [tilespmem:v1+s6+$0x0], $0xffff;
	_ =	sdelay $0x4  }
0xd5: {  	[tilespmem:s1+$0x19830] =	vst v1;
	v1 =	vld [tilespmem:s1+$0x18850];
	_ =	sdelay $0x1  }
0xd6: {  	v0 =	vld.idx.msk [tilespmem:v0+s6+$0x0], $0xffff;
	_ =	sdelay $0x4  }
0xd7: {  	[tilespmem:s1+$0x19840] =	vst v0;
	v0 =	vld [tilespmem:s1+$0x18860]  }
0xd8: {  	v1 =	vld.idx.msk [tilespmem:v1+s6+$0x0], $0xffff;
	_ =	sdelay $0x4  }
0xd9: {  	[tilespmem:s1+$0x19850] =	vst v1;
	v1 =	vld [tilespmem:s1+$0x18870];
	_ =	sdelay $0x1  }
0xda: {  	v0 =	vld.idx.msk [tilespmem:v0+s6+$0x0], $0xffff;
	_ =	sdelay $0x4  }
0xdb: {  	[tilespmem:s1+$0x19860] =	vst v0  }
0xdc: {  	v0 =	vld.idx.msk [tilespmem:v1+s6+$0x0], $0xffff;
	_ =	sdelay $0x1  }
0xdd: {  	s0 =	sshll.u32 s28, $0x11  }
0xde: {  	s0 =	sor.u32 s2, s0  }
0xdf: {  	s16 =	smov.u32 s2;
	s2 =	rddreg [dreg:$0x2];
	s28 =	sshrl.u32 s0, $0x3  }
0xe0: {  	s0 =	sadd.s32 s2, s28;
	s2 =	simm.s32 $0x19700;
	[tilespmem:s1+$0x19870] =	vst v0  }
0xe1: {  	[hbm4b:s0+s6] =	stream.linear.scatter [tilespmem:s2], [sflag:$0x3], $0x80, $0x38;
	[tilespmem:$0x1AF00] =	vst v63  }
0xe2: {  	s15 =	simm.s32 $0x19800;
	s1 =	sadd.s32 $0x80, s0  }
0xe3: {  	[hbm4b:s1+s6] =	stream.linear.scatter [tilespmem:s15], [sflag:$0x3], $0x80, $0x38;
	[tilespmem:$0x1AF00] =	vst v63  }
0xe4: {  	s1 =	sadd.s32 $0x100, s0;
	s15 =	simm.s32 $0x19900  }
0xe5: {  	[hbm4b:s1+s6] =	stream.linear.scatter [tilespmem:s15], [sflag:$0x3], $0x80, $0x38;
	[tilespmem:$0x1AF00] =	vst v63  }
0xe6: {  	s1 =	sadd.s32 $0x180, s0;
	s15 =	simm.s32 $0x19A00  }
0xe7: {  	[hbm4b:s1+s6] =	stream.linear.scatter [tilespmem:s15], [sflag:$0x3], $0x80, $0x38;
	[tilespmem:$0x1AF00] =	vst v63  }
0xe8: {  	s1 =	sadd.s32 $0x200, s0;
	s15 =	simm.s32 $0x19B00  }
0xe9: {  	[hbm4b:s1+s6] =	stream.linear.scatter [tilespmem:s15], [sflag:$0x3], $0x80, $0x38;
	[tilespmem:$0x1AF00] =	vst v63  }
0xea: {  	s1 =	sadd.s32 $0x280, s0;
	s15 =	simm.s32 $0x19C00  }
0xeb: {  	[hbm4b:s1+s6] =	stream.linear.scatter [tilespmem:s15], [sflag:$0x3], $0x80, $0x38;
	[tilespmem:$0x1AF00] =	vst v63  }
0xec: {  	s1 =	sadd.s32 $0x300, s0;
	s15 =	simm.s32 $0x19D00  }
0xed: {  	[hbm4b:s1+s6] =	stream.linear.scatter [tilespmem:s15], [sflag:$0x3], $0x80, $0x38;
	[tilespmem:$0x1AF00] =	vst v63  }
0xee: {  	s1 =	sadd.s32 $0x380, s0;
	s15 =	simm.s32 $0x19E00  }
0xef: {  	[hbm4b:s1+s6] =	stream.linear.scatter [tilespmem:s15], [sflag:$0x3], $0x80, $0x38;
	[tilespmem:$0x1AF00] =	vst v63  }
0xf0: {  	s1 =	sadd.s32 $0x400, s0;
	s15 =	simm.s32 $0x19F00  }
0xf1: {  	[hbm4b:s1+s6] =	stream.linear.scatter [tilespmem:s15], [sflag:$0x3], $0x80, $0x38;
	[tilespmem:$0x1AF00] =	vst v63  }
0xf2: {  	s1 =	sadd.s32 $0x480, s0;
	s15 =	simm.s32 $0x1A000  }
0xf3: {  	[hbm4b:s1+s6] =	stream.linear.scatter [tilespmem:s15], [sflag:$0x3], $0x80, $0x38;
	[tilespmem:$0x1AF00] =	vst v63  }
0xf4: {  	s1 =	sadd.s32 $0x500, s0;
	s15 =	simm.s32 $0x1A100  }
0xf5: {  	[hbm4b:s1+s6] =	stream.linear.scatter [tilespmem:s15], [sflag:$0x3], $0x80, $0x38;
	[tilespmem:$0x1AF00] =	vst v63  }
0xf6: {  	s1 =	sadd.s32 $0x580, s0;
	s15 =	simm.s32 $0x1A200  }
0xf7: {  	[hbm4b:s1+s6] =	stream.linear.scatter [tilespmem:s15], [sflag:$0x3], $0x80, $0x38;
	[tilespmem:$0x1AF00] =	vst v63  }
0xf8: {  	s1 =	sadd.s32 $0x600, s0;
	s15 =	simm.s32 $0x1A300  }
0xf9: {  	[hbm4b:s1+s6] =	stream.linear.scatter [tilespmem:s15], [sflag:$0x3], $0x80, $0x38;
	[tilespmem:$0x1AF00] =	vst v63  }
0xfa: {  	s1 =	sadd.s32 $0x680, s0;
	s15 =	simm.s32 $0x1A400  }
0xfb: {  	[hbm4b:s1+s6] =	stream.linear.scatter [tilespmem:s15], [sflag:$0x3], $0x80, $0x38;
	[tilespmem:$0x1AF00] =	vst v63  }
0xfc: {  	s1 =	sadd.s32 $0x700, s0;
	s15 =	simm.s32 $0x1A500  }
0xfd: {  	[hbm4b:s1+s6] =	stream.linear.scatter [tilespmem:s15], [sflag:$0x3], $0x80, $0x38;
	[tilespmem:$0x1AF00] =	vst v63  }
0xfe: {  	s0 =	sadd.s32 $0x780, s0  }
0xff: {  	[hbm4b:s0+s6] =	stream.linear.scatter [tilespmem:s4], [sflag:$0x3], $0x80, $0x38;
	[tilespmem:$0x1AF00] =	vst v63  }
0x100: {  	_ =	swait.ge [sflag:s3], $0x800  }
0x101: {  	[sflag:s3] =	ssyncset.done $0x0  }
0x102: {  	s0 =	simm.s32 @!p2 $0x3;
	[sflag:s3] =	ssyncadd.s32 $0xFFFFF800  }
0x103: {  	_ =	swait.ge @!p2 [sflag:s0], $0x800  }
0x104: {  	[sflag:s0] =	ssyncset.done @!p2 $0x0  }
0x105: {  	s15 =	sadd.s32 $0x2000, s29;
	[sflag:s0] =	ssyncadd.s32 @!p2 $0xFFFFF800  }
0x106: {  	[tilespmem:s18], [sflag:$0x2] =	stream.linear.gather [spmem:s15], $0x80, $0x38;
	[tilespmem:$0x1AF00] =	vst v63  }
0x107: {  	s1 =	sadd.s32 $0x2100, s29;
	s15 =	simm.s32 $0x18800  }
0x108: {  	[tilespmem:s15], [sflag:$0x2] =	stream.linear.gather [spmem:s1], $0x80, $0x38;
	[tilespmem:$0x1AF00] =	vst v63  }
0x109: {  	s1 =	sadd.s32 $0x2200, s29;
	s15 =	simm.s32 $0x18900  }
0x10a: {  	[tilespmem:s15], [sflag:$0x2] =	stream.linear.gather [spmem:s1], $0x80, $0x38;
	[tilespmem:$0x1AF00] =	vst v63  }
0x10b: {  	s1 =	sadd.s32 $0x2300, s29;
	s15 =	simm.s32 $0x18A00  }
0x10c: {  	[tilespmem:s15], [sflag:$0x2] =	stream.linear.gather [spmem:s1], $0x80, $0x38;
	[tilespmem:$0x1AF00] =	vst v63  }
0x10d: {  	s1 =	sadd.s32 $0x2400, s29;
	s15 =	simm.s32 $0x18B00  }
0x10e: {  	[tilespmem:s15], [sflag:$0x2] =	stream.linear.gather [spmem:s1], $0x80, $0x38;
	[tilespmem:$0x1AF00] =	vst v63  }
0x10f: {  	s1 =	sadd.s32 $0x2500, s29;
	s15 =	simm.s32 $0x18C00  }
0x110: {  	[tilespmem:s15], [sflag:$0x2] =	stream.linear.gather [spmem:s1], $0x80, $0x38;
	[tilespmem:$0x1AF00] =	vst v63  }
0x111: {  	s1 =	sadd.s32 $0x2600, s29;
	s15 =	simm.s32 $0x18D00  }
0x112: {  	[tilespmem:s15], [sflag:$0x2] =	stream.linear.gather [spmem:s1], $0x80, $0x38;
	[tilespmem:$0x1AF00] =	vst v63  }
0x113: {  	s1 =	sadd.s32 $0x2700, s29;
	s15 =	simm.s32 $0x18E00  }
0x114: {  	[tilespmem:s15], [sflag:$0x2] =	stream.linear.gather [spmem:s1], $0x80, $0x38;
	[tilespmem:$0x1AF00] =	vst v63  }
0x115: {  	s1 =	sadd.s32 $0x2800, s29;
	s15 =	simm.s32 $0x18F00  }
0x116: {  	[tilespmem:s15], [sflag:$0x2] =	stream.linear.gather [spmem:s1], $0x80, $0x38;
	[tilespmem:$0x1AF00] =	vst v63  }
0x117: {  	s1 =	sadd.s32 $0x2900, s29;
	s15 =	simm.s32 $0x19000  }
0x118: {  	[tilespmem:s15], [sflag:$0x2] =	stream.linear.gather [spmem:s1], $0x80, $0x38;
	[tilespmem:$0x1AF00] =	vst v63  }
0x119: {  	s1 =	sadd.s32 $0x2A00, s29;
	s15 =	simm.s32 $0x19100  }
0x11a: {  	[tilespmem:s15], [sflag:$0x2] =	stream.linear.gather [spmem:s1], $0x80, $0x38;
	[tilespmem:$0x1AF00] =	vst v63  }
0x11b: {  	s1 =	sadd.s32 $0x2B00, s29;
	s15 =	simm.s32 $0x19200  }
0x11c: {  	[tilespmem:s15], [sflag:$0x2] =	stream.linear.gather [spmem:s1], $0x80, $0x38;
	[tilespmem:$0x1AF00] =	vst v63  }
0x11d: {  	s1 =	sadd.s32 $0x2C00, s29;
	s15 =	simm.s32 $0x19300  }
0x11e: {  	[tilespmem:s15], [sflag:$0x2] =	stream.linear.gather [spmem:s1], $0x80, $0x38;
	[tilespmem:$0x1AF00] =	vst v63  }
0x11f: {  	s1 =	sadd.s32 $0x2D00, s29;
	s15 =	simm.s32 $0x19400  }
0x120: {  	[tilespmem:s15], [sflag:$0x2] =	stream.linear.gather [spmem:s1], $0x80, $0x38;
	[tilespmem:$0x1AF00] =	vst v63  }
0x121: {  	s1 =	sadd.s32 $0x2E00, s29;
	s15 =	simm.s32 $0x19500  }
0x122: {  	[tilespmem:s15], [sflag:$0x2] =	stream.linear.gather [spmem:s1], $0x80, $0x38;
	[tilespmem:$0x1AF00] =	vst v63  }
0x123: {  	s30 =	simm.s32 $0x0;
	s1 =	sadd.s32 $0x2F00, s29;
	s15 =	simm.s32 $0x19600  }
0x124: {  	[tilespmem:s15], [sflag:$0x2] =	stream.linear.gather [spmem:s1], $0x80, $0x38;
	[tilespmem:$0x1AF00] =	vst v63  }
0x125: {  	v0 =	vld [tilespmem:s30+$0x18780];
	_ =	sdelay $0x5  }
0x126: {  	v1 =	vld [tilespmem:s30+$0x18790];
	_ =	sdelay $0x1  }
0x127: {  	v0 =	vld.idx.msk [tilespmem:v0+s6+$0x0], $0xffff;
	_ =	sdelay $0x4  }
0x128: {  	[tilespmem:s30+$0x19780] =	vst v0;
	v0 =	vld [tilespmem:s30+$0x187A0]  }
0x129: {  	v1 =	vld.idx.msk [tilespmem:v1+s6+$0x0], $0xffff;
	_ =	sdelay $0x4  }
0x12a: {  	[tilespmem:s30+$0x19790] =	vst v1;
	v1 =	vld [tilespmem:s30+$0x187B0];
	_ =	sdelay $0x1  }
0x12b: {  	v0 =	vld.idx.msk [tilespmem:v0+s6+$0x0], $0xffff;
	_ =	sdelay $0x4  }
0x12c: {  	[tilespmem:s30+$0x197A0] =	vst v0;
	v0 =	vld [tilespmem:s30+$0x187C0]  }
0x12d: {  	v1 =	vld.idx.msk [tilespmem:v1+s6+$0x0], $0xffff;
	_ =	sdelay $0x4  }
0x12e: {  	[tilespmem:s30+$0x197B0] =	vst v1;
	v1 =	vld [tilespmem:s30+$0x187D0];
	_ =	sdelay $0x1  }
0x12f: {  	v0 =	vld.idx.msk [tilespmem:v0+s6+$0x0], $0xffff;
	_ =	sdelay $0x4  }
0x130: {  	[tilespmem:s30+$0x197C0] =	vst v0;
	v0 =	vld [tilespmem:s30+$0x187E0]  }
0x131: {  	v1 =	vld.idx.msk [tilespmem:v1+s6+$0x0], $0xffff;
	_ =	sdelay $0x4  }
0x132: {  	[tilespmem:s30+$0x197D0] =	vst v1;
	v1 =	vld [tilespmem:s30+$0x187F0];
	_ =	sdelay $0x1  }
0x133: {  	v0 =	vld.idx.msk [tilespmem:v0+s6+$0x0], $0xffff;
	_ =	sdelay $0x4  }
0x134: {  	[tilespmem:s30+$0x197E0] =	vst v0;
	v0 =	vld [tilespmem:s30+$0x18880]  }
0x135: {  	v1 =	vld.idx.msk [tilespmem:v1+s6+$0x0], $0xffff;
	_ =	sdelay $0x4  }
0x136: {  	[tilespmem:s30+$0x197F0] =	vst v1;
	v1 =	vld [tilespmem:s30+$0x18890];
	_ =	sdelay $0x1  }
0x137: {  	v0 =	vld.idx.msk [tilespmem:v0+s6+$0x0], $0xffff;
	_ =	sdelay $0x4  }
0x138: {  	[tilespmem:s30+$0x19880] =	vst v0;
	v0 =	vld [tilespmem:s30+$0x188A0]  }
0x139: {  	v1 =	vld.idx.msk [tilespmem:v1+s6+$0x0], $0xffff;
	_ =	sdelay $0x4  }
0x13a: {  	[tilespmem:s30+$0x19890] =	vst v1;
	v1 =	vld [tilespmem:s30+$0x188B0];
	_ =	sdelay $0x1  }
0x13b: {  	v0 =	vld.idx.msk [tilespmem:v0+s6+$0x0], $0xffff;
	_ =	sdelay $0x4  }
0x13c: {  	[tilespmem:s30+$0x198A0] =	vst v0;
	v0 =	vld [tilespmem:s30+$0x188C0]  }
0x13d: {  	v1 =	vld.idx.msk [tilespmem:v1+s6+$0x0], $0xffff;
	_ =	sdelay $0x4  }
0x13e: {  	[tilespmem:s30+$0x198B0] =	vst v1;
	v1 =	vld [tilespmem:s30+$0x188D0];
	_ =	sdelay $0x1  }
0x13f: {  	v0 =	vld.idx.msk [tilespmem:v0+s6+$0x0], $0xffff;
	_ =	sdelay $0x4  }
0x140: {  	v2 =	vld [tilespmem:s30+$0x188E0];
	[tilespmem:s30+$0x198C0] =	vst v0  }
0x141: {  	v0 =	vld.idx.msk [tilespmem:v1+s6+$0x0], $0xffff;
	_ =	sdelay $0x4  }
0x142: {  	[tilespmem:s30+$0x198D0] =	vst v0;
	v0 =	vld [tilespmem:s30+$0x188F0];
	_ =	sdelay $0x1  }
0x143: {  	v1 =	vld.idx.msk [tilespmem:v2+s6+$0x0], $0xffff;
	_ =	sdelay $0x3  }
0x144: {  	s31 =	simm.s32 $0x1000;
	s1 =	simm.s32 $0x200  }
.LBB2_5:
0x145: {  	p2 =	sne.s32 s31, $0x3800;
	v2 =	vld [tilespmem:s1+$0x18780];
	[tilespmem:s30+$0x198E0] =	vst v1  }
0x146: {  	v0 =	vld.idx.msk [tilespmem:v0+s6+$0x0], $0xffff;
	_ =	sdelay $0x5  }
0x147: {  	v1 =	vld [tilespmem:s1+$0x18790];
	[tilespmem:s30+$0x198F0] =	vst v0;
	s30 =	smov.u32 s1  }
0x148: {  	v0 =	vld.idx.msk [tilespmem:v2+s6+$0x0], $0xffff;
	_ =	sdelay $0x5  }
0x149: {  	[tilespmem:s30+$0x19780] =	vst v0;
	v0 =	vld [tilespmem:s30+$0x187A0]  }
0x14a: {  	v1 =	vld.idx.msk [tilespmem:v1+s6+$0x0], $0xffff;
	_ =	sdelay $0x5  }
0x14b: {  	[tilespmem:s30+$0x19790] =	vst v1;
	v1 =	vld [tilespmem:s30+$0x187B0]  }
0x14c: {  	v0 =	vld.idx.msk [tilespmem:v0+s6+$0x0], $0xffff;
	_ =	sdelay $0x5  }
0x14d: {  	[tilespmem:s30+$0x197A0] =	vst v0;
	v0 =	vld [tilespmem:s30+$0x187C0]  }
0x14e: {  	v1 =	vld.idx.msk [tilespmem:v1+s6+$0x0], $0xffff;
	_ =	sdelay $0x5  }
0x14f: {  	[tilespmem:s30+$0x197B0] =	vst v1;
	v1 =	vld [tilespmem:s30+$0x187D0]  }
0x150: {  	v0 =	vld.idx.msk [tilespmem:v0+s6+$0x0], $0xffff;
	_ =	sdelay $0x5  }
0x151: {  	[tilespmem:s30+$0x197C0] =	vst v0;
	v0 =	vld [tilespmem:s30+$0x187E0]  }
0x152: {  	v1 =	vld.idx.msk [tilespmem:v1+s6+$0x0], $0xffff;
	_ =	sdelay $0x5  }
0x153: {  	[tilespmem:s30+$0x197D0] =	vst v1;
	v1 =	vld [tilespmem:s30+$0x187F0]  }
0x154: {  	v0 =	vld.idx.msk [tilespmem:v0+s6+$0x0], $0xffff;
	_ =	sdelay $0x5  }
0x155: {  	[tilespmem:s30+$0x197E0] =	vst v0;
	v0 =	vld [tilespmem:s30+$0x18880]  }
0x156: {  	v1 =	vld.idx.msk [tilespmem:v1+s6+$0x0], $0xffff;
	_ =	sdelay $0x5  }
0x157: {  	[tilespmem:s30+$0x197F0] =	vst v1;
	v1 =	vld [tilespmem:s30+$0x18890]  }
0x158: {  	v0 =	vld.idx.msk [tilespmem:v0+s6+$0x0], $0xffff;
	_ =	sdelay $0x5  }
0x159: {  	[tilespmem:s30+$0x19880] =	vst v0;
	v0 =	vld [tilespmem:s30+$0x188A0]  }
0x15a: {  	v1 =	vld.idx.msk [tilespmem:v1+s6+$0x0], $0xffff;
	_ =	sdelay $0x5  }
0x15b: {  	[tilespmem:s30+$0x19890] =	vst v1;
	v1 =	vld [tilespmem:s30+$0x188B0]  }
0x15c: {  	v0 =	vld.idx.msk [tilespmem:v0+s6+$0x0], $0xffff;
	_ =	sdelay $0x5  }
0x15d: {  	[tilespmem:s30+$0x198A0] =	vst v0;
	v0 =	vld [tilespmem:s30+$0x188C0]  }
0x15e: {  	v1 =	vld.idx.msk [tilespmem:v1+s6+$0x0], $0xffff;
	_ =	sdelay $0x5  }
0x15f: {  	[tilespmem:s30+$0x198B0] =	vst v1;
	v1 =	vld [tilespmem:s30+$0x188D0]  }
0x160: {  	v0 =	vld.idx.msk [tilespmem:v0+s6+$0x0], $0xffff;
	_ =	sdelay $0x5  }
0x161: {  	[tilespmem:s30+$0x198C0] =	vst v0;
	v2 =	vld [tilespmem:s30+$0x188E0]  }
0x162: {  	v0 =	vld.idx.msk [tilespmem:v1+s6+$0x0], $0xffff;
	_ =	sdelay $0x5  }
0x163: {  	[tilespmem:s30+$0x198D0] =	vst v0;
	v0 =	vld [tilespmem:s30+$0x188F0]  }
0x164: {  	v1 =	vld.idx.msk [tilespmem:v2+s6+$0x0], $0xffff  }
.Ltmp1:
0x165: {  	(pc) =	sbr.rel @p2 .LBB2_5-.Ltmp1, $2  }
0x166: {  	_ =	sdelay $0x2  }
0x167: {  	s1 =	sshra.s32 s31, $0x2;
	s31 =	sadd.s32 $0x800, s31  }
0x168: {  	_ =	sdelay $0x1  }
0x169: {  	v2 =	vld [tilespmem:s1+$0x18780]  }
0x16a: {  	[tilespmem:s30+$0x198E0] =	vst v1  }
0x16b: {  	v0 =	vld.idx.msk [tilespmem:v0+s6+$0x0], $0xffff;
	_ =	sdelay $0x3  }
0x16c: {  	v1 =	vld [tilespmem:s1+$0x18790]  }
0x16d: {  	[tilespmem:s30+$0x198F0] =	vst v0  }
0x16e: {  	v0 =	vld.idx.msk [tilespmem:v2+s6+$0x0], $0xffff;
	_ =	sdelay $0x4  }
0x16f: {  	[tilespmem:s1+$0x19780] =	vst v0;
	v0 =	vld [tilespmem:s1+$0x187A0]  }
0x170: {  	v1 =	vld.idx.msk [tilespmem:v1+s6+$0x0], $0xffff;
	_ =	sdelay $0x4  }
0x171: {  	[tilespmem:s1+$0x19790] =	vst v1;
	v1 =	vld [tilespmem:s1+$0x187B0];
	_ =	sdelay $0x1  }
0x172: {  	v0 =	vld.idx.msk [tilespmem:v0+s6+$0x0], $0xffff;
	_ =	sdelay $0x4  }
0x173: {  	[tilespmem:s1+$0x197A0] =	vst v0;
	v0 =	vld [tilespmem:s1+$0x187C0]  }
0x174: {  	v1 =	vld.idx.msk [tilespmem:v1+s6+$0x0], $0xffff;
	_ =	sdelay $0x4  }
0x175: {  	[tilespmem:s1+$0x197B0] =	vst v1;
	v1 =	vld [tilespmem:s1+$0x187D0];
	_ =	sdelay $0x1  }
0x176: {  	v0 =	vld.idx.msk [tilespmem:v0+s6+$0x0], $0xffff;
	_ =	sdelay $0x4  }
0x177: {  	[tilespmem:s1+$0x197C0] =	vst v0;
	v0 =	vld [tilespmem:s1+$0x187E0]  }
0x178: {  	v1 =	vld.idx.msk [tilespmem:v1+s6+$0x0], $0xffff;
	_ =	sdelay $0x4  }
0x179: {  	[tilespmem:s1+$0x197D0] =	vst v1;
	v1 =	vld [tilespmem:s1+$0x187F0];
	_ =	sdelay $0x1  }
0x17a: {  	v0 =	vld.idx.msk [tilespmem:v0+s6+$0x0], $0xffff;
	_ =	sdelay $0x4  }
0x17b: {  	[tilespmem:s1+$0x197E0] =	vst v0;
	v0 =	vld [tilespmem:s1+$0x18880]  }
0x17c: {  	v1 =	vld.idx.msk [tilespmem:v1+s6+$0x0], $0xffff;
	_ =	sdelay $0x4  }
0x17d: {  	[tilespmem:s1+$0x197F0] =	vst v1;
	v1 =	vld [tilespmem:s1+$0x18890];
	_ =	sdelay $0x1  }
0x17e: {  	v0 =	vld.idx.msk [tilespmem:v0+s6+$0x0], $0xffff;
	_ =	sdelay $0x4  }
0x17f: {  	[tilespmem:s1+$0x19880] =	vst v0;
	v0 =	vld [tilespmem:s1+$0x188A0]  }
0x180: {  	v1 =	vld.idx.msk [tilespmem:v1+s6+$0x0], $0xffff;
	_ =	sdelay $0x4  }
0x181: {  	[tilespmem:s1+$0x19890] =	vst v1;
	v1 =	vld [tilespmem:s1+$0x188B0];
	_ =	sdelay $0x1  }
0x182: {  	v0 =	vld.idx.msk [tilespmem:v0+s6+$0x0], $0xffff;
	_ =	sdelay $0x4  }
0x183: {  	[tilespmem:s1+$0x198A0] =	vst v0;
	v0 =	vld [tilespmem:s1+$0x188C0]  }
0x184: {  	v1 =	vld.idx.msk [tilespmem:v1+s6+$0x0], $0xffff;
	_ =	sdelay $0x4  }
0x185: {  	[tilespmem:s1+$0x198B0] =	vst v1;
	v1 =	vld [tilespmem:s1+$0x188D0];
	_ =	sdelay $0x1  }
0x186: {  	v0 =	vld.idx.msk [tilespmem:v0+s6+$0x0], $0xffff;
	_ =	sdelay $0x4  }
0x187: {  	[tilespmem:s1+$0x198C0] =	vst v0;
	v0 =	vld [tilespmem:s1+$0x188E0]  }
0x188: {  	v1 =	vld.idx.msk [tilespmem:v1+s6+$0x0], $0xffff;
	_ =	sdelay $0x4  }
0x189: {  	[tilespmem:s1+$0x198D0] =	vst v1;
	v1 =	vld [tilespmem:s1+$0x188F0];
	_ =	sdelay $0x1  }
0x18a: {  	v0 =	vld.idx.msk [tilespmem:v0+s6+$0x0], $0xffff;
	_ =	sdelay $0x4  }
0x18b: {  	[tilespmem:s1+$0x198E0] =	vst v0  }
0x18c: {  	v0 =	vld.idx.msk [tilespmem:v1+s6+$0x0], $0xffff;
	_ =	sdelay $0x3  }
0x18d: {  	s0 =	rddreg [dreg:$0x6]  }
0x18e: {  	s0 =	sadd.s32 s28, s0;
	[tilespmem:s1+$0x198F0] =	vst v0;
	s1 =	simm.s32 $0x0  }
0x18f: {  	[hbm4b:s0+s1] =	stream.linear.scatter [tilespmem:s5], [sflag:$0x3], $0x80, $0x38;
	[tilespmem:$0x1AF00] =	vst v63  }
0x190: {  	s15 =	sadd.s32 $0x80, s0  }
0x191: {  	[hbm4b:s15+s1] =	stream.linear.scatter [tilespmem:s8], [sflag:$0x3], $0x80, $0x38;
	[tilespmem:$0x1AF00] =	vst v63  }
0x192: {  	s15 =	sadd.s32 $0x100, s0  }
0x193: {  	[hbm4b:s15+s1] =	stream.linear.scatter [tilespmem:s9], [sflag:$0x3], $0x80, $0x38;
	[tilespmem:$0x1AF00] =	vst v63  }
0x194: {  	s15 =	sadd.s32 $0x180, s0  }
0x195: {  	[hbm4b:s15+s1] =	stream.linear.scatter [tilespmem:s10], [sflag:$0x3], $0x80, $0x38;
	[tilespmem:$0x1AF00] =	vst v63  }
0x196: {  	s15 =	sadd.s32 $0x200, s0  }
0x197: {  	[hbm4b:s15+s1] =	stream.linear.scatter [tilespmem:s11], [sflag:$0x3], $0x80, $0x38;
	[tilespmem:$0x1AF00] =	vst v63  }
0x198: {  	s15 =	sadd.s32 $0x280, s0  }
0x199: {  	[hbm4b:s15+s1] =	stream.linear.scatter [tilespmem:s12], [sflag:$0x3], $0x80, $0x38;
	[tilespmem:$0x1AF00] =	vst v63  }
0x19a: {  	s15 =	sadd.s32 $0x300, s0  }
0x19b: {  	[hbm4b:s15+s1] =	stream.linear.scatter [tilespmem:s13], [sflag:$0x3], $0x80, $0x38;
	[tilespmem:$0x1AF00] =	vst v63  }
0x19c: {  	s15 =	sadd.s32 $0x380, s0  }
0x19d: {  	[hbm4b:s15+s1] =	stream.linear.scatter [tilespmem:s14], [sflag:$0x3], $0x80, $0x38;
	[tilespmem:$0x1AF00] =	vst v63  }
0x19e: {  	s15 =	sadd.s32 $0x400, s0  }
0x19f: {  	[hbm4b:s15+s1] =	stream.linear.scatter [tilespmem:s17], [sflag:$0x3], $0x80, $0x38;
	[tilespmem:$0x1AF00] =	vst v63  }
0x1a0: {  	s15 =	sadd.s32 $0x480, s0  }
0x1a1: {  	[hbm4b:s15+s1] =	stream.linear.scatter [tilespmem:s7], [sflag:$0x3], $0x80, $0x38;
	[tilespmem:$0x1AF00] =	vst v63  }
0x1a2: {  	s15 =	sadd.s32 $0x500, s0  }
0x1a3: {  	[hbm4b:s15+s1] =	stream.linear.scatter [tilespmem:s19], [sflag:$0x3], $0x80, $0x38;
	[tilespmem:$0x1AF00] =	vst v63  }
0x1a4: {  	s15 =	sadd.s32 $0x580, s0  }
0x1a5: {  	[hbm4b:s15+s1] =	stream.linear.scatter [tilespmem:s20], [sflag:$0x3], $0x80, $0x38;
	[tilespmem:$0x1AF00] =	vst v63  }
0x1a6: {  	s15 =	sadd.s32 $0x600, s0  }
0x1a7: {  	[hbm4b:s15+s1] =	stream.linear.scatter [tilespmem:s21], [sflag:$0x3], $0x80, $0x38;
	[tilespmem:$0x1AF00] =	vst v63  }
0x1a8: {  	s15 =	sadd.s32 $0x680, s0  }
0x1a9: {  	[hbm4b:s15+s1] =	stream.linear.scatter [tilespmem:s22], [sflag:$0x3], $0x80, $0x38;
	[tilespmem:$0x1AF00] =	vst v63  }
0x1aa: {  	s15 =	sadd.s32 $0x700, s0  }
0x1ab: {  	[hbm4b:s15+s1] =	stream.linear.scatter [tilespmem:s23], [sflag:$0x3], $0x80, $0x38;
	[tilespmem:$0x1AF00] =	vst v63  }
0x1ac: {  	s0 =	sadd.s32 $0x780, s0  }
0x1ad: {  	[hbm4b:s0+s1] =	stream.linear.scatter [tilespmem:s24], [sflag:$0x3], $0x80, $0x38;
	[tilespmem:$0x1AF00] =	vst v63  }
0x1ae: {  	_ =	swait.ge [sflag:s3], $0x800  }
0x1af: {  	[sflag:s3] =	ssyncset.done $0x0  }
0x1b0: {  	[sflag:s3] =	ssyncadd.s32 $0xFFFFF800  }
0x1b1: {  	_ =	swait.ge [sflag:s25], $0x800  }
0x1b2: {  	[sflag:s25] =	ssyncset.done $0x0  }
0x1b3: {  	s15 =	simm.s32 $0x18780;
	s1 =	sadd.s32 $0x3000, s29;
	[sflag:s25] =	ssyncadd.s32 $0xFFFFF800  }
0x1b4: {  	[tilespmem:s15], [sflag:$0x2] =	stream.linear.gather [spmem:s1], $0x80, $0x38;
	[tilespmem:$0x1AF00] =	vst v63  }
0x1b5: {  	s1 =	sadd.s32 $0x3100, s29;
	s15 =	simm.s32 $0x18880  }
0x1b6: {  	[tilespmem:s15], [sflag:$0x2] =	stream.linear.gather [spmem:s1], $0x80, $0x38;
	[tilespmem:$0x1AF00] =	vst v63  }
0x1b7: {  	s1 =	sadd.s32 $0x3200, s29;
	s15 =	simm.s32 $0x18980  }
0x1b8: {  	[tilespmem:s15], [sflag:$0x2] =	stream.linear.gather [spmem:s1], $0x80, $0x38;
	[tilespmem:$0x1AF00] =	vst v63  }
0x1b9: {  	s1 =	sadd.s32 $0x3300, s29;
	s15 =	simm.s32 $0x18A80  }
0x1ba: {  	[tilespmem:s15], [sflag:$0x2] =	stream.linear.gather [spmem:s1], $0x80, $0x38;
	[tilespmem:$0x1AF00] =	vst v63  }
0x1bb: {  	s1 =	sadd.s32 $0x3400, s29;
	s15 =	simm.s32 $0x18B80  }
0x1bc: {  	[tilespmem:s15], [sflag:$0x2] =	stream.linear.gather [spmem:s1], $0x80, $0x38;
	[tilespmem:$0x1AF00] =	vst v63  }
0x1bd: {  	s1 =	sadd.s32 $0x3500, s29;
	s15 =	simm.s32 $0x18C80  }
0x1be: {  	[tilespmem:s15], [sflag:$0x2] =	stream.linear.gather [spmem:s1], $0x80, $0x38;
	[tilespmem:$0x1AF00] =	vst v63  }
0x1bf: {  	s1 =	sadd.s32 $0x3600, s29;
	s15 =	simm.s32 $0x18D80  }
0x1c0: {  	[tilespmem:s15], [sflag:$0x2] =	stream.linear.gather [spmem:s1], $0x80, $0x38;
	[tilespmem:$0x1AF00] =	vst v63  }
0x1c1: {  	s1 =	sadd.s32 $0x3700, s29;
	s15 =	simm.s32 $0x18E80  }
0x1c2: {  	[tilespmem:s15], [sflag:$0x2] =	stream.linear.gather [spmem:s1], $0x80, $0x38;
	[tilespmem:$0x1AF00] =	vst v63  }
0x1c3: {  	s1 =	sadd.s32 $0x3800, s29;
	s15 =	simm.s32 $0x18F80  }
0x1c4: {  	[tilespmem:s15], [sflag:$0x2] =	stream.linear.gather [spmem:s1], $0x80, $0x38;
	[tilespmem:$0x1AF00] =	vst v63  }
0x1c5: {  	s1 =	sadd.s32 $0x3900, s29;
	s15 =	simm.s32 $0x19080  }
0x1c6: {  	[tilespmem:s15], [sflag:$0x2] =	stream.linear.gather [spmem:s1], $0x80, $0x38;
	[tilespmem:$0x1AF00] =	vst v63  }
0x1c7: {  	s1 =	sadd.s32 $0x3A00, s29;
	s15 =	simm.s32 $0x19180  }
0x1c8: {  	[tilespmem:s15], [sflag:$0x2] =	stream.linear.gather [spmem:s1], $0x80, $0x38;
	[tilespmem:$0x1AF00] =	vst v63  }
0x1c9: {  	s1 =	sadd.s32 $0x3B00, s29;
	s15 =	simm.s32 $0x19280  }
0x1ca: {  	[tilespmem:s15], [sflag:$0x2] =	stream.linear.gather [spmem:s1], $0x80, $0x38;
	[tilespmem:$0x1AF00] =	vst v63  }
0x1cb: {  	s1 =	sadd.s32 $0x3C00, s29;
	s15 =	simm.s32 $0x19380  }
0x1cc: {  	[tilespmem:s15], [sflag:$0x2] =	stream.linear.gather [spmem:s1], $0x80, $0x38;
	[tilespmem:$0x1AF00] =	vst v63  }
0x1cd: {  	s1 =	sadd.s32 $0x3D00, s29;
	s15 =	simm.s32 $0x19480  }
0x1ce: {  	[tilespmem:s15], [sflag:$0x2] =	stream.linear.gather [spmem:s1], $0x80, $0x38;
	[tilespmem:$0x1AF00] =	vst v63  }
0x1cf: {  	s1 =	sadd.s32 $0x3E00, s29;
	s15 =	simm.s32 $0x19580  }
0x1d0: {  	[tilespmem:s15], [sflag:$0x2] =	stream.linear.gather [spmem:s1], $0x80, $0x38;
	[tilespmem:$0x1AF00] =	vst v63  }
0x1d1: {  	s30 =	simm.s32 $0x0;
	s1 =	sadd.s32 $0x3F00, s29;
	s15 =	simm.s32 $0x19680  }
0x1d2: {  	[tilespmem:s15], [sflag:$0x2] =	stream.linear.gather [spmem:s1], $0x80, $0x38;
	[tilespmem:$0x1AF00] =	vst v63  }
0x1d3: {  	v0 =	vld [tilespmem:s30+$0x18700];
	_ =	sdelay $0x5  }
0x1d4: {  	v1 =	vld [tilespmem:s30+$0x18710];
	_ =	sdelay $0x1  }
0x1d5: {  	v0 =	vld.idx.msk [tilespmem:v0+s6+$0x0], $0xffff;
	_ =	sdelay $0x4  }
0x1d6: {  	[tilespmem:s30+$0x19700] =	vst v0;
	v0 =	vld [tilespmem:s30+$0x18720]  }
0x1d7: {  	v1 =	vld.idx.msk [tilespmem:v1+s6+$0x0], $0xffff;
	_ =	sdelay $0x4  }
0x1d8: {  	[tilespmem:s30+$0x19710] =	vst v1;
	v1 =	vld [tilespmem:s30+$0x18730];
	_ =	sdelay $0x1  }
0x1d9: {  	v0 =	vld.idx.msk [tilespmem:v0+s6+$0x0], $0xffff;
	_ =	sdelay $0x4  }
0x1da: {  	[tilespmem:s30+$0x19720] =	vst v0;
	v0 =	vld [tilespmem:s30+$0x18740]  }
0x1db: {  	v1 =	vld.idx.msk [tilespmem:v1+s6+$0x0], $0xffff;
	_ =	sdelay $0x4  }
0x1dc: {  	[tilespmem:s30+$0x19730] =	vst v1;
	v1 =	vld [tilespmem:s30+$0x18750];
	_ =	sdelay $0x1  }
0x1dd: {  	v0 =	vld.idx.msk [tilespmem:v0+s6+$0x0], $0xffff;
	_ =	sdelay $0x4  }
0x1de: {  	[tilespmem:s30+$0x19740] =	vst v0;
	v0 =	vld [tilespmem:s30+$0x18760]  }
0x1df: {  	v1 =	vld.idx.msk [tilespmem:v1+s6+$0x0], $0xffff;
	_ =	sdelay $0x4  }
0x1e0: {  	[tilespmem:s30+$0x19750] =	vst v1;
	v1 =	vld [tilespmem:s30+$0x18770];
	_ =	sdelay $0x1  }
0x1e1: {  	v0 =	vld.idx.msk [tilespmem:v0+s6+$0x0], $0xffff;
	_ =	sdelay $0x4  }
0x1e2: {  	[tilespmem:s30+$0x19760] =	vst v0;
	v0 =	vld [tilespmem:s30+$0x18800]  }
0x1e3: {  	v1 =	vld.idx.msk [tilespmem:v1+s6+$0x0], $0xffff;
	_ =	sdelay $0x4  }
0x1e4: {  	[tilespmem:s30+$0x19770] =	vst v1;
	v1 =	vld [tilespmem:s30+$0x18810];
	_ =	sdelay $0x1  }
0x1e5: {  	v0 =	vld.idx.msk [tilespmem:v0+s6+$0x0], $0xffff;
	_ =	sdelay $0x4  }
0x1e6: {  	[tilespmem:s30+$0x19800] =	vst v0;
	v0 =	vld [tilespmem:s30+$0x18820]  }
0x1e7: {  	v1 =	vld.idx.msk [tilespmem:v1+s6+$0x0], $0xffff;
	_ =	sdelay $0x4  }
0x1e8: {  	[tilespmem:s30+$0x19810] =	vst v1;
	v1 =	vld [tilespmem:s30+$0x18830];
	_ =	sdelay $0x1  }
0x1e9: {  	v0 =	vld.idx.msk [tilespmem:v0+s6+$0x0], $0xffff;
	_ =	sdelay $0x4  }
0x1ea: {  	[tilespmem:s30+$0x19820] =	vst v0;
	v0 =	vld [tilespmem:s30+$0x18840]  }
0x1eb: {  	v1 =	vld.idx.msk [tilespmem:v1+s6+$0x0], $0xffff;
	_ =	sdelay $0x4  }
0x1ec: {  	[tilespmem:s30+$0x19830] =	vst v1;
	v1 =	vld [tilespmem:s30+$0x18850];
	_ =	sdelay $0x1  }
0x1ed: {  	v0 =	vld.idx.msk [tilespmem:v0+s6+$0x0], $0xffff;
	_ =	sdelay $0x4  }
0x1ee: {  	v2 =	vld [tilespmem:s30+$0x18860];
	[tilespmem:s30+$0x19840] =	vst v0  }
0x1ef: {  	v0 =	vld.idx.msk [tilespmem:v1+s6+$0x0], $0xffff;
	_ =	sdelay $0x4  }
0x1f0: {  	[tilespmem:s30+$0x19850] =	vst v0;
	v0 =	vld [tilespmem:s30+$0x18870];
	_ =	sdelay $0x1  }
0x1f1: {  	v1 =	vld.idx.msk [tilespmem:v2+s6+$0x0], $0xffff;
	_ =	sdelay $0x3  }
0x1f2: {  	s31 =	simm.s32 $0x1000;
	s1 =	simm.s32 $0x200  }
.LBB2_7:
0x1f3: {  	p2 =	sne.s32 s31, $0x3800;
	v2 =	vld [tilespmem:s1+$0x18700];
	[tilespmem:s30+$0x19860] =	vst v1  }
0x1f4: {  	v0 =	vld.idx.msk [tilespmem:v0+s6+$0x0], $0xffff;
	_ =	sdelay $0x5  }
0x1f5: {  	v1 =	vld [tilespmem:s1+$0x18710];
	[tilespmem:s30+$0x19870] =	vst v0;
	s30 =	smov.u32 s1  }
0x1f6: {  	v0 =	vld.idx.msk [tilespmem:v2+s6+$0x0], $0xffff;
	_ =	sdelay $0x5  }
0x1f7: {  	[tilespmem:s30+$0x19700] =	vst v0;
	v0 =	vld [tilespmem:s30+$0x18720]  }
0x1f8: {  	v1 =	vld.idx.msk [tilespmem:v1+s6+$0x0], $0xffff;
	_ =	sdelay $0x5  }
0x1f9: {  	[tilespmem:s30+$0x19710] =	vst v1;
	v1 =	vld [tilespmem:s30+$0x18730]  }
0x1fa: {  	v0 =	vld.idx.msk [tilespmem:v0+s6+$0x0], $0xffff;
	_ =	sdelay $0x5  }
0x1fb: {  	[tilespmem:s30+$0x19720] =	vst v0;
	v0 =	vld [tilespmem:s30+$0x18740]  }
0x1fc: {  	v1 =	vld.idx.msk [tilespmem:v1+s6+$0x0], $0xffff;
	_ =	sdelay $0x5  }
0x1fd: {  	[tilespmem:s30+$0x19730] =	vst v1;
	v1 =	vld [tilespmem:s30+$0x18750]  }
0x1fe: {  	v0 =	vld.idx.msk [tilespmem:v0+s6+$0x0], $0xffff;
	_ =	sdelay $0x5  }
0x1ff: {  	[tilespmem:s30+$0x19740] =	vst v0;
	v0 =	vld [tilespmem:s30+$0x18760]  }
0x200: {  	v1 =	vld.idx.msk [tilespmem:v1+s6+$0x0], $0xffff;
	_ =	sdelay $0x5  }
0x201: {  	[tilespmem:s30+$0x19750] =	vst v1;
	v1 =	vld [tilespmem:s30+$0x18770]  }
0x202: {  	v0 =	vld.idx.msk [tilespmem:v0+s6+$0x0], $0xffff;
	_ =	sdelay $0x5  }
0x203: {  	[tilespmem:s30+$0x19760] =	vst v0;
	v0 =	vld [tilespmem:s30+$0x18800]  }
0x204: {  	v1 =	vld.idx.msk [tilespmem:v1+s6+$0x0], $0xffff;
	_ =	sdelay $0x5  }
0x205: {  	[tilespmem:s30+$0x19770] =	vst v1;
	v1 =	vld [tilespmem:s30+$0x18810]  }
0x206: {  	v0 =	vld.idx.msk [tilespmem:v0+s6+$0x0], $0xffff;
	_ =	sdelay $0x5  }
0x207: {  	[tilespmem:s30+$0x19800] =	vst v0;
	v0 =	vld [tilespmem:s30+$0x18820]  }
0x208: {  	v1 =	vld.idx.msk [tilespmem:v1+s6+$0x0], $0xffff;
	_ =	sdelay $0x5  }
0x209: {  	[tilespmem:s30+$0x19810] =	vst v1;
	v1 =	vld [tilespmem:s30+$0x18830]  }
0x20a: {  	v0 =	vld.idx.msk [tilespmem:v0+s6+$0x0], $0xffff;
	_ =	sdelay $0x5  }
0x20b: {  	[tilespmem:s30+$0x19820] =	vst v0;
	v0 =	vld [tilespmem:s30+$0x18840]  }
0x20c: {  	v1 =	vld.idx.msk [tilespmem:v1+s6+$0x0], $0xffff;
	_ =	sdelay $0x5  }
0x20d: {  	[tilespmem:s30+$0x19830] =	vst v1;
	v1 =	vld [tilespmem:s30+$0x18850]  }
0x20e: {  	v0 =	vld.idx.msk [tilespmem:v0+s6+$0x0], $0xffff;
	_ =	sdelay $0x5  }
0x20f: {  	[tilespmem:s30+$0x19840] =	vst v0;
	v2 =	vld [tilespmem:s30+$0x18860]  }
0x210: {  	v0 =	vld.idx.msk [tilespmem:v1+s6+$0x0], $0xffff;
	_ =	sdelay $0x5  }
0x211: {  	[tilespmem:s30+$0x19850] =	vst v0;
	v0 =	vld [tilespmem:s30+$0x18870]  }
0x212: {  	v1 =	vld.idx.msk [tilespmem:v2+s6+$0x0], $0xffff  }
.Ltmp2:
0x213: {  	(pc) =	sbr.rel @p2 .LBB2_7-.Ltmp2, $2  }
0x214: {  	_ =	sdelay $0x2  }
0x215: {  	s1 =	sshra.s32 s31, $0x2;
	s31 =	sadd.s32 $0x800, s31  }
0x216: {  	_ =	sdelay $0x1  }
0x217: {  	v2 =	vld [tilespmem:s1+$0x18700]  }
0x218: {  	[tilespmem:s30+$0x19860] =	vst v1  }
0x219: {  	v0 =	vld.idx.msk [tilespmem:v0+s6+$0x0], $0xffff;
	_ =	sdelay $0x3  }
0x21a: {  	v1 =	vld [tilespmem:s1+$0x18710]  }
0x21b: {  	[tilespmem:s30+$0x19870] =	vst v0  }
0x21c: {  	v0 =	vld.idx.msk [tilespmem:v2+s6+$0x0], $0xffff;
	_ =	sdelay $0x4  }
0x21d: {  	[tilespmem:s1+$0x19700] =	vst v0;
	v0 =	vld [tilespmem:s1+$0x18720]  }
0x21e: {  	v1 =	vld.idx.msk [tilespmem:v1+s6+$0x0], $0xffff;
	_ =	sdelay $0x4  }
0x21f: {  	[tilespmem:s1+$0x19710] =	vst v1;
	v1 =	vld [tilespmem:s1+$0x18730];
	_ =	sdelay $0x1  }
0x220: {  	v0 =	vld.idx.msk [tilespmem:v0+s6+$0x0], $0xffff;
	_ =	sdelay $0x4  }
0x221: {  	[tilespmem:s1+$0x19720] =	vst v0;
	v0 =	vld [tilespmem:s1+$0x18740]  }
0x222: {  	v1 =	vld.idx.msk [tilespmem:v1+s6+$0x0], $0xffff;
	_ =	sdelay $0x4  }
0x223: {  	[tilespmem:s1+$0x19730] =	vst v1;
	v1 =	vld [tilespmem:s1+$0x18750];
	_ =	sdelay $0x1  }
0x224: {  	v0 =	vld.idx.msk [tilespmem:v0+s6+$0x0], $0xffff;
	_ =	sdelay $0x4  }
0x225: {  	[tilespmem:s1+$0x19740] =	vst v0;
	v0 =	vld [tilespmem:s1+$0x18760]  }
0x226: {  	v1 =	vld.idx.msk [tilespmem:v1+s6+$0x0], $0xffff;
	_ =	sdelay $0x4  }
0x227: {  	[tilespmem:s1+$0x19750] =	vst v1;
	v1 =	vld [tilespmem:s1+$0x18770];
	_ =	sdelay $0x1  }
0x228: {  	v0 =	vld.idx.msk [tilespmem:v0+s6+$0x0], $0xffff;
	_ =	sdelay $0x4  }
0x229: {  	[tilespmem:s1+$0x19760] =	vst v0;
	v0 =	vld [tilespmem:s1+$0x18800]  }
0x22a: {  	v1 =	vld.idx.msk [tilespmem:v1+s6+$0x0], $0xffff;
	_ =	sdelay $0x4  }
0x22b: {  	[tilespmem:s1+$0x19770] =	vst v1;
	v1 =	vld [tilespmem:s1+$0x18810];
	_ =	sdelay $0x1  }
0x22c: {  	v0 =	vld.idx.msk [tilespmem:v0+s6+$0x0], $0xffff;
	_ =	sdelay $0x4  }
0x22d: {  	[tilespmem:s1+$0x19800] =	vst v0;
	v0 =	vld [tilespmem:s1+$0x18820]  }
0x22e: {  	v1 =	vld.idx.msk [tilespmem:v1+s6+$0x0], $0xffff;
	_ =	sdelay $0x4  }
0x22f: {  	[tilespmem:s1+$0x19810] =	vst v1;
	v1 =	vld [tilespmem:s1+$0x18830];
	_ =	sdelay $0x1  }
0x230: {  	v0 =	vld.idx.msk [tilespmem:v0+s6+$0x0], $0xffff;
	_ =	sdelay $0x4  }
0x231: {  	[tilespmem:s1+$0x19820] =	vst v0;
	v0 =	vld [tilespmem:s1+$0x18840]  }
0x232: {  	v1 =	vld.idx.msk [tilespmem:v1+s6+$0x0], $0xffff;
	_ =	sdelay $0x4  }
0x233: {  	[tilespmem:s1+$0x19830] =	vst v1;
	v1 =	vld [tilespmem:s1+$0x18850];
	_ =	sdelay $0x1  }
0x234: {  	v0 =	vld.idx.msk [tilespmem:v0+s6+$0x0], $0xffff;
	_ =	sdelay $0x4  }
0x235: {  	[tilespmem:s1+$0x19840] =	vst v0;
	v0 =	vld [tilespmem:s1+$0x18860]  }
0x236: {  	v1 =	vld.idx.msk [tilespmem:v1+s6+$0x0], $0xffff;
	_ =	sdelay $0x4  }
0x237: {  	[tilespmem:s1+$0x19850] =	vst v1;
	v1 =	vld [tilespmem:s1+$0x18870];
	_ =	sdelay $0x1  }
0x238: {  	v0 =	vld.idx.msk [tilespmem:v0+s6+$0x0], $0xffff;
	_ =	sdelay $0x4  }
0x239: {  	[tilespmem:s1+$0x19860] =	vst v0  }
0x23a: {  	v0 =	vld.idx.msk [tilespmem:v1+s6+$0x0], $0xffff;
	_ =	sdelay $0x3  }
0x23b: {  	s0 =	rddreg [dreg:$0x7]  }
0x23c: {  	s0 =	sadd.s32 s28, s0;
	[tilespmem:s1+$0x19870] =	vst v0;
	s1 =	simm.s32 $0x0  }
0x23d: {  	[hbm4b:s0+s1] =	stream.linear.scatter [tilespmem:s2], [sflag:$0x3], $0x80, $0x38;
	[tilespmem:$0x1AF00] =	vst v63  }
0x23e: {  	s15 =	sadd.s32 $0x80, s0;
	s30 =	simm.s32 $0x19800  }
0x23f: {  	[hbm4b:s15+s1] =	stream.linear.scatter [tilespmem:s30], [sflag:$0x3], $0x80, $0x38;
	[tilespmem:$0x1AF00] =	vst v63  }
0x240: {  	s15 =	sadd.s32 $0x100, s0;
	s30 =	simm.s32 $0x19900  }
0x241: {  	[hbm4b:s15+s1] =	stream.linear.scatter [tilespmem:s30], [sflag:$0x3], $0x80, $0x38;
	[tilespmem:$0x1AF00] =	vst v63  }
0x242: {  	s15 =	sadd.s32 $0x180, s0;
	s30 =	simm.s32 $0x19A00  }
0x243: {  	[hbm4b:s15+s1] =	stream.linear.scatter [tilespmem:s30], [sflag:$0x3], $0x80, $0x38;
	[tilespmem:$0x1AF00] =	vst v63  }
0x244: {  	s15 =	sadd.s32 $0x200, s0;
	s30 =	simm.s32 $0x19B00  }
0x245: {  	[hbm4b:s15+s1] =	stream.linear.scatter [tilespmem:s30], [sflag:$0x3], $0x80, $0x38;
	[tilespmem:$0x1AF00] =	vst v63  }
0x246: {  	s15 =	sadd.s32 $0x280, s0;
	s30 =	simm.s32 $0x19C00  }
0x247: {  	[hbm4b:s15+s1] =	stream.linear.scatter [tilespmem:s30], [sflag:$0x3], $0x80, $0x38;
	[tilespmem:$0x1AF00] =	vst v63  }
0x248: {  	s15 =	sadd.s32 $0x300, s0;
	s30 =	simm.s32 $0x19D00  }
0x249: {  	[hbm4b:s15+s1] =	stream.linear.scatter [tilespmem:s30], [sflag:$0x3], $0x80, $0x38;
	[tilespmem:$0x1AF00] =	vst v63  }
0x24a: {  	s15 =	sadd.s32 $0x380, s0;
	s30 =	simm.s32 $0x19E00  }
0x24b: {  	[hbm4b:s15+s1] =	stream.linear.scatter [tilespmem:s30], [sflag:$0x3], $0x80, $0x38;
	[tilespmem:$0x1AF00] =	vst v63  }
0x24c: {  	s15 =	sadd.s32 $0x400, s0;
	s30 =	simm.s32 $0x19F00  }
0x24d: {  	[hbm4b:s15+s1] =	stream.linear.scatter [tilespmem:s30], [sflag:$0x3], $0x80, $0x38;
	[tilespmem:$0x1AF00] =	vst v63  }
0x24e: {  	s15 =	sadd.s32 $0x480, s0;
	s30 =	simm.s32 $0x1A000  }
0x24f: {  	[hbm4b:s15+s1] =	stream.linear.scatter [tilespmem:s30], [sflag:$0x3], $0x80, $0x38;
	[tilespmem:$0x1AF00] =	vst v63  }
0x250: {  	s15 =	sadd.s32 $0x500, s0;
	s30 =	simm.s32 $0x1A100  }
0x251: {  	[hbm4b:s15+s1] =	stream.linear.scatter [tilespmem:s30], [sflag:$0x3], $0x80, $0x38;
	[tilespmem:$0x1AF00] =	vst v63  }
0x252: {  	s15 =	sadd.s32 $0x580, s0;
	s30 =	simm.s32 $0x1A200  }
0x253: {  	[hbm4b:s15+s1] =	stream.linear.scatter [tilespmem:s30], [sflag:$0x3], $0x80, $0x38;
	[tilespmem:$0x1AF00] =	vst v63  }
0x254: {  	s15 =	sadd.s32 $0x600, s0;
	s30 =	simm.s32 $0x1A300  }
0x255: {  	[hbm4b:s15+s1] =	stream.linear.scatter [tilespmem:s30], [sflag:$0x3], $0x80, $0x38;
	[tilespmem:$0x1AF00] =	vst v63  }
0x256: {  	s15 =	sadd.s32 $0x680, s0;
	s30 =	simm.s32 $0x1A400  }
0x257: {  	[hbm4b:s15+s1] =	stream.linear.scatter [tilespmem:s30], [sflag:$0x3], $0x80, $0x38;
	[tilespmem:$0x1AF00] =	vst v63  }
0x258: {  	s15 =	sadd.s32 $0x700, s0;
	s30 =	simm.s32 $0x1A500  }
0x259: {  	[hbm4b:s15+s1] =	stream.linear.scatter [tilespmem:s30], [sflag:$0x3], $0x80, $0x38;
	[tilespmem:$0x1AF00] =	vst v63  }
0x25a: {  	s0 =	sadd.s32 $0x780, s0  }
0x25b: {  	[hbm4b:s0+s1] =	stream.linear.scatter [tilespmem:s4], [sflag:$0x3], $0x80, $0x38;
	[tilespmem:$0x1AF00] =	vst v63  }
0x25c: {  	_ =	swait.ge [sflag:s3], $0x800  }
0x25d: {  	[sflag:s3] =	ssyncset.done $0x0  }
0x25e: {  	[sflag:s3] =	ssyncadd.s32 $0xFFFFF800  }
0x25f: {  	_ =	swait.ge [sflag:s25], $0x800  }
0x260: {  	[sflag:s25] =	ssyncset.done $0x0  }
0x261: {  	s15 =	sadd.s32 $0x4000, s29;
	[sflag:s25] =	ssyncadd.s32 $0xFFFFF800  }
0x262: {  	[tilespmem:s18], [sflag:$0x2] =	stream.linear.gather [spmem:s15], $0x80, $0x38;
	[tilespmem:$0x1AF00] =	vst v63  }
0x263: {  	s1 =	sadd.s32 $0x4100, s29;
	s15 =	simm.s32 $0x18800  }
0x264: {  	[tilespmem:s15], [sflag:$0x2] =	stream.linear.gather [spmem:s1], $0x80, $0x38;
	[tilespmem:$0x1AF00] =	vst v63  }
0x265: {  	s1 =	sadd.s32 $0x4200, s29;
	s15 =	simm.s32 $0x18900  }
0x266: {  	[tilespmem:s15], [sflag:$0x2] =	stream.linear.gather [spmem:s1], $0x80, $0x38;
	[tilespmem:$0x1AF00] =	vst v63  }
0x267: {  	s1 =	sadd.s32 $0x4300, s29;
	s15 =	simm.s32 $0x18A00  }
0x268: {  	[tilespmem:s15], [sflag:$0x2] =	stream.linear.gather [spmem:s1], $0x80, $0x38;
	[tilespmem:$0x1AF00] =	vst v63  }
0x269: {  	s1 =	sadd.s32 $0x4400, s29;
	s15 =	simm.s32 $0x18B00  }
0x26a: {  	[tilespmem:s15], [sflag:$0x2] =	stream.linear.gather [spmem:s1], $0x80, $0x38;
	[tilespmem:$0x1AF00] =	vst v63  }
0x26b: {  	s1 =	sadd.s32 $0x4500, s29;
	s15 =	simm.s32 $0x18C00  }
0x26c: {  	[tilespmem:s15], [sflag:$0x2] =	stream.linear.gather [spmem:s1], $0x80, $0x38;
	[tilespmem:$0x1AF00] =	vst v63  }
0x26d: {  	s1 =	sadd.s32 $0x4600, s29;
	s15 =	simm.s32 $0x18D00  }
0x26e: {  	[tilespmem:s15], [sflag:$0x2] =	stream.linear.gather [spmem:s1], $0x80, $0x38;
	[tilespmem:$0x1AF00] =	vst v63  }
0x26f: {  	s1 =	sadd.s32 $0x4700, s29;
	s15 =	simm.s32 $0x18E00  }
0x270: {  	[tilespmem:s15], [sflag:$0x2] =	stream.linear.gather [spmem:s1], $0x80, $0x38;
	[tilespmem:$0x1AF00] =	vst v63  }
0x271: {  	s1 =	sadd.s32 $0x4800, s29;
	s15 =	simm.s32 $0x18F00  }
0x272: {  	[tilespmem:s15], [sflag:$0x2] =	stream.linear.gather [spmem:s1], $0x80, $0x38;
	[tilespmem:$0x1AF00] =	vst v63  }
0x273: {  	s1 =	sadd.s32 $0x4900, s29;
	s15 =	simm.s32 $0x19000  }
0x274: {  	[tilespmem:s15], [sflag:$0x2] =	stream.linear.gather [spmem:s1], $0x80, $0x38;
	[tilespmem:$0x1AF00] =	vst v63  }
0x275: {  	s1 =	sadd.s32 $0x4A00, s29;
	s15 =	simm.s32 $0x19100  }
0x276: {  	[tilespmem:s15], [sflag:$0x2] =	stream.linear.gather [spmem:s1], $0x80, $0x38;
	[tilespmem:$0x1AF00] =	vst v63  }
0x277: {  	s1 =	sadd.s32 $0x4B00, s29;
	s15 =	simm.s32 $0x19200  }
0x278: {  	[tilespmem:s15], [sflag:$0x2] =	stream.linear.gather [spmem:s1], $0x80, $0x38;
	[tilespmem:$0x1AF00] =	vst v63  }
0x279: {  	s1 =	sadd.s32 $0x4C00, s29;
	s15 =	simm.s32 $0x19300  }
0x27a: {  	[tilespmem:s15], [sflag:$0x2] =	stream.linear.gather [spmem:s1], $0x80, $0x38;
	[tilespmem:$0x1AF00] =	vst v63  }
0x27b: {  	s1 =	sadd.s32 $0x4D00, s29;
	s15 =	simm.s32 $0x19400  }
0x27c: {  	[tilespmem:s15], [sflag:$0x2] =	stream.linear.gather [spmem:s1], $0x80, $0x38;
	[tilespmem:$0x1AF00] =	vst v63  }
0x27d: {  	s1 =	sadd.s32 $0x4E00, s29;
	s15 =	simm.s32 $0x19500  }
0x27e: {  	[tilespmem:s15], [sflag:$0x2] =	stream.linear.gather [spmem:s1], $0x80, $0x38;
	[tilespmem:$0x1AF00] =	vst v63  }
0x27f: {  	s30 =	simm.s32 $0x0;
	s1 =	sadd.s32 $0x4F00, s29;
	s15 =	simm.s32 $0x19600  }
0x280: {  	[tilespmem:s15], [sflag:$0x2] =	stream.linear.gather [spmem:s1], $0x80, $0x38;
	[tilespmem:$0x1AF00] =	vst v63  }
0x281: {  	v0 =	vld [tilespmem:s30+$0x18780];
	_ =	sdelay $0x5  }
0x282: {  	v1 =	vld [tilespmem:s30+$0x18790];
	_ =	sdelay $0x1  }
0x283: {  	v0 =	vld.idx.msk [tilespmem:v0+s6+$0x0], $0xffff;
	_ =	sdelay $0x4  }
0x284: {  	[tilespmem:s30+$0x19780] =	vst v0;
	v0 =	vld [tilespmem:s30+$0x187A0]  }
0x285: {  	v1 =	vld.idx.msk [tilespmem:v1+s6+$0x0], $0xffff;
	_ =	sdelay $0x4  }
0x286: {  	[tilespmem:s30+$0x19790] =	vst v1;
	v1 =	vld [tilespmem:s30+$0x187B0];
	_ =	sdelay $0x1  }
0x287: {  	v0 =	vld.idx.msk [tilespmem:v0+s6+$0x0], $0xffff;
	_ =	sdelay $0x4  }
0x288: {  	[tilespmem:s30+$0x197A0] =	vst v0;
	v0 =	vld [tilespmem:s30+$0x187C0]  }
0x289: {  	v1 =	vld.idx.msk [tilespmem:v1+s6+$0x0], $0xffff;
	_ =	sdelay $0x4  }
0x28a: {  	[tilespmem:s30+$0x197B0] =	vst v1;
	v1 =	vld [tilespmem:s30+$0x187D0];
	_ =	sdelay $0x1  }
0x28b: {  	v0 =	vld.idx.msk [tilespmem:v0+s6+$0x0], $0xffff;
	_ =	sdelay $0x4  }
0x28c: {  	[tilespmem:s30+$0x197C0] =	vst v0;
	v0 =	vld [tilespmem:s30+$0x187E0]  }
0x28d: {  	v1 =	vld.idx.msk [tilespmem:v1+s6+$0x0], $0xffff;
	_ =	sdelay $0x4  }
0x28e: {  	[tilespmem:s30+$0x197D0] =	vst v1;
	v1 =	vld [tilespmem:s30+$0x187F0];
	_ =	sdelay $0x1  }
0x28f: {  	v0 =	vld.idx.msk [tilespmem:v0+s6+$0x0], $0xffff;
	_ =	sdelay $0x4  }
0x290: {  	[tilespmem:s30+$0x197E0] =	vst v0;
	v0 =	vld [tilespmem:s30+$0x18880]  }
0x291: {  	v1 =	vld.idx.msk [tilespmem:v1+s6+$0x0], $0xffff;
	_ =	sdelay $0x4  }
0x292: {  	[tilespmem:s30+$0x197F0] =	vst v1;
	v1 =	vld [tilespmem:s30+$0x18890];
	_ =	sdelay $0x1  }
0x293: {  	v0 =	vld.idx.msk [tilespmem:v0+s6+$0x0], $0xffff;
	_ =	sdelay $0x4  }
0x294: {  	[tilespmem:s30+$0x19880] =	vst v0;
	v0 =	vld [tilespmem:s30+$0x188A0]  }
0x295: {  	v1 =	vld.idx.msk [tilespmem:v1+s6+$0x0], $0xffff;
	_ =	sdelay $0x4  }
0x296: {  	[tilespmem:s30+$0x19890] =	vst v1;
	v1 =	vld [tilespmem:s30+$0x188B0];
	_ =	sdelay $0x1  }
0x297: {  	v0 =	vld.idx.msk [tilespmem:v0+s6+$0x0], $0xffff;
	_ =	sdelay $0x4  }
0x298: {  	[tilespmem:s30+$0x198A0] =	vst v0;
	v0 =	vld [tilespmem:s30+$0x188C0]  }
0x299: {  	v1 =	vld.idx.msk [tilespmem:v1+s6+$0x0], $0xffff;
	_ =	sdelay $0x4  }
0x29a: {  	[tilespmem:s30+$0x198B0] =	vst v1;
	v1 =	vld [tilespmem:s30+$0x188D0];
	_ =	sdelay $0x1  }
0x29b: {  	v0 =	vld.idx.msk [tilespmem:v0+s6+$0x0], $0xffff;
	_ =	sdelay $0x4  }
0x29c: {  	v2 =	vld [tilespmem:s30+$0x188E0];
	[tilespmem:s30+$0x198C0] =	vst v0  }
0x29d: {  	v0 =	vld.idx.msk [tilespmem:v1+s6+$0x0], $0xffff;
	_ =	sdelay $0x4  }
0x29e: {  	[tilespmem:s30+$0x198D0] =	vst v0;
	v0 =	vld [tilespmem:s30+$0x188F0];
	_ =	sdelay $0x1  }
0x29f: {  	v1 =	vld.idx.msk [tilespmem:v2+s6+$0x0], $0xffff;
	_ =	sdelay $0x3  }
0x2a0: {  	s31 =	simm.s32 $0x1000;
	s1 =	simm.s32 $0x200  }
.LBB2_9:
0x2a1: {  	p2 =	sne.s32 s31, $0x3800;
	v2 =	vld [tilespmem:s1+$0x18780];
	[tilespmem:s30+$0x198E0] =	vst v1  }
0x2a2: {  	v0 =	vld.idx.msk [tilespmem:v0+s6+$0x0], $0xffff;
	_ =	sdelay $0x5  }
0x2a3: {  	v1 =	vld [tilespmem:s1+$0x18790];
	[tilespmem:s30+$0x198F0] =	vst v0;
	s30 =	smov.u32 s1  }
0x2a4: {  	v0 =	vld.idx.msk [tilespmem:v2+s6+$0x0], $0xffff;
	_ =	sdelay $0x5  }
0x2a5: {  	[tilespmem:s30+$0x19780] =	vst v0;
	v0 =	vld [tilespmem:s30+$0x187A0]  }
0x2a6: {  	v1 =	vld.idx.msk [tilespmem:v1+s6+$0x0], $0xffff;
	_ =	sdelay $0x5  }
0x2a7: {  	[tilespmem:s30+$0x19790] =	vst v1;
	v1 =	vld [tilespmem:s30+$0x187B0]  }
0x2a8: {  	v0 =	vld.idx.msk [tilespmem:v0+s6+$0x0], $0xffff;
	_ =	sdelay $0x5  }
0x2a9: {  	[tilespmem:s30+$0x197A0] =	vst v0;
	v0 =	vld [tilespmem:s30+$0x187C0]  }
0x2aa: {  	v1 =	vld.idx.msk [tilespmem:v1+s6+$0x0], $0xffff;
	_ =	sdelay $0x5  }
0x2ab: {  	[tilespmem:s30+$0x197B0] =	vst v1;
	v1 =	vld [tilespmem:s30+$0x187D0]  }
0x2ac: {  	v0 =	vld.idx.msk [tilespmem:v0+s6+$0x0], $0xffff;
	_ =	sdelay $0x5  }
0x2ad: {  	[tilespmem:s30+$0x197C0] =	vst v0;
	v0 =	vld [tilespmem:s30+$0x187E0]  }
0x2ae: {  	v1 =	vld.idx.msk [tilespmem:v1+s6+$0x0], $0xffff;
	_ =	sdelay $0x5  }
0x2af: {  	[tilespmem:s30+$0x197D0] =	vst v1;
	v1 =	vld [tilespmem:s30+$0x187F0]  }
0x2b0: {  	v0 =	vld.idx.msk [tilespmem:v0+s6+$0x0], $0xffff;
	_ =	sdelay $0x5  }
0x2b1: {  	[tilespmem:s30+$0x197E0] =	vst v0;
	v0 =	vld [tilespmem:s30+$0x18880]  }
0x2b2: {  	v1 =	vld.idx.msk [tilespmem:v1+s6+$0x0], $0xffff;
	_ =	sdelay $0x5  }
0x2b3: {  	[tilespmem:s30+$0x197F0] =	vst v1;
	v1 =	vld [tilespmem:s30+$0x18890]  }
0x2b4: {  	v0 =	vld.idx.msk [tilespmem:v0+s6+$0x0], $0xffff;
	_ =	sdelay $0x5  }
0x2b5: {  	[tilespmem:s30+$0x19880] =	vst v0;
	v0 =	vld [tilespmem:s30+$0x188A0]  }
0x2b6: {  	v1 =	vld.idx.msk [tilespmem:v1+s6+$0x0], $0xffff;
	_ =	sdelay $0x5  }
0x2b7: {  	[tilespmem:s30+$0x19890] =	vst v1;
	v1 =	vld [tilespmem:s30+$0x188B0]  }
0x2b8: {  	v0 =	vld.idx.msk [tilespmem:v0+s6+$0x0], $0xffff;
	_ =	sdelay $0x5  }
0x2b9: {  	[tilespmem:s30+$0x198A0] =	vst v0;
	v0 =	vld [tilespmem:s30+$0x188C0]  }
0x2ba: {  	v1 =	vld.idx.msk [tilespmem:v1+s6+$0x0], $0xffff;
	_ =	sdelay $0x5  }
0x2bb: {  	[tilespmem:s30+$0x198B0] =	vst v1;
	v1 =	vld [tilespmem:s30+$0x188D0]  }
0x2bc: {  	v0 =	vld.idx.msk [tilespmem:v0+s6+$0x0], $0xffff;
	_ =	sdelay $0x5  }
0x2bd: {  	[tilespmem:s30+$0x198C0] =	vst v0;
	v2 =	vld [tilespmem:s30+$0x188E0]  }
0x2be: {  	v0 =	vld.idx.msk [tilespmem:v1+s6+$0x0], $0xffff;
	_ =	sdelay $0x5  }
0x2bf: {  	[tilespmem:s30+$0x198D0] =	vst v0;
	v0 =	vld [tilespmem:s30+$0x188F0]  }
0x2c0: {  	v1 =	vld.idx.msk [tilespmem:v2+s6+$0x0], $0xffff  }
.Ltmp3:
0x2c1: {  	(pc) =	sbr.rel @p2 .LBB2_9-.Ltmp3, $2  }
0x2c2: {  	_ =	sdelay $0x2  }
0x2c3: {  	s1 =	sshra.s32 s31, $0x2;
	s31 =	sadd.s32 $0x800, s31  }
0x2c4: {  	_ =	sdelay $0x1  }
0x2c5: {  	v2 =	vld [tilespmem:s1+$0x18780]  }
0x2c6: {  	[tilespmem:s30+$0x198E0] =	vst v1  }
0x2c7: {  	v0 =	vld.idx.msk [tilespmem:v0+s6+$0x0], $0xffff;
	_ =	sdelay $0x3  }
0x2c8: {  	v1 =	vld [tilespmem:s1+$0x18790]  }
0x2c9: {  	[tilespmem:s30+$0x198F0] =	vst v0  }
0x2ca: {  	v0 =	vld.idx.msk [tilespmem:v2+s6+$0x0], $0xffff;
	_ =	sdelay $0x4  }
0x2cb: {  	[tilespmem:s1+$0x19780] =	vst v0;
	v0 =	vld [tilespmem:s1+$0x187A0]  }
0x2cc: {  	v1 =	vld.idx.msk [tilespmem:v1+s6+$0x0], $0xffff;
	_ =	sdelay $0x4  }
0x2cd: {  	[tilespmem:s1+$0x19790] =	vst v1;
	v1 =	vld [tilespmem:s1+$0x187B0];
	_ =	sdelay $0x1  }
0x2ce: {  	v0 =	vld.idx.msk [tilespmem:v0+s6+$0x0], $0xffff;
	_ =	sdelay $0x4  }
0x2cf: {  	[tilespmem:s1+$0x197A0] =	vst v0;
	v0 =	vld [tilespmem:s1+$0x187C0]  }
0x2d0: {  	v1 =	vld.idx.msk [tilespmem:v1+s6+$0x0], $0xffff;
	_ =	sdelay $0x4  }
0x2d1: {  	[tilespmem:s1+$0x197B0] =	vst v1;
	v1 =	vld [tilespmem:s1+$0x187D0];
	_ =	sdelay $0x1  }
0x2d2: {  	v0 =	vld.idx.msk [tilespmem:v0+s6+$0x0], $0xffff;
	_ =	sdelay $0x4  }
0x2d3: {  	[tilespmem:s1+$0x197C0] =	vst v0;
	v0 =	vld [tilespmem:s1+$0x187E0]  }
0x2d4: {  	v1 =	vld.idx.msk [tilespmem:v1+s6+$0x0], $0xffff;
	_ =	sdelay $0x4  }
0x2d5: {  	[tilespmem:s1+$0x197D0] =	vst v1;
	v1 =	vld [tilespmem:s1+$0x187F0];
	_ =	sdelay $0x1  }
0x2d6: {  	v0 =	vld.idx.msk [tilespmem:v0+s6+$0x0], $0xffff;
	_ =	sdelay $0x4  }
0x2d7: {  	[tilespmem:s1+$0x197E0] =	vst v0;
	v0 =	vld [tilespmem:s1+$0x18880]  }
0x2d8: {  	v1 =	vld.idx.msk [tilespmem:v1+s6+$0x0], $0xffff;
	_ =	sdelay $0x4  }
0x2d9: {  	[tilespmem:s1+$0x197F0] =	vst v1;
	v1 =	vld [tilespmem:s1+$0x18890];
	_ =	sdelay $0x1  }
0x2da: {  	v0 =	vld.idx.msk [tilespmem:v0+s6+$0x0], $0xffff;
	_ =	sdelay $0x4  }
0x2db: {  	[tilespmem:s1+$0x19880] =	vst v0;
	v0 =	vld [tilespmem:s1+$0x188A0]  }
0x2dc: {  	v1 =	vld.idx.msk [tilespmem:v1+s6+$0x0], $0xffff;
	_ =	sdelay $0x4  }
0x2dd: {  	[tilespmem:s1+$0x19890] =	vst v1;
	v1 =	vld [tilespmem:s1+$0x188B0];
	_ =	sdelay $0x1  }
0x2de: {  	v0 =	vld.idx.msk [tilespmem:v0+s6+$0x0], $0xffff;
	_ =	sdelay $0x4  }
0x2df: {  	[tilespmem:s1+$0x198A0] =	vst v0;
	v0 =	vld [tilespmem:s1+$0x188C0]  }
0x2e0: {  	v1 =	vld.idx.msk [tilespmem:v1+s6+$0x0], $0xffff;
	_ =	sdelay $0x4  }
0x2e1: {  	[tilespmem:s1+$0x198B0] =	vst v1;
	v1 =	vld [tilespmem:s1+$0x188D0];
	_ =	sdelay $0x1  }
0x2e2: {  	v0 =	vld.idx.msk [tilespmem:v0+s6+$0x0], $0xffff;
	_ =	sdelay $0x4  }
0x2e3: {  	[tilespmem:s1+$0x198C0] =	vst v0;
	v0 =	vld [tilespmem:s1+$0x188E0]  }
0x2e4: {  	v1 =	vld.idx.msk [tilespmem:v1+s6+$0x0], $0xffff;
	_ =	sdelay $0x4  }
0x2e5: {  	[tilespmem:s1+$0x198D0] =	vst v1;
	v1 =	vld [tilespmem:s1+$0x188F0];
	_ =	sdelay $0x1  }
0x2e6: {  	v0 =	vld.idx.msk [tilespmem:v0+s6+$0x0], $0xffff;
	_ =	sdelay $0x4  }
0x2e7: {  	[tilespmem:s1+$0x198E0] =	vst v0  }
0x2e8: {  	v0 =	vld.idx.msk [tilespmem:v1+s6+$0x0], $0xffff;
	_ =	sdelay $0x3  }
0x2e9: {  	s0 =	rddreg [dreg:$0x8]  }
0x2ea: {  	s0 =	sadd.s32 s28, s0;
	[tilespmem:s1+$0x198F0] =	vst v0;
	s1 =	simm.s32 $0x0  }
0x2eb: {  	[hbm4b:s0+s1] =	stream.linear.scatter [tilespmem:s5], [sflag:$0x3], $0x80, $0x38;
	[tilespmem:$0x1AF00] =	vst v63  }
0x2ec: {  	s15 =	sadd.s32 $0x80, s0  }
0x2ed: {  	[hbm4b:s15+s1] =	stream.linear.scatter [tilespmem:s8], [sflag:$0x3], $0x80, $0x38;
	[tilespmem:$0x1AF00] =	vst v63  }
0x2ee: {  	s15 =	sadd.s32 $0x100, s0  }
0x2ef: {  	[hbm4b:s15+s1] =	stream.linear.scatter [tilespmem:s9], [sflag:$0x3], $0x80, $0x38;
	[tilespmem:$0x1AF00] =	vst v63  }
0x2f0: {  	s15 =	sadd.s32 $0x180, s0  }
0x2f1: {  	[hbm4b:s15+s1] =	stream.linear.scatter [tilespmem:s10], [sflag:$0x3], $0x80, $0x38;
	[tilespmem:$0x1AF00] =	vst v63  }
0x2f2: {  	s15 =	sadd.s32 $0x200, s0  }
0x2f3: {  	[hbm4b:s15+s1] =	stream.linear.scatter [tilespmem:s11], [sflag:$0x3], $0x80, $0x38;
	[tilespmem:$0x1AF00] =	vst v63  }
0x2f4: {  	s15 =	sadd.s32 $0x280, s0  }
0x2f5: {  	[hbm4b:s15+s1] =	stream.linear.scatter [tilespmem:s12], [sflag:$0x3], $0x80, $0x38;
	[tilespmem:$0x1AF00] =	vst v63  }
0x2f6: {  	s15 =	sadd.s32 $0x300, s0  }
0x2f7: {  	[hbm4b:s15+s1] =	stream.linear.scatter [tilespmem:s13], [sflag:$0x3], $0x80, $0x38;
	[tilespmem:$0x1AF00] =	vst v63  }
0x2f8: {  	s15 =	sadd.s32 $0x380, s0  }
0x2f9: {  	[hbm4b:s15+s1] =	stream.linear.scatter [tilespmem:s14], [sflag:$0x3], $0x80, $0x38;
	[tilespmem:$0x1AF00] =	vst v63  }
0x2fa: {  	s15 =	sadd.s32 $0x400, s0  }
0x2fb: {  	[hbm4b:s15+s1] =	stream.linear.scatter [tilespmem:s17], [sflag:$0x3], $0x80, $0x38;
	[tilespmem:$0x1AF00] =	vst v63  }
0x2fc: {  	s15 =	sadd.s32 $0x480, s0  }
0x2fd: {  	[hbm4b:s15+s1] =	stream.linear.scatter [tilespmem:s7], [sflag:$0x3], $0x80, $0x38;
	[tilespmem:$0x1AF00] =	vst v63  }
0x2fe: {  	s15 =	sadd.s32 $0x500, s0  }
0x2ff: {  	[hbm4b:s15+s1] =	stream.linear.scatter [tilespmem:s19], [sflag:$0x3], $0x80, $0x38;
	[tilespmem:$0x1AF00] =	vst v63  }
0x300: {  	s15 =	sadd.s32 $0x580, s0  }
0x301: {  	[hbm4b:s15+s1] =	stream.linear.scatter [tilespmem:s20], [sflag:$0x3], $0x80, $0x38;
	[tilespmem:$0x1AF00] =	vst v63  }
0x302: {  	s15 =	sadd.s32 $0x600, s0  }
0x303: {  	[hbm4b:s15+s1] =	stream.linear.scatter [tilespmem:s21], [sflag:$0x3], $0x80, $0x38;
	[tilespmem:$0x1AF00] =	vst v63  }
0x304: {  	s15 =	sadd.s32 $0x680, s0  }
0x305: {  	[hbm4b:s15+s1] =	stream.linear.scatter [tilespmem:s22], [sflag:$0x3], $0x80, $0x38;
	[tilespmem:$0x1AF00] =	vst v63  }
0x306: {  	s15 =	sadd.s32 $0x700, s0  }
0x307: {  	[hbm4b:s15+s1] =	stream.linear.scatter [tilespmem:s23], [sflag:$0x3], $0x80, $0x38;
	[tilespmem:$0x1AF00] =	vst v63  }
0x308: {  	s0 =	sadd.s32 $0x780, s0  }
0x309: {  	[hbm4b:s0+s1] =	stream.linear.scatter [tilespmem:s24], [sflag:$0x3], $0x80, $0x38;
	[tilespmem:$0x1AF00] =	vst v63  }
0x30a: {  	_ =	swait.ge [sflag:s3], $0x800  }
0x30b: {  	[sflag:s3] =	ssyncset.done $0x0  }
0x30c: {  	[sflag:s3] =	ssyncadd.s32 $0xFFFFF800  }
0x30d: {  	_ =	swait.ge [sflag:s25], $0x800  }
0x30e: {  	[sflag:s25] =	ssyncset.done $0x0  }
0x30f: {  	s15 =	simm.s32 $0x18780;
	s1 =	sadd.s32 $0x5000, s29;
	[sflag:s25] =	ssyncadd.s32 $0xFFFFF800  }
0x310: {  	[tilespmem:s15], [sflag:$0x2] =	stream.linear.gather [spmem:s1], $0x80, $0x38;
	[tilespmem:$0x1AF00] =	vst v63  }
0x311: {  	s1 =	sadd.s32 $0x5100, s29;
	s15 =	simm.s32 $0x18880  }
0x312: {  	[tilespmem:s15], [sflag:$0x2] =	stream.linear.gather [spmem:s1], $0x80, $0x38;
	[tilespmem:$0x1AF00] =	vst v63  }
0x313: {  	s1 =	sadd.s32 $0x5200, s29;
	s15 =	simm.s32 $0x18980  }
0x314: {  	[tilespmem:s15], [sflag:$0x2] =	stream.linear.gather [spmem:s1], $0x80, $0x38;
	[tilespmem:$0x1AF00] =	vst v63  }
0x315: {  	s1 =	sadd.s32 $0x5300, s29;
	s15 =	simm.s32 $0x18A80  }
0x316: {  	[tilespmem:s15], [sflag:$0x2] =	stream.linear.gather [spmem:s1], $0x80, $0x38;
	[tilespmem:$0x1AF00] =	vst v63  }
0x317: {  	s1 =	sadd.s32 $0x5400, s29;
	s15 =	simm.s32 $0x18B80  }
0x318: {  	[tilespmem:s15], [sflag:$0x2] =	stream.linear.gather [spmem:s1], $0x80, $0x38;
	[tilespmem:$0x1AF00] =	vst v63  }
0x319: {  	s1 =	sadd.s32 $0x5500, s29;
	s15 =	simm.s32 $0x18C80  }
0x31a: {  	[tilespmem:s15], [sflag:$0x2] =	stream.linear.gather [spmem:s1], $0x80, $0x38;
	[tilespmem:$0x1AF00] =	vst v63  }
0x31b: {  	s1 =	sadd.s32 $0x5600, s29;
	s15 =	simm.s32 $0x18D80  }
0x31c: {  	[tilespmem:s15], [sflag:$0x2] =	stream.linear.gather [spmem:s1], $0x80, $0x38;
	[tilespmem:$0x1AF00] =	vst v63  }
0x31d: {  	s1 =	sadd.s32 $0x5700, s29;
	s15 =	simm.s32 $0x18E80  }
0x31e: {  	[tilespmem:s15], [sflag:$0x2] =	stream.linear.gather [spmem:s1], $0x80, $0x38;
	[tilespmem:$0x1AF00] =	vst v63  }
0x31f: {  	s1 =	sadd.s32 $0x5800, s29;
	s15 =	simm.s32 $0x18F80  }
0x320: {  	[tilespmem:s15], [sflag:$0x2] =	stream.linear.gather [spmem:s1], $0x80, $0x38;
	[tilespmem:$0x1AF00] =	vst v63  }
0x321: {  	s1 =	sadd.s32 $0x5900, s29;
	s15 =	simm.s32 $0x19080  }
0x322: {  	[tilespmem:s15], [sflag:$0x2] =	stream.linear.gather [spmem:s1], $0x80, $0x38;
	[tilespmem:$0x1AF00] =	vst v63  }
0x323: {  	s1 =	sadd.s32 $0x5A00, s29;
	s15 =	simm.s32 $0x19180  }
0x324: {  	[tilespmem:s15], [sflag:$0x2] =	stream.linear.gather [spmem:s1], $0x80, $0x38;
	[tilespmem:$0x1AF00] =	vst v63  }
0x325: {  	s1 =	sadd.s32 $0x5B00, s29;
	s15 =	simm.s32 $0x19280  }
0x326: {  	[tilespmem:s15], [sflag:$0x2] =	stream.linear.gather [spmem:s1], $0x80, $0x38;
	[tilespmem:$0x1AF00] =	vst v63  }
0x327: {  	s1 =	sadd.s32 $0x5C00, s29;
	s15 =	simm.s32 $0x19380  }
0x328: {  	[tilespmem:s15], [sflag:$0x2] =	stream.linear.gather [spmem:s1], $0x80, $0x38;
	[tilespmem:$0x1AF00] =	vst v63  }
0x329: {  	s1 =	sadd.s32 $0x5D00, s29;
	s15 =	simm.s32 $0x19480  }
0x32a: {  	[tilespmem:s15], [sflag:$0x2] =	stream.linear.gather [spmem:s1], $0x80, $0x38;
	[tilespmem:$0x1AF00] =	vst v63  }
0x32b: {  	s1 =	sadd.s32 $0x5E00, s29;
	s15 =	simm.s32 $0x19580  }
0x32c: {  	[tilespmem:s15], [sflag:$0x2] =	stream.linear.gather [spmem:s1], $0x80, $0x38;
	[tilespmem:$0x1AF00] =	vst v63  }
0x32d: {  	s30 =	simm.s32 $0x0;
	s1 =	sadd.s32 $0x5F00, s29;
	s15 =	simm.s32 $0x19680  }
0x32e: {  	[tilespmem:s15], [sflag:$0x2] =	stream.linear.gather [spmem:s1], $0x80, $0x38;
	[tilespmem:$0x1AF00] =	vst v63  }
0x32f: {  	v0 =	vld [tilespmem:s30+$0x18700];
	_ =	sdelay $0x5  }
0x330: {  	v1 =	vld [tilespmem:s30+$0x18710];
	_ =	sdelay $0x1  }
0x331: {  	v0 =	vld.idx.msk [tilespmem:v0+s6+$0x0], $0xffff;
	_ =	sdelay $0x4  }
0x332: {  	[tilespmem:s30+$0x19700] =	vst v0;
	v0 =	vld [tilespmem:s30+$0x18720]  }
0x333: {  	v1 =	vld.idx.msk [tilespmem:v1+s6+$0x0], $0xffff;
	_ =	sdelay $0x4  }
0x334: {  	[tilespmem:s30+$0x19710] =	vst v1;
	v1 =	vld [tilespmem:s30+$0x18730];
	_ =	sdelay $0x1  }
0x335: {  	v0 =	vld.idx.msk [tilespmem:v0+s6+$0x0], $0xffff;
	_ =	sdelay $0x4  }
0x336: {  	[tilespmem:s30+$0x19720] =	vst v0;
	v0 =	vld [tilespmem:s30+$0x18740]  }
0x337: {  	v1 =	vld.idx.msk [tilespmem:v1+s6+$0x0], $0xffff;
	_ =	sdelay $0x4  }
0x338: {  	[tilespmem:s30+$0x19730] =	vst v1;
	v1 =	vld [tilespmem:s30+$0x18750];
	_ =	sdelay $0x1  }
0x339: {  	v0 =	vld.idx.msk [tilespmem:v0+s6+$0x0], $0xffff;
	_ =	sdelay $0x4  }
0x33a: {  	[tilespmem:s30+$0x19740] =	vst v0;
	v0 =	vld [tilespmem:s30+$0x18760]  }
0x33b: {  	v1 =	vld.idx.msk [tilespmem:v1+s6+$0x0], $0xffff;
	_ =	sdelay $0x4  }
0x33c: {  	[tilespmem:s30+$0x19750] =	vst v1;
	v1 =	vld [tilespmem:s30+$0x18770];
	_ =	sdelay $0x1  }
0x33d: {  	v0 =	vld.idx.msk [tilespmem:v0+s6+$0x0], $0xffff;
	_ =	sdelay $0x4  }
0x33e: {  	[tilespmem:s30+$0x19760] =	vst v0;
	v0 =	vld [tilespmem:s30+$0x18800]  }
0x33f: {  	v1 =	vld.idx.msk [tilespmem:v1+s6+$0x0], $0xffff;
	_ =	sdelay $0x4  }
0x340: {  	[tilespmem:s30+$0x19770] =	vst v1;
	v1 =	vld [tilespmem:s30+$0x18810];
	_ =	sdelay $0x1  }
0x341: {  	v0 =	vld.idx.msk [tilespmem:v0+s6+$0x0], $0xffff;
	_ =	sdelay $0x4  }
0x342: {  	[tilespmem:s30+$0x19800] =	vst v0;
	v0 =	vld [tilespmem:s30+$0x18820]  }
0x343: {  	v1 =	vld.idx.msk [tilespmem:v1+s6+$0x0], $0xffff;
	_ =	sdelay $0x4  }
0x344: {  	[tilespmem:s30+$0x19810] =	vst v1;
	v1 =	vld [tilespmem:s30+$0x18830];
	_ =	sdelay $0x1  }
0x345: {  	v0 =	vld.idx.msk [tilespmem:v0+s6+$0x0], $0xffff;
	_ =	sdelay $0x4  }
0x346: {  	[tilespmem:s30+$0x19820] =	vst v0;
	v0 =	vld [tilespmem:s30+$0x18840]  }
0x347: {  	v1 =	vld.idx.msk [tilespmem:v1+s6+$0x0], $0xffff;
	_ =	sdelay $0x4  }
0x348: {  	[tilespmem:s30+$0x19830] =	vst v1;
	v1 =	vld [tilespmem:s30+$0x18850];
	_ =	sdelay $0x1  }
0x349: {  	v0 =	vld.idx.msk [tilespmem:v0+s6+$0x0], $0xffff;
	_ =	sdelay $0x4  }
0x34a: {  	v2 =	vld [tilespmem:s30+$0x18860];
	[tilespmem:s30+$0x19840] =	vst v0  }
0x34b: {  	v0 =	vld.idx.msk [tilespmem:v1+s6+$0x0], $0xffff;
	_ =	sdelay $0x4  }
0x34c: {  	[tilespmem:s30+$0x19850] =	vst v0;
	v0 =	vld [tilespmem:s30+$0x18870];
	_ =	sdelay $0x1  }
0x34d: {  	v1 =	vld.idx.msk [tilespmem:v2+s6+$0x0], $0xffff;
	_ =	sdelay $0x3  }
0x34e: {  	s31 =	simm.s32 $0x1000;
	s1 =	simm.s32 $0x200  }
.LBB2_11:
0x34f: {  	p2 =	sne.s32 s31, $0x3800;
	v2 =	vld [tilespmem:s1+$0x18700];
	[tilespmem:s30+$0x19860] =	vst v1  }
0x350: {  	v0 =	vld.idx.msk [tilespmem:v0+s6+$0x0], $0xffff;
	_ =	sdelay $0x5  }
0x351: {  	v1 =	vld [tilespmem:s1+$0x18710];
	[tilespmem:s30+$0x19870] =	vst v0;
	s30 =	smov.u32 s1  }
0x352: {  	v0 =	vld.idx.msk [tilespmem:v2+s6+$0x0], $0xffff;
	_ =	sdelay $0x5  }
0x353: {  	[tilespmem:s30+$0x19700] =	vst v0;
	v0 =	vld [tilespmem:s30+$0x18720]  }
0x354: {  	v1 =	vld.idx.msk [tilespmem:v1+s6+$0x0], $0xffff;
	_ =	sdelay $0x5  }
0x355: {  	[tilespmem:s30+$0x19710] =	vst v1;
	v1 =	vld [tilespmem:s30+$0x18730]  }
0x356: {  	v0 =	vld.idx.msk [tilespmem:v0+s6+$0x0], $0xffff;
	_ =	sdelay $0x5  }
0x357: {  	[tilespmem:s30+$0x19720] =	vst v0;
	v0 =	vld [tilespmem:s30+$0x18740]  }
0x358: {  	v1 =	vld.idx.msk [tilespmem:v1+s6+$0x0], $0xffff;
	_ =	sdelay $0x5  }
0x359: {  	[tilespmem:s30+$0x19730] =	vst v1;
	v1 =	vld [tilespmem:s30+$0x18750]  }
0x35a: {  	v0 =	vld.idx.msk [tilespmem:v0+s6+$0x0], $0xffff;
	_ =	sdelay $0x5  }
0x35b: {  	[tilespmem:s30+$0x19740] =	vst v0;
	v0 =	vld [tilespmem:s30+$0x18760]  }
0x35c: {  	v1 =	vld.idx.msk [tilespmem:v1+s6+$0x0], $0xffff;
	_ =	sdelay $0x5  }
0x35d: {  	[tilespmem:s30+$0x19750] =	vst v1;
	v1 =	vld [tilespmem:s30+$0x18770]  }
0x35e: {  	v0 =	vld.idx.msk [tilespmem:v0+s6+$0x0], $0xffff;
	_ =	sdelay $0x5  }
0x35f: {  	[tilespmem:s30+$0x19760] =	vst v0;
	v0 =	vld [tilespmem:s30+$0x18800]  }
0x360: {  	v1 =	vld.idx.msk [tilespmem:v1+s6+$0x0], $0xffff;
	_ =	sdelay $0x5  }
0x361: {  	[tilespmem:s30+$0x19770] =	vst v1;
	v1 =	vld [tilespmem:s30+$0x18810]  }
0x362: {  	v0 =	vld.idx.msk [tilespmem:v0+s6+$0x0], $0xffff;
	_ =	sdelay $0x5  }
0x363: {  	[tilespmem:s30+$0x19800] =	vst v0;
	v0 =	vld [tilespmem:s30+$0x18820]  }
0x364: {  	v1 =	vld.idx.msk [tilespmem:v1+s6+$0x0], $0xffff;
	_ =	sdelay $0x5  }
0x365: {  	[tilespmem:s30+$0x19810] =	vst v1;
	v1 =	vld [tilespmem:s30+$0x18830]  }
0x366: {  	v0 =	vld.idx.msk [tilespmem:v0+s6+$0x0], $0xffff;
	_ =	sdelay $0x5  }
0x367: {  	[tilespmem:s30+$0x19820] =	vst v0;
	v0 =	vld [tilespmem:s30+$0x18840]  }
0x368: {  	v1 =	vld.idx.msk [tilespmem:v1+s6+$0x0], $0xffff;
	_ =	sdelay $0x5  }
0x369: {  	[tilespmem:s30+$0x19830] =	vst v1;
	v1 =	vld [tilespmem:s30+$0x18850]  }
0x36a: {  	v0 =	vld.idx.msk [tilespmem:v0+s6+$0x0], $0xffff;
	_ =	sdelay $0x5  }
0x36b: {  	[tilespmem:s30+$0x19840] =	vst v0;
	v2 =	vld [tilespmem:s30+$0x18860]  }
0x36c: {  	v0 =	vld.idx.msk [tilespmem:v1+s6+$0x0], $0xffff;
	_ =	sdelay $0x5  }
0x36d: {  	[tilespmem:s30+$0x19850] =	vst v0;
	v0 =	vld [tilespmem:s30+$0x18870]  }
0x36e: {  	v1 =	vld.idx.msk [tilespmem:v2+s6+$0x0], $0xffff  }
.Ltmp4:
0x36f: {  	(pc) =	sbr.rel @p2 .LBB2_11-.Ltmp4, $2  }
0x370: {  	_ =	sdelay $0x2  }
0x371: {  	s1 =	sshra.s32 s31, $0x2;
	s31 =	sadd.s32 $0x800, s31  }
0x372: {  	_ =	sdelay $0x1  }
0x373: {  	v2 =	vld [tilespmem:s1+$0x18700]  }
0x374: {  	[tilespmem:s30+$0x19860] =	vst v1  }
0x375: {  	v0 =	vld.idx.msk [tilespmem:v0+s6+$0x0], $0xffff;
	_ =	sdelay $0x3  }
0x376: {  	v1 =	vld [tilespmem:s1+$0x18710]  }
0x377: {  	[tilespmem:s30+$0x19870] =	vst v0  }
0x378: {  	v0 =	vld.idx.msk [tilespmem:v2+s6+$0x0], $0xffff;
	_ =	sdelay $0x4  }
0x379: {  	[tilespmem:s1+$0x19700] =	vst v0;
	v0 =	vld [tilespmem:s1+$0x18720]  }
0x37a: {  	v1 =	vld.idx.msk [tilespmem:v1+s6+$0x0], $0xffff;
	_ =	sdelay $0x4  }
0x37b: {  	[tilespmem:s1+$0x19710] =	vst v1;
	v1 =	vld [tilespmem:s1+$0x18730];
	_ =	sdelay $0x1  }
0x37c: {  	v0 =	vld.idx.msk [tilespmem:v0+s6+$0x0], $0xffff;
	_ =	sdelay $0x4  }
0x37d: {  	[tilespmem:s1+$0x19720] =	vst v0;
	v0 =	vld [tilespmem:s1+$0x18740]  }
0x37e: {  	v1 =	vld.idx.msk [tilespmem:v1+s6+$0x0], $0xffff;
	_ =	sdelay $0x4  }
0x37f: {  	[tilespmem:s1+$0x19730] =	vst v1;
	v1 =	vld [tilespmem:s1+$0x18750];
	_ =	sdelay $0x1  }
0x380: {  	v0 =	vld.idx.msk [tilespmem:v0+s6+$0x0], $0xffff;
	_ =	sdelay $0x4  }
0x381: {  	[tilespmem:s1+$0x19740] =	vst v0;
	v0 =	vld [tilespmem:s1+$0x18760]  }
0x382: {  	v1 =	vld.idx.msk [tilespmem:v1+s6+$0x0], $0xffff;
	_ =	sdelay $0x4  }
0x383: {  	[tilespmem:s1+$0x19750] =	vst v1;
	v1 =	vld [tilespmem:s1+$0x18770];
	_ =	sdelay $0x1  }
0x384: {  	v0 =	vld.idx.msk [tilespmem:v0+s6+$0x0], $0xffff;
	_ =	sdelay $0x4  }
0x385: {  	[tilespmem:s1+$0x19760] =	vst v0;
	v0 =	vld [tilespmem:s1+$0x18800]  }
0x386: {  	v1 =	vld.idx.msk [tilespmem:v1+s6+$0x0], $0xffff;
	_ =	sdelay $0x4  }
0x387: {  	[tilespmem:s1+$0x19770] =	vst v1;
	v1 =	vld [tilespmem:s1+$0x18810];
	_ =	sdelay $0x1  }
0x388: {  	v0 =	vld.idx.msk [tilespmem:v0+s6+$0x0], $0xffff;
	_ =	sdelay $0x4  }
0x389: {  	[tilespmem:s1+$0x19800] =	vst v0;
	v0 =	vld [tilespmem:s1+$0x18820]  }
0x38a: {  	v1 =	vld.idx.msk [tilespmem:v1+s6+$0x0], $0xffff;
	_ =	sdelay $0x4  }
0x38b: {  	[tilespmem:s1+$0x19810] =	vst v1;
	v1 =	vld [tilespmem:s1+$0x18830];
	_ =	sdelay $0x1  }
0x38c: {  	v0 =	vld.idx.msk [tilespmem:v0+s6+$0x0], $0xffff;
	_ =	sdelay $0x4  }
0x38d: {  	[tilespmem:s1+$0x19820] =	vst v0;
	v0 =	vld [tilespmem:s1+$0x18840]  }
0x38e: {  	v1 =	vld.idx.msk [tilespmem:v1+s6+$0x0], $0xffff;
	_ =	sdelay $0x4  }
0x38f: {  	[tilespmem:s1+$0x19830] =	vst v1;
	v1 =	vld [tilespmem:s1+$0x18850];
	_ =	sdelay $0x1  }
0x390: {  	v0 =	vld.idx.msk [tilespmem:v0+s6+$0x0], $0xffff;
	_ =	sdelay $0x4  }
0x391: {  	[tilespmem:s1+$0x19840] =	vst v0;
	v0 =	vld [tilespmem:s1+$0x18860]  }
0x392: {  	v1 =	vld.idx.msk [tilespmem:v1+s6+$0x0], $0xffff;
	_ =	sdelay $0x4  }
0x393: {  	[tilespmem:s1+$0x19850] =	vst v1;
	v1 =	vld [tilespmem:s1+$0x18870];
	_ =	sdelay $0x1  }
0x394: {  	v0 =	vld.idx.msk [tilespmem:v0+s6+$0x0], $0xffff;
	_ =	sdelay $0x4  }
0x395: {  	[tilespmem:s1+$0x19860] =	vst v0  }
0x396: {  	v0 =	vld.idx.msk [tilespmem:v1+s6+$0x0], $0xffff;
	_ =	sdelay $0x3  }
0x397: {  	s0 =	rddreg [dreg:$0x9]  }
0x398: {  	s0 =	sadd.s32 s28, s0;
	[tilespmem:s1+$0x19870] =	vst v0;
	s1 =	simm.s32 $0x0  }
0x399: {  	[hbm4b:s0+s1] =	stream.linear.scatter [tilespmem:s2], [sflag:$0x3], $0x80, $0x38;
	[tilespmem:$0x1AF00] =	vst v63  }
0x39a: {  	s15 =	sadd.s32 $0x80, s0;
	s30 =	simm.s32 $0x19800  }
0x39b: {  	[hbm4b:s15+s1] =	stream.linear.scatter [tilespmem:s30], [sflag:$0x3], $0x80, $0x38;
	[tilespmem:$0x1AF00] =	vst v63  }
0x39c: {  	s15 =	sadd.s32 $0x100, s0;
	s30 =	simm.s32 $0x19900  }
0x39d: {  	[hbm4b:s15+s1] =	stream.linear.scatter [tilespmem:s30], [sflag:$0x3], $0x80, $0x38;
	[tilespmem:$0x1AF00] =	vst v63  }
0x39e: {  	s15 =	sadd.s32 $0x180, s0;
	s30 =	simm.s32 $0x19A00  }
0x39f: {  	[hbm4b:s15+s1] =	stream.linear.scatter [tilespmem:s30], [sflag:$0x3], $0x80, $0x38;
	[tilespmem:$0x1AF00] =	vst v63  }
0x3a0: {  	s15 =	sadd.s32 $0x200, s0;
	s30 =	simm.s32 $0x19B00  }
0x3a1: {  	[hbm4b:s15+s1] =	stream.linear.scatter [tilespmem:s30], [sflag:$0x3], $0x80, $0x38;
	[tilespmem:$0x1AF00] =	vst v63  }
0x3a2: {  	s15 =	sadd.s32 $0x280, s0;
	s30 =	simm.s32 $0x19C00  }
0x3a3: {  	[hbm4b:s15+s1] =	stream.linear.scatter [tilespmem:s30], [sflag:$0x3], $0x80, $0x38;
	[tilespmem:$0x1AF00] =	vst v63  }
0x3a4: {  	s15 =	sadd.s32 $0x300, s0;
	s30 =	simm.s32 $0x19D00  }
0x3a5: {  	[hbm4b:s15+s1] =	stream.linear.scatter [tilespmem:s30], [sflag:$0x3], $0x80, $0x38;
	[tilespmem:$0x1AF00] =	vst v63  }
0x3a6: {  	s15 =	sadd.s32 $0x380, s0;
	s30 =	simm.s32 $0x19E00  }
0x3a7: {  	[hbm4b:s15+s1] =	stream.linear.scatter [tilespmem:s30], [sflag:$0x3], $0x80, $0x38;
	[tilespmem:$0x1AF00] =	vst v63  }
0x3a8: {  	s15 =	sadd.s32 $0x400, s0;
	s30 =	simm.s32 $0x19F00  }
0x3a9: {  	[hbm4b:s15+s1] =	stream.linear.scatter [tilespmem:s30], [sflag:$0x3], $0x80, $0x38;
	[tilespmem:$0x1AF00] =	vst v63  }
0x3aa: {  	s15 =	sadd.s32 $0x480, s0;
	s30 =	simm.s32 $0x1A000  }
0x3ab: {  	[hbm4b:s15+s1] =	stream.linear.scatter [tilespmem:s30], [sflag:$0x3], $0x80, $0x38;
	[tilespmem:$0x1AF00] =	vst v63  }
0x3ac: {  	s15 =	sadd.s32 $0x500, s0;
	s30 =	simm.s32 $0x1A100  }
0x3ad: {  	[hbm4b:s15+s1] =	stream.linear.scatter [tilespmem:s30], [sflag:$0x3], $0x80, $0x38;
	[tilespmem:$0x1AF00] =	vst v63  }
0x3ae: {  	s15 =	sadd.s32 $0x580, s0;
	s30 =	simm.s32 $0x1A200  }
0x3af: {  	[hbm4b:s15+s1] =	stream.linear.scatter [tilespmem:s30], [sflag:$0x3], $0x80, $0x38;
	[tilespmem:$0x1AF00] =	vst v63  }
0x3b0: {  	s15 =	sadd.s32 $0x600, s0;
	s30 =	simm.s32 $0x1A300  }
0x3b1: {  	[hbm4b:s15+s1] =	stream.linear.scatter [tilespmem:s30], [sflag:$0x3], $0x80, $0x38;
	[tilespmem:$0x1AF00] =	vst v63  }
0x3b2: {  	s15 =	sadd.s32 $0x680, s0;
	s30 =	simm.s32 $0x1A400  }
0x3b3: {  	[hbm4b:s15+s1] =	stream.linear.scatter [tilespmem:s30], [sflag:$0x3], $0x80, $0x38;
	[tilespmem:$0x1AF00] =	vst v63  }
0x3b4: {  	s15 =	sadd.s32 $0x700, s0;
	s30 =	simm.s32 $0x1A500  }
0x3b5: {  	[hbm4b:s15+s1] =	stream.linear.scatter [tilespmem:s30], [sflag:$0x3], $0x80, $0x38;
	[tilespmem:$0x1AF00] =	vst v63  }
0x3b6: {  	s0 =	sadd.s32 $0x780, s0  }
0x3b7: {  	[hbm4b:s0+s1] =	stream.linear.scatter [tilespmem:s4], [sflag:$0x3], $0x80, $0x38;
	[tilespmem:$0x1AF00] =	vst v63  }
0x3b8: {  	_ =	swait.ge [sflag:s3], $0x800  }
0x3b9: {  	[sflag:s3] =	ssyncset.done $0x0  }
0x3ba: {  	[sflag:s3] =	ssyncadd.s32 $0xFFFFF800  }
0x3bb: {  	_ =	swait.ge [sflag:s25], $0x800  }
0x3bc: {  	[sflag:s25] =	ssyncset.done $0x0  }
0x3bd: {  	s1 =	sadd.s32 $0x6000, s29;
	[sflag:s25] =	ssyncadd.s32 $0xFFFFF800  }
0x3be: {  	[tilespmem:s18], [sflag:$0x2] =	stream.linear.gather [spmem:s1], $0x80, $0x38;
	[tilespmem:$0x1AF00] =	vst v63  }
0x3bf: {  	s15 =	sadd.s32 $0x6100, s29;
	s18 =	simm.s32 $0x18800  }
0x3c0: {  	[tilespmem:s18], [sflag:$0x2] =	stream.linear.gather [spmem:s15], $0x80, $0x38;
	[tilespmem:$0x1AF00] =	vst v63  }
0x3c1: {  	s15 =	sadd.s32 $0x6200, s29;
	s18 =	simm.s32 $0x18900  }
0x3c2: {  	[tilespmem:s18], [sflag:$0x2] =	stream.linear.gather [spmem:s15], $0x80, $0x38;
	[tilespmem:$0x1AF00] =	vst v63  }
0x3c3: {  	s15 =	sadd.s32 $0x6300, s29;
	s18 =	simm.s32 $0x18A00  }
0x3c4: {  	[tilespmem:s18], [sflag:$0x2] =	stream.linear.gather [spmem:s15], $0x80, $0x38;
	[tilespmem:$0x1AF00] =	vst v63  }
0x3c5: {  	s15 =	sadd.s32 $0x6400, s29;
	s18 =	simm.s32 $0x18B00  }
0x3c6: {  	[tilespmem:s18], [sflag:$0x2] =	stream.linear.gather [spmem:s15], $0x80, $0x38;
	[tilespmem:$0x1AF00] =	vst v63  }
0x3c7: {  	s15 =	sadd.s32 $0x6500, s29;
	s18 =	simm.s32 $0x18C00  }
0x3c8: {  	[tilespmem:s18], [sflag:$0x2] =	stream.linear.gather [spmem:s15], $0x80, $0x38;
	[tilespmem:$0x1AF00] =	vst v63  }
0x3c9: {  	s15 =	sadd.s32 $0x6600, s29;
	s18 =	simm.s32 $0x18D00  }
0x3ca: {  	[tilespmem:s18], [sflag:$0x2] =	stream.linear.gather [spmem:s15], $0x80, $0x38;
	[tilespmem:$0x1AF00] =	vst v63  }
0x3cb: {  	s15 =	sadd.s32 $0x6700, s29;
	s18 =	simm.s32 $0x18E00  }
0x3cc: {  	[tilespmem:s18], [sflag:$0x2] =	stream.linear.gather [spmem:s15], $0x80, $0x38;
	[tilespmem:$0x1AF00] =	vst v63  }
0x3cd: {  	s15 =	sadd.s32 $0x6800, s29;
	s18 =	simm.s32 $0x18F00  }
0x3ce: {  	[tilespmem:s18], [sflag:$0x2] =	stream.linear.gather [spmem:s15], $0x80, $0x38;
	[tilespmem:$0x1AF00] =	vst v63  }
0x3cf: {  	s15 =	sadd.s32 $0x6900, s29;
	s18 =	simm.s32 $0x19000  }
0x3d0: {  	[tilespmem:s18], [sflag:$0x2] =	stream.linear.gather [spmem:s15], $0x80, $0x38;
	[tilespmem:$0x1AF00] =	vst v63  }
0x3d1: {  	s15 =	sadd.s32 $0x6A00, s29;
	s18 =	simm.s32 $0x19100  }
0x3d2: {  	[tilespmem:s18], [sflag:$0x2] =	stream.linear.gather [spmem:s15], $0x80, $0x38;
	[tilespmem:$0x1AF00] =	vst v63  }
0x3d3: {  	s15 =	sadd.s32 $0x6B00, s29;
	s18 =	simm.s32 $0x19200  }
0x3d4: {  	[tilespmem:s18], [sflag:$0x2] =	stream.linear.gather [spmem:s15], $0x80, $0x38;
	[tilespmem:$0x1AF00] =	vst v63  }
0x3d5: {  	s15 =	sadd.s32 $0x6C00, s29;
	s18 =	simm.s32 $0x19300  }
0x3d6: {  	[tilespmem:s18], [sflag:$0x2] =	stream.linear.gather [spmem:s15], $0x80, $0x38;
	[tilespmem:$0x1AF00] =	vst v63  }
0x3d7: {  	s15 =	sadd.s32 $0x6D00, s29;
	s18 =	simm.s32 $0x19400  }
0x3d8: {  	[tilespmem:s18], [sflag:$0x2] =	stream.linear.gather [spmem:s15], $0x80, $0x38;
	[tilespmem:$0x1AF00] =	vst v63  }
0x3d9: {  	s15 =	sadd.s32 $0x6E00, s29;
	s18 =	simm.s32 $0x19500  }
0x3da: {  	[tilespmem:s18], [sflag:$0x2] =	stream.linear.gather [spmem:s15], $0x80, $0x38;
	[tilespmem:$0x1AF00] =	vst v63  }
0x3db: {  	s30 =	simm.s32 $0x0;
	s15 =	sadd.s32 $0x6F00, s29;
	s18 =	simm.s32 $0x19600  }
0x3dc: {  	[tilespmem:s18], [sflag:$0x2] =	stream.linear.gather [spmem:s15], $0x80, $0x38;
	[tilespmem:$0x1AF00] =	vst v63  }
0x3dd: {  	v0 =	vld [tilespmem:s30+$0x18780];
	_ =	sdelay $0x5  }
0x3de: {  	v1 =	vld [tilespmem:s30+$0x18790];
	_ =	sdelay $0x1  }
0x3df: {  	v0 =	vld.idx.msk [tilespmem:v0+s6+$0x0], $0xffff;
	_ =	sdelay $0x4  }
0x3e0: {  	[tilespmem:s30+$0x19780] =	vst v0;
	v0 =	vld [tilespmem:s30+$0x187A0]  }
0x3e1: {  	v1 =	vld.idx.msk [tilespmem:v1+s6+$0x0], $0xffff;
	_ =	sdelay $0x4  }
0x3e2: {  	[tilespmem:s30+$0x19790] =	vst v1;
	v1 =	vld [tilespmem:s30+$0x187B0];
	_ =	sdelay $0x1  }
0x3e3: {  	v0 =	vld.idx.msk [tilespmem:v0+s6+$0x0], $0xffff;
	_ =	sdelay $0x4  }
0x3e4: {  	[tilespmem:s30+$0x197A0] =	vst v0;
	v0 =	vld [tilespmem:s30+$0x187C0]  }
0x3e5: {  	v1 =	vld.idx.msk [tilespmem:v1+s6+$0x0], $0xffff;
	_ =	sdelay $0x4  }
0x3e6: {  	[tilespmem:s30+$0x197B0] =	vst v1;
	v1 =	vld [tilespmem:s30+$0x187D0];
	_ =	sdelay $0x1  }
0x3e7: {  	v0 =	vld.idx.msk [tilespmem:v0+s6+$0x0], $0xffff;
	_ =	sdelay $0x4  }
0x3e8: {  	[tilespmem:s30+$0x197C0] =	vst v0;
	v0 =	vld [tilespmem:s30+$0x187E0]  }
0x3e9: {  	v1 =	vld.idx.msk [tilespmem:v1+s6+$0x0], $0xffff;
	_ =	sdelay $0x4  }
0x3ea: {  	[tilespmem:s30+$0x197D0] =	vst v1;
	v1 =	vld [tilespmem:s30+$0x187F0];
	_ =	sdelay $0x1  }
0x3eb: {  	v0 =	vld.idx.msk [tilespmem:v0+s6+$0x0], $0xffff;
	_ =	sdelay $0x4  }
0x3ec: {  	[tilespmem:s30+$0x197E0] =	vst v0;
	v0 =	vld [tilespmem:s30+$0x18880]  }
0x3ed: {  	v1 =	vld.idx.msk [tilespmem:v1+s6+$0x0], $0xffff;
	_ =	sdelay $0x4  }
0x3ee: {  	[tilespmem:s30+$0x197F0] =	vst v1;
	v1 =	vld [tilespmem:s30+$0x18890];
	_ =	sdelay $0x1  }
0x3ef: {  	v0 =	vld.idx.msk [tilespmem:v0+s6+$0x0], $0xffff;
	_ =	sdelay $0x4  }
0x3f0: {  	[tilespmem:s30+$0x19880] =	vst v0;
	v0 =	vld [tilespmem:s30+$0x188A0]  }
0x3f1: {  	v1 =	vld.idx.msk [tilespmem:v1+s6+$0x0], $0xffff;
	_ =	sdelay $0x4  }
0x3f2: {  	[tilespmem:s30+$0x19890] =	vst v1;
	v1 =	vld [tilespmem:s30+$0x188B0];
	_ =	sdelay $0x1  }
0x3f3: {  	v0 =	vld.idx.msk [tilespmem:v0+s6+$0x0], $0xffff;
	_ =	sdelay $0x4  }
0x3f4: {  	[tilespmem:s30+$0x198A0] =	vst v0;
	v0 =	vld [tilespmem:s30+$0x188C0]  }
0x3f5: {  	v1 =	vld.idx.msk [tilespmem:v1+s6+$0x0], $0xffff;
	_ =	sdelay $0x4  }
0x3f6: {  	[tilespmem:s30+$0x198B0] =	vst v1;
	v1 =	vld [tilespmem:s30+$0x188D0];
	_ =	sdelay $0x1  }
0x3f7: {  	v0 =	vld.idx.msk [tilespmem:v0+s6+$0x0], $0xffff;
	_ =	sdelay $0x4  }
0x3f8: {  	v2 =	vld [tilespmem:s30+$0x188E0];
	[tilespmem:s30+$0x198C0] =	vst v0  }
0x3f9: {  	v0 =	vld.idx.msk [tilespmem:v1+s6+$0x0], $0xffff;
	_ =	sdelay $0x4  }
0x3fa: {  	[tilespmem:s30+$0x198D0] =	vst v0;
	v0 =	vld [tilespmem:s30+$0x188F0];
	_ =	sdelay $0x1  }
0x3fb: {  	v1 =	vld.idx.msk [tilespmem:v2+s6+$0x0], $0xffff;
	_ =	sdelay $0x3  }
0x3fc: {  	s31 =	simm.s32 $0x1000;
	s1 =	simm.s32 $0x200  }
.LBB2_13:
0x3fd: {  	p2 =	sne.s32 s31, $0x3800;
	v2 =	vld [tilespmem:s1+$0x18780];
	[tilespmem:s30+$0x198E0] =	vst v1  }
0x3fe: {  	v0 =	vld.idx.msk [tilespmem:v0+s6+$0x0], $0xffff;
	_ =	sdelay $0x5  }
0x3ff: {  	v1 =	vld [tilespmem:s1+$0x18790];
	[tilespmem:s30+$0x198F0] =	vst v0;
	s30 =	smov.u32 s1  }
0x400: {  	v0 =	vld.idx.msk [tilespmem:v2+s6+$0x0], $0xffff;
	_ =	sdelay $0x5  }
0x401: {  	[tilespmem:s30+$0x19780] =	vst v0;
	v0 =	vld [tilespmem:s30+$0x187A0]  }
0x402: {  	v1 =	vld.idx.msk [tilespmem:v1+s6+$0x0], $0xffff;
	_ =	sdelay $0x5  }
0x403: {  	[tilespmem:s30+$0x19790] =	vst v1;
	v1 =	vld [tilespmem:s30+$0x187B0]  }
0x404: {  	v0 =	vld.idx.msk [tilespmem:v0+s6+$0x0], $0xffff;
	_ =	sdelay $0x5  }
0x405: {  	[tilespmem:s30+$0x197A0] =	vst v0;
	v0 =	vld [tilespmem:s30+$0x187C0]  }
0x406: {  	v1 =	vld.idx.msk [tilespmem:v1+s6+$0x0], $0xffff;
	_ =	sdelay $0x5  }
0x407: {  	[tilespmem:s30+$0x197B0] =	vst v1;
	v1 =	vld [tilespmem:s30+$0x187D0]  }
0x408: {  	v0 =	vld.idx.msk [tilespmem:v0+s6+$0x0], $0xffff;
	_ =	sdelay $0x5  }
0x409: {  	[tilespmem:s30+$0x197C0] =	vst v0;
	v0 =	vld [tilespmem:s30+$0x187E0]  }
0x40a: {  	v1 =	vld.idx.msk [tilespmem:v1+s6+$0x0], $0xffff;
	_ =	sdelay $0x5  }
0x40b: {  	[tilespmem:s30+$0x197D0] =	vst v1;
	v1 =	vld [tilespmem:s30+$0x187F0]  }
0x40c: {  	v0 =	vld.idx.msk [tilespmem:v0+s6+$0x0], $0xffff;
	_ =	sdelay $0x5  }
0x40d: {  	[tilespmem:s30+$0x197E0] =	vst v0;
	v0 =	vld [tilespmem:s30+$0x18880]  }
0x40e: {  	v1 =	vld.idx.msk [tilespmem:v1+s6+$0x0], $0xffff;
	_ =	sdelay $0x5  }
0x40f: {  	[tilespmem:s30+$0x197F0] =	vst v1;
	v1 =	vld [tilespmem:s30+$0x18890]  }
0x410: {  	v0 =	vld.idx.msk [tilespmem:v0+s6+$0x0], $0xffff;
	_ =	sdelay $0x5  }
0x411: {  	[tilespmem:s30+$0x19880] =	vst v0;
	v0 =	vld [tilespmem:s30+$0x188A0]  }
0x412: {  	v1 =	vld.idx.msk [tilespmem:v1+s6+$0x0], $0xffff;
	_ =	sdelay $0x5  }
0x413: {  	[tilespmem:s30+$0x19890] =	vst v1;
	v1 =	vld [tilespmem:s30+$0x188B0]  }
0x414: {  	v0 =	vld.idx.msk [tilespmem:v0+s6+$0x0], $0xffff;
	_ =	sdelay $0x5  }
0x415: {  	[tilespmem:s30+$0x198A0] =	vst v0;
	v0 =	vld [tilespmem:s30+$0x188C0]  }
0x416: {  	v1 =	vld.idx.msk [tilespmem:v1+s6+$0x0], $0xffff;
	_ =	sdelay $0x5  }
0x417: {  	[tilespmem:s30+$0x198B0] =	vst v1;
	v1 =	vld [tilespmem:s30+$0x188D0]  }
0x418: {  	v0 =	vld.idx.msk [tilespmem:v0+s6+$0x0], $0xffff;
	_ =	sdelay $0x5  }
0x419: {  	[tilespmem:s30+$0x198C0] =	vst v0;
	v2 =	vld [tilespmem:s30+$0x188E0]  }
0x41a: {  	v0 =	vld.idx.msk [tilespmem:v1+s6+$0x0], $0xffff;
	_ =	sdelay $0x5  }
0x41b: {  	[tilespmem:s30+$0x198D0] =	vst v0;
	v0 =	vld [tilespmem:s30+$0x188F0]  }
0x41c: {  	v1 =	vld.idx.msk [tilespmem:v2+s6+$0x0], $0xffff  }
.Ltmp5:
0x41d: {  	(pc) =	sbr.rel @p2 .LBB2_13-.Ltmp5, $2  }
0x41e: {  	_ =	sdelay $0x2  }
0x41f: {  	s1 =	sshra.s32 s31, $0x2;
	s31 =	sadd.s32 $0x800, s31  }
0x420: {  	_ =	sdelay $0x1  }
0x421: {  	v2 =	vld [tilespmem:s1+$0x18780]  }
0x422: {  	[tilespmem:s30+$0x198E0] =	vst v1  }
0x423: {  	v0 =	vld.idx.msk [tilespmem:v0+s6+$0x0], $0xffff;
	_ =	sdelay $0x3  }
0x424: {  	v1 =	vld [tilespmem:s1+$0x18790]  }
0x425: {  	[tilespmem:s30+$0x198F0] =	vst v0  }
0x426: {  	v0 =	vld.idx.msk [tilespmem:v2+s6+$0x0], $0xffff;
	_ =	sdelay $0x4  }
0x427: {  	[tilespmem:s1+$0x19780] =	vst v0;
	v0 =	vld [tilespmem:s1+$0x187A0]  }
0x428: {  	v1 =	vld.idx.msk [tilespmem:v1+s6+$0x0], $0xffff;
	_ =	sdelay $0x4  }
0x429: {  	[tilespmem:s1+$0x19790] =	vst v1;
	v1 =	vld [tilespmem:s1+$0x187B0];
	_ =	sdelay $0x1  }
0x42a: {  	v0 =	vld.idx.msk [tilespmem:v0+s6+$0x0], $0xffff;
	_ =	sdelay $0x4  }
0x42b: {  	[tilespmem:s1+$0x197A0] =	vst v0;
	v0 =	vld [tilespmem:s1+$0x187C0]  }
0x42c: {  	v1 =	vld.idx.msk [tilespmem:v1+s6+$0x0], $0xffff;
	_ =	sdelay $0x4  }
0x42d: {  	[tilespmem:s1+$0x197B0] =	vst v1;
	v1 =	vld [tilespmem:s1+$0x187D0];
	_ =	sdelay $0x1  }
0x42e: {  	v0 =	vld.idx.msk [tilespmem:v0+s6+$0x0], $0xffff;
	_ =	sdelay $0x4  }
0x42f: {  	[tilespmem:s1+$0x197C0] =	vst v0;
	v0 =	vld [tilespmem:s1+$0x187E0]  }
0x430: {  	v1 =	vld.idx.msk [tilespmem:v1+s6+$0x0], $0xffff;
	_ =	sdelay $0x4  }
0x431: {  	[tilespmem:s1+$0x197D0] =	vst v1;
	v1 =	vld [tilespmem:s1+$0x187F0];
	_ =	sdelay $0x1  }
0x432: {  	v0 =	vld.idx.msk [tilespmem:v0+s6+$0x0], $0xffff;
	_ =	sdelay $0x4  }
0x433: {  	[tilespmem:s1+$0x197E0] =	vst v0;
	v0 =	vld [tilespmem:s1+$0x18880]  }
0x434: {  	v1 =	vld.idx.msk [tilespmem:v1+s6+$0x0], $0xffff;
	_ =	sdelay $0x4  }
0x435: {  	[tilespmem:s1+$0x197F0] =	vst v1;
	v1 =	vld [tilespmem:s1+$0x18890];
	_ =	sdelay $0x1  }
0x436: {  	v0 =	vld.idx.msk [tilespmem:v0+s6+$0x0], $0xffff;
	_ =	sdelay $0x4  }
0x437: {  	[tilespmem:s1+$0x19880] =	vst v0;
	v0 =	vld [tilespmem:s1+$0x188A0]  }
0x438: {  	v1 =	vld.idx.msk [tilespmem:v1+s6+$0x0], $0xffff;
	_ =	sdelay $0x4  }
0x439: {  	[tilespmem:s1+$0x19890] =	vst v1;
	v1 =	vld [tilespmem:s1+$0x188B0];
	_ =	sdelay $0x1  }
0x43a: {  	v0 =	vld.idx.msk [tilespmem:v0+s6+$0x0], $0xffff;
	_ =	sdelay $0x4  }
0x43b: {  	[tilespmem:s1+$0x198A0] =	vst v0;
	v0 =	vld [tilespmem:s1+$0x188C0]  }
0x43c: {  	v1 =	vld.idx.msk [tilespmem:v1+s6+$0x0], $0xffff;
	_ =	sdelay $0x4  }
0x43d: {  	[tilespmem:s1+$0x198B0] =	vst v1;
	v1 =	vld [tilespmem:s1+$0x188D0];
	_ =	sdelay $0x1  }
0x43e: {  	v0 =	vld.idx.msk [tilespmem:v0+s6+$0x0], $0xffff;
	_ =	sdelay $0x4  }
0x43f: {  	[tilespmem:s1+$0x198C0] =	vst v0;
	v0 =	vld [tilespmem:s1+$0x188E0]  }
0x440: {  	v1 =	vld.idx.msk [tilespmem:v1+s6+$0x0], $0xffff;
	_ =	sdelay $0x4  }
0x441: {  	[tilespmem:s1+$0x198D0] =	vst v1;
	v1 =	vld [tilespmem:s1+$0x188F0];
	_ =	sdelay $0x1  }
0x442: {  	v0 =	vld.idx.msk [tilespmem:v0+s6+$0x0], $0xffff;
	_ =	sdelay $0x4  }
0x443: {  	[tilespmem:s1+$0x198E0] =	vst v0  }
0x444: {  	v0 =	vld.idx.msk [tilespmem:v1+s6+$0x0], $0xffff;
	_ =	sdelay $0x3  }
0x445: {  	s0 =	rddreg [dreg:$0xa]  }
0x446: {  	s0 =	sadd.s32 s28, s0;
	[tilespmem:s1+$0x198F0] =	vst v0;
	s1 =	simm.s32 $0x0  }
0x447: {  	[hbm4b:s0+s1] =	stream.linear.scatter [tilespmem:s5], [sflag:$0x3], $0x80, $0x38;
	[tilespmem:$0x1AF00] =	vst v63  }
0x448: {  	s15 =	sadd.s32 $0x80, s0  }
0x449: {  	[hbm4b:s15+s1] =	stream.linear.scatter [tilespmem:s8], [sflag:$0x3], $0x80, $0x38;
	[tilespmem:$0x1AF00] =	vst v63  }
0x44a: {  	s31 =	sadd.s32 $0x100, s0  }
0x44b: {  	[hbm4b:s31+s1] =	stream.linear.scatter [tilespmem:s9], [sflag:$0x3], $0x80, $0x38;
	[tilespmem:$0x1AF00] =	vst v63  }
0x44c: {  	s18 =	sadd.s32 $0x180, s0  }
0x44d: {  	[hbm4b:s18+s1] =	stream.linear.scatter [tilespmem:s10], [sflag:$0x3], $0x80, $0x38;
	[tilespmem:$0x1AF00] =	vst v63  }
0x44e: {  	s31 =	sadd.s32 $0x200, s0  }
0x44f: {  	[hbm4b:s31+s1] =	stream.linear.scatter [tilespmem:s11], [sflag:$0x3], $0x80, $0x38;
	[tilespmem:$0x1AF00] =	vst v63  }
0x450: {  	s18 =	sadd.s32 $0x280, s0  }
0x451: {  	[hbm4b:s18+s1] =	stream.linear.scatter [tilespmem:s12], [sflag:$0x3], $0x80, $0x38;
	[tilespmem:$0x1AF00] =	vst v63  }
0x452: {  	s31 =	sadd.s32 $0x300, s0  }
0x453: {  	[hbm4b:s31+s1] =	stream.linear.scatter [tilespmem:s13], [sflag:$0x3], $0x80, $0x38;
	[tilespmem:$0x1AF00] =	vst v63  }
0x454: {  	s18 =	sadd.s32 $0x380, s0  }
0x455: {  	[hbm4b:s18+s1] =	stream.linear.scatter [tilespmem:s14], [sflag:$0x3], $0x80, $0x38;
	[tilespmem:$0x1AF00] =	vst v63  }
0x456: {  	s31 =	sadd.s32 $0x400, s0  }
0x457: {  	[hbm4b:s31+s1] =	stream.linear.scatter [tilespmem:s17], [sflag:$0x3], $0x80, $0x38;
	[tilespmem:$0x1AF00] =	vst v63  }
0x458: {  	s18 =	sadd.s32 $0x480, s0  }
0x459: {  	[hbm4b:s18+s1] =	stream.linear.scatter [tilespmem:s7], [sflag:$0x3], $0x80, $0x38;
	[tilespmem:$0x1AF00] =	vst v63  }
0x45a: {  	s31 =	sadd.s32 $0x500, s0  }
0x45b: {  	[hbm4b:s31+s1] =	stream.linear.scatter [tilespmem:s19], [sflag:$0x3], $0x80, $0x38;
	[tilespmem:$0x1AF00] =	vst v63  }
0x45c: {  	s18 =	sadd.s32 $0x580, s0  }
0x45d: {  	[hbm4b:s18+s1] =	stream.linear.scatter [tilespmem:s20], [sflag:$0x3], $0x80, $0x38;
	[tilespmem:$0x1AF00] =	vst v63  }
0x45e: {  	s31 =	sadd.s32 $0x600, s0  }
0x45f: {  	[hbm4b:s31+s1] =	stream.linear.scatter [tilespmem:s21], [sflag:$0x3], $0x80, $0x38;
	[tilespmem:$0x1AF00] =	vst v63  }
0x460: {  	s18 =	sadd.s32 $0x680, s0  }
0x461: {  	[hbm4b:s18+s1] =	stream.linear.scatter [tilespmem:s22], [sflag:$0x3], $0x80, $0x38;
	[tilespmem:$0x1AF00] =	vst v63  }
0x462: {  	s31 =	sadd.s32 $0x700, s0  }
0x463: {  	[hbm4b:s31+s1] =	stream.linear.scatter [tilespmem:s23], [sflag:$0x3], $0x80, $0x38;
	[tilespmem:$0x1AF00] =	vst v63  }
0x464: {  	s0 =	sadd.s32 $0x780, s0  }
0x465: {  	[hbm4b:s0+s1] =	stream.linear.scatter [tilespmem:s24], [sflag:$0x3], $0x80, $0x38;
	[tilespmem:$0x1AF00] =	vst v63  }
0x466: {  	_ =	swait.ge [sflag:s3], $0x800  }
0x467: {  	[sflag:s3] =	ssyncset.done $0x0  }
0x468: {  	[sflag:s3] =	ssyncadd.s32 $0xFFFFF800  }
0x469: {  	_ =	swait.ge [sflag:s25], $0x800  }
0x46a: {  	[sflag:s25] =	ssyncset.done $0x0  }
0x46b: {  	s15 =	simm.s32 $0x18780;
	s1 =	sadd.s32 $0x7000, s29;
	[sflag:s25] =	ssyncadd.s32 $0xFFFFF800  }
0x46c: {  	[tilespmem:s15], [sflag:$0x2] =	stream.linear.gather [spmem:s1], $0x80, $0x38;
	[tilespmem:$0x1AF00] =	vst v63  }
0x46d: {  	s18 =	sadd.s32 $0x7100, s29;
	s31 =	simm.s32 $0x18880  }
0x46e: {  	[tilespmem:s31], [sflag:$0x2] =	stream.linear.gather [spmem:s18], $0x80, $0x38;
	[tilespmem:$0x1AF00] =	vst v63  }
0x46f: {  	s1 =	sadd.s32 $0x7200, s29;
	s15 =	simm.s32 $0x18980  }
0x470: {  	[tilespmem:s15], [sflag:$0x2] =	stream.linear.gather [spmem:s1], $0x80, $0x38;
	[tilespmem:$0x1AF00] =	vst v63  }
0x471: {  	s18 =	sadd.s32 $0x7300, s29;
	s31 =	simm.s32 $0x18A80  }
0x472: {  	[tilespmem:s31], [sflag:$0x2] =	stream.linear.gather [spmem:s18], $0x80, $0x38;
	[tilespmem:$0x1AF00] =	vst v63  }
0x473: {  	s1 =	sadd.s32 $0x7400, s29;
	s15 =	simm.s32 $0x18B80  }
0x474: {  	[tilespmem:s15], [sflag:$0x2] =	stream.linear.gather [spmem:s1], $0x80, $0x38;
	[tilespmem:$0x1AF00] =	vst v63  }
0x475: {  	s18 =	sadd.s32 $0x7500, s29;
	s31 =	simm.s32 $0x18C80  }
0x476: {  	[tilespmem:s31], [sflag:$0x2] =	stream.linear.gather [spmem:s18], $0x80, $0x38;
	[tilespmem:$0x1AF00] =	vst v63  }
0x477: {  	s1 =	sadd.s32 $0x7600, s29;
	s15 =	simm.s32 $0x18D80  }
0x478: {  	[tilespmem:s15], [sflag:$0x2] =	stream.linear.gather [spmem:s1], $0x80, $0x38;
	[tilespmem:$0x1AF00] =	vst v63  }
0x479: {  	s18 =	sadd.s32 $0x7700, s29;
	s31 =	simm.s32 $0x18E80  }
0x47a: {  	[tilespmem:s31], [sflag:$0x2] =	stream.linear.gather [spmem:s18], $0x80, $0x38;
	[tilespmem:$0x1AF00] =	vst v63  }
0x47b: {  	s1 =	sadd.s32 $0x7800, s29;
	s15 =	simm.s32 $0x18F80  }
0x47c: {  	[tilespmem:s15], [sflag:$0x2] =	stream.linear.gather [spmem:s1], $0x80, $0x38;
	[tilespmem:$0x1AF00] =	vst v63  }
0x47d: {  	s18 =	sadd.s32 $0x7900, s29;
	s31 =	simm.s32 $0x19080  }
0x47e: {  	[tilespmem:s31], [sflag:$0x2] =	stream.linear.gather [spmem:s18], $0x80, $0x38;
	[tilespmem:$0x1AF00] =	vst v63  }
0x47f: {  	s1 =	sadd.s32 $0x7A00, s29;
	s15 =	simm.s32 $0x19180  }
0x480: {  	[tilespmem:s15], [sflag:$0x2] =	stream.linear.gather [spmem:s1], $0x80, $0x38;
	[tilespmem:$0x1AF00] =	vst v63  }
0x481: {  	s18 =	sadd.s32 $0x7B00, s29;
	s31 =	simm.s32 $0x19280  }
0x482: {  	[tilespmem:s31], [sflag:$0x2] =	stream.linear.gather [spmem:s18], $0x80, $0x38;
	[tilespmem:$0x1AF00] =	vst v63  }
0x483: {  	s1 =	sadd.s32 $0x7C00, s29;
	s15 =	simm.s32 $0x19380  }
0x484: {  	[tilespmem:s15], [sflag:$0x2] =	stream.linear.gather [spmem:s1], $0x80, $0x38;
	[tilespmem:$0x1AF00] =	vst v63  }
0x485: {  	s18 =	sadd.s32 $0x7D00, s29;
	s31 =	simm.s32 $0x19480  }
0x486: {  	[tilespmem:s31], [sflag:$0x2] =	stream.linear.gather [spmem:s18], $0x80, $0x38;
	[tilespmem:$0x1AF00] =	vst v63  }
0x487: {  	s1 =	sadd.s32 $0x7E00, s29;
	s15 =	simm.s32 $0x19580  }
0x488: {  	[tilespmem:s15], [sflag:$0x2] =	stream.linear.gather [spmem:s1], $0x80, $0x38;
	[tilespmem:$0x1AF00] =	vst v63  }
0x489: {  	s18 =	sadd.s32 $0x7F00, s29;
	s31 =	simm.s32 $0x19680;
	s29 =	simm.s32 $0x0  }
0x48a: {  	[tilespmem:s31], [sflag:$0x2] =	stream.linear.gather [spmem:s18], $0x80, $0x38;
	[tilespmem:$0x1AF00] =	vst v63  }
0x48b: {  	v0 =	vld [tilespmem:s29+$0x18700];
	_ =	sdelay $0x5  }
0x48c: {  	v1 =	vld [tilespmem:s29+$0x18710];
	_ =	sdelay $0x1  }
0x48d: {  	v0 =	vld.idx.msk [tilespmem:v0+s6+$0x0], $0xffff;
	_ =	sdelay $0x4  }
0x48e: {  	[tilespmem:s29+$0x19700] =	vst v0;
	v0 =	vld [tilespmem:s29+$0x18720]  }
0x48f: {  	v1 =	vld.idx.msk [tilespmem:v1+s6+$0x0], $0xffff;
	_ =	sdelay $0x4  }
0x490: {  	[tilespmem:s29+$0x19710] =	vst v1;
	v1 =	vld [tilespmem:s29+$0x18730];
	_ =	sdelay $0x1  }
0x491: {  	v0 =	vld.idx.msk [tilespmem:v0+s6+$0x0], $0xffff;
	_ =	sdelay $0x4  }
0x492: {  	[tilespmem:s29+$0x19720] =	vst v0;
	v0 =	vld [tilespmem:s29+$0x18740]  }
0x493: {  	v1 =	vld.idx.msk [tilespmem:v1+s6+$0x0], $0xffff;
	_ =	sdelay $0x4  }
0x494: {  	[tilespmem:s29+$0x19730] =	vst v1;
	v1 =	vld [tilespmem:s29+$0x18750];
	_ =	sdelay $0x1  }
0x495: {  	v0 =	vld.idx.msk [tilespmem:v0+s6+$0x0], $0xffff;
	_ =	sdelay $0x4  }
0x496: {  	[tilespmem:s29+$0x19740] =	vst v0;
	v0 =	vld [tilespmem:s29+$0x18760]  }
0x497: {  	v1 =	vld.idx.msk [tilespmem:v1+s6+$0x0], $0xffff;
	_ =	sdelay $0x4  }
0x498: {  	[tilespmem:s29+$0x19750] =	vst v1;
	v1 =	vld [tilespmem:s29+$0x18770];
	_ =	sdelay $0x1  }
0x499: {  	v0 =	vld.idx.msk [tilespmem:v0+s6+$0x0], $0xffff;
	_ =	sdelay $0x4  }
0x49a: {  	[tilespmem:s29+$0x19760] =	vst v0;
	v0 =	vld [tilespmem:s29+$0x18800]  }
0x49b: {  	v1 =	vld.idx.msk [tilespmem:v1+s6+$0x0], $0xffff;
	_ =	sdelay $0x4  }
0x49c: {  	[tilespmem:s29+$0x19770] =	vst v1;
	v1 =	vld [tilespmem:s29+$0x18810];
	_ =	sdelay $0x1  }
0x49d: {  	v0 =	vld.idx.msk [tilespmem:v0+s6+$0x0], $0xffff;
	_ =	sdelay $0x4  }
0x49e: {  	[tilespmem:s29+$0x19800] =	vst v0;
	v0 =	vld [tilespmem:s29+$0x18820]  }
0x49f: {  	v1 =	vld.idx.msk [tilespmem:v1+s6+$0x0], $0xffff;
	_ =	sdelay $0x4  }
0x4a0: {  	[tilespmem:s29+$0x19810] =	vst v1;
	v1 =	vld [tilespmem:s29+$0x18830];
	_ =	sdelay $0x1  }
0x4a1: {  	v0 =	vld.idx.msk [tilespmem:v0+s6+$0x0], $0xffff;
	_ =	sdelay $0x4  }
0x4a2: {  	[tilespmem:s29+$0x19820] =	vst v0;
	v0 =	vld [tilespmem:s29+$0x18840]  }
0x4a3: {  	v1 =	vld.idx.msk [tilespmem:v1+s6+$0x0], $0xffff;
	_ =	sdelay $0x4  }
0x4a4: {  	[tilespmem:s29+$0x19830] =	vst v1;
	v1 =	vld [tilespmem:s29+$0x18850];
	_ =	sdelay $0x1  }
0x4a5: {  	v0 =	vld.idx.msk [tilespmem:v0+s6+$0x0], $0xffff;
	_ =	sdelay $0x4  }
0x4a6: {  	v2 =	vld [tilespmem:s29+$0x18860];
	[tilespmem:s29+$0x19840] =	vst v0  }
0x4a7: {  	v0 =	vld.idx.msk [tilespmem:v1+s6+$0x0], $0xffff;
	_ =	sdelay $0x4  }
0x4a8: {  	[tilespmem:s29+$0x19850] =	vst v0;
	v0 =	vld [tilespmem:s29+$0x18870];
	_ =	sdelay $0x1  }
0x4a9: {  	v1 =	vld.idx.msk [tilespmem:v2+s6+$0x0], $0xffff;
	_ =	sdelay $0x3  }
0x4aa: {  	s30 =	simm.s32 $0x1000;
	s1 =	simm.s32 $0x200  }
.LBB2_15:
0x4ab: {  	p2 =	sne.s32 s30, $0x3800;
	v2 =	vld [tilespmem:s1+$0x18700];
	[tilespmem:s29+$0x19860] =	vst v1  }
0x4ac: {  	v0 =	vld.idx.msk [tilespmem:v0+s6+$0x0], $0xffff;
	_ =	sdelay $0x5  }
0x4ad: {  	v1 =	vld [tilespmem:s1+$0x18710];
	[tilespmem:s29+$0x19870] =	vst v0;
	s29 =	smov.u32 s1  }
0x4ae: {  	v0 =	vld.idx.msk [tilespmem:v2+s6+$0x0], $0xffff;
	_ =	sdelay $0x5  }
0x4af: {  	[tilespmem:s29+$0x19700] =	vst v0;
	v0 =	vld [tilespmem:s29+$0x18720]  }
0x4b0: {  	v1 =	vld.idx.msk [tilespmem:v1+s6+$0x0], $0xffff;
	_ =	sdelay $0x5  }
0x4b1: {  	[tilespmem:s29+$0x19710] =	vst v1;
	v1 =	vld [tilespmem:s29+$0x18730]  }
0x4b2: {  	v0 =	vld.idx.msk [tilespmem:v0+s6+$0x0], $0xffff;
	_ =	sdelay $0x5  }
0x4b3: {  	[tilespmem:s29+$0x19720] =	vst v0;
	v0 =	vld [tilespmem:s29+$0x18740]  }
0x4b4: {  	v1 =	vld.idx.msk [tilespmem:v1+s6+$0x0], $0xffff;
	_ =	sdelay $0x5  }
0x4b5: {  	[tilespmem:s29+$0x19730] =	vst v1;
	v1 =	vld [tilespmem:s29+$0x18750]  }
0x4b6: {  	v0 =	vld.idx.msk [tilespmem:v0+s6+$0x0], $0xffff;
	_ =	sdelay $0x5  }
0x4b7: {  	[tilespmem:s29+$0x19740] =	vst v0;
	v0 =	vld [tilespmem:s29+$0x18760]  }
0x4b8: {  	v1 =	vld.idx.msk [tilespmem:v1+s6+$0x0], $0xffff;
	_ =	sdelay $0x5  }
0x4b9: {  	[tilespmem:s29+$0x19750] =	vst v1;
	v1 =	vld [tilespmem:s29+$0x18770]  }
0x4ba: {  	v0 =	vld.idx.msk [tilespmem:v0+s6+$0x0], $0xffff;
	_ =	sdelay $0x5  }
0x4bb: {  	[tilespmem:s29+$0x19760] =	vst v0;
	v0 =	vld [tilespmem:s29+$0x18800]  }
0x4bc: {  	v1 =	vld.idx.msk [tilespmem:v1+s6+$0x0], $0xffff;
	_ =	sdelay $0x5  }
0x4bd: {  	[tilespmem:s29+$0x19770] =	vst v1;
	v1 =	vld [tilespmem:s29+$0x18810]  }
0x4be: {  	v0 =	vld.idx.msk [tilespmem:v0+s6+$0x0], $0xffff;
	_ =	sdelay $0x5  }
0x4bf: {  	[tilespmem:s29+$0x19800] =	vst v0;
	v0 =	vld [tilespmem:s29+$0x18820]  }
0x4c0: {  	v1 =	vld.idx.msk [tilespmem:v1+s6+$0x0], $0xffff;
	_ =	sdelay $0x5  }
0x4c1: {  	[tilespmem:s29+$0x19810] =	vst v1;
	v1 =	vld [tilespmem:s29+$0x18830]  }
0x4c2: {  	v0 =	vld.idx.msk [tilespmem:v0+s6+$0x0], $0xffff;
	_ =	sdelay $0x5  }
0x4c3: {  	[tilespmem:s29+$0x19820] =	vst v0;
	v0 =	vld [tilespmem:s29+$0x18840]  }
0x4c4: {  	v1 =	vld.idx.msk [tilespmem:v1+s6+$0x0], $0xffff;
	_ =	sdelay $0x5  }
0x4c5: {  	[tilespmem:s29+$0x19830] =	vst v1;
	v1 =	vld [tilespmem:s29+$0x18850]  }
0x4c6: {  	v0 =	vld.idx.msk [tilespmem:v0+s6+$0x0], $0xffff;
	_ =	sdelay $0x5  }
0x4c7: {  	[tilespmem:s29+$0x19840] =	vst v0;
	v2 =	vld [tilespmem:s29+$0x18860]  }
0x4c8: {  	v0 =	vld.idx.msk [tilespmem:v1+s6+$0x0], $0xffff;
	_ =	sdelay $0x5  }
0x4c9: {  	[tilespmem:s29+$0x19850] =	vst v0;
	v0 =	vld [tilespmem:s29+$0x18870]  }
0x4ca: {  	v1 =	vld.idx.msk [tilespmem:v2+s6+$0x0], $0xffff  }
.Ltmp6:
0x4cb: {  	(pc) =	sbr.rel @p2 .LBB2_15-.Ltmp6, $2  }
0x4cc: {  	_ =	sdelay $0x2  }
0x4cd: {  	s1 =	sshra.s32 s30, $0x2;
	s30 =	sadd.s32 $0x800, s30  }
0x4ce: {  	_ =	sdelay $0x1  }
0x4cf: {  	v2 =	vld [tilespmem:s1+$0x18700]  }
0x4d0: {  	[tilespmem:s29+$0x19860] =	vst v1  }
0x4d1: {  	v0 =	vld.idx.msk [tilespmem:v0+s6+$0x0], $0xffff;
	_ =	sdelay $0x3  }
0x4d2: {  	v1 =	vld [tilespmem:s1+$0x18710]  }
0x4d3: {  	[tilespmem:s29+$0x19870] =	vst v0  }
0x4d4: {  	v0 =	vld.idx.msk [tilespmem:v2+s6+$0x0], $0xffff;
	_ =	sdelay $0x4  }
0x4d5: {  	[tilespmem:s1+$0x19700] =	vst v0;
	v0 =	vld [tilespmem:s1+$0x18720]  }
0x4d6: {  	v1 =	vld.idx.msk [tilespmem:v1+s6+$0x0], $0xffff;
	_ =	sdelay $0x4  }
0x4d7: {  	[tilespmem:s1+$0x19710] =	vst v1;
	v1 =	vld [tilespmem:s1+$0x18730];
	_ =	sdelay $0x1  }
0x4d8: {  	v0 =	vld.idx.msk [tilespmem:v0+s6+$0x0], $0xffff;
	_ =	sdelay $0x4  }
0x4d9: {  	[tilespmem:s1+$0x19720] =	vst v0;
	v0 =	vld [tilespmem:s1+$0x18740]  }
0x4da: {  	v1 =	vld.idx.msk [tilespmem:v1+s6+$0x0], $0xffff;
	_ =	sdelay $0x4  }
0x4db: {  	[tilespmem:s1+$0x19730] =	vst v1;
	v1 =	vld [tilespmem:s1+$0x18750];
	_ =	sdelay $0x1  }
0x4dc: {  	v0 =	vld.idx.msk [tilespmem:v0+s6+$0x0], $0xffff;
	_ =	sdelay $0x4  }
0x4dd: {  	[tilespmem:s1+$0x19740] =	vst v0;
	v0 =	vld [tilespmem:s1+$0x18760]  }
0x4de: {  	v1 =	vld.idx.msk [tilespmem:v1+s6+$0x0], $0xffff;
	_ =	sdelay $0x4  }
0x4df: {  	[tilespmem:s1+$0x19750] =	vst v1;
	v1 =	vld [tilespmem:s1+$0x18770];
	_ =	sdelay $0x1  }
0x4e0: {  	v0 =	vld.idx.msk [tilespmem:v0+s6+$0x0], $0xffff;
	_ =	sdelay $0x4  }
0x4e1: {  	[tilespmem:s1+$0x19760] =	vst v0;
	v0 =	vld [tilespmem:s1+$0x18800]  }
0x4e2: {  	v1 =	vld.idx.msk [tilespmem:v1+s6+$0x0], $0xffff;
	_ =	sdelay $0x4  }
0x4e3: {  	[tilespmem:s1+$0x19770] =	vst v1;
	v1 =	vld [tilespmem:s1+$0x18810];
	_ =	sdelay $0x1  }
0x4e4: {  	v0 =	vld.idx.msk [tilespmem:v0+s6+$0x0], $0xffff;
	_ =	sdelay $0x4  }
0x4e5: {  	[tilespmem:s1+$0x19800] =	vst v0;
	v0 =	vld [tilespmem:s1+$0x18820]  }
0x4e6: {  	v1 =	vld.idx.msk [tilespmem:v1+s6+$0x0], $0xffff;
	_ =	sdelay $0x4  }
0x4e7: {  	[tilespmem:s1+$0x19810] =	vst v1;
	v1 =	vld [tilespmem:s1+$0x18830];
	_ =	sdelay $0x1  }
0x4e8: {  	v0 =	vld.idx.msk [tilespmem:v0+s6+$0x0], $0xffff;
	_ =	sdelay $0x4  }
0x4e9: {  	[tilespmem:s1+$0x19820] =	vst v0;
	v0 =	vld [tilespmem:s1+$0x18840]  }
0x4ea: {  	v1 =	vld.idx.msk [tilespmem:v1+s6+$0x0], $0xffff;
	_ =	sdelay $0x4  }
0x4eb: {  	[tilespmem:s1+$0x19830] =	vst v1;
	v1 =	vld [tilespmem:s1+$0x18850];
	_ =	sdelay $0x1  }
0x4ec: {  	v0 =	vld.idx.msk [tilespmem:v0+s6+$0x0], $0xffff;
	_ =	sdelay $0x4  }
0x4ed: {  	[tilespmem:s1+$0x19840] =	vst v0;
	v0 =	vld [tilespmem:s1+$0x18860]  }
0x4ee: {  	v1 =	vld.idx.msk [tilespmem:v1+s6+$0x0], $0xffff;
	_ =	sdelay $0x4  }
0x4ef: {  	[tilespmem:s1+$0x19850] =	vst v1;
	v1 =	vld [tilespmem:s1+$0x18870];
	_ =	sdelay $0x1  }
0x4f0: {  	v0 =	vld.idx.msk [tilespmem:v0+s6+$0x0], $0xffff;
	_ =	sdelay $0x4  }
0x4f1: {  	[tilespmem:s1+$0x19860] =	vst v0  }
0x4f2: {  	v0 =	vld.idx.msk [tilespmem:v1+s6+$0x0], $0xffff;
	_ =	sdelay $0x3  }
0x4f3: {  	s0 =	rddreg [dreg:$0xb]  }
0x4f4: {  	s0 =	sadd.s32 s28, s0;
	[tilespmem:s1+$0x19870] =	vst v0;
	s1 =	simm.s32 $0x0  }
0x4f5: {  	[hbm4b:s0+s1] =	stream.linear.scatter [tilespmem:s2], [sflag:$0x3], $0x80, $0x38;
	[tilespmem:$0x1AF00] =	vst v63  }
0x4f6: {  	s31 =	simm.s32 $0x19800;
	s15 =	sadd.s32 $0x80, s0  }
0x4f7: {  	[hbm4b:s15+s1] =	stream.linear.scatter [tilespmem:s31], [sflag:$0x3], $0x80, $0x38;
	[tilespmem:$0x1AF00] =	vst v63  }
0x4f8: {  	s18 =	sadd.s32 $0x100, s0;
	s31 =	simm.s32 $0x19900  }
0x4f9: {  	[hbm4b:s18+s1] =	stream.linear.scatter [tilespmem:s31], [sflag:$0x3], $0x80, $0x38;
	[tilespmem:$0x1AF00] =	vst v63  }
0x4fa: {  	s18 =	sadd.s32 $0x180, s0;
	s31 =	simm.s32 $0x19A00  }
0x4fb: {  	[hbm4b:s18+s1] =	stream.linear.scatter [tilespmem:s31], [sflag:$0x3], $0x80, $0x38;
	[tilespmem:$0x1AF00] =	vst v63  }
0x4fc: {  	s18 =	sadd.s32 $0x200, s0;
	s31 =	simm.s32 $0x19B00  }
0x4fd: {  	[hbm4b:s18+s1] =	stream.linear.scatter [tilespmem:s31], [sflag:$0x3], $0x80, $0x38;
	[tilespmem:$0x1AF00] =	vst v63  }
0x4fe: {  	s18 =	sadd.s32 $0x280, s0;
	s31 =	simm.s32 $0x19C00  }
0x4ff: {  	[hbm4b:s18+s1] =	stream.linear.scatter [tilespmem:s31], [sflag:$0x3], $0x80, $0x38;
	[tilespmem:$0x1AF00] =	vst v63  }
0x500: {  	s18 =	sadd.s32 $0x300, s0;
	s31 =	simm.s32 $0x19D00  }
0x501: {  	[hbm4b:s18+s1] =	stream.linear.scatter [tilespmem:s31], [sflag:$0x3], $0x80, $0x38;
	[tilespmem:$0x1AF00] =	vst v63  }
0x502: {  	s18 =	sadd.s32 $0x380, s0;
	s31 =	simm.s32 $0x19E00  }
0x503: {  	[hbm4b:s18+s1] =	stream.linear.scatter [tilespmem:s31], [sflag:$0x3], $0x80, $0x38;
	[tilespmem:$0x1AF00] =	vst v63  }
0x504: {  	s18 =	sadd.s32 $0x400, s0;
	s31 =	simm.s32 $0x19F00  }
0x505: {  	[hbm4b:s18+s1] =	stream.linear.scatter [tilespmem:s31], [sflag:$0x3], $0x80, $0x38;
	[tilespmem:$0x1AF00] =	vst v63  }
0x506: {  	s18 =	sadd.s32 $0x480, s0;
	s31 =	simm.s32 $0x1A000  }
0x507: {  	[hbm4b:s18+s1] =	stream.linear.scatter [tilespmem:s31], [sflag:$0x3], $0x80, $0x38;
	[tilespmem:$0x1AF00] =	vst v63  }
0x508: {  	s18 =	sadd.s32 $0x500, s0;
	s31 =	simm.s32 $0x1A100  }
0x509: {  	[hbm4b:s18+s1] =	stream.linear.scatter [tilespmem:s31], [sflag:$0x3], $0x80, $0x38;
	[tilespmem:$0x1AF00] =	vst v63  }
0x50a: {  	s18 =	sadd.s32 $0x580, s0;
	s31 =	simm.s32 $0x1A200  }
0x50b: {  	[hbm4b:s18+s1] =	stream.linear.scatter [tilespmem:s31], [sflag:$0x3], $0x80, $0x38;
	[tilespmem:$0x1AF00] =	vst v63  }
0x50c: {  	s18 =	sadd.s32 $0x600, s0;
	s31 =	simm.s32 $0x1A300  }
0x50d: {  	[hbm4b:s18+s1] =	stream.linear.scatter [tilespmem:s31], [sflag:$0x3], $0x80, $0x38;
	[tilespmem:$0x1AF00] =	vst v63  }
0x50e: {  	s18 =	sadd.s32 $0x680, s0;
	s31 =	simm.s32 $0x1A400  }
0x50f: {  	[hbm4b:s18+s1] =	stream.linear.scatter [tilespmem:s31], [sflag:$0x3], $0x80, $0x38;
	[tilespmem:$0x1AF00] =	vst v63  }
0x510: {  	s18 =	sadd.s32 $0x700, s0;
	s31 =	simm.s32 $0x1A500  }
0x511: {  	[hbm4b:s18+s1] =	stream.linear.scatter [tilespmem:s31], [sflag:$0x3], $0x80, $0x38;
	[tilespmem:$0x1AF00] =	vst v63  }
0x512: {  	s0 =	sadd.s32 $0x780, s0  }
0x513: {  	[hbm4b:s0+s1] =	stream.linear.scatter [tilespmem:s4], [sflag:$0x3], $0x80, $0x38;
	[tilespmem:$0x1AF00] =	vst v63  }
0x514: {  	_ =	swait.ge [sflag:s3], $0x800  }
0x515: {  	[sflag:s3] =	ssyncset.done $0x0  }
0x516: {  	[sflag:s3] =	ssyncadd.s32 $0xFFFFF800  }
0x517: {  	_ =	swait.ge [sflag:s25], $0x800  }
0x518: {  	[sflag:s25] =	ssyncset.done $0x0  }
0x519: {  	s29 =	simm.s32 $0x0;
	[sflag:s25] =	ssyncadd.s32 $0xFFFFF800  }
0x51a: {  	v0 =	vld [tilespmem:s29+$0x18780];
	_ =	sdelay $0x5  }
0x51b: {  	v1 =	vld [tilespmem:s29+$0x18790];
	_ =	sdelay $0x1  }
0x51c: {  	v0 =	vld.idx.msk [tilespmem:v0+s6+$0x0], $0xffff;
	_ =	sdelay $0x4  }
0x51d: {  	[tilespmem:s29+$0x19780] =	vst v0;
	v0 =	vld [tilespmem:s29+$0x187A0]  }
0x51e: {  	v1 =	vld.idx.msk [tilespmem:v1+s6+$0x0], $0xffff;
	_ =	sdelay $0x4  }
0x51f: {  	[tilespmem:s29+$0x19790] =	vst v1;
	v1 =	vld [tilespmem:s29+$0x187B0];
	_ =	sdelay $0x1  }
0x520: {  	v0 =	vld.idx.msk [tilespmem:v0+s6+$0x0], $0xffff;
	_ =	sdelay $0x4  }
0x521: {  	[tilespmem:s29+$0x197A0] =	vst v0;
	v0 =	vld [tilespmem:s29+$0x187C0]  }
0x522: {  	v1 =	vld.idx.msk [tilespmem:v1+s6+$0x0], $0xffff;
	_ =	sdelay $0x4  }
0x523: {  	[tilespmem:s29+$0x197B0] =	vst v1;
	v1 =	vld [tilespmem:s29+$0x187D0];
	_ =	sdelay $0x1  }
0x524: {  	v0 =	vld.idx.msk [tilespmem:v0+s6+$0x0], $0xffff;
	_ =	sdelay $0x4  }
0x525: {  	[tilespmem:s29+$0x197C0] =	vst v0;
	v0 =	vld [tilespmem:s29+$0x187E0]  }
0x526: {  	v1 =	vld.idx.msk [tilespmem:v1+s6+$0x0], $0xffff;
	_ =	sdelay $0x4  }
0x527: {  	[tilespmem:s29+$0x197D0] =	vst v1;
	v1 =	vld [tilespmem:s29+$0x187F0];
	_ =	sdelay $0x1  }
0x528: {  	v0 =	vld.idx.msk [tilespmem:v0+s6+$0x0], $0xffff;
	_ =	sdelay $0x4  }
0x529: {  	[tilespmem:s29+$0x197E0] =	vst v0;
	v0 =	vld [tilespmem:s29+$0x18880]  }
0x52a: {  	v1 =	vld.idx.msk [tilespmem:v1+s6+$0x0], $0xffff;
	_ =	sdelay $0x4  }
0x52b: {  	[tilespmem:s29+$0x197F0] =	vst v1;
	v1 =	vld [tilespmem:s29+$0x18890];
	_ =	sdelay $0x1  }
0x52c: {  	v0 =	vld.idx.msk [tilespmem:v0+s6+$0x0], $0xffff;
	_ =	sdelay $0x4  }
0x52d: {  	[tilespmem:s29+$0x19880] =	vst v0;
	v0 =	vld [tilespmem:s29+$0x188A0]  }
0x52e: {  	v1 =	vld.idx.msk [tilespmem:v1+s6+$0x0], $0xffff;
	_ =	sdelay $0x4  }
0x52f: {  	[tilespmem:s29+$0x19890] =	vst v1;
	v1 =	vld [tilespmem:s29+$0x188B0];
	_ =	sdelay $0x1  }
0x530: {  	v0 =	vld.idx.msk [tilespmem:v0+s6+$0x0], $0xffff;
	_ =	sdelay $0x4  }
0x531: {  	[tilespmem:s29+$0x198A0] =	vst v0;
	v0 =	vld [tilespmem:s29+$0x188C0]  }
0x532: {  	v1 =	vld.idx.msk [tilespmem:v1+s6+$0x0], $0xffff;
	_ =	sdelay $0x4  }
0x533: {  	[tilespmem:s29+$0x198B0] =	vst v1;
	v1 =	vld [tilespmem:s29+$0x188D0];
	_ =	sdelay $0x1  }
0x534: {  	v0 =	vld.idx.msk [tilespmem:v0+s6+$0x0], $0xffff;
	_ =	sdelay $0x4  }
0x535: {  	v2 =	vld [tilespmem:s29+$0x188E0];
	[tilespmem:s29+$0x198C0] =	vst v0  }
0x536: {  	v0 =	vld.idx.msk [tilespmem:v1+s6+$0x0], $0xffff;
	_ =	sdelay $0x4  }
0x537: {  	[tilespmem:s29+$0x198D0] =	vst v0;
	v0 =	vld [tilespmem:s29+$0x188F0];
	_ =	sdelay $0x1  }
0x538: {  	v1 =	vld.idx.msk [tilespmem:v2+s6+$0x0], $0xffff;
	_ =	sdelay $0x3  }
0x539: {  	s30 =	simm.s32 $0x1000;
	s1 =	simm.s32 $0x200  }
.LBB2_17:
0x53a: {  	p2 =	sne.s32 s30, $0x3800;
	v2 =	vld [tilespmem:s1+$0x18780];
	[tilespmem:s29+$0x198E0] =	vst v1  }
0x53b: {  	v0 =	vld.idx.msk [tilespmem:v0+s6+$0x0], $0xffff;
	_ =	sdelay $0x5  }
0x53c: {  	v1 =	vld [tilespmem:s1+$0x18790];
	[tilespmem:s29+$0x198F0] =	vst v0;
	s29 =	smov.u32 s1  }
0x53d: {  	v0 =	vld.idx.msk [tilespmem:v2+s6+$0x0], $0xffff;
	_ =	sdelay $0x5  }
0x53e: {  	[tilespmem:s29+$0x19780] =	vst v0;
	v0 =	vld [tilespmem:s29+$0x187A0]  }
0x53f: {  	v1 =	vld.idx.msk [tilespmem:v1+s6+$0x0], $0xffff;
	_ =	sdelay $0x5  }
0x540: {  	[tilespmem:s29+$0x19790] =	vst v1;
	v1 =	vld [tilespmem:s29+$0x187B0]  }
0x541: {  	v0 =	vld.idx.msk [tilespmem:v0+s6+$0x0], $0xffff;
	_ =	sdelay $0x5  }
0x542: {  	[tilespmem:s29+$0x197A0] =	vst v0;
	v0 =	vld [tilespmem:s29+$0x187C0]  }
0x543: {  	v1 =	vld.idx.msk [tilespmem:v1+s6+$0x0], $0xffff;
	_ =	sdelay $0x5  }
0x544: {  	[tilespmem:s29+$0x197B0] =	vst v1;
	v1 =	vld [tilespmem:s29+$0x187D0]  }
0x545: {  	v0 =	vld.idx.msk [tilespmem:v0+s6+$0x0], $0xffff;
	_ =	sdelay $0x5  }
0x546: {  	[tilespmem:s29+$0x197C0] =	vst v0;
	v0 =	vld [tilespmem:s29+$0x187E0]  }
0x547: {  	v1 =	vld.idx.msk [tilespmem:v1+s6+$0x0], $0xffff;
	_ =	sdelay $0x5  }
0x548: {  	[tilespmem:s29+$0x197D0] =	vst v1;
	v1 =	vld [tilespmem:s29+$0x187F0]  }
0x549: {  	v0 =	vld.idx.msk [tilespmem:v0+s6+$0x0], $0xffff;
	_ =	sdelay $0x5  }
0x54a: {  	[tilespmem:s29+$0x197E0] =	vst v0;
	v0 =	vld [tilespmem:s29+$0x18880]  }
0x54b: {  	v1 =	vld.idx.msk [tilespmem:v1+s6+$0x0], $0xffff;
	_ =	sdelay $0x5  }
0x54c: {  	[tilespmem:s29+$0x197F0] =	vst v1;
	v1 =	vld [tilespmem:s29+$0x18890]  }
0x54d: {  	v0 =	vld.idx.msk [tilespmem:v0+s6+$0x0], $0xffff;
	_ =	sdelay $0x5  }
0x54e: {  	[tilespmem:s29+$0x19880] =	vst v0;
	v0 =	vld [tilespmem:s29+$0x188A0]  }
0x54f: {  	v1 =	vld.idx.msk [tilespmem:v1+s6+$0x0], $0xffff;
	_ =	sdelay $0x5  }
0x550: {  	[tilespmem:s29+$0x19890] =	vst v1;
	v1 =	vld [tilespmem:s29+$0x188B0]  }
0x551: {  	v0 =	vld.idx.msk [tilespmem:v0+s6+$0x0], $0xffff;
	_ =	sdelay $0x5  }
0x552: {  	[tilespmem:s29+$0x198A0] =	vst v0;
	v0 =	vld [tilespmem:s29+$0x188C0]  }
0x553: {  	v1 =	vld.idx.msk [tilespmem:v1+s6+$0x0], $0xffff;
	_ =	sdelay $0x5  }
0x554: {  	[tilespmem:s29+$0x198B0] =	vst v1;
	v1 =	vld [tilespmem:s29+$0x188D0]  }
0x555: {  	v0 =	vld.idx.msk [tilespmem:v0+s6+$0x0], $0xffff;
	_ =	sdelay $0x5  }
0x556: {  	[tilespmem:s29+$0x198C0] =	vst v0;
	v2 =	vld [tilespmem:s29+$0x188E0]  }
0x557: {  	v0 =	vld.idx.msk [tilespmem:v1+s6+$0x0], $0xffff;
	_ =	sdelay $0x5  }
0x558: {  	[tilespmem:s29+$0x198D0] =	vst v0;
	v0 =	vld [tilespmem:s29+$0x188F0]  }
0x559: {  	v1 =	vld.idx.msk [tilespmem:v2+s6+$0x0], $0xffff  }
.Ltmp7:
0x55a: {  	(pc) =	sbr.rel @p2 .LBB2_17-.Ltmp7, $2  }
0x55b: {  	_ =	sdelay $0x2  }
0x55c: {  	s1 =	sshra.s32 s30, $0x2;
	s30 =	sadd.s32 $0x800, s30  }
0x55d: {  	_ =	sdelay $0x1  }
0x55e: {  	v2 =	vld [tilespmem:s1+$0x18780]  }
0x55f: {  	[tilespmem:s29+$0x198E0] =	vst v1  }
0x560: {  	v0 =	vld.idx.msk [tilespmem:v0+s6+$0x0], $0xffff;
	_ =	sdelay $0x3  }
0x561: {  	v1 =	vld [tilespmem:s1+$0x18790]  }
0x562: {  	[tilespmem:s29+$0x198F0] =	vst v0  }
0x563: {  	v0 =	vld.idx.msk [tilespmem:v2+s6+$0x0], $0xffff;
	_ =	sdelay $0x3  }
0x564: {  	v50 =	vld [tilespmem:s1+$0x187A0]  }
0x565: {  	[tilespmem:s1+$0x19780] =	vst v0  }
0x566: {  	v1 =	vld.idx.msk [tilespmem:v1+s6+$0x0], $0xffff;
	_ =	sdelay $0x3  }
0x567: {  	v51 =	vld [tilespmem:s1+$0x187B0]  }
0x568: {  	[tilespmem:s1+$0x19790] =	vst v1  }
0x569: {  	v0 =	vld.idx.msk [tilespmem:v50+s6+$0x0], $0xffff;
	_ =	sdelay $0x3  }
0x56a: {  	v52 =	vld [tilespmem:s1+$0x187C0]  }
0x56b: {  	[tilespmem:s1+$0x197A0] =	vst v0  }
0x56c: {  	v1 =	vld.idx.msk [tilespmem:v51+s6+$0x0], $0xffff;
	_ =	sdelay $0x3  }
0x56d: {  	v53 =	vld [tilespmem:s1+$0x187D0]  }
0x56e: {  	[tilespmem:s1+$0x197B0] =	vst v1  }
0x56f: {  	v0 =	vld.idx.msk [tilespmem:v52+s6+$0x0], $0xffff;
	_ =	sdelay $0x3  }
0x570: {  	v54 =	vld [tilespmem:s1+$0x187E0]  }
0x571: {  	[tilespmem:s1+$0x197C0] =	vst v0  }
0x572: {  	v1 =	vld.idx.msk [tilespmem:v53+s6+$0x0], $0xffff;
	_ =	sdelay $0x3  }
0x573: {  	v55 =	vld [tilespmem:s1+$0x187F0]  }
0x574: {  	[tilespmem:s1+$0x197D0] =	vst v1  }
0x575: {  	v0 =	vld.idx.msk [tilespmem:v54+s6+$0x0], $0xffff;
	_ =	sdelay $0x3  }
0x576: {  	v56 =	vld [tilespmem:s1+$0x18880]  }
0x577: {  	[tilespmem:s1+$0x197E0] =	vst v0  }
0x578: {  	v1 =	vld.idx.msk [tilespmem:v55+s6+$0x0], $0xffff;
	_ =	sdelay $0x3  }
0x579: {  	v57 =	vld [tilespmem:s1+$0x18890]  }
0x57a: {  	[tilespmem:s1+$0x197F0] =	vst v1  }
0x57b: {  	v0 =	vld.idx.msk [tilespmem:v56+s6+$0x0], $0xffff;
	_ =	sdelay $0x3  }
0x57c: {  	v58 =	vld [tilespmem:s1+$0x188A0]  }
0x57d: {  	[tilespmem:s1+$0x19880] =	vst v0  }
0x57e: {  	v1 =	vld.idx.msk [tilespmem:v57+s6+$0x0], $0xffff;
	_ =	sdelay $0x3  }
0x57f: {  	v59 =	vld [tilespmem:s1+$0x188B0]  }
0x580: {  	[tilespmem:s1+$0x19890] =	vst v1  }
0x581: {  	v0 =	vld.idx.msk [tilespmem:v58+s6+$0x0], $0xffff;
	_ =	sdelay $0x3  }
0x582: {  	v60 =	vld [tilespmem:s1+$0x188C0]  }
0x583: {  	[tilespmem:s1+$0x198A0] =	vst v0  }
0x584: {  	v1 =	vld.idx.msk [tilespmem:v59+s6+$0x0], $0xffff;
	_ =	sdelay $0x3  }
0x585: {  	v61 =	vld [tilespmem:s1+$0x188D0]  }
0x586: {  	[tilespmem:s1+$0x198B0] =	vst v1  }
0x587: {  	v0 =	vld.idx.msk [tilespmem:v60+s6+$0x0], $0xffff;
	_ =	sdelay $0x3  }
0x588: {  	v62 =	vld [tilespmem:s1+$0x188E0]  }
0x589: {  	[tilespmem:s1+$0x198C0] =	vst v0  }
0x58a: {  	v1 =	vld.idx.msk [tilespmem:v61+s6+$0x0], $0xffff;
	_ =	sdelay $0x3  }
0x58b: {  	v63 =	vld [tilespmem:s1+$0x188F0]  }
0x58c: {  	[tilespmem:s1+$0x198D0] =	vst v1  }
0x58d: {  	v0 =	vld.idx.msk [tilespmem:v62+s6+$0x0], $0xffff;
	_ =	sdelay $0x4  }
0x58e: {  	[tilespmem:s1+$0x198E0] =	vst v0  }
0x58f: {  	v0 =	vld.idx.msk [tilespmem:v63+s6+$0x0], $0xffff;
	_ =	sdelay $0x3  }
0x590: {  	s0 =	rddreg [dreg:$0xc]  }
0x591: {  	s0 =	sadd.s32 s28, s0;
	[tilespmem:s1+$0x198F0] =	vst v0  }
0x592: {  	[hbm4b:s0+s6] =	stream.linear.scatter [tilespmem:s5], [sflag:$0x3], $0x80, $0x38;
	[tilespmem:$0x1AF00] =	vst v63  }
0x593: {  	s2 =	sadd.s32 $0x80, s0  }
0x594: {  	[hbm4b:s2+s6] =	stream.linear.scatter [tilespmem:s8], [sflag:$0x3], $0x80, $0x38;
	[tilespmem:$0x1AF00] =	vst v63  }
0x595: {  	s15 =	sadd.s32 $0x100, s0  }
0x596: {  	[hbm4b:s15+s6] =	stream.linear.scatter [tilespmem:s9], [sflag:$0x3], $0x80, $0x38;
	[tilespmem:$0x1AF00] =	vst v63  }
0x597: {  	s18 =	sadd.s32 $0x180, s0  }
0x598: {  	[hbm4b:s18+s6] =	stream.linear.scatter [tilespmem:s10], [sflag:$0x3], $0x80, $0x38;
	[tilespmem:$0x1AF00] =	vst v63  }
0x599: {  	s28 =	sadd.s32 $0x200, s0  }
0x59a: {  	[hbm4b:s28+s6] =	stream.linear.scatter [tilespmem:s11], [sflag:$0x3], $0x80, $0x38;
	[tilespmem:$0x1AF00] =	vst v63  }
0x59b: {  	s29 =	sadd.s32 $0x280, s0  }
0x59c: {  	[hbm4b:s29+s6] =	stream.linear.scatter [tilespmem:s12], [sflag:$0x3], $0x80, $0x38;
	[tilespmem:$0x1AF00] =	vst v63  }
0x59d: {  	s30 =	sadd.s32 $0x300, s0  }
0x59e: {  	[hbm4b:s30+s6] =	stream.linear.scatter [tilespmem:s13], [sflag:$0x3], $0x80, $0x38;
	[tilespmem:$0x1AF00] =	vst v63  }
0x59f: {  	s31 =	sadd.s32 $0x380, s0  }
0x5a0: {  	[hbm4b:s31+s6] =	stream.linear.scatter [tilespmem:s14], [sflag:$0x3], $0x80, $0x38;
	[tilespmem:$0x1AF00] =	vst v63  }
0x5a1: {  	s2 =	sadd.s32 $0x400, s0  }
0x5a2: {  	[hbm4b:s2+s6] =	stream.linear.scatter [tilespmem:s17], [sflag:$0x3], $0x80, $0x38;
	[tilespmem:$0x1AF00] =	vst v63  }
0x5a3: {  	s15 =	sadd.s32 $0x480, s0  }
0x5a4: {  	[hbm4b:s15+s6] =	stream.linear.scatter [tilespmem:s7], [sflag:$0x3], $0x80, $0x38;
	[tilespmem:$0x1AF00] =	vst v63  }
0x5a5: {  	s18 =	sadd.s32 $0x500, s0  }
0x5a6: {  	[hbm4b:s18+s6] =	stream.linear.scatter [tilespmem:s19], [sflag:$0x3], $0x80, $0x38;
	[tilespmem:$0x1AF00] =	vst v63  }
0x5a7: {  	s28 =	sadd.s32 $0x580, s0  }
0x5a8: {  	[hbm4b:s28+s6] =	stream.linear.scatter [tilespmem:s20], [sflag:$0x3], $0x80, $0x38;
	[tilespmem:$0x1AF00] =	vst v63  }
0x5a9: {  	s26 =	sadd.s32 $0x1, s26;
	s29 =	sadd.s32 $0x600, s0  }
0x5aa: {  	[hbm4b:s29+s6] =	stream.linear.scatter [tilespmem:s21], [sflag:$0x3], $0x80, $0x38;
	[tilespmem:$0x1AF00] =	vst v63  }
0x5ab: {  	p2 =	sne.s32 s26, $0x1A;
	s30 =	sadd.s32 $0x680, s0  }
0x5ac: {  	[hbm4b:s30+s6] =	stream.linear.scatter [tilespmem:s22], [sflag:$0x3], $0x80, $0x38;
	[tilespmem:$0x1AF00] =	vst v63  }
.Ltmp8:
0x5ad: {  	_ = 	snop;
	(pc) =	sbr.rel @p2 .LBB2_2-.Ltmp8, $4  }
0x5ae: {  	s31 =	sadd.s32 $0x700, s0  }
0x5af: {  	[hbm4b:s31+s6] =	stream.linear.scatter [tilespmem:s23], [sflag:$0x3], $0x80, $0x38;
	[tilespmem:$0x1AF00] =	vst v63  }
0x5b0: {  	s0 =	sadd.s32 $0x780, s0  }
0x5b1: {  	[hbm4b:s0+s6] =	stream.linear.scatter [tilespmem:s24], [sflag:$0x3], $0x80, $0x38;
	[tilespmem:$0x1AF00] =	vst v63  }
0x5b2: {  	_ =	swait.ge [sflag:s25], $0x800  }
0x5b3: {  	[sflag:s25] =	ssyncset.done $0x0  }
0x5b4: {  	[sflag:s25] =	ssyncadd.s32 $0xFFFFF800  }
0x5b5: {  	_ =	swait.ge [sflag:s25], $0x800  }
0x5b6: {  	s1 =	rddreg [dreg:$0xf]  }
0x5b7: {  	s0 =	rddreg [dreg:$0xd];
	s1 =	sadd.s32 $0x1, s1  }
0x5b8: {  	p2 =	sne.s32 s1, s0  }
.Ltmp9:
0x5b9: {  	_ = 	snop;
	(pc) =	sbr.rel @p2 .LBB2_1-.Ltmp9, $3  }
0x5ba: {  	_ =	sdelay $0x1  }
0x5bb: {  	[sflag:s25] =	ssyncset.done $0x0  }
0x5bc: {  	[sflag:s25] =	ssyncadd.s32 $0xFFFFF800  }
0x5bd: {  	_ =	sfence.sel $0x180000  }
0x5be: {  	[bflag:$0x0] =	sbarrier.arrive $0xFFFF  }
0x5bf: {  	_ =	strace $0x90000047  }
0x5c0: {  	[bflag:$0x2] =	sbarrier.arrive $0xFFFF  }
0x5c1: {  	s0 =	rddreg [dreg:$0x4]  }
0x5c2: {  	s0 =	sadd.s32 @!p0 $0x100000, s0  }
0x5c3: {  	[sflag:s0] =	ssyncadd.tile.s32 @!p0 $0x1;
	_ =	shalt  }
.Lfunc_end2:
_tile_overlayer_lowered:
.L_overlay_start_2:
0x5c4: {  	(tag) =	ssettag $0x2  }
0x5c5: {  	s0 =	rddreg [dreg:$0x0];
	s2 =	stileid.u32  }
0x5c6: {  	s1 =	rddreg [dreg:$0x1];
	p0 =	sne.s32 s2, $0x0  }
0x5c7: {  	s3 =	rddreg [dreg:$0x2];
	[bflag:$0x3] =	sbarrier.arrive $0xFFFF;
	s2 =	simm.s32 @!p0 $0x1C05  }
0x5c8: {  	[timem:s3], [sflag:s2] =	dma.local @!p0 [hbm:s0], s1  }
0x5c9: {  	s0 =	simm.s32 @!p0 $0x5  }
0x5ca: {  	_ =	swait.ge @!p0 [sflag:s0], s1  }
0x5cb: {  	s1 =	ssub.s32 @!p0 $0x0, s1;
	[sflag:s0] =	ssyncset.done @!p0 $0x0  }
0x5cc: {  	[sflag:s0] =	ssyncadd.s32 @!p0 s1  }
0x5cd: {  	[bflag:$0x3] =	sbarrier.arrive $0xFFFF  }
0x5ce: {  	_ =	shalt  }

</sc_bundles>
